<compile_context>
chip_gen: v7x
topology: tpu7x:2x2x1
jax: 0.10.2.dev20260603
libtpu: 0.0.44.dev20260713+nightly
codegen_flags: <defaults>
</compile_context>

<pallas_src>
import functools

import jax
import jax.numpy as jnp
from jax import lax
from jax.experimental import pallas as pl
from jax.experimental.pallas import tpu as pltpu
from jax.experimental.pallas import tpu_sc as plsc

N = 10000
C = 128
G = 64
PE = 8
WL = 20
H = 4
DH = C // H
E = 320000
NINV = 1.0 / N
EPS = 1e-5
F32 = jnp.float32

NC = 2
NS = 16
NW = NC * NS
CH = 128
CPW = 80
BLK = 8
NBLK = CPW // BLK
EPAD = NW * CPW * CH
REXP = 4 * N + 8
RA = 624
RLAST = N - RA * (NS - 1)
NACC = N + 8

BQ = 400
NBQ = N // BQ



def _sc_aggr_body(r_hbm, idx_hbm, zeros_hbm, out_hbm,
                  iba, ibb, rows_a, rows_b, isa, isb, sem_a, sem_b,
                  aggr_sh):
    c = lax.axis_index("c")
    s = lax.axis_index("s")
    wid = s * NC + c

    @pl.when(s < NS - 1)
    def _():
        pltpu.sync_copy(zeros_hbm.at[pl.ds(s * RA, RA)],
                        aggr_sh.at[pl.ds(s * RA, RA)])

    @pl.when(s == NS - 1)
    def _():
        pltpu.sync_copy(zeros_hbm.at[pl.ds(RA * (NS - 1), RLAST)],
                        aggr_sh.at[pl.ds(RA * (NS - 1), RLAST)])

    pltpu.sync_copy(idx_hbm.at[wid, 0], iba)
    pltpu.async_copy(idx_hbm.at[wid, 1], ibb, isb)
    plsc.subcore_barrier()

    slots = ((rows_a, sem_a), (rows_b, sem_b))

    def gv(j):
        if j < BLK:
            return iba.at[j, pl.ds(0, CH)]
        if j < 2 * BLK:
            return ibb.at[j - BLK, pl.ds(0, CH)]
        return iba.at[j - 2 * BLK, pl.ds(0, CH)]

    def dv(j):
        if j < BLK:
            return iba.at[j, pl.ds(CH, CH)]
        return ibb.at[j - BLK, pl.ds(CH, CH)]

    def fire(j, p):
        rv, sm = slots[p]
        pltpu.async_copy(r_hbm.at[gv(j)], rv, sm)

    def drain(j, p):
        rv, sm = slots[p]
        pltpu.make_async_copy(r_hbm.at[pl.ds(0, CH)], rv, sm).wait()
        pltpu.sync_copy(rv, aggr_sh.at[dv(j)], add=True)

    fire(0, 0)

    def u_body(u, carry):
        for j in range(16):
            if j + 1 == BLK:
                pltpu.make_async_copy(idx_hbm.at[0, 0], ibb, isb).wait()
            if j + 1 == 2 * BLK:
                pltpu.make_async_copy(idx_hbm.at[0, 0], iba, isa).wait()
            fire(j + 1, (j + 1) % 2)
            drain(j, j % 2)
            if j == BLK - 1:
                pltpu.async_copy(idx_hbm.at[wid, 2 * u + 2], iba, isa)
            if j == 2 * BLK - 1:
                pltpu.async_copy(idx_hbm.at[wid, 2 * u + 3], ibb, isb)
        return carry

    lax.fori_loop(0, (NBLK - 2) // 2, u_body, 0)

    for j in range(1, 16):
        if j == BLK:
            pltpu.make_async_copy(idx_hbm.at[0, 0], ibb, isb).wait()
        fire(j, j % 2)
        drain(j - 1, (j - 1) % 2)
    drain(15, 1)
    plsc.subcore_barrier()

    @pl.when(s < NS - 1)
    def _():
        pltpu.sync_copy(aggr_sh.at[pl.ds(s * RA, RA)],
                        out_hbm.at[c, pl.ds(s * RA, RA)])

    @pl.when(s == NS - 1)
    def _():
        pltpu.sync_copy(aggr_sh.at[pl.ds(RA * (NS - 1), RLAST)],
                        out_hbm.at[c, pl.ds(RA * (NS - 1), RLAST)])


def _sc_aggr(r, idx, zeros):
    mesh = plsc.VectorSubcoreMesh(core_axis_name="c", subcore_axis_name="s",
                                  num_cores=NC, num_subcores=NS)
    f = pl.kernel(
        _sc_aggr_body,
        out_type=jax.ShapeDtypeStruct((NC, N, C), F32),
        mesh=mesh,
        scratch_types=[
            pltpu.VMEM((BLK, 2 * CH), jnp.int32),
            pltpu.VMEM((BLK, 2 * CH), jnp.int32),
            pltpu.VMEM((CH, C), F32),
            pltpu.VMEM((CH, C), F32),
            pltpu.SemaphoreType.DMA,
            pltpu.SemaphoreType.DMA,
            pltpu.SemaphoreType.DMA,
            pltpu.SemaphoreType.DMA,
            pltpu.VMEM_SHARED((NACC, C), F32),
        ],
    )
    return f(r, idx, zeros)



def _bn_rows(x, g, b):
    m = jnp.sum(x, axis=0, keepdims=True) * NINV
    ex2 = jnp.sum(x * x, axis=0, keepdims=True) * NINV
    v = ex2 - m * m
    return (x - m) * lax.rsqrt(v + EPS) * g + b


def _embed_body(xcol_ref, pe_ref, wn_ref, wp_ref, bc_ref, g_ref, b_ref,
                out_ref):
    pe = pe_ref[...]
    pen = _bn_rows(pe, g_ref[...], b_ref[...])
    onehot = (xcol_ref[...] ==
              lax.broadcasted_iota(jnp.int32, (1, 28), 1)).astype(F32)
    out_ref[...] = (
        jnp.dot(onehot, wn_ref[...], preferred_element_type=F32)
        + jnp.dot(pen, wp_ref[...], preferred_element_type=F32)
        + bc_ref[...])


def _expand_body(h_ref, ea_ref, out_ref):
    h = h_ref[...]
    for a in range(4):
        out_ref[pl.ds(a * N, N), :] = jnp.maximum(h + ea_ref[a], 0.0)


def _gine_body(h_ref, ap_ref, w1_ref, b1_ref, w2_ref, b2_ref, g_ref, bb_ref,
               out_ref):
    h = h_ref[...]
    z = h + ap_ref[0] + ap_ref[1]
    z = jnp.maximum(jnp.dot(z, w1_ref[...], preferred_element_type=F32)
                    + b1_ref[...], 0.0)
    z = jnp.dot(z, w2_ref[...], preferred_element_type=F32) + b2_ref[...]
    out_ref[...] = _bn_rows(z + h, g_ref[...], bb_ref[...])


def _attn_body(h_ref, qlo_ref, qhi_ref, lo_ref, hi_ref, wq_ref, wk_ref,
               wv_ref, bq_ref, bk_ref, bv_ref, wo_ref, bo_ref, out_ref):
    def qblock(i, carry):
        r0 = i * BQ
        hq = h_ref[pl.ds(r0, BQ), :]
        qlo = qlo_ref[pl.ds(r0, BQ), :]
        qhi = qhi_ref[pl.ds(r0, BQ), :]
        j0 = lo_ref[i] // BQ
        j1 = (hi_ref[i] + BQ - 1) // BQ
        o = jnp.zeros((BQ, C), F32)
        for hh in range(H):
            qh = (jnp.dot(hq, wq_ref[hh], preferred_element_type=F32)
                  + bq_ref[hh])

            def kblock(j, ca):
                mx, l, acc = ca
                ks = j * BQ
                hk = h_ref[pl.ds(ks, BQ), :]
                kh = (jnp.dot(hk, wk_ref[hh], preferred_element_type=F32)
                      + bk_ref[hh])
                vh = (jnp.dot(hk, wv_ref[hh], preferred_element_type=F32)
                      + bv_ref[hh])
                sM = lax.dot_general(qh, kh, (((1,), (1,)), ((), ())),
                                     preferred_element_type=F32)
                col = ks + lax.broadcasted_iota(jnp.int32, (BQ, BQ), 1)
                sM = jnp.where((col >= qlo) & (col < qhi), sM, -1e9)
                mnew = jnp.maximum(mx, jnp.max(sM, axis=1, keepdims=True))
                p = jnp.exp(sM - mnew)
                corr = jnp.exp(mx - mnew)
                l2 = l * corr + jnp.sum(p, axis=1, keepdims=True)
                acc2 = acc * corr + jnp.dot(p, vh, preferred_element_type=F32)
                return (mnew, l2, acc2)

            init = (jnp.full((BQ, 1), -1e30, F32), jnp.zeros((BQ, 1), F32),
                    jnp.zeros((BQ, DH), F32))
            mx, l, acc = lax.fori_loop(j0, j1, kblock, init)
            o = o + jnp.dot(acc / l, wo_ref[hh], preferred_element_type=F32)
        out_ref[pl.ds(r0, BQ), :] = o + bo_ref[...]
        return carry

    lax.fori_loop(0, NBQ, qblock, 0)


def _combine_body(h_ref, h1_ref, o_ref, g2_ref, b2_ref, w1_ref, c1_ref,
                  w2_ref, c2_ref, g3_ref, b3_ref, out_ref):
    h2 = _bn_rows(o_ref[...] + h_ref[...], g2_ref[...], b2_ref[...])
    out = h1_ref[...] + h2
    m = jnp.maximum(jnp.dot(out, w1_ref[...], preferred_element_type=F32)
                    + c1_ref[...], 0.0)
    m = jnp.dot(m, w2_ref[...], preferred_element_type=F32) + c2_ref[...]
    out_ref[...] = _bn_rows(out + m, g3_ref[...], b3_ref[...])


def _final_body(h_ref, brow_ref, w1_ref, b1_ref, w2_ref, b2_ref, w3_ref,
                b3_ref, out_ref):
    gm = (lax.broadcasted_iota(jnp.int32, (G, 1), 0) ==
          brow_ref[...]).astype(F32)
    g = jnp.dot(gm, h_ref[...], preferred_element_type=F32)
    r = jnp.maximum(jnp.dot(g, w1_ref[...], preferred_element_type=F32)
                    + b1_ref[...], 0.0)
    r = jnp.maximum(jnp.dot(r, w2_ref[...], preferred_element_type=F32)
                    + b2_ref[...], 0.0)
    out_ref[...] = (jnp.dot(r, w3_ref[...], preferred_element_type=F32)
                    + b3_ref[...])


_TC_PARAMS = pltpu.CompilerParams(vmem_limit_bytes=128 * 1024 * 1024)


def _tc_call(body, n_in, out_shape, smem_args=(), scratch_shapes=()):
    in_specs = [pl.BlockSpec() for _ in range(n_in)]
    for i in smem_args:
        in_specs[i] = pl.BlockSpec(memory_space=pltpu.SMEM)
    return pl.pallas_call(
        body,
        out_shape=jax.ShapeDtypeStruct(out_shape, F32),
        in_specs=in_specs,
        scratch_shapes=list(scratch_shapes),
        compiler_params=_TC_PARAMS)


def kernel(x, pe, edge_index, edge_attr, batch, params):
    p = params
    xcol = x.reshape(N, 1).astype(jnp.int32)
    src = edge_index[0].astype(jnp.int32)
    dst = edge_index[1].astype(jnp.int32)
    attr = edge_attr.astype(jnp.int32)
    b32 = batch.astype(jnp.int32)
    bcol = b32.reshape(N, 1)
    brow = b32.reshape(1, N)

    oneh = (bcol == lax.broadcasted_iota(jnp.int32, (1, G), 1))
    counts = jnp.sum(oneh.astype(jnp.int32), axis=0)
    cum = jnp.cumsum(counts)
    seg_start = cum - counts
    qlo = jnp.sum(jnp.where(oneh, seg_start[None, :], 0), axis=1,
                  dtype=jnp.int32).reshape(N, 1)
    qhi = jnp.sum(jnp.where(oneh, cum[None, :], 0), axis=1,
                  dtype=jnp.int32).reshape(N, 1)
    lo = qlo[::BQ, 0]
    hi = qhi[BQ - 1::BQ, 0]

    wn = jnp.concatenate([p["node_emb"], jnp.zeros((28, PE), F32)], axis=1)
    wp = jnp.concatenate([jnp.zeros((WL, C - PE), F32), p["pe_lin_W"]],
                         axis=1)
    bc = jnp.concatenate([jnp.zeros((C - PE,), F32),
                          p["pe_lin_b"]]).reshape(1, C)

    embed = _tc_call(_embed_body, 7, (N, C))
    h = embed(xcol, pe, wn, wp, bc, p["pe_norm_g"].reshape(1, WL),
              p["pe_norm_b"].reshape(1, WL))

    gidx = jnp.concatenate(
        [attr * N + src, jnp.zeros((EPAD - E,), jnp.int32)]
    ).reshape(NW, NBLK, BLK, CH)
    dstp = jnp.concatenate(
        [dst, jnp.full((EPAD - E,), N, jnp.int32)]
    ).reshape(NW, NBLK, BLK, CH)
    idx = jnp.concatenate([gidx, dstp], axis=3)
    zeros = jnp.zeros((N, C), F32)
    expand = _tc_call(_expand_body, 2, (4 * N, C))
    gine = _tc_call(_gine_body, 8, (N, C))
    attn = _tc_call(_attn_body, 13, (N, C), smem_args=(3, 4))
    scale = 1.0 / (DH ** 0.5)
    comb = _tc_call(_combine_body, 11, (N, C))

    for lp in p["layers"]:
        r = expand(h, p["edge_emb"])
        ap = _sc_aggr(r, idx, zeros)
        wqkv = lp["Wqkv"]
        bqkv = lp["bqkv"]
        wq3 = wqkv[:, :C].reshape(C, H, DH).transpose(1, 0, 2) * scale
        wk3 = wqkv[:, C:2 * C].reshape(C, H, DH).transpose(1, 0, 2)
        wv3 = wqkv[:, 2 * C:].reshape(C, H, DH).transpose(1, 0, 2)
        bq3 = bqkv[:C].reshape(H, 1, DH) * scale
        bk3 = bqkv[C:2 * C].reshape(H, 1, DH)
        bv3 = bqkv[2 * C:].reshape(H, 1, DH)
        wo3 = lp["Wo"].reshape(H, DH, C)
        o = attn(h, qlo, qhi, lo, hi, wq3, wk3, wv3, bq3, bk3, bv3, wo3,
                 lp["bo"].reshape(1, C))
        h1 = gine(h, ap, lp["gW1"], lp["gb1"].reshape(1, C), lp["gW2"],
                  lp["gb2"].reshape(1, C), lp["n1g"].reshape(1, C),
                  lp["n1b"].reshape(1, C))
        h = comb(h, h1, o, lp["n2g"].reshape(1, C), lp["n2b"].reshape(1, C),
                 lp["mW1"], lp["mb1"].reshape(1, 2 * C), lp["mW2"],
                 lp["mb2"].reshape(1, C), lp["n3g"].reshape(1, C),
                 lp["n3b"].reshape(1, C))

    final = _tc_call(_final_body, 8, (G, 1))
    return final(h, brow, p["f_W1"], p["f_b1"].reshape(1, C // 2),
                 p["f_W2"], p["f_b2"].reshape(1, C // 4), p["f_W3"],
                 p["f_b3"].reshape(1, 1))

# --- scband reference (transcript-rebuilt; emitter-appended) ---
"""Pipeline reference for scband-gps-76158360092698 (READ-ONLY COPY).

The authoritative reference and input builder live on the scoring server;
editing this copy changes nothing except your own understanding.
"""

import jax, jax.numpy as jnp
import numpy as np

C = 128
PE = 8
WL = 20
H = 4
G = 64
N = 10000
E = 320000
NL = 2


def _bn(x, g, b, eps=1e-5):
    m = x.mean(axis=0)
    v = x.var(axis=0)
    return (x - m) / jnp.sqrt(v + eps) * g + b


def _mha(xd, mask, Wqkv, bqkv, Wo, bo, heads):
    Nn, Cc = xd.shape
    dh = Cc // heads
    qkv = xd @ Wqkv + bqkv
    q, k, v = jnp.split(qkv, 3, axis=-1)
    def rs(t):
        return t.reshape(Nn, heads, dh).transpose(1, 0, 2)
    q, k, v = rs(q), rs(k), rs(v)
    logits = jnp.einsum('hld,hmd->hlm', q, k) / jnp.sqrt(dh)
    logits = jnp.where(mask[None, :, :], logits, -1e9)
    a = jax.nn.softmax(logits, axis=-1)
    o = jnp.einsum('hlm,hmd->hld', a, v)
    o = o.transpose(1, 0, 2).reshape(Nn, Cc)
    return o @ Wo + bo


def _forward(x, pe, edge_index, edge_attr, batch, params):
    pe_n = _bn(pe, params['pe_norm_g'], params['pe_norm_b'])
    h = jnp.concatenate([params['node_emb'][x], pe_n @ params['pe_lin_W'] + params['pe_lin_b']], axis=1)
    ea = params['edge_emb'][edge_attr]
    src, dst = edge_index[0], edge_index[1]
    mask = batch[:, None] == batch[None, :]
    for lp in params['layers']:
        # GINEConv local message passing: sum_j relu(x_j + e_ji), then MLP
        msg = jax.nn.relu(h[src] + ea)
        aggr = jax.ops.segment_sum(msg, dst, num_segments=N)
        z = h + aggr
        z = jax.nn.relu(z @ lp['gW1'] + lp['gb1']) @ lp['gW2'] + lp['gb2']
        h1 = _bn(z + h, lp['n1g'], lp['n1b'])
        # global per-graph multi-head attention via block-diagonal masking
        att = _mha(h, mask, lp['Wqkv'], lp['bqkv'], lp['Wo'], lp['bo'], H)
        h2 = _bn(att + h, lp['n2g'], lp['n2b'])
        out = h1 + h2
        m = jax.nn.relu(out @ lp['mW1'] + lp['mb1']) @ lp['mW2'] + lp['mb2']
        h = _bn(out + m, lp['n3g'], lp['n3b'])
    g = jax.ops.segment_sum(h, batch, num_segments=G)
    r = jax.nn.relu(g @ params['f_W1'] + params['f_b1'])
    r = jax.nn.relu(r @ params['f_W2'] + params['f_b2'])
    return r @ params['f_W3'] + params['f_b3']


def setup_inputs(seed: int = 0) -> dict:
    key = jax.random.key(seed)
    ks = jax.random.split(key, 64)
    x = jax.random.randint(ks[0], (N,), 0, 28)
    pe = jax.random.normal(ks[1], (N, WL), dtype=jnp.float32)
    edge_index = jax.random.randint(ks[2], (2, E), 0, N)
    edge_attr = jax.random.randint(ks[3], (E,), 0, 4)
    batch = jnp.sort(jax.random.randint(ks[4], (N,), 0, G))
    i = [5]
    def nrm(shape):
        i[0] += 1
        return jax.random.normal(ks[i[0]], shape, dtype=jnp.float32) * 0.02
    params = {
        'node_emb': nrm((28, C - PE)),
        'pe_lin_W': nrm((WL, PE)), 'pe_lin_b': jnp.zeros((PE,), jnp.float32),
        'pe_norm_g': jnp.ones((WL,), jnp.float32), 'pe_norm_b': jnp.zeros((WL,), jnp.float32),
        'edge_emb': nrm((4, C)),
        'layers': [],
        'f_W1': nrm((C, C // 2)), 'f_b1': jnp.zeros((C // 2,), jnp.float32),
        'f_W2': nrm((C // 2, C // 4)), 'f_b2': jnp.zeros((C // 4,), jnp.float32),
        'f_W3': nrm((C // 4, 1)), 'f_b3': jnp.zeros((1,), jnp.float32),
    }
    for _ in range(NL):
        params['layers'].append({
            'gW1': nrm((C, C)), 'gb1': jnp.zeros((C,), jnp.float32),
            'gW2': nrm((C, C)), 'gb2': jnp.zeros((C,), jnp.float32),
            'Wqkv': nrm((C, 3 * C)), 'bqkv': jnp.zeros((3 * C,), jnp.float32),
            'Wo': nrm((C, C)), 'bo': jnp.zeros((C,), jnp.float32),
            'n1g': jnp.ones((C,), jnp.float32), 'n1b': jnp.zeros((C,), jnp.float32),
            'n2g': jnp.ones((C,), jnp.float32), 'n2b': jnp.zeros((C,), jnp.float32),
            'n3g': jnp.ones((C,), jnp.float32), 'n3b': jnp.zeros((C,), jnp.float32),
            'mW1': nrm((C, 2 * C)), 'mb1': jnp.zeros((2 * C,), jnp.float32),
            'mW2': nrm((2 * C, C)), 'mb2': jnp.zeros((C,), jnp.float32),
        })
    return {'x': x, 'pe': pe, 'edge_index': edge_index, 'edge_attr': edge_attr, 'batch': batch, 'params': params}


def reference(x, pe, edge_index, edge_attr, batch, params):
    return _forward(x, pe, edge_index, edge_attr, batch, params)

if __name__ == "__main__":
    import jax
    _d = setup_inputs()
    print(jax.jit(kernel)(*tuple(_d.values())))

</pallas_src>

<mosaic_0001>
#map = affine_map<(d0, d1) -> (0, 0)>
#map1 = affine_map<(d0, d1) -> (0, 0, 0, 0)>
#map2 = affine_map<(d0, d1) -> (0, 0, 0)>
module attributes {stable_mosaic.version = 14 : i64} {
  func.func @_sc_aggr_body(%arg0: i32, %arg1: i32, %arg2: memref<40000x128xf32, #tpu.memory_space<hbm>>, %arg3: memref<32x10x8x256xi32, #tpu.memory_space<hbm>>, %arg4: memref<10000x128xf32, #tpu.memory_space<hbm>>, %arg5: memref<2x10000x128xf32, #tpu.memory_space<hbm>>, %arg6: memref<8x256xi32, #tpu.memory_space<vmem>>, %arg7: memref<8x256xi32, #tpu.memory_space<vmem>>, %arg8: memref<128x128xf32, #tpu.memory_space<vmem>>, %arg9: memref<128x128xf32, #tpu.memory_space<vmem>>, %arg10: memref<!tpu.dma_semaphore, #tpu.memory_space<semaphore_mem>>, %arg11: memref<!tpu.dma_semaphore, #tpu.memory_space<semaphore_mem>>, %arg12: memref<!tpu.dma_semaphore, #tpu.memory_space<semaphore_mem>>, %arg13: memref<!tpu.dma_semaphore, #tpu.memory_space<semaphore_mem>>, %arg14: memref<10008x128xf32, #tpu.memory_space<vmem_shared>>) attributes {dimension_semantics = [#tpu.dimension_semantics<core_parallel>, #tpu.dimension_semantics<subcore_parallel>], iteration_bounds = array<i64: 2, 16>, scalar_prefetch = 0 : i64, scratch_operands = 9 : i64, tpu.core_type = #tpu.core_type<sc_vector_subcore>, window_params = [{transform_indices = #map}, {transform_indices = #map1}, {transform_indices = #map}, {transform_indices = #map2}]} {
    %mul3A = arith.constant 2 : i32
    %mul3A_0 = arith.muli %arg1, %mul3A : i32
    %add3A = arith.addi %mul3A_0, %arg0 : i32
    %lt3A = arith.constant 15 : i32
    %lt3A_1 = arith.cmpi slt, %arg1, %lt3A : i32
    %convert_element_type3A = arith.extui %lt3A_1 : i1 to i32
    %cond3A = arith.constant 0 : i32
    %cond3A_2 = arith.cmpi ne, %convert_element_type3A, %cond3A : i32
    scf.if %cond3A_2 {
      %mul3A_264 = arith.constant 624 : i32
      %mul3A_265 = arith.muli %arg1, %mul3A_264 : i32
      %mul3A_266 = arith.constant 624 : i32
      %mul3A_267 = arith.muli %arg1, %mul3A_266 : i32
      "tpu.region"() ({
        %run_scoped3A_268 = tpu.sem_alloc : memref<!tpu.dma_semaphore, #tpu.memory_space<semaphore_mem>>
        %dma_start3A_269 = arith.constant 0 : i32
        %dma_start3A_270 = tpu.memref_slice %arg14[%mul3A_267, %dma_start3A_269] : memref<10008x128xf32, #tpu.memory_space<vmem_shared>> -> memref<624x128xf32, #tpu.memory_space<vmem_shared>>
        %dma_start3A_271 = arith.constant 0 : i32
        %dma_start3A_272 = tpu.memref_slice %arg4[%mul3A_265, %dma_start3A_271] : memref<10000x128xf32, #tpu.memory_space<hbm>> -> memref<624x128xf32, #tpu.memory_space<hbm>>
        tpu.enqueue_dma source(%dma_start3A_272 : memref<624x128xf32, #tpu.memory_space<hbm>>) target(%dma_start3A_270 : memref<624x128xf32, #tpu.memory_space<vmem_shared>>) target_semaphore(%run_scoped3A_268 : memref<!tpu.dma_semaphore, #tpu.memory_space<semaphore_mem>>)
        %dma_wait3A_273 = arith.constant 0 : i32
        %dma_wait3A_274 = tpu.memref_slice %arg14[%mul3A_267, %dma_wait3A_273] : memref<10008x128xf32, #tpu.memory_space<vmem_shared>> -> memref<624x128xf32, #tpu.memory_space<vmem_shared>>
        %dma_wait3A_275 = arith.constant 0 : i32
        %dma_wait3A_276 = tpu.memref_slice %arg4[%mul3A_265, %dma_wait3A_275] : memref<10000x128xf32, #tpu.memory_space<hbm>> -> memref<624x128xf32, #tpu.memory_space<hbm>>
        tpu.wait_dma2 semaphore(%run_scoped3A_268 : memref<!tpu.dma_semaphore, #tpu.memory_space<semaphore_mem>>) src(%dma_wait3A_276 : memref<624x128xf32, #tpu.memory_space<hbm>>) dst(%dma_wait3A_274 : memref<624x128xf32, #tpu.memory_space<vmem_shared>>)
        tpu.yield
      }) : () -> ()
    } else {
    }
    %eq3A = arith.constant 15 : i32
    %eq3A_3 = arith.cmpi eq, %arg1, %eq3A : i32
    %convert_element_type3A_4 = arith.extui %eq3A_3 : i1 to i32
    %cond3A_5 = arith.constant 0 : i32
    %cond3A_6 = arith.cmpi ne, %convert_element_type3A_4, %cond3A_5 : i32
    scf.if %cond3A_6 {
      "tpu.region"() ({
        %run_scoped3A_264 = tpu.sem_alloc : memref<!tpu.dma_semaphore, #tpu.memory_space<semaphore_mem>>
        %dma_start3A_265 = arith.constant 9360 : i32
        %dma_start3A_266 = arith.constant 0 : i32
        %dma_start3A_267 = tpu.memref_slice %arg14[%dma_start3A_265, %dma_start3A_266] : memref<10008x128xf32, #tpu.memory_space<vmem_shared>> -> memref<640x128xf32, #tpu.memory_space<vmem_shared>>
        %dma_start3A_268 = arith.constant 9360 : i32
        %dma_start3A_269 = arith.constant 0 : i32
        %dma_start3A_270 = tpu.memref_slice %arg4[%dma_start3A_268, %dma_start3A_269] : memref<10000x128xf32, #tpu.memory_space<hbm>> -> memref<640x128xf32, #tpu.memory_space<hbm>>
        tpu.enqueue_dma source(%dma_start3A_270 : memref<640x128xf32, #tpu.memory_space<hbm>>) target(%dma_start3A_267 : memref<640x128xf32, #tpu.memory_space<vmem_shared>>) target_semaphore(%run_scoped3A_264 : memref<!tpu.dma_semaphore, #tpu.memory_space<semaphore_mem>>)
        %dma_wait3A_271 = arith.constant 9360 : i32
        %dma_wait3A_272 = arith.constant 0 : i32
        %dma_wait3A_273 = tpu.memref_slice %arg14[%dma_wait3A_271, %dma_wait3A_272] : memref<10008x128xf32, #tpu.memory_space<vmem_shared>> -> memref<640x128xf32, #tpu.memory_space<vmem_shared>>
        %dma_wait3A_274 = arith.constant 9360 : i32
        %dma_wait3A_275 = arith.constant 0 : i32
        %dma_wait3A_276 = tpu.memref_slice %arg4[%dma_wait3A_274, %dma_wait3A_275] : memref<10000x128xf32, #tpu.memory_space<hbm>> -> memref<640x128xf32, #tpu.memory_space<hbm>>
        tpu.wait_dma2 semaphore(%run_scoped3A_264 : memref<!tpu.dma_semaphore, #tpu.memory_space<semaphore_mem>>) src(%dma_wait3A_276 : memref<640x128xf32, #tpu.memory_space<hbm>>) dst(%dma_wait3A_273 : memref<640x128xf32, #tpu.memory_space<vmem_shared>>)
        tpu.yield
      }) : () -> ()
    } else {
    }
    %run_scoped3A = arith.constant 0 : i32
    "tpu.region"() ({
      %run_scoped3A_264 = tpu.sem_alloc : memref<!tpu.dma_semaphore, #tpu.memory_space<semaphore_mem>>
      %dma_start3A_265 = arith.constant 0 : i32
      %dma_start3A_266 = arith.constant 0 : i32
      %dma_start3A_267 = tpu.memref_slice %arg3[%add3A, %run_scoped3A, %dma_start3A_265, %dma_start3A_266] : memref<32x10x8x256xi32, #tpu.memory_space<hbm>> -> memref<1x1x8x256xi32, #tpu.memory_space<hbm>>
      %dma_start3A_268 = tpu.memref_squeeze %dma_start3A_267 : memref<1x1x8x256xi32, #tpu.memory_space<hbm>> -> memref<8x256xi32, #tpu.memory_space<hbm>>
      %dma_start3A_269 = arith.constant 0 : i32
      %dma_start3A_270 = arith.constant 0 : i32
      %dma_start3A_271 = tpu.memref_slice %arg3[%add3A, %run_scoped3A, %dma_start3A_269, %dma_start3A_270] : memref<32x10x8x256xi32, #tpu.memory_space<hbm>> -> memref<1x1x8x256xi32, #tpu.memory_space<hbm>>
      %dma_start3A_272 = tpu.memref_squeeze %dma_start3A_271 : memref<1x1x8x256xi32, #tpu.memory_space<hbm>> -> memref<8x256xi32, #tpu.memory_space<hbm>>
      tpu.enqueue_dma source(%dma_start3A_272 : memref<8x256xi32, #tpu.memory_space<hbm>>) target(%arg6 : memref<8x256xi32, #tpu.memory_space<vmem>>) target_semaphore(%run_scoped3A_264 : memref<!tpu.dma_semaphore, #tpu.memory_space<semaphore_mem>>)
      %dma_wait3A_273 = arith.constant 0 : i32
      %dma_wait3A_274 = arith.constant 0 : i32
      %dma_wait3A_275 = tpu.memref_slice %arg3[%add3A, %run_scoped3A, %dma_wait3A_273, %dma_wait3A_274] : memref<32x10x8x256xi32, #tpu.memory_space<hbm>> -> memref<1x1x8x256xi32, #tpu.memory_space<hbm>>
      %dma_wait3A_276 = tpu.memref_squeeze %dma_wait3A_275 : memref<1x1x8x256xi32, #tpu.memory_space<hbm>> -> memref<8x256xi32, #tpu.memory_space<hbm>>
      %dma_wait3A_277 = arith.constant 0 : i32
      %dma_wait3A_278 = arith.constant 0 : i32
      %dma_wait3A_279 = tpu.memref_slice %arg3[%add3A, %run_scoped3A, %dma_wait3A_277, %dma_wait3A_278] : memref<32x10x8x256xi32, #tpu.memory_space<hbm>> -> memref<1x1x8x256xi32, #tpu.memory_space<hbm>>
      %dma_wait3A_280 = tpu.memref_squeeze %dma_wait3A_279 : memref<1x1x8x256xi32, #tpu.memory_space<hbm>> -> memref<8x256xi32, #tpu.memory_space<hbm>>
      tpu.wait_dma2 semaphore(%run_scoped3A_264 : memref<!tpu.dma_semaphore, #tpu.memory_space<semaphore_mem>>) src(%dma_wait3A_280 : memref<8x256xi32, #tpu.memory_space<hbm>>) dst(%arg6 : memref<8x256xi32, #tpu.memory_space<vmem>>)
      tpu.yield
    }) : () -> ()
    %dma_start3A = arith.constant 1 : i32
    %dma_start3A_7 = arith.constant 0 : i32
    %dma_start3A_8 = arith.constant 0 : i32
    %dma_start3A_9 = tpu.memref_slice %arg3[%add3A, %dma_start3A, %dma_start3A_7, %dma_start3A_8] : memref<32x10x8x256xi32, #tpu.memory_space<hbm>> -> memref<1x1x8x256xi32, #tpu.memory_space<hbm>>
    %dma_start3A_10 = tpu.memref_squeeze %dma_start3A_9 : memref<1x1x8x256xi32, #tpu.memory_space<hbm>> -> memref<8x256xi32, #tpu.memory_space<hbm>>
    %dma_start3A_11 = arith.constant 0 : i32
    %dma_start3A_12 = arith.constant 0 : i32
    %dma_start3A_13 = tpu.memref_slice %arg3[%add3A, %dma_start3A, %dma_start3A_11, %dma_start3A_12] : memref<32x10x8x256xi32, #tpu.memory_space<hbm>> -> memref<1x1x8x256xi32, #tpu.memory_space<hbm>>
    %dma_start3A_14 = tpu.memref_squeeze %dma_start3A_13 : memref<1x1x8x256xi32, #tpu.memory_space<hbm>> -> memref<8x256xi32, #tpu.memory_space<hbm>>
    tpu.enqueue_dma source(%dma_start3A_14 : memref<8x256xi32, #tpu.memory_space<hbm>>) target(%arg7 : memref<8x256xi32, #tpu.memory_space<vmem>>) target_semaphore(%arg11 : memref<!tpu.dma_semaphore, #tpu.memory_space<semaphore_mem>>)
    %barrier3A = arith.constant 0 : index
    tpu.barrier barrier_id(%barrier3A)
    %dma_start3A_15 = arith.constant 0 : i32
    %dma_start3A_16 = arith.constant 0 : i32
    %dma_start3A_17 = tpu.memref_slice %arg6[%dma_start3A_15, %dma_start3A_16] : memref<8x256xi32, #tpu.memory_space<vmem>> -> memref<1x128xi32, #tpu.memory_space<vmem>>
    %dma_start3A_18 = tpu.memref_squeeze %dma_start3A_17 : memref<1x128xi32, #tpu.memory_space<vmem>> -> memref<128xi32, #tpu.memory_space<vmem>>
    %dma_start3A_19 = arith.constant 0 : i32
    %dma_start3A_20 = arith.constant 0 : i32
    %dma_start3A_21 = tpu.memref_slice %arg2[%dma_start3A_19, %dma_start3A_20] : memref<40000x128xf32, #tpu.memory_space<hbm>> -> memref<40000x128xf32, #tpu.memory_space<hbm>>
    tpu.enqueue_indirect_dma source(%dma_start3A_21 : memref<40000x128xf32, #tpu.memory_space<hbm>>) target(%arg8 : memref<128x128xf32, #tpu.memory_space<vmem>>) offsets(%dma_start3A_18 : memref<128xi32, #tpu.memory_space<vmem>>) semaphore(%arg12 : memref<!tpu.dma_semaphore, #tpu.memory_space<semaphore_mem>>)
    %scan3A = arith.constant 0 : i32
    %scan3A_22 = arith.constant 0 : i32
    %scan3A_23 = arith.constant 4 : i32
    %scan3A_24 = arith.addi %scan3A_22, %scan3A_23 : i32
    %scan3A_25 = arith.constant 1 : i32
    scf.for %scan3A_264 = %scan3A_22 to %scan3A_24 step %scan3A_25  : i32 {
      %dma_start3A_265 = arith.constant 1 : i32
      %dma_start3A_266 = arith.constant 0 : i32
      %dma_start3A_267 = tpu.memref_slice %arg6[%dma_start3A_265, %dma_start3A_266] : memref<8x256xi32, #tpu.memory_space<vmem>> -> memref<1x128xi32, #tpu.memory_space<vmem>>
      %dma_start3A_268 = tpu.memref_squeeze %dma_start3A_267 : memref<1x128xi32, #tpu.memory_space<vmem>> -> memref<128xi32, #tpu.memory_space<vmem>>
      %dma_start3A_269 = arith.constant 0 : i32
      %dma_start3A_270 = arith.constant 0 : i32
      %dma_start3A_271 = tpu.memref_slice %arg2[%dma_start3A_269, %dma_start3A_270] : memref<40000x128xf32, #tpu.memory_space<hbm>> -> memref<40000x128xf32, #tpu.memory_space<hbm>>
      tpu.enqueue_indirect_dma source(%dma_start3A_271 : memref<40000x128xf32, #tpu.memory_space<hbm>>) target(%arg9 : memref<128x128xf32, #tpu.memory_space<vmem>>) offsets(%dma_start3A_268 : memref<128xi32, #tpu.memory_space<vmem>>) semaphore(%arg13 : memref<!tpu.dma_semaphore, #tpu.memory_space<semaphore_mem>>)
      %dma_wait3A_272 = arith.constant 0 : i32
      %dma_wait3A_273 = arith.constant 0 : i32
      %dma_wait3A_274 = tpu.memref_slice %arg2[%dma_wait3A_272, %dma_wait3A_273] : memref<40000x128xf32, #tpu.memory_space<hbm>> -> memref<128x128xf32, #tpu.memory_space<hbm>>
      %dma_wait3A_275 = arith.constant 0 : i32
      %dma_wait3A_276 = arith.constant 0 : i32
      %dma_wait3A_277 = tpu.memref_slice %arg2[%dma_wait3A_275, %dma_wait3A_276] : memref<40000x128xf32, #tpu.memory_space<hbm>> -> memref<128x128xf32, #tpu.memory_space<hbm>>
      tpu.wait_dma2 semaphore(%arg12 : memref<!tpu.dma_semaphore, #tpu.memory_space<semaphore_mem>>) src(%dma_wait3A_277 : memref<128x128xf32, #tpu.memory_space<hbm>>) dst(%arg8 : memref<128x128xf32, #tpu.memory_space<vmem>>)
      %run_scoped3A_278 = arith.constant 0 : i32
      "tpu.region"() ({
        %run_scoped3A_533 = tpu.sem_alloc : memref<!tpu.dma_semaphore, #tpu.memory_space<semaphore_mem>>
        %dma_start3A_534 = arith.constant 128 : i32
        %dma_start3A_535 = tpu.memref_slice %arg6[%run_scoped3A_278, %dma_start3A_534] : memref<8x256xi32, #tpu.memory_space<vmem>> -> memref<1x128xi32, #tpu.memory_space<vmem>>
        %dma_start3A_536 = tpu.memref_squeeze %dma_start3A_535 : memref<1x128xi32, #tpu.memory_space<vmem>> -> memref<128xi32, #tpu.memory_space<vmem>>
        %dma_start3A_537 = arith.constant 0 : i32
        %dma_start3A_538 = arith.constant 0 : i32
        %dma_start3A_539 = tpu.memref_slice %arg14[%dma_start3A_537, %dma_start3A_538] : memref<10008x128xf32, #tpu.memory_space<vmem_shared>> -> memref<10008x128xf32, #tpu.memory_space<vmem_shared>>
        tpu.enqueue_indirect_dma source(%arg8 : memref<128x128xf32, #tpu.memory_space<vmem>>) target(%dma_start3A_539 : memref<10008x128xf32, #tpu.memory_space<vmem_shared>>) offsets(%dma_start3A_536 : memref<128xi32, #tpu.memory_space<vmem>>) semaphore(%run_scoped3A_533 : memref<!tpu.dma_semaphore, #tpu.memory_space<semaphore_mem>>) {add = true}
        %dma_wait3A_540 = arith.constant 128 : i32
        %dma_wait3A_541 = tpu.memref_slice %arg6[%run_scoped3A_278, %dma_wait3A_540] : memref<8x256xi32, #tpu.memory_space<vmem>> -> memref<1x128xi32, #tpu.memory_space<vmem>>
        %dma_wait3A_542 = tpu.memref_squeeze %dma_wait3A_541 : memref<1x128xi32, #tpu.memory_space<vmem>> -> memref<128xi32, #tpu.memory_space<vmem>>
        %dma_wait3A_543 = arith.constant 0 : i32
        %dma_wait3A_544 = arith.constant 0 : i32
        %dma_wait3A_545 = tpu.memref_slice %arg14[%dma_wait3A_543, %dma_wait3A_544] : memref<10008x128xf32, #tpu.memory_space<vmem_shared>> -> memref<10008x128xf32, #tpu.memory_space<vmem_shared>>
        tpu.wait_indirect_dma semaphore(%run_scoped3A_533 : memref<!tpu.dma_semaphore, #tpu.memory_space<semaphore_mem>>) src(%arg8 : memref<128x128xf32, #tpu.memory_space<vmem>>) dst(%dma_wait3A_545 : memref<10008x128xf32, #tpu.memory_space<vmem_shared>>)
        tpu.yield
      }) : () -> ()
      %dma_start3A_279 = arith.constant 2 : i32
      %dma_start3A_280 = arith.constant 0 : i32
      %dma_start3A_281 = tpu.memref_slice %arg6[%dma_start3A_279, %dma_start3A_280] : memref<8x256xi32, #tpu.memory_space<vmem>> -> memref<1x128xi32, #tpu.memory_space<vmem>>
      %dma_start3A_282 = tpu.memref_squeeze %dma_start3A_281 : memref<1x128xi32, #tpu.memory_space<vmem>> -> memref<128xi32, #tpu.memory_space<vmem>>
      %dma_start3A_283 = arith.constant 0 : i32
      %dma_start3A_284 = arith.constant 0 : i32
      %dma_start3A_285 = tpu.memref_slice %arg2[%dma_start3A_283, %dma_start3A_284] : memref<40000x128xf32, #tpu.memory_space<hbm>> -> memref<40000x128xf32, #tpu.memory_space<hbm>>
      tpu.enqueue_indirect_dma source(%dma_start3A_285 : memref<40000x128xf32, #tpu.memory_space<hbm>>) target(%arg8 : memref<128x128xf32, #tpu.memory_space<vmem>>) offsets(%dma_start3A_282 : memref<128xi32, #tpu.memory_space<vmem>>) semaphore(%arg12 : memref<!tpu.dma_semaphore, #tpu.memory_space<semaphore_mem>>)
      %dma_wait3A_286 = arith.constant 0 : i32
      %dma_wait3A_287 = arith.constant 0 : i32
      %dma_wait3A_288 = tpu.memref_slice %arg2[%dma_wait3A_286, %dma_wait3A_287] : memref<40000x128xf32, #tpu.memory_space<hbm>> -> memref<128x128xf32, #tpu.memory_space<hbm>>
      %dma_wait3A_289 = arith.constant 0 : i32
      %dma_wait3A_290 = arith.constant 0 : i32
      %dma_wait3A_291 = tpu.memref_slice %arg2[%dma_wait3A_289, %dma_wait3A_290] : memref<40000x128xf32, #tpu.memory_space<hbm>> -> memref<128x128xf32, #tpu.memory_space<hbm>>
      tpu.wait_dma2 semaphore(%arg13 : memref<!tpu.dma_semaphore, #tpu.memory_space<semaphore_mem>>) src(%dma_wait3A_291 : memref<128x128xf32, #tpu.memory_space<hbm>>) dst(%arg9 : memref<128x128xf32, #tpu.memory_space<vmem>>)
      %run_scoped3A_292 = arith.constant 1 : i32
      "tpu.region"() ({
        %run_scoped3A_533 = tpu.sem_alloc : memref<!tpu.dma_semaphore, #tpu.memory_space<semaphore_mem>>
        %dma_start3A_534 = arith.constant 128 : i32
        %dma_start3A_535 = tpu.memref_slice %arg6[%run_scoped3A_292, %dma_start3A_534] : memref<8x256xi32, #tpu.memory_space<vmem>> -> memref<1x128xi32, #tpu.memory_space<vmem>>
        %dma_start3A_536 = tpu.memref_squeeze %dma_start3A_535 : memref<1x128xi32, #tpu.memory_space<vmem>> -> memref<128xi32, #tpu.memory_space<vmem>>
        %dma_start3A_537 = arith.constant 0 : i32
        %dma_start3A_538 = arith.constant 0 : i32
        %dma_start3A_539 = tpu.memref_slice %arg14[%dma_start3A_537, %dma_start3A_538] : memref<10008x128xf32, #tpu.memory_space<vmem_shared>> -> memref<10008x128xf32, #tpu.memory_space<vmem_shared>>
        tpu.enqueue_indirect_dma source(%arg9 : memref<128x128xf32, #tpu.memory_space<vmem>>) target(%dma_start3A_539 : memref<10008x128xf32, #tpu.memory_space<vmem_shared>>) offsets(%dma_start3A_536 : memref<128xi32, #tpu.memory_space<vmem>>) semaphore(%run_scoped3A_533 : memref<!tpu.dma_semaphore, #tpu.memory_space<semaphore_mem>>) {add = true}
        %dma_wait3A_540 = arith.constant 128 : i32
        %dma_wait3A_541 = tpu.memref_slice %arg6[%run_scoped3A_292, %dma_wait3A_540] : memref<8x256xi32, #tpu.memory_space<vmem>> -> memref<1x128xi32, #tpu.memory_space<vmem>>
        %dma_wait3A_542 = tpu.memref_squeeze %dma_wait3A_541 : memref<1x128xi32, #tpu.memory_space<vmem>> -> memref<128xi32, #tpu.memory_space<vmem>>
        %dma_wait3A_543 = arith.constant 0 : i32
        %dma_wait3A_544 = arith.constant 0 : i32
        %dma_wait3A_545 = tpu.memref_slice %arg14[%dma_wait3A_543, %dma_wait3A_544] : memref<10008x128xf32, #tpu.memory_space<vmem_shared>> -> memref<10008x128xf32, #tpu.memory_space<vmem_shared>>
        tpu.wait_indirect_dma semaphore(%run_scoped3A_533 : memref<!tpu.dma_semaphore, #tpu.memory_space<semaphore_mem>>) src(%arg9 : memref<128x128xf32, #tpu.memory_space<vmem>>) dst(%dma_wait3A_545 : memref<10008x128xf32, #tpu.memory_space<vmem_shared>>)
        tpu.yield
      }) : () -> ()
      %dma_start3A_293 = arith.constant 3 : i32
      %dma_start3A_294 = arith.constant 0 : i32
      %dma_start3A_295 = tpu.memref_slice %arg6[%dma_start3A_293, %dma_start3A_294] : memref<8x256xi32, #tpu.memory_space<vmem>> -> memref<1x128xi32, #tpu.memory_space<vmem>>
      %dma_start3A_296 = tpu.memref_squeeze %dma_start3A_295 : memref<1x128xi32, #tpu.memory_space<vmem>> -> memref<128xi32, #tpu.memory_space<vmem>>
      %dma_start3A_297 = arith.constant 0 : i32
      %dma_start3A_298 = arith.constant 0 : i32
      %dma_start3A_299 = tpu.memref_slice %arg2[%dma_start3A_297, %dma_start3A_298] : memref<40000x128xf32, #tpu.memory_space<hbm>> -> memref<40000x128xf32, #tpu.memory_space<hbm>>
      tpu.enqueue_indirect_dma source(%dma_start3A_299 : memref<40000x128xf32, #tpu.memory_space<hbm>>) target(%arg9 : memref<128x128xf32, #tpu.memory_space<vmem>>) offsets(%dma_start3A_296 : memref<128xi32, #tpu.memory_space<vmem>>) semaphore(%arg13 : memref<!tpu.dma_semaphore, #tpu.memory_space<semaphore_mem>>)
      %dma_wait3A_300 = arith.constant 0 : i32
      %dma_wait3A_301 = arith.constant 0 : i32
      %dma_wait3A_302 = tpu.memref_slice %arg2[%dma_wait3A_300, %dma_wait3A_301] : memref<40000x128xf32, #tpu.memory_space<hbm>> -> memref<128x128xf32, #tpu.memory_space<hbm>>
      %dma_wait3A_303 = arith.constant 0 : i32
      %dma_wait3A_304 = arith.constant 0 : i32
      %dma_wait3A_305 = tpu.memref_slice %arg2[%dma_wait3A_303, %dma_wait3A_304] : memref<40000x128xf32, #tpu.memory_space<hbm>> -> memref<128x128xf32, #tpu.memory_space<hbm>>
      tpu.wait_dma2 semaphore(%arg12 : memref<!tpu.dma_semaphore, #tpu.memory_space<semaphore_mem>>) src(%dma_wait3A_305 : memref<128x128xf32, #tpu.memory_space<hbm>>) dst(%arg8 : memref<128x128xf32, #tpu.memory_space<vmem>>)
      %run_scoped3A_306 = arith.constant 2 : i32
      "tpu.region"() ({
        %run_scoped3A_533 = tpu.sem_alloc : memref<!tpu.dma_semaphore, #tpu.memory_space<semaphore_mem>>
        %dma_start3A_534 = arith.constant 128 : i32
        %dma_start3A_535 = tpu.memref_slice %arg6[%run_scoped3A_306, %dma_start3A_534] : memref<8x256xi32, #tpu.memory_space<vmem>> -> memref<1x128xi32, #tpu.memory_space<vmem>>
        %dma_start3A_536 = tpu.memref_squeeze %dma_start3A_535 : memref<1x128xi32, #tpu.memory_space<vmem>> -> memref<128xi32, #tpu.memory_space<vmem>>
        %dma_start3A_537 = arith.constant 0 : i32
        %dma_start3A_538 = arith.constant 0 : i32
        %dma_start3A_539 = tpu.memref_slice %arg14[%dma_start3A_537, %dma_start3A_538] : memref<10008x128xf32, #tpu.memory_space<vmem_shared>> -> memref<10008x128xf32, #tpu.memory_space<vmem_shared>>
        tpu.enqueue_indirect_dma source(%arg8 : memref<128x128xf32, #tpu.memory_space<vmem>>) target(%dma_start3A_539 : memref<10008x128xf32, #tpu.memory_space<vmem_shared>>) offsets(%dma_start3A_536 : memref<128xi32, #tpu.memory_space<vmem>>) semaphore(%run_scoped3A_533 : memref<!tpu.dma_semaphore, #tpu.memory_space<semaphore_mem>>) {add = true}
        %dma_wait3A_540 = arith.constant 128 : i32
        %dma_wait3A_541 = tpu.memref_slice %arg6[%run_scoped3A_306, %dma_wait3A_540] : memref<8x256xi32, #tpu.memory_space<vmem>> -> memref<1x128xi32, #tpu.memory_space<vmem>>
        %dma_wait3A_542 = tpu.memref_squeeze %dma_wait3A_541 : memref<1x128xi32, #tpu.memory_space<vmem>> -> memref<128xi32, #tpu.memory_space<vmem>>
        %dma_wait3A_543 = arith.constant 0 : i32
        %dma_wait3A_544 = arith.constant 0 : i32
        %dma_wait3A_545 = tpu.memref_slice %arg14[%dma_wait3A_543, %dma_wait3A_544] : memref<10008x128xf32, #tpu.memory_space<vmem_shared>> -> memref<10008x128xf32, #tpu.memory_space<vmem_shared>>
        tpu.wait_indirect_dma semaphore(%run_scoped3A_533 : memref<!tpu.dma_semaphore, #tpu.memory_space<semaphore_mem>>) src(%arg8 : memref<128x128xf32, #tpu.memory_space<vmem>>) dst(%dma_wait3A_545 : memref<10008x128xf32, #tpu.memory_space<vmem_shared>>)
        tpu.yield
      }) : () -> ()
      %dma_start3A_307 = arith.constant 4 : i32
      %dma_start3A_308 = arith.constant 0 : i32
      %dma_start3A_309 = tpu.memref_slice %arg6[%dma_start3A_307, %dma_start3A_308] : memref<8x256xi32, #tpu.memory_space<vmem>> -> memref<1x128xi32, #tpu.memory_space<vmem>>
      %dma_start3A_310 = tpu.memref_squeeze %dma_start3A_309 : memref<1x128xi32, #tpu.memory_space<vmem>> -> memref<128xi32, #tpu.memory_space<vmem>>
      %dma_start3A_311 = arith.constant 0 : i32
      %dma_start3A_312 = arith.constant 0 : i32
      %dma_start3A_313 = tpu.memref_slice %arg2[%dma_start3A_311, %dma_start3A_312] : memref<40000x128xf32, #tpu.memory_space<hbm>> -> memref<40000x128xf32, #tpu.memory_space<hbm>>
      tpu.enqueue_indirect_dma source(%dma_start3A_313 : memref<40000x128xf32, #tpu.memory_space<hbm>>) target(%arg8 : memref<128x128xf32, #tpu.memory_space<vmem>>) offsets(%dma_start3A_310 : memref<128xi32, #tpu.memory_space<vmem>>) semaphore(%arg12 : memref<!tpu.dma_semaphore, #tpu.memory_space<semaphore_mem>>)
      %dma_wait3A_314 = arith.constant 0 : i32
      %dma_wait3A_315 = arith.constant 0 : i32
      %dma_wait3A_316 = tpu.memref_slice %arg2[%dma_wait3A_314, %dma_wait3A_315] : memref<40000x128xf32, #tpu.memory_space<hbm>> -> memref<128x128xf32, #tpu.memory_space<hbm>>
      %dma_wait3A_317 = arith.constant 0 : i32
      %dma_wait3A_318 = arith.constant 0 : i32
      %dma_wait3A_319 = tpu.memref_slice %arg2[%dma_wait3A_317, %dma_wait3A_318] : memref<40000x128xf32, #tpu.memory_space<hbm>> -> memref<128x128xf32, #tpu.memory_space<hbm>>
      tpu.wait_dma2 semaphore(%arg13 : memref<!tpu.dma_semaphore, #tpu.memory_space<semaphore_mem>>) src(%dma_wait3A_319 : memref<128x128xf32, #tpu.memory_space<hbm>>) dst(%arg9 : memref<128x128xf32, #tpu.memory_space<vmem>>)
      %run_scoped3A_320 = arith.constant 3 : i32
      "tpu.region"() ({
        %run_scoped3A_533 = tpu.sem_alloc : memref<!tpu.dma_semaphore, #tpu.memory_space<semaphore_mem>>
        %dma_start3A_534 = arith.constant 128 : i32
        %dma_start3A_535 = tpu.memref_slice %arg6[%run_scoped3A_320, %dma_start3A_534] : memref<8x256xi32, #tpu.memory_space<vmem>> -> memref<1x128xi32, #tpu.memory_space<vmem>>
        %dma_start3A_536 = tpu.memref_squeeze %dma_start3A_535 : memref<1x128xi32, #tpu.memory_space<vmem>> -> memref<128xi32, #tpu.memory_space<vmem>>
        %dma_start3A_537 = arith.constant 0 : i32
        %dma_start3A_538 = arith.constant 0 : i32
        %dma_start3A_539 = tpu.memref_slice %arg14[%dma_start3A_537, %dma_start3A_538] : memref<10008x128xf32, #tpu.memory_space<vmem_shared>> -> memref<10008x128xf32, #tpu.memory_space<vmem_shared>>
        tpu.enqueue_indirect_dma source(%arg9 : memref<128x128xf32, #tpu.memory_space<vmem>>) target(%dma_start3A_539 : memref<10008x128xf32, #tpu.memory_space<vmem_shared>>) offsets(%dma_start3A_536 : memref<128xi32, #tpu.memory_space<vmem>>) semaphore(%run_scoped3A_533 : memref<!tpu.dma_semaphore, #tpu.memory_space<semaphore_mem>>) {add = true}
        %dma_wait3A_540 = arith.constant 128 : i32
        %dma_wait3A_541 = tpu.memref_slice %arg6[%run_scoped3A_320, %dma_wait3A_540] : memref<8x256xi32, #tpu.memory_space<vmem>> -> memref<1x128xi32, #tpu.memory_space<vmem>>
        %dma_wait3A_542 = tpu.memref_squeeze %dma_wait3A_541 : memref<1x128xi32, #tpu.memory_space<vmem>> -> memref<128xi32, #tpu.memory_space<vmem>>
        %dma_wait3A_543 = arith.constant 0 : i32
        %dma_wait3A_544 = arith.constant 0 : i32
        %dma_wait3A_545 = tpu.memref_slice %arg14[%dma_wait3A_543, %dma_wait3A_544] : memref<10008x128xf32, #tpu.memory_space<vmem_shared>> -> memref<10008x128xf32, #tpu.memory_space<vmem_shared>>
        tpu.wait_indirect_dma semaphore(%run_scoped3A_533 : memref<!tpu.dma_semaphore, #tpu.memory_space<semaphore_mem>>) src(%arg9 : memref<128x128xf32, #tpu.memory_space<vmem>>) dst(%dma_wait3A_545 : memref<10008x128xf32, #tpu.memory_space<vmem_shared>>)
        tpu.yield
      }) : () -> ()
      %dma_start3A_321 = arith.constant 5 : i32
      %dma_start3A_322 = arith.constant 0 : i32
      %dma_start3A_323 = tpu.memref_slice %arg6[%dma_start3A_321, %dma_start3A_322] : memref<8x256xi32, #tpu.memory_space<vmem>> -> memref<1x128xi32, #tpu.memory_space<vmem>>
      %dma_start3A_324 = tpu.memref_squeeze %dma_start3A_323 : memref<1x128xi32, #tpu.memory_space<vmem>> -> memref<128xi32, #tpu.memory_space<vmem>>
      %dma_start3A_325 = arith.constant 0 : i32
      %dma_start3A_326 = arith.constant 0 : i32
      %dma_start3A_327 = tpu.memref_slice %arg2[%dma_start3A_325, %dma_start3A_326] : memref<40000x128xf32, #tpu.memory_space<hbm>> -> memref<40000x128xf32, #tpu.memory_space<hbm>>
      tpu.enqueue_indirect_dma source(%dma_start3A_327 : memref<40000x128xf32, #tpu.memory_space<hbm>>) target(%arg9 : memref<128x128xf32, #tpu.memory_space<vmem>>) offsets(%dma_start3A_324 : memref<128xi32, #tpu.memory_space<vmem>>) semaphore(%arg13 : memref<!tpu.dma_semaphore, #tpu.memory_space<semaphore_mem>>)
      %dma_wait3A_328 = arith.constant 0 : i32
      %dma_wait3A_329 = arith.constant 0 : i32
      %dma_wait3A_330 = tpu.memref_slice %arg2[%dma_wait3A_328, %dma_wait3A_329] : memref<40000x128xf32, #tpu.memory_space<hbm>> -> memref<128x128xf32, #tpu.memory_space<hbm>>
      %dma_wait3A_331 = arith.constant 0 : i32
      %dma_wait3A_332 = arith.constant 0 : i32
      %dma_wait3A_333 = tpu.memref_slice %arg2[%dma_wait3A_331, %dma_wait3A_332] : memref<40000x128xf32, #tpu.memory_space<hbm>> -> memref<128x128xf32, #tpu.memory_space<hbm>>
      tpu.wait_dma2 semaphore(%arg12 : memref<!tpu.dma_semaphore, #tpu.memory_space<semaphore_mem>>) src(%dma_wait3A_333 : memref<128x128xf32, #tpu.memory_space<hbm>>) dst(%arg8 : memref<128x128xf32, #tpu.memory_space<vmem>>)
      %run_scoped3A_334 = arith.constant 4 : i32
      "tpu.region"() ({
        %run_scoped3A_533 = tpu.sem_alloc : memref<!tpu.dma_semaphore, #tpu.memory_space<semaphore_mem>>
        %dma_start3A_534 = arith.constant 128 : i32
        %dma_start3A_535 = tpu.memref_slice %arg6[%run_scoped3A_334, %dma_start3A_534] : memref<8x256xi32, #tpu.memory_space<vmem>> -> memref<1x128xi32, #tpu.memory_space<vmem>>
        %dma_start3A_536 = tpu.memref_squeeze %dma_start3A_535 : memref<1x128xi32, #tpu.memory_space<vmem>> -> memref<128xi32, #tpu.memory_space<vmem>>
        %dma_start3A_537 = arith.constant 0 : i32
        %dma_start3A_538 = arith.constant 0 : i32
        %dma_start3A_539 = tpu.memref_slice %arg14[%dma_start3A_537, %dma_start3A_538] : memref<10008x128xf32, #tpu.memory_space<vmem_shared>> -> memref<10008x128xf32, #tpu.memory_space<vmem_shared>>
        tpu.enqueue_indirect_dma source(%arg8 : memref<128x128xf32, #tpu.memory_space<vmem>>) target(%dma_start3A_539 : memref<10008x128xf32, #tpu.memory_space<vmem_shared>>) offsets(%dma_start3A_536 : memref<128xi32, #tpu.memory_space<vmem>>) semaphore(%run_scoped3A_533 : memref<!tpu.dma_semaphore, #tpu.memory_space<semaphore_mem>>) {add = true}
        %dma_wait3A_540 = arith.constant 128 : i32
        %dma_wait3A_541 = tpu.memref_slice %arg6[%run_scoped3A_334, %dma_wait3A_540] : memref<8x256xi32, #tpu.memory_space<vmem>> -> memref<1x128xi32, #tpu.memory_space<vmem>>
        %dma_wait3A_542 = tpu.memref_squeeze %dma_wait3A_541 : memref<1x128xi32, #tpu.memory_space<vmem>> -> memref<128xi32, #tpu.memory_space<vmem>>
        %dma_wait3A_543 = arith.constant 0 : i32
        %dma_wait3A_544 = arith.constant 0 : i32
        %dma_wait3A_545 = tpu.memref_slice %arg14[%dma_wait3A_543, %dma_wait3A_544] : memref<10008x128xf32, #tpu.memory_space<vmem_shared>> -> memref<10008x128xf32, #tpu.memory_space<vmem_shared>>
        tpu.wait_indirect_dma semaphore(%run_scoped3A_533 : memref<!tpu.dma_semaphore, #tpu.memory_space<semaphore_mem>>) src(%arg8 : memref<128x128xf32, #tpu.memory_space<vmem>>) dst(%dma_wait3A_545 : memref<10008x128xf32, #tpu.memory_space<vmem_shared>>)
        tpu.yield
      }) : () -> ()
      %dma_start3A_335 = arith.constant 6 : i32
      %dma_start3A_336 = arith.constant 0 : i32
      %dma_start3A_337 = tpu.memref_slice %arg6[%dma_start3A_335, %dma_start3A_336] : memref<8x256xi32, #tpu.memory_space<vmem>> -> memref<1x128xi32, #tpu.memory_space<vmem>>
      %dma_start3A_338 = tpu.memref_squeeze %dma_start3A_337 : memref<1x128xi32, #tpu.memory_space<vmem>> -> memref<128xi32, #tpu.memory_space<vmem>>
      %dma_start3A_339 = arith.constant 0 : i32
      %dma_start3A_340 = arith.constant 0 : i32
      %dma_start3A_341 = tpu.memref_slice %arg2[%dma_start3A_339, %dma_start3A_340] : memref<40000x128xf32, #tpu.memory_space<hbm>> -> memref<40000x128xf32, #tpu.memory_space<hbm>>
      tpu.enqueue_indirect_dma source(%dma_start3A_341 : memref<40000x128xf32, #tpu.memory_space<hbm>>) target(%arg8 : memref<128x128xf32, #tpu.memory_space<vmem>>) offsets(%dma_start3A_338 : memref<128xi32, #tpu.memory_space<vmem>>) semaphore(%arg12 : memref<!tpu.dma_semaphore, #tpu.memory_space<semaphore_mem>>)
      %dma_wait3A_342 = arith.constant 0 : i32
      %dma_wait3A_343 = arith.constant 0 : i32
      %dma_wait3A_344 = tpu.memref_slice %arg2[%dma_wait3A_342, %dma_wait3A_343] : memref<40000x128xf32, #tpu.memory_space<hbm>> -> memref<128x128xf32, #tpu.memory_space<hbm>>
      %dma_wait3A_345 = arith.constant 0 : i32
      %dma_wait3A_346 = arith.constant 0 : i32
      %dma_wait3A_347 = tpu.memref_slice %arg2[%dma_wait3A_345, %dma_wait3A_346] : memref<40000x128xf32, #tpu.memory_space<hbm>> -> memref<128x128xf32, #tpu.memory_space<hbm>>
      tpu.wait_dma2 semaphore(%arg13 : memref<!tpu.dma_semaphore, #tpu.memory_space<semaphore_mem>>) src(%dma_wait3A_347 : memref<128x128xf32, #tpu.memory_space<hbm>>) dst(%arg9 : memref<128x128xf32, #tpu.memory_space<vmem>>)
      %run_scoped3A_348 = arith.constant 5 : i32
      "tpu.region"() ({
        %run_scoped3A_533 = tpu.sem_alloc : memref<!tpu.dma_semaphore, #tpu.memory_space<semaphore_mem>>
        %dma_start3A_534 = arith.constant 128 : i32
        %dma_start3A_535 = tpu.memref_slice %arg6[%run_scoped3A_348, %dma_start3A_534] : memref<8x256xi32, #tpu.memory_space<vmem>> -> memref<1x128xi32, #tpu.memory_space<vmem>>
        %dma_start3A_536 = tpu.memref_squeeze %dma_start3A_535 : memref<1x128xi32, #tpu.memory_space<vmem>> -> memref<128xi32, #tpu.memory_space<vmem>>
        %dma_start3A_537 = arith.constant 0 : i32
        %dma_start3A_538 = arith.constant 0 : i32
        %dma_start3A_539 = tpu.memref_slice %arg14[%dma_start3A_537, %dma_start3A_538] : memref<10008x128xf32, #tpu.memory_space<vmem_shared>> -> memref<10008x128xf32, #tpu.memory_space<vmem_shared>>
        tpu.enqueue_indirect_dma source(%arg9 : memref<128x128xf32, #tpu.memory_space<vmem>>) target(%dma_start3A_539 : memref<10008x128xf32, #tpu.memory_space<vmem_shared>>) offsets(%dma_start3A_536 : memref<128xi32, #tpu.memory_space<vmem>>) semaphore(%run_scoped3A_533 : memref<!tpu.dma_semaphore, #tpu.memory_space<semaphore_mem>>) {add = true}
        %dma_wait3A_540 = arith.constant 128 : i32
        %dma_wait3A_541 = tpu.memref_slice %arg6[%run_scoped3A_348, %dma_wait3A_540] : memref<8x256xi32, #tpu.memory_space<vmem>> -> memref<1x128xi32, #tpu.memory_space<vmem>>
        %dma_wait3A_542 = tpu.memref_squeeze %dma_wait3A_541 : memref<1x128xi32, #tpu.memory_space<vmem>> -> memref<128xi32, #tpu.memory_space<vmem>>
        %dma_wait3A_543 = arith.constant 0 : i32
        %dma_wait3A_544 = arith.constant 0 : i32
        %dma_wait3A_545 = tpu.memref_slice %arg14[%dma_wait3A_543, %dma_wait3A_544] : memref<10008x128xf32, #tpu.memory_space<vmem_shared>> -> memref<10008x128xf32, #tpu.memory_space<vmem_shared>>
        tpu.wait_indirect_dma semaphore(%run_scoped3A_533 : memref<!tpu.dma_semaphore, #tpu.memory_space<semaphore_mem>>) src(%arg9 : memref<128x128xf32, #tpu.memory_space<vmem>>) dst(%dma_wait3A_545 : memref<10008x128xf32, #tpu.memory_space<vmem_shared>>)
        tpu.yield
      }) : () -> ()
      %dma_start3A_349 = arith.constant 7 : i32
      %dma_start3A_350 = arith.constant 0 : i32
      %dma_start3A_351 = tpu.memref_slice %arg6[%dma_start3A_349, %dma_start3A_350] : memref<8x256xi32, #tpu.memory_space<vmem>> -> memref<1x128xi32, #tpu.memory_space<vmem>>
      %dma_start3A_352 = tpu.memref_squeeze %dma_start3A_351 : memref<1x128xi32, #tpu.memory_space<vmem>> -> memref<128xi32, #tpu.memory_space<vmem>>
      %dma_start3A_353 = arith.constant 0 : i32
      %dma_start3A_354 = arith.constant 0 : i32
      %dma_start3A_355 = tpu.memref_slice %arg2[%dma_start3A_353, %dma_start3A_354] : memref<40000x128xf32, #tpu.memory_space<hbm>> -> memref<40000x128xf32, #tpu.memory_space<hbm>>
      tpu.enqueue_indirect_dma source(%dma_start3A_355 : memref<40000x128xf32, #tpu.memory_space<hbm>>) target(%arg9 : memref<128x128xf32, #tpu.memory_space<vmem>>) offsets(%dma_start3A_352 : memref<128xi32, #tpu.memory_space<vmem>>) semaphore(%arg13 : memref<!tpu.dma_semaphore, #tpu.memory_space<semaphore_mem>>)
      %dma_wait3A_356 = arith.constant 0 : i32
      %dma_wait3A_357 = arith.constant 0 : i32
      %dma_wait3A_358 = tpu.memref_slice %arg2[%dma_wait3A_356, %dma_wait3A_357] : memref<40000x128xf32, #tpu.memory_space<hbm>> -> memref<128x128xf32, #tpu.memory_space<hbm>>
      %dma_wait3A_359 = arith.constant 0 : i32
      %dma_wait3A_360 = arith.constant 0 : i32
      %dma_wait3A_361 = tpu.memref_slice %arg2[%dma_wait3A_359, %dma_wait3A_360] : memref<40000x128xf32, #tpu.memory_space<hbm>> -> memref<128x128xf32, #tpu.memory_space<hbm>>
      tpu.wait_dma2 semaphore(%arg12 : memref<!tpu.dma_semaphore, #tpu.memory_space<semaphore_mem>>) src(%dma_wait3A_361 : memref<128x128xf32, #tpu.memory_space<hbm>>) dst(%arg8 : memref<128x128xf32, #tpu.memory_space<vmem>>)
      %run_scoped3A_362 = arith.constant 6 : i32
      "tpu.region"() ({
        %run_scoped3A_533 = tpu.sem_alloc : memref<!tpu.dma_semaphore, #tpu.memory_space<semaphore_mem>>
        %dma_start3A_534 = arith.constant 128 : i32
        %dma_start3A_535 = tpu.memref_slice %arg6[%run_scoped3A_362, %dma_start3A_534] : memref<8x256xi32, #tpu.memory_space<vmem>> -> memref<1x128xi32, #tpu.memory_space<vmem>>
        %dma_start3A_536 = tpu.memref_squeeze %dma_start3A_535 : memref<1x128xi32, #tpu.memory_space<vmem>> -> memref<128xi32, #tpu.memory_space<vmem>>
        %dma_start3A_537 = arith.constant 0 : i32
        %dma_start3A_538 = arith.constant 0 : i32
        %dma_start3A_539 = tpu.memref_slice %arg14[%dma_start3A_537, %dma_start3A_538] : memref<10008x128xf32, #tpu.memory_space<vmem_shared>> -> memref<10008x128xf32, #tpu.memory_space<vmem_shared>>
        tpu.enqueue_indirect_dma source(%arg8 : memref<128x128xf32, #tpu.memory_space<vmem>>) target(%dma_start3A_539 : memref<10008x128xf32, #tpu.memory_space<vmem_shared>>) offsets(%dma_start3A_536 : memref<128xi32, #tpu.memory_space<vmem>>) semaphore(%run_scoped3A_533 : memref<!tpu.dma_semaphore, #tpu.memory_space<semaphore_mem>>) {add = true}
        %dma_wait3A_540 = arith.constant 128 : i32
        %dma_wait3A_541 = tpu.memref_slice %arg6[%run_scoped3A_362, %dma_wait3A_540] : memref<8x256xi32, #tpu.memory_space<vmem>> -> memref<1x128xi32, #tpu.memory_space<vmem>>
        %dma_wait3A_542 = tpu.memref_squeeze %dma_wait3A_541 : memref<1x128xi32, #tpu.memory_space<vmem>> -> memref<128xi32, #tpu.memory_space<vmem>>
        %dma_wait3A_543 = arith.constant 0 : i32
        %dma_wait3A_544 = arith.constant 0 : i32
        %dma_wait3A_545 = tpu.memref_slice %arg14[%dma_wait3A_543, %dma_wait3A_544] : memref<10008x128xf32, #tpu.memory_space<vmem_shared>> -> memref<10008x128xf32, #tpu.memory_space<vmem_shared>>
        tpu.wait_indirect_dma semaphore(%run_scoped3A_533 : memref<!tpu.dma_semaphore, #tpu.memory_space<semaphore_mem>>) src(%arg8 : memref<128x128xf32, #tpu.memory_space<vmem>>) dst(%dma_wait3A_545 : memref<10008x128xf32, #tpu.memory_space<vmem_shared>>)
        tpu.yield
      }) : () -> ()
      %dma_wait3A_363 = arith.constant 0 : i32
      %dma_wait3A_364 = arith.constant 0 : i32
      %dma_wait3A_365 = arith.constant 0 : i32
      %dma_wait3A_366 = arith.constant 0 : i32
      %dma_wait3A_367 = tpu.memref_slice %arg3[%dma_wait3A_363, %dma_wait3A_364, %dma_wait3A_365, %dma_wait3A_366] : memref<32x10x8x256xi32, #tpu.memory_space<hbm>> -> memref<1x1x8x256xi32, #tpu.memory_space<hbm>>
      %dma_wait3A_368 = tpu.memref_squeeze %dma_wait3A_367 : memref<1x1x8x256xi32, #tpu.memory_space<hbm>> -> memref<8x256xi32, #tpu.memory_space<hbm>>
      %dma_wait3A_369 = arith.constant 0 : i32
      %dma_wait3A_370 = arith.constant 0 : i32
      %dma_wait3A_371 = tpu.memref_slice %arg3[%dma_wait3A_363, %dma_wait3A_364, %dma_wait3A_369, %dma_wait3A_370] : memref<32x10x8x256xi32, #tpu.memory_space<hbm>> -> memref<1x1x8x256xi32, #tpu.memory_space<hbm>>
      %dma_wait3A_372 = tpu.memref_squeeze %dma_wait3A_371 : memref<1x1x8x256xi32, #tpu.memory_space<hbm>> -> memref<8x256xi32, #tpu.memory_space<hbm>>
      tpu.wait_dma2 semaphore(%arg11 : memref<!tpu.dma_semaphore, #tpu.memory_space<semaphore_mem>>) src(%dma_wait3A_372 : memref<8x256xi32, #tpu.memory_space<hbm>>) dst(%arg7 : memref<8x256xi32, #tpu.memory_space<vmem>>)
      %dma_start3A_373 = arith.constant 0 : i32
      %dma_start3A_374 = arith.constant 0 : i32
      %dma_start3A_375 = tpu.memref_slice %arg7[%dma_start3A_373, %dma_start3A_374] : memref<8x256xi32, #tpu.memory_space<vmem>> -> memref<1x128xi32, #tpu.memory_space<vmem>>
      %dma_start3A_376 = tpu.memref_squeeze %dma_start3A_375 : memref<1x128xi32, #tpu.memory_space<vmem>> -> memref<128xi32, #tpu.memory_space<vmem>>
      %dma_start3A_377 = arith.constant 0 : i32
      %dma_start3A_378 = arith.constant 0 : i32
      %dma_start3A_379 = tpu.memref_slice %arg2[%dma_start3A_377, %dma_start3A_378] : memref<40000x128xf32, #tpu.memory_space<hbm>> -> memref<40000x128xf32, #tpu.memory_space<hbm>>
      tpu.enqueue_indirect_dma source(%dma_start3A_379 : memref<40000x128xf32, #tpu.memory_space<hbm>>) target(%arg8 : memref<128x128xf32, #tpu.memory_space<vmem>>) offsets(%dma_start3A_376 : memref<128xi32, #tpu.memory_space<vmem>>) semaphore(%arg12 : memref<!tpu.dma_semaphore, #tpu.memory_space<semaphore_mem>>)
      %dma_wait3A_380 = arith.constant 0 : i32
      %dma_wait3A_381 = arith.constant 0 : i32
      %dma_wait3A_382 = tpu.memref_slice %arg2[%dma_wait3A_380, %dma_wait3A_381] : memref<40000x128xf32, #tpu.memory_space<hbm>> -> memref<128x128xf32, #tpu.memory_space<hbm>>
      %dma_wait3A_383 = arith.constant 0 : i32
      %dma_wait3A_384 = arith.constant 0 : i32
      %dma_wait3A_385 = tpu.memref_slice %arg2[%dma_wait3A_383, %dma_wait3A_384] : memref<40000x128xf32, #tpu.memory_space<hbm>> -> memref<128x128xf32, #tpu.memory_space<hbm>>
      tpu.wait_dma2 semaphore(%arg13 : memref<!tpu.dma_semaphore, #tpu.memory_space<semaphore_mem>>) src(%dma_wait3A_385 : memref<128x128xf32, #tpu.memory_space<hbm>>) dst(%arg9 : memref<128x128xf32, #tpu.memory_space<vmem>>)
      %run_scoped3A_386 = arith.constant 7 : i32
      "tpu.region"() ({
        %run_scoped3A_533 = tpu.sem_alloc : memref<!tpu.dma_semaphore, #tpu.memory_space<semaphore_mem>>
        %dma_start3A_534 = arith.constant 128 : i32
        %dma_start3A_535 = tpu.memref_slice %arg6[%run_scoped3A_386, %dma_start3A_534] : memref<8x256xi32, #tpu.memory_space<vmem>> -> memref<1x128xi32, #tpu.memory_space<vmem>>
        %dma_start3A_536 = tpu.memref_squeeze %dma_start3A_535 : memref<1x128xi32, #tpu.memory_space<vmem>> -> memref<128xi32, #tpu.memory_space<vmem>>
        %dma_start3A_537 = arith.constant 0 : i32
        %dma_start3A_538 = arith.constant 0 : i32
        %dma_start3A_539 = tpu.memref_slice %arg14[%dma_start3A_537, %dma_start3A_538] : memref<10008x128xf32, #tpu.memory_space<vmem_shared>> -> memref<10008x128xf32, #tpu.memory_space<vmem_shared>>
        tpu.enqueue_indirect_dma source(%arg9 : memref<128x128xf32, #tpu.memory_space<vmem>>) target(%dma_start3A_539 : memref<10008x128xf32, #tpu.memory_space<vmem_shared>>) offsets(%dma_start3A_536 : memref<128xi32, #tpu.memory_space<vmem>>) semaphore(%run_scoped3A_533 : memref<!tpu.dma_semaphore, #tpu.memory_space<semaphore_mem>>) {add = true}
        %dma_wait3A_540 = arith.constant 128 : i32
        %dma_wait3A_541 = tpu.memref_slice %arg6[%run_scoped3A_386, %dma_wait3A_540] : memref<8x256xi32, #tpu.memory_space<vmem>> -> memref<1x128xi32, #tpu.memory_space<vmem>>
        %dma_wait3A_542 = tpu.memref_squeeze %dma_wait3A_541 : memref<1x128xi32, #tpu.memory_space<vmem>> -> memref<128xi32, #tpu.memory_space<vmem>>
        %dma_wait3A_543 = arith.constant 0 : i32
        %dma_wait3A_544 = arith.constant 0 : i32
        %dma_wait3A_545 = tpu.memref_slice %arg14[%dma_wait3A_543, %dma_wait3A_544] : memref<10008x128xf32, #tpu.memory_space<vmem_shared>> -> memref<10008x128xf32, #tpu.memory_space<vmem_shared>>
        tpu.wait_indirect_dma semaphore(%run_scoped3A_533 : memref<!tpu.dma_semaphore, #tpu.memory_space<semaphore_mem>>) src(%arg9 : memref<128x128xf32, #tpu.memory_space<vmem>>) dst(%dma_wait3A_545 : memref<10008x128xf32, #tpu.memory_space<vmem_shared>>)
        tpu.yield
      }) : () -> ()
      %mul3A_387 = arith.constant 2 : i32
      %mul3A_388 = arith.muli %mul3A_387, %scan3A_264 : i32
      %add3A_389 = arith.constant 2 : i32
      %add3A_390 = arith.addi %mul3A_388, %add3A_389 : i32
      %dma_start3A_391 = arith.constant 0 : i32
      %dma_start3A_392 = arith.constant 0 : i32
      %dma_start3A_393 = tpu.memref_slice %arg3[%add3A, %add3A_390, %dma_start3A_391, %dma_start3A_392] : memref<32x10x8x256xi32, #tpu.memory_space<hbm>> -> memref<1x1x8x256xi32, #tpu.memory_space<hbm>>
      %dma_start3A_394 = tpu.memref_squeeze %dma_start3A_393 : memref<1x1x8x256xi32, #tpu.memory_space<hbm>> -> memref<8x256xi32, #tpu.memory_space<hbm>>
      %dma_start3A_395 = arith.constant 0 : i32
      %dma_start3A_396 = arith.constant 0 : i32
      %dma_start3A_397 = tpu.memref_slice %arg3[%add3A, %add3A_390, %dma_start3A_395, %dma_start3A_396] : memref<32x10x8x256xi32, #tpu.memory_space<hbm>> -> memref<1x1x8x256xi32, #tpu.memory_space<hbm>>
      %dma_start3A_398 = tpu.memref_squeeze %dma_start3A_397 : memref<1x1x8x256xi32, #tpu.memory_space<hbm>> -> memref<8x256xi32, #tpu.memory_space<hbm>>
      tpu.enqueue_dma source(%dma_start3A_398 : memref<8x256xi32, #tpu.memory_space<hbm>>) target(%arg6 : memref<8x256xi32, #tpu.memory_space<vmem>>) target_semaphore(%arg10 : memref<!tpu.dma_semaphore, #tpu.memory_space<semaphore_mem>>)
      %dma_start3A_399 = arith.constant 1 : i32
      %dma_start3A_400 = arith.constant 0 : i32
      %dma_start3A_401 = tpu.memref_slice %arg7[%dma_start3A_399, %dma_start3A_400] : memref<8x256xi32, #tpu.memory_space<vmem>> -> memref<1x128xi32, #tpu.memory_space<vmem>>
      %dma_start3A_402 = tpu.memref_squeeze %dma_start3A_401 : memref<1x128xi32, #tpu.memory_space<vmem>> -> memref<128xi32, #tpu.memory_space<vmem>>
      %dma_start3A_403 = arith.constant 0 : i32
      %dma_start3A_404 = arith.constant 0 : i32
      %dma_start3A_405 = tpu.memref_slice %arg2[%dma_start3A_403, %dma_start3A_404] : memref<40000x128xf32, #tpu.memory_space<hbm>> -> memref<40000x128xf32, #tpu.memory_space<hbm>>
      tpu.enqueue_indirect_dma source(%dma_start3A_405 : memref<40000x128xf32, #tpu.memory_space<hbm>>) target(%arg9 : memref<128x128xf32, #tpu.memory_space<vmem>>) offsets(%dma_start3A_402 : memref<128xi32, #tpu.memory_space<vmem>>) semaphore(%arg13 : memref<!tpu.dma_semaphore, #tpu.memory_space<semaphore_mem>>)
      %dma_wait3A_406 = arith.constant 0 : i32
      %dma_wait3A_407 = arith.constant 0 : i32
      %dma_wait3A_408 = tpu.memref_slice %arg2[%dma_wait3A_406, %dma_wait3A_407] : memref<40000x128xf32, #tpu.memory_space<hbm>> -> memref<128x128xf32, #tpu.memory_space<hbm>>
      %dma_wait3A_409 = arith.constant 0 : i32
      %dma_wait3A_410 = arith.constant 0 : i32
      %dma_wait3A_411 = tpu.memref_slice %arg2[%dma_wait3A_409, %dma_wait3A_410] : memref<40000x128xf32, #tpu.memory_space<hbm>> -> memref<128x128xf32, #tpu.memory_space<hbm>>
      tpu.wait_dma2 semaphore(%arg12 : memref<!tpu.dma_semaphore, #tpu.memory_space<semaphore_mem>>) src(%dma_wait3A_411 : memref<128x128xf32, #tpu.memory_space<hbm>>) dst(%arg8 : memref<128x128xf32, #tpu.memory_space<vmem>>)
      %run_scoped3A_412 = arith.constant 0 : i32
      "tpu.region"() ({
        %run_scoped3A_533 = tpu.sem_alloc : memref<!tpu.dma_semaphore, #tpu.memory_space<semaphore_mem>>
        %dma_start3A_534 = arith.constant 128 : i32
        %dma_start3A_535 = tpu.memref_slice %arg7[%run_scoped3A_412, %dma_start3A_534] : memref<8x256xi32, #tpu.memory_space<vmem>> -> memref<1x128xi32, #tpu.memory_space<vmem>>
        %dma_start3A_536 = tpu.memref_squeeze %dma_start3A_535 : memref<1x128xi32, #tpu.memory_space<vmem>> -> memref<128xi32, #tpu.memory_space<vmem>>
        %dma_start3A_537 = arith.constant 0 : i32
        %dma_start3A_538 = arith.constant 0 : i32
        %dma_start3A_539 = tpu.memref_slice %arg14[%dma_start3A_537, %dma_start3A_538] : memref<10008x128xf32, #tpu.memory_space<vmem_shared>> -> memref<10008x128xf32, #tpu.memory_space<vmem_shared>>
        tpu.enqueue_indirect_dma source(%arg8 : memref<128x128xf32, #tpu.memory_space<vmem>>) target(%dma_start3A_539 : memref<10008x128xf32, #tpu.memory_space<vmem_shared>>) offsets(%dma_start3A_536 : memref<128xi32, #tpu.memory_space<vmem>>) semaphore(%run_scoped3A_533 : memref<!tpu.dma_semaphore, #tpu.memory_space<semaphore_mem>>) {add = true}
        %dma_wait3A_540 = arith.constant 128 : i32
        %dma_wait3A_541 = tpu.memref_slice %arg7[%run_scoped3A_412, %dma_wait3A_540] : memref<8x256xi32, #tpu.memory_space<vmem>> -> memref<1x128xi32, #tpu.memory_space<vmem>>
        %dma_wait3A_542 = tpu.memref_squeeze %dma_wait3A_541 : memref<1x128xi32, #tpu.memory_space<vmem>> -> memref<128xi32, #tpu.memory_space<vmem>>
        %dma_wait3A_543 = arith.constant 0 : i32
        %dma_wait3A_544 = arith.constant 0 : i32
        %dma_wait3A_545 = tpu.memref_slice %arg14[%dma_wait3A_543, %dma_wait3A_544] : memref<10008x128xf32, #tpu.memory_space<vmem_shared>> -> memref<10008x128xf32, #tpu.memory_space<vmem_shared>>
        tpu.wait_indirect_dma semaphore(%run_scoped3A_533 : memref<!tpu.dma_semaphore, #tpu.memory_space<semaphore_mem>>) src(%arg8 : memref<128x128xf32, #tpu.memory_space<vmem>>) dst(%dma_wait3A_545 : memref<10008x128xf32, #tpu.memory_space<vmem_shared>>)
        tpu.yield
      }) : () -> ()
      %dma_start3A_413 = arith.constant 2 : i32
      %dma_start3A_414 = arith.constant 0 : i32
      %dma_start3A_415 = tpu.memref_slice %arg7[%dma_start3A_413, %dma_start3A_414] : memref<8x256xi32, #tpu.memory_space<vmem>> -> memref<1x128xi32, #tpu.memory_space<vmem>>
      %dma_start3A_416 = tpu.memref_squeeze %dma_start3A_415 : memref<1x128xi32, #tpu.memory_space<vmem>> -> memref<128xi32, #tpu.memory_space<vmem>>
      %dma_start3A_417 = arith.constant 0 : i32
      %dma_start3A_418 = arith.constant 0 : i32
      %dma_start3A_419 = tpu.memref_slice %arg2[%dma_start3A_417, %dma_start3A_418] : memref<40000x128xf32, #tpu.memory_space<hbm>> -> memref<40000x128xf32, #tpu.memory_space<hbm>>
      tpu.enqueue_indirect_dma source(%dma_start3A_419 : memref<40000x128xf32, #tpu.memory_space<hbm>>) target(%arg8 : memref<128x128xf32, #tpu.memory_space<vmem>>) offsets(%dma_start3A_416 : memref<128xi32, #tpu.memory_space<vmem>>) semaphore(%arg12 : memref<!tpu.dma_semaphore, #tpu.memory_space<semaphore_mem>>)
      %dma_wait3A_420 = arith.constant 0 : i32
      %dma_wait3A_421 = arith.constant 0 : i32
      %dma_wait3A_422 = tpu.memref_slice %arg2[%dma_wait3A_420, %dma_wait3A_421] : memref<40000x128xf32, #tpu.memory_space<hbm>> -> memref<128x128xf32, #tpu.memory_space<hbm>>
      %dma_wait3A_423 = arith.constant 0 : i32
      %dma_wait3A_424 = arith.constant 0 : i32
      %dma_wait3A_425 = tpu.memref_slice %arg2[%dma_wait3A_423, %dma_wait3A_424] : memref<40000x128xf32, #tpu.memory_space<hbm>> -> memref<128x128xf32, #tpu.memory_space<hbm>>
      tpu.wait_dma2 semaphore(%arg13 : memref<!tpu.dma_semaphore, #tpu.memory_space<semaphore_mem>>) src(%dma_wait3A_425 : memref<128x128xf32, #tpu.memory_space<hbm>>) dst(%arg9 : memref<128x128xf32, #tpu.memory_space<vmem>>)
      %run_scoped3A_426 = arith.constant 1 : i32
      "tpu.region"() ({
        %run_scoped3A_533 = tpu.sem_alloc : memref<!tpu.dma_semaphore, #tpu.memory_space<semaphore_mem>>
        %dma_start3A_534 = arith.constant 128 : i32
        %dma_start3A_535 = tpu.memref_slice %arg7[%run_scoped3A_426, %dma_start3A_534] : memref<8x256xi32, #tpu.memory_space<vmem>> -> memref<1x128xi32, #tpu.memory_space<vmem>>
        %dma_start3A_536 = tpu.memref_squeeze %dma_start3A_535 : memref<1x128xi32, #tpu.memory_space<vmem>> -> memref<128xi32, #tpu.memory_space<vmem>>
        %dma_start3A_537 = arith.constant 0 : i32
        %dma_start3A_538 = arith.constant 0 : i32
        %dma_start3A_539 = tpu.memref_slice %arg14[%dma_start3A_537, %dma_start3A_538] : memref<10008x128xf32, #tpu.memory_space<vmem_shared>> -> memref<10008x128xf32, #tpu.memory_space<vmem_shared>>
        tpu.enqueue_indirect_dma source(%arg9 : memref<128x128xf32, #tpu.memory_space<vmem>>) target(%dma_start3A_539 : memref<10008x128xf32, #tpu.memory_space<vmem_shared>>) offsets(%dma_start3A_536 : memref<128xi32, #tpu.memory_space<vmem>>) semaphore(%run_scoped3A_533 : memref<!tpu.dma_semaphore, #tpu.memory_space<semaphore_mem>>) {add = true}
        %dma_wait3A_540 = arith.constant 128 : i32
        %dma_wait3A_541 = tpu.memref_slice %arg7[%run_scoped3A_426, %dma_wait3A_540] : memref<8x256xi32, #tpu.memory_space<vmem>> -> memref<1x128xi32, #tpu.memory_space<vmem>>
        %dma_wait3A_542 = tpu.memref_squeeze %dma_wait3A_541 : memref<1x128xi32, #tpu.memory_space<vmem>> -> memref<128xi32, #tpu.memory_space<vmem>>
        %dma_wait3A_543 = arith.constant 0 : i32
        %dma_wait3A_544 = arith.constant 0 : i32
        %dma_wait3A_545 = tpu.memref_slice %arg14[%dma_wait3A_543, %dma_wait3A_544] : memref<10008x128xf32, #tpu.memory_space<vmem_shared>> -> memref<10008x128xf32, #tpu.memory_space<vmem_shared>>
        tpu.wait_indirect_dma semaphore(%run_scoped3A_533 : memref<!tpu.dma_semaphore, #tpu.memory_space<semaphore_mem>>) src(%arg9 : memref<128x128xf32, #tpu.memory_space<vmem>>) dst(%dma_wait3A_545 : memref<10008x128xf32, #tpu.memory_space<vmem_shared>>)
        tpu.yield
      }) : () -> ()
      %dma_start3A_427 = arith.constant 3 : i32
      %dma_start3A_428 = arith.constant 0 : i32
      %dma_start3A_429 = tpu.memref_slice %arg7[%dma_start3A_427, %dma_start3A_428] : memref<8x256xi32, #tpu.memory_space<vmem>> -> memref<1x128xi32, #tpu.memory_space<vmem>>
      %dma_start3A_430 = tpu.memref_squeeze %dma_start3A_429 : memref<1x128xi32, #tpu.memory_space<vmem>> -> memref<128xi32, #tpu.memory_space<vmem>>
      %dma_start3A_431 = arith.constant 0 : i32
      %dma_start3A_432 = arith.constant 0 : i32
      %dma_start3A_433 = tpu.memref_slice %arg2[%dma_start3A_431, %dma_start3A_432] : memref<40000x128xf32, #tpu.memory_space<hbm>> -> memref<40000x128xf32, #tpu.memory_space<hbm>>
      tpu.enqueue_indirect_dma source(%dma_start3A_433 : memref<40000x128xf32, #tpu.memory_space<hbm>>) target(%arg9 : memref<128x128xf32, #tpu.memory_space<vmem>>) offsets(%dma_start3A_430 : memref<128xi32, #tpu.memory_space<vmem>>) semaphore(%arg13 : memref<!tpu.dma_semaphore, #tpu.memory_space<semaphore_mem>>)
      %dma_wait3A_434 = arith.constant 0 : i32
      %dma_wait3A_435 = arith.constant 0 : i32
      %dma_wait3A_436 = tpu.memref_slice %arg2[%dma_wait3A_434, %dma_wait3A_435] : memref<40000x128xf32, #tpu.memory_space<hbm>> -> memref<128x128xf32, #tpu.memory_space<hbm>>
      %dma_wait3A_437 = arith.constant 0 : i32
      %dma_wait3A_438 = arith.constant 0 : i32
      %dma_wait3A_439 = tpu.memref_slice %arg2[%dma_wait3A_437, %dma_wait3A_438] : memref<40000x128xf32, #tpu.memory_space<hbm>> -> memref<128x128xf32, #tpu.memory_space<hbm>>
      tpu.wait_dma2 semaphore(%arg12 : memref<!tpu.dma_semaphore, #tpu.memory_space<semaphore_mem>>) src(%dma_wait3A_439 : memref<128x128xf32, #tpu.memory_space<hbm>>) dst(%arg8 : memref<128x128xf32, #tpu.memory_space<vmem>>)
      %run_scoped3A_440 = arith.constant 2 : i32
      "tpu.region"() ({
        %run_scoped3A_533 = tpu.sem_alloc : memref<!tpu.dma_semaphore, #tpu.memory_space<semaphore_mem>>
        %dma_start3A_534 = arith.constant 128 : i32
        %dma_start3A_535 = tpu.memref_slice %arg7[%run_scoped3A_440, %dma_start3A_534] : memref<8x256xi32, #tpu.memory_space<vmem>> -> memref<1x128xi32, #tpu.memory_space<vmem>>
        %dma_start3A_536 = tpu.memref_squeeze %dma_start3A_535 : memref<1x128xi32, #tpu.memory_space<vmem>> -> memref<128xi32, #tpu.memory_space<vmem>>
        %dma_start3A_537 = arith.constant 0 : i32
        %dma_start3A_538 = arith.constant 0 : i32
        %dma_start3A_539 = tpu.memref_slice %arg14[%dma_start3A_537, %dma_start3A_538] : memref<10008x128xf32, #tpu.memory_space<vmem_shared>> -> memref<10008x128xf32, #tpu.memory_space<vmem_shared>>
        tpu.enqueue_indirect_dma source(%arg8 : memref<128x128xf32, #tpu.memory_space<vmem>>) target(%dma_start3A_539 : memref<10008x128xf32, #tpu.memory_space<vmem_shared>>) offsets(%dma_start3A_536 : memref<128xi32, #tpu.memory_space<vmem>>) semaphore(%run_scoped3A_533 : memref<!tpu.dma_semaphore, #tpu.memory_space<semaphore_mem>>) {add = true}
        %dma_wait3A_540 = arith.constant 128 : i32
        %dma_wait3A_541 = tpu.memref_slice %arg7[%run_scoped3A_440, %dma_wait3A_540] : memref<8x256xi32, #tpu.memory_space<vmem>> -> memref<1x128xi32, #tpu.memory_space<vmem>>
        %dma_wait3A_542 = tpu.memref_squeeze %dma_wait3A_541 : memref<1x128xi32, #tpu.memory_space<vmem>> -> memref<128xi32, #tpu.memory_space<vmem>>
        %dma_wait3A_543 = arith.constant 0 : i32
        %dma_wait3A_544 = arith.constant 0 : i32
        %dma_wait3A_545 = tpu.memref_slice %arg14[%dma_wait3A_543, %dma_wait3A_544] : memref<10008x128xf32, #tpu.memory_space<vmem_shared>> -> memref<10008x128xf32, #tpu.memory_space<vmem_shared>>
        tpu.wait_indirect_dma semaphore(%run_scoped3A_533 : memref<!tpu.dma_semaphore, #tpu.memory_space<semaphore_mem>>) src(%arg8 : memref<128x128xf32, #tpu.memory_space<vmem>>) dst(%dma_wait3A_545 : memref<10008x128xf32, #tpu.memory_space<vmem_shared>>)
        tpu.yield
      }) : () -> ()
      %dma_start3A_441 = arith.constant 4 : i32
      %dma_start3A_442 = arith.constant 0 : i32
      %dma_start3A_443 = tpu.memref_slice %arg7[%dma_start3A_441, %dma_start3A_442] : memref<8x256xi32, #tpu.memory_space<vmem>> -> memref<1x128xi32, #tpu.memory_space<vmem>>
      %dma_start3A_444 = tpu.memref_squeeze %dma_start3A_443 : memref<1x128xi32, #tpu.memory_space<vmem>> -> memref<128xi32, #tpu.memory_space<vmem>>
      %dma_start3A_445 = arith.constant 0 : i32
      %dma_start3A_446 = arith.constant 0 : i32
      %dma_start3A_447 = tpu.memref_slice %arg2[%dma_start3A_445, %dma_start3A_446] : memref<40000x128xf32, #tpu.memory_space<hbm>> -> memref<40000x128xf32, #tpu.memory_space<hbm>>
      tpu.enqueue_indirect_dma source(%dma_start3A_447 : memref<40000x128xf32, #tpu.memory_space<hbm>>) target(%arg8 : memref<128x128xf32, #tpu.memory_space<vmem>>) offsets(%dma_start3A_444 : memref<128xi32, #tpu.memory_space<vmem>>) semaphore(%arg12 : memref<!tpu.dma_semaphore, #tpu.memory_space<semaphore_mem>>)
      %dma_wait3A_448 = arith.constant 0 : i32
      %dma_wait3A_449 = arith.constant 0 : i32
      %dma_wait3A_450 = tpu.memref_slice %arg2[%dma_wait3A_448, %dma_wait3A_449] : memref<40000x128xf32, #tpu.memory_space<hbm>> -> memref<128x128xf32, #tpu.memory_space<hbm>>
      %dma_wait3A_451 = arith.constant 0 : i32
      %dma_wait3A_452 = arith.constant 0 : i32
      %dma_wait3A_453 = tpu.memref_slice %arg2[%dma_wait3A_451, %dma_wait3A_452] : memref<40000x128xf32, #tpu.memory_space<hbm>> -> memref<128x128xf32, #tpu.memory_space<hbm>>
      tpu.wait_dma2 semaphore(%arg13 : memref<!tpu.dma_semaphore, #tpu.memory_space<semaphore_mem>>) src(%dma_wait3A_453 : memref<128x128xf32, #tpu.memory_space<hbm>>) dst(%arg9 : memref<128x128xf32, #tpu.memory_space<vmem>>)
      %run_scoped3A_454 = arith.constant 3 : i32
      "tpu.region"() ({
        %run_scoped3A_533 = tpu.sem_alloc : memref<!tpu.dma_semaphore, #tpu.memory_space<semaphore_mem>>
        %dma_start3A_534 = arith.constant 128 : i32
        %dma_start3A_535 = tpu.memref_slice %arg7[%run_scoped3A_454, %dma_start3A_534] : memref<8x256xi32, #tpu.memory_space<vmem>> -> memref<1x128xi32, #tpu.memory_space<vmem>>
        %dma_start3A_536 = tpu.memref_squeeze %dma_start3A_535 : memref<1x128xi32, #tpu.memory_space<vmem>> -> memref<128xi32, #tpu.memory_space<vmem>>
        %dma_start3A_537 = arith.constant 0 : i32
        %dma_start3A_538 = arith.constant 0 : i32
        %dma_start3A_539 = tpu.memref_slice %arg14[%dma_start3A_537, %dma_start3A_538] : memref<10008x128xf32, #tpu.memory_space<vmem_shared>> -> memref<10008x128xf32, #tpu.memory_space<vmem_shared>>
        tpu.enqueue_indirect_dma source(%arg9 : memref<128x128xf32, #tpu.memory_space<vmem>>) target(%dma_start3A_539 : memref<10008x128xf32, #tpu.memory_space<vmem_shared>>) offsets(%dma_start3A_536 : memref<128xi32, #tpu.memory_space<vmem>>) semaphore(%run_scoped3A_533 : memref<!tpu.dma_semaphore, #tpu.memory_space<semaphore_mem>>) {add = true}
        %dma_wait3A_540 = arith.constant 128 : i32
        %dma_wait3A_541 = tpu.memref_slice %arg7[%run_scoped3A_454, %dma_wait3A_540] : memref<8x256xi32, #tpu.memory_space<vmem>> -> memref<1x128xi32, #tpu.memory_space<vmem>>
        %dma_wait3A_542 = tpu.memref_squeeze %dma_wait3A_541 : memref<1x128xi32, #tpu.memory_space<vmem>> -> memref<128xi32, #tpu.memory_space<vmem>>
        %dma_wait3A_543 = arith.constant 0 : i32
        %dma_wait3A_544 = arith.constant 0 : i32
        %dma_wait3A_545 = tpu.memref_slice %arg14[%dma_wait3A_543, %dma_wait3A_544] : memref<10008x128xf32, #tpu.memory_space<vmem_shared>> -> memref<10008x128xf32, #tpu.memory_space<vmem_shared>>
        tpu.wait_indirect_dma semaphore(%run_scoped3A_533 : memref<!tpu.dma_semaphore, #tpu.memory_space<semaphore_mem>>) src(%arg9 : memref<128x128xf32, #tpu.memory_space<vmem>>) dst(%dma_wait3A_545 : memref<10008x128xf32, #tpu.memory_space<vmem_shared>>)
        tpu.yield
      }) : () -> ()
      %dma_start3A_455 = arith.constant 5 : i32
      %dma_start3A_456 = arith.constant 0 : i32
      %dma_start3A_457 = tpu.memref_slice %arg7[%dma_start3A_455, %dma_start3A_456] : memref<8x256xi32, #tpu.memory_space<vmem>> -> memref<1x128xi32, #tpu.memory_space<vmem>>
      %dma_start3A_458 = tpu.memref_squeeze %dma_start3A_457 : memref<1x128xi32, #tpu.memory_space<vmem>> -> memref<128xi32, #tpu.memory_space<vmem>>
      %dma_start3A_459 = arith.constant 0 : i32
      %dma_start3A_460 = arith.constant 0 : i32
      %dma_start3A_461 = tpu.memref_slice %arg2[%dma_start3A_459, %dma_start3A_460] : memref<40000x128xf32, #tpu.memory_space<hbm>> -> memref<40000x128xf32, #tpu.memory_space<hbm>>
      tpu.enqueue_indirect_dma source(%dma_start3A_461 : memref<40000x128xf32, #tpu.memory_space<hbm>>) target(%arg9 : memref<128x128xf32, #tpu.memory_space<vmem>>) offsets(%dma_start3A_458 : memref<128xi32, #tpu.memory_space<vmem>>) semaphore(%arg13 : memref<!tpu.dma_semaphore, #tpu.memory_space<semaphore_mem>>)
      %dma_wait3A_462 = arith.constant 0 : i32
      %dma_wait3A_463 = arith.constant 0 : i32
      %dma_wait3A_464 = tpu.memref_slice %arg2[%dma_wait3A_462, %dma_wait3A_463] : memref<40000x128xf32, #tpu.memory_space<hbm>> -> memref<128x128xf32, #tpu.memory_space<hbm>>
      %dma_wait3A_465 = arith.constant 0 : i32
      %dma_wait3A_466 = arith.constant 0 : i32
      %dma_wait3A_467 = tpu.memref_slice %arg2[%dma_wait3A_465, %dma_wait3A_466] : memref<40000x128xf32, #tpu.memory_space<hbm>> -> memref<128x128xf32, #tpu.memory_space<hbm>>
      tpu.wait_dma2 semaphore(%arg12 : memref<!tpu.dma_semaphore, #tpu.memory_space<semaphore_mem>>) src(%dma_wait3A_467 : memref<128x128xf32, #tpu.memory_space<hbm>>) dst(%arg8 : memref<128x128xf32, #tpu.memory_space<vmem>>)
      %run_scoped3A_468 = arith.constant 4 : i32
      "tpu.region"() ({
        %run_scoped3A_533 = tpu.sem_alloc : memref<!tpu.dma_semaphore, #tpu.memory_space<semaphore_mem>>
        %dma_start3A_534 = arith.constant 128 : i32
        %dma_start3A_535 = tpu.memref_slice %arg7[%run_scoped3A_468, %dma_start3A_534] : memref<8x256xi32, #tpu.memory_space<vmem>> -> memref<1x128xi32, #tpu.memory_space<vmem>>
        %dma_start3A_536 = tpu.memref_squeeze %dma_start3A_535 : memref<1x128xi32, #tpu.memory_space<vmem>> -> memref<128xi32, #tpu.memory_space<vmem>>
        %dma_start3A_537 = arith.constant 0 : i32
        %dma_start3A_538 = arith.constant 0 : i32
        %dma_start3A_539 = tpu.memref_slice %arg14[%dma_start3A_537, %dma_start3A_538] : memref<10008x128xf32, #tpu.memory_space<vmem_shared>> -> memref<10008x128xf32, #tpu.memory_space<vmem_shared>>
        tpu.enqueue_indirect_dma source(%arg8 : memref<128x128xf32, #tpu.memory_space<vmem>>) target(%dma_start3A_539 : memref<10008x128xf32, #tpu.memory_space<vmem_shared>>) offsets(%dma_start3A_536 : memref<128xi32, #tpu.memory_space<vmem>>) semaphore(%run_scoped3A_533 : memref<!tpu.dma_semaphore, #tpu.memory_space<semaphore_mem>>) {add = true}
        %dma_wait3A_540 = arith.constant 128 : i32
        %dma_wait3A_541 = tpu.memref_slice %arg7[%run_scoped3A_468, %dma_wait3A_540] : memref<8x256xi32, #tpu.memory_space<vmem>> -> memref<1x128xi32, #tpu.memory_space<vmem>>
        %dma_wait3A_542 = tpu.memref_squeeze %dma_wait3A_541 : memref<1x128xi32, #tpu.memory_space<vmem>> -> memref<128xi32, #tpu.memory_space<vmem>>
        %dma_wait3A_543 = arith.constant 0 : i32
        %dma_wait3A_544 = arith.constant 0 : i32
        %dma_wait3A_545 = tpu.memref_slice %arg14[%dma_wait3A_543, %dma_wait3A_544] : memref<10008x128xf32, #tpu.memory_space<vmem_shared>> -> memref<10008x128xf32, #tpu.memory_space<vmem_shared>>
        tpu.wait_indirect_dma semaphore(%run_scoped3A_533 : memref<!tpu.dma_semaphore, #tpu.memory_space<semaphore_mem>>) src(%arg8 : memref<128x128xf32, #tpu.memory_space<vmem>>) dst(%dma_wait3A_545 : memref<10008x128xf32, #tpu.memory_space<vmem_shared>>)
        tpu.yield
      }) : () -> ()
      %dma_start3A_469 = arith.constant 6 : i32
      %dma_start3A_470 = arith.constant 0 : i32
      %dma_start3A_471 = tpu.memref_slice %arg7[%dma_start3A_469, %dma_start3A_470] : memref<8x256xi32, #tpu.memory_space<vmem>> -> memref<1x128xi32, #tpu.memory_space<vmem>>
      %dma_start3A_472 = tpu.memref_squeeze %dma_start3A_471 : memref<1x128xi32, #tpu.memory_space<vmem>> -> memref<128xi32, #tpu.memory_space<vmem>>
      %dma_start3A_473 = arith.constant 0 : i32
      %dma_start3A_474 = arith.constant 0 : i32
      %dma_start3A_475 = tpu.memref_slice %arg2[%dma_start3A_473, %dma_start3A_474] : memref<40000x128xf32, #tpu.memory_space<hbm>> -> memref<40000x128xf32, #tpu.memory_space<hbm>>
      tpu.enqueue_indirect_dma source(%dma_start3A_475 : memref<40000x128xf32, #tpu.memory_space<hbm>>) target(%arg8 : memref<128x128xf32, #tpu.memory_space<vmem>>) offsets(%dma_start3A_472 : memref<128xi32, #tpu.memory_space<vmem>>) semaphore(%arg12 : memref<!tpu.dma_semaphore, #tpu.memory_space<semaphore_mem>>)
      %dma_wait3A_476 = arith.constant 0 : i32
      %dma_wait3A_477 = arith.constant 0 : i32
      %dma_wait3A_478 = tpu.memref_slice %arg2[%dma_wait3A_476, %dma_wait3A_477] : memref<40000x128xf32, #tpu.memory_space<hbm>> -> memref<128x128xf32, #tpu.memory_space<hbm>>
      %dma_wait3A_479 = arith.constant 0 : i32
      %dma_wait3A_480 = arith.constant 0 : i32
      %dma_wait3A_481 = tpu.memref_slice %arg2[%dma_wait3A_479, %dma_wait3A_480] : memref<40000x128xf32, #tpu.memory_space<hbm>> -> memref<128x128xf32, #tpu.memory_space<hbm>>
      tpu.wait_dma2 semaphore(%arg13 : memref<!tpu.dma_semaphore, #tpu.memory_space<semaphore_mem>>) src(%dma_wait3A_481 : memref<128x128xf32, #tpu.memory_space<hbm>>) dst(%arg9 : memref<128x128xf32, #tpu.memory_space<vmem>>)
      %run_scoped3A_482 = arith.constant 5 : i32
      "tpu.region"() ({
        %run_scoped3A_533 = tpu.sem_alloc : memref<!tpu.dma_semaphore, #tpu.memory_space<semaphore_mem>>
        %dma_start3A_534 = arith.constant 128 : i32
        %dma_start3A_535 = tpu.memref_slice %arg7[%run_scoped3A_482, %dma_start3A_534] : memref<8x256xi32, #tpu.memory_space<vmem>> -> memref<1x128xi32, #tpu.memory_space<vmem>>
        %dma_start3A_536 = tpu.memref_squeeze %dma_start3A_535 : memref<1x128xi32, #tpu.memory_space<vmem>> -> memref<128xi32, #tpu.memory_space<vmem>>
        %dma_start3A_537 = arith.constant 0 : i32
        %dma_start3A_538 = arith.constant 0 : i32
        %dma_start3A_539 = tpu.memref_slice %arg14[%dma_start3A_537, %dma_start3A_538] : memref<10008x128xf32, #tpu.memory_space<vmem_shared>> -> memref<10008x128xf32, #tpu.memory_space<vmem_shared>>
        tpu.enqueue_indirect_dma source(%arg9 : memref<128x128xf32, #tpu.memory_space<vmem>>) target(%dma_start3A_539 : memref<10008x128xf32, #tpu.memory_space<vmem_shared>>) offsets(%dma_start3A_536 : memref<128xi32, #tpu.memory_space<vmem>>) semaphore(%run_scoped3A_533 : memref<!tpu.dma_semaphore, #tpu.memory_space<semaphore_mem>>) {add = true}
        %dma_wait3A_540 = arith.constant 128 : i32
        %dma_wait3A_541 = tpu.memref_slice %arg7[%run_scoped3A_482, %dma_wait3A_540] : memref<8x256xi32, #tpu.memory_space<vmem>> -> memref<1x128xi32, #tpu.memory_space<vmem>>
        %dma_wait3A_542 = tpu.memref_squeeze %dma_wait3A_541 : memref<1x128xi32, #tpu.memory_space<vmem>> -> memref<128xi32, #tpu.memory_space<vmem>>
        %dma_wait3A_543 = arith.constant 0 : i32
        %dma_wait3A_544 = arith.constant 0 : i32
        %dma_wait3A_545 = tpu.memref_slice %arg14[%dma_wait3A_543, %dma_wait3A_544] : memref<10008x128xf32, #tpu.memory_space<vmem_shared>> -> memref<10008x128xf32, #tpu.memory_space<vmem_shared>>
        tpu.wait_indirect_dma semaphore(%run_scoped3A_533 : memref<!tpu.dma_semaphore, #tpu.memory_space<semaphore_mem>>) src(%arg9 : memref<128x128xf32, #tpu.memory_space<vmem>>) dst(%dma_wait3A_545 : memref<10008x128xf32, #tpu.memory_space<vmem_shared>>)
        tpu.yield
      }) : () -> ()
      %dma_start3A_483 = arith.constant 7 : i32
      %dma_start3A_484 = arith.constant 0 : i32
      %dma_start3A_485 = tpu.memref_slice %arg7[%dma_start3A_483, %dma_start3A_484] : memref<8x256xi32, #tpu.memory_space<vmem>> -> memref<1x128xi32, #tpu.memory_space<vmem>>
      %dma_start3A_486 = tpu.memref_squeeze %dma_start3A_485 : memref<1x128xi32, #tpu.memory_space<vmem>> -> memref<128xi32, #tpu.memory_space<vmem>>
      %dma_start3A_487 = arith.constant 0 : i32
      %dma_start3A_488 = arith.constant 0 : i32
      %dma_start3A_489 = tpu.memref_slice %arg2[%dma_start3A_487, %dma_start3A_488] : memref<40000x128xf32, #tpu.memory_space<hbm>> -> memref<40000x128xf32, #tpu.memory_space<hbm>>
      tpu.enqueue_indirect_dma source(%dma_start3A_489 : memref<40000x128xf32, #tpu.memory_space<hbm>>) target(%arg9 : memref<128x128xf32, #tpu.memory_space<vmem>>) offsets(%dma_start3A_486 : memref<128xi32, #tpu.memory_space<vmem>>) semaphore(%arg13 : memref<!tpu.dma_semaphore, #tpu.memory_space<semaphore_mem>>)
      %dma_wait3A_490 = arith.constant 0 : i32
      %dma_wait3A_491 = arith.constant 0 : i32
      %dma_wait3A_492 = tpu.memref_slice %arg2[%dma_wait3A_490, %dma_wait3A_491] : memref<40000x128xf32, #tpu.memory_space<hbm>> -> memref<128x128xf32, #tpu.memory_space<hbm>>
      %dma_wait3A_493 = arith.constant 0 : i32
      %dma_wait3A_494 = arith.constant 0 : i32
      %dma_wait3A_495 = tpu.memref_slice %arg2[%dma_wait3A_493, %dma_wait3A_494] : memref<40000x128xf32, #tpu.memory_space<hbm>> -> memref<128x128xf32, #tpu.memory_space<hbm>>
      tpu.wait_dma2 semaphore(%arg12 : memref<!tpu.dma_semaphore, #tpu.memory_space<semaphore_mem>>) src(%dma_wait3A_495 : memref<128x128xf32, #tpu.memory_space<hbm>>) dst(%arg8 : memref<128x128xf32, #tpu.memory_space<vmem>>)
      %run_scoped3A_496 = arith.constant 6 : i32
      "tpu.region"() ({
        %run_scoped3A_533 = tpu.sem_alloc : memref<!tpu.dma_semaphore, #tpu.memory_space<semaphore_mem>>
        %dma_start3A_534 = arith.constant 128 : i32
        %dma_start3A_535 = tpu.memref_slice %arg7[%run_scoped3A_496, %dma_start3A_534] : memref<8x256xi32, #tpu.memory_space<vmem>> -> memref<1x128xi32, #tpu.memory_space<vmem>>
        %dma_start3A_536 = tpu.memref_squeeze %dma_start3A_535 : memref<1x128xi32, #tpu.memory_space<vmem>> -> memref<128xi32, #tpu.memory_space<vmem>>
        %dma_start3A_537 = arith.constant 0 : i32
        %dma_start3A_538 = arith.constant 0 : i32
        %dma_start3A_539 = tpu.memref_slice %arg14[%dma_start3A_537, %dma_start3A_538] : memref<10008x128xf32, #tpu.memory_space<vmem_shared>> -> memref<10008x128xf32, #tpu.memory_space<vmem_shared>>
        tpu.enqueue_indirect_dma source(%arg8 : memref<128x128xf32, #tpu.memory_space<vmem>>) target(%dma_start3A_539 : memref<10008x128xf32, #tpu.memory_space<vmem_shared>>) offsets(%dma_start3A_536 : memref<128xi32, #tpu.memory_space<vmem>>) semaphore(%run_scoped3A_533 : memref<!tpu.dma_semaphore, #tpu.memory_space<semaphore_mem>>) {add = true}
        %dma_wait3A_540 = arith.constant 128 : i32
        %dma_wait3A_541 = tpu.memref_slice %arg7[%run_scoped3A_496, %dma_wait3A_540] : memref<8x256xi32, #tpu.memory_space<vmem>> -> memref<1x128xi32, #tpu.memory_space<vmem>>
        %dma_wait3A_542 = tpu.memref_squeeze %dma_wait3A_541 : memref<1x128xi32, #tpu.memory_space<vmem>> -> memref<128xi32, #tpu.memory_space<vmem>>
        %dma_wait3A_543 = arith.constant 0 : i32
        %dma_wait3A_544 = arith.constant 0 : i32
        %dma_wait3A_545 = tpu.memref_slice %arg14[%dma_wait3A_543, %dma_wait3A_544] : memref<10008x128xf32, #tpu.memory_space<vmem_shared>> -> memref<10008x128xf32, #tpu.memory_space<vmem_shared>>
        tpu.wait_indirect_dma semaphore(%run_scoped3A_533 : memref<!tpu.dma_semaphore, #tpu.memory_space<semaphore_mem>>) src(%arg8 : memref<128x128xf32, #tpu.memory_space<vmem>>) dst(%dma_wait3A_545 : memref<10008x128xf32, #tpu.memory_space<vmem_shared>>)
        tpu.yield
      }) : () -> ()
      %dma_wait3A_497 = arith.constant 0 : i32
      %dma_wait3A_498 = arith.constant 0 : i32
      %dma_wait3A_499 = arith.constant 0 : i32
      %dma_wait3A_500 = arith.constant 0 : i32
      %dma_wait3A_501 = tpu.memref_slice %arg3[%dma_wait3A_497, %dma_wait3A_498, %dma_wait3A_499, %dma_wait3A_500] : memref<32x10x8x256xi32, #tpu.memory_space<hbm>> -> memref<1x1x8x256xi32, #tpu.memory_space<hbm>>
      %dma_wait3A_502 = tpu.memref_squeeze %dma_wait3A_501 : memref<1x1x8x256xi32, #tpu.memory_space<hbm>> -> memref<8x256xi32, #tpu.memory_space<hbm>>
      %dma_wait3A_503 = arith.constant 0 : i32
      %dma_wait3A_504 = arith.constant 0 : i32
      %dma_wait3A_505 = tpu.memref_slice %arg3[%dma_wait3A_497, %dma_wait3A_498, %dma_wait3A_503, %dma_wait3A_504] : memref<32x10x8x256xi32, #tpu.memory_space<hbm>> -> memref<1x1x8x256xi32, #tpu.memory_space<hbm>>
      %dma_wait3A_506 = tpu.memref_squeeze %dma_wait3A_505 : memref<1x1x8x256xi32, #tpu.memory_space<hbm>> -> memref<8x256xi32, #tpu.memory_space<hbm>>
      tpu.wait_dma2 semaphore(%arg10 : memref<!tpu.dma_semaphore, #tpu.memory_space<semaphore_mem>>) src(%dma_wait3A_506 : memref<8x256xi32, #tpu.memory_space<hbm>>) dst(%arg6 : memref<8x256xi32, #tpu.memory_space<vmem>>)
      %dma_start3A_507 = arith.constant 0 : i32
      %dma_start3A_508 = arith.constant 0 : i32
      %dma_start3A_509 = tpu.memref_slice %arg6[%dma_start3A_507, %dma_start3A_508] : memref<8x256xi32, #tpu.memory_space<vmem>> -> memref<1x128xi32, #tpu.memory_space<vmem>>
      %dma_start3A_510 = tpu.memref_squeeze %dma_start3A_509 : memref<1x128xi32, #tpu.memory_space<vmem>> -> memref<128xi32, #tpu.memory_space<vmem>>
      %dma_start3A_511 = arith.constant 0 : i32
      %dma_start3A_512 = arith.constant 0 : i32
      %dma_start3A_513 = tpu.memref_slice %arg2[%dma_start3A_511, %dma_start3A_512] : memref<40000x128xf32, #tpu.memory_space<hbm>> -> memref<40000x128xf32, #tpu.memory_space<hbm>>
      tpu.enqueue_indirect_dma source(%dma_start3A_513 : memref<40000x128xf32, #tpu.memory_space<hbm>>) target(%arg8 : memref<128x128xf32, #tpu.memory_space<vmem>>) offsets(%dma_start3A_510 : memref<128xi32, #tpu.memory_space<vmem>>) semaphore(%arg12 : memref<!tpu.dma_semaphore, #tpu.memory_space<semaphore_mem>>)
      %dma_wait3A_514 = arith.constant 0 : i32
      %dma_wait3A_515 = arith.constant 0 : i32
      %dma_wait3A_516 = tpu.memref_slice %arg2[%dma_wait3A_514, %dma_wait3A_515] : memref<40000x128xf32, #tpu.memory_space<hbm>> -> memref<128x128xf32, #tpu.memory_space<hbm>>
      %dma_wait3A_517 = arith.constant 0 : i32
      %dma_wait3A_518 = arith.constant 0 : i32
      %dma_wait3A_519 = tpu.memref_slice %arg2[%dma_wait3A_517, %dma_wait3A_518] : memref<40000x128xf32, #tpu.memory_space<hbm>> -> memref<128x128xf32, #tpu.memory_space<hbm>>
      tpu.wait_dma2 semaphore(%arg13 : memref<!tpu.dma_semaphore, #tpu.memory_space<semaphore_mem>>) src(%dma_wait3A_519 : memref<128x128xf32, #tpu.memory_space<hbm>>) dst(%arg9 : memref<128x128xf32, #tpu.memory_space<vmem>>)
      %run_scoped3A_520 = arith.constant 7 : i32
      "tpu.region"() ({
        %run_scoped3A_533 = tpu.sem_alloc : memref<!tpu.dma_semaphore, #tpu.memory_space<semaphore_mem>>
        %dma_start3A_534 = arith.constant 128 : i32
        %dma_start3A_535 = tpu.memref_slice %arg7[%run_scoped3A_520, %dma_start3A_534] : memref<8x256xi32, #tpu.memory_space<vmem>> -> memref<1x128xi32, #tpu.memory_space<vmem>>
        %dma_start3A_536 = tpu.memref_squeeze %dma_start3A_535 : memref<1x128xi32, #tpu.memory_space<vmem>> -> memref<128xi32, #tpu.memory_space<vmem>>
        %dma_start3A_537 = arith.constant 0 : i32
        %dma_start3A_538 = arith.constant 0 : i32
        %dma_start3A_539 = tpu.memref_slice %arg14[%dma_start3A_537, %dma_start3A_538] : memref<10008x128xf32, #tpu.memory_space<vmem_shared>> -> memref<10008x128xf32, #tpu.memory_space<vmem_shared>>
        tpu.enqueue_indirect_dma source(%arg9 : memref<128x128xf32, #tpu.memory_space<vmem>>) target(%dma_start3A_539 : memref<10008x128xf32, #tpu.memory_space<vmem_shared>>) offsets(%dma_start3A_536 : memref<128xi32, #tpu.memory_space<vmem>>) semaphore(%run_scoped3A_533 : memref<!tpu.dma_semaphore, #tpu.memory_space<semaphore_mem>>) {add = true}
        %dma_wait3A_540 = arith.constant 128 : i32
        %dma_wait3A_541 = tpu.memref_slice %arg7[%run_scoped3A_520, %dma_wait3A_540] : memref<8x256xi32, #tpu.memory_space<vmem>> -> memref<1x128xi32, #tpu.memory_space<vmem>>
        %dma_wait3A_542 = tpu.memref_squeeze %dma_wait3A_541 : memref<1x128xi32, #tpu.memory_space<vmem>> -> memref<128xi32, #tpu.memory_space<vmem>>
        %dma_wait3A_543 = arith.constant 0 : i32
        %dma_wait3A_544 = arith.constant 0 : i32
        %dma_wait3A_545 = tpu.memref_slice %arg14[%dma_wait3A_543, %dma_wait3A_544] : memref<10008x128xf32, #tpu.memory_space<vmem_shared>> -> memref<10008x128xf32, #tpu.memory_space<vmem_shared>>
        tpu.wait_indirect_dma semaphore(%run_scoped3A_533 : memref<!tpu.dma_semaphore, #tpu.memory_space<semaphore_mem>>) src(%arg9 : memref<128x128xf32, #tpu.memory_space<vmem>>) dst(%dma_wait3A_545 : memref<10008x128xf32, #tpu.memory_space<vmem_shared>>)
        tpu.yield
      }) : () -> ()
      %mul3A_521 = arith.constant 2 : i32
      %mul3A_522 = arith.muli %mul3A_521, %scan3A_264 : i32
      %add3A_523 = arith.constant 3 : i32
      %add3A_524 = arith.addi %mul3A_522, %add3A_523 : i32
      %dma_start3A_525 = arith.constant 0 : i32
      %dma_start3A_526 = arith.constant 0 : i32
      %dma_start3A_527 = tpu.memref_slice %arg3[%add3A, %add3A_524, %dma_start3A_525, %dma_start3A_526] : memref<32x10x8x256xi32, #tpu.memory_space<hbm>> -> memref<1x1x8x256xi32, #tpu.memory_space<hbm>>
      %dma_start3A_528 = tpu.memref_squeeze %dma_start3A_527 : memref<1x1x8x256xi32, #tpu.memory_space<hbm>> -> memref<8x256xi32, #tpu.memory_space<hbm>>
      %dma_start3A_529 = arith.constant 0 : i32
      %dma_start3A_530 = arith.constant 0 : i32
      %dma_start3A_531 = tpu.memref_slice %arg3[%add3A, %add3A_524, %dma_start3A_529, %dma_start3A_530] : memref<32x10x8x256xi32, #tpu.memory_space<hbm>> -> memref<1x1x8x256xi32, #tpu.memory_space<hbm>>
      %dma_start3A_532 = tpu.memref_squeeze %dma_start3A_531 : memref<1x1x8x256xi32, #tpu.memory_space<hbm>> -> memref<8x256xi32, #tpu.memory_space<hbm>>
      tpu.enqueue_dma source(%dma_start3A_532 : memref<8x256xi32, #tpu.memory_space<hbm>>) target(%arg7 : memref<8x256xi32, #tpu.memory_space<vmem>>) target_semaphore(%arg11 : memref<!tpu.dma_semaphore, #tpu.memory_space<semaphore_mem>>)
    }
    %scan3A_26 = arith.constant 4 : i32
    %dma_start3A_27 = arith.constant 1 : i32
    %dma_start3A_28 = arith.constant 0 : i32
    %dma_start3A_29 = tpu.memref_slice %arg6[%dma_start3A_27, %dma_start3A_28] : memref<8x256xi32, #tpu.memory_space<vmem>> -> memref<1x128xi32, #tpu.memory_space<vmem>>
    %dma_start3A_30 = tpu.memref_squeeze %dma_start3A_29 : memref<1x128xi32, #tpu.memory_space<vmem>> -> memref<128xi32, #tpu.memory_space<vmem>>
    %dma_start3A_31 = arith.constant 0 : i32
    %dma_start3A_32 = arith.constant 0 : i32
    %dma_start3A_33 = tpu.memref_slice %arg2[%dma_start3A_31, %dma_start3A_32] : memref<40000x128xf32, #tpu.memory_space<hbm>> -> memref<40000x128xf32, #tpu.memory_space<hbm>>
    tpu.enqueue_indirect_dma source(%dma_start3A_33 : memref<40000x128xf32, #tpu.memory_space<hbm>>) target(%arg9 : memref<128x128xf32, #tpu.memory_space<vmem>>) offsets(%dma_start3A_30 : memref<128xi32, #tpu.memory_space<vmem>>) semaphore(%arg13 : memref<!tpu.dma_semaphore, #tpu.memory_space<semaphore_mem>>)
    %dma_wait3A = arith.constant 0 : i32
    %dma_wait3A_34 = arith.constant 0 : i32
    %dma_wait3A_35 = tpu.memref_slice %arg2[%dma_wait3A, %dma_wait3A_34] : memref<40000x128xf32, #tpu.memory_space<hbm>> -> memref<128x128xf32, #tpu.memory_space<hbm>>
    %dma_wait3A_36 = arith.constant 0 : i32
    %dma_wait3A_37 = arith.constant 0 : i32
    %dma_wait3A_38 = tpu.memref_slice %arg2[%dma_wait3A_36, %dma_wait3A_37] : memref<40000x128xf32, #tpu.memory_space<hbm>> -> memref<128x128xf32, #tpu.memory_space<hbm>>
    tpu.wait_dma2 semaphore(%arg12 : memref<!tpu.dma_semaphore, #tpu.memory_space<semaphore_mem>>) src(%dma_wait3A_38 : memref<128x128xf32, #tpu.memory_space<hbm>>) dst(%arg8 : memref<128x128xf32, #tpu.memory_space<vmem>>)
    %run_scoped3A_39 = arith.constant 0 : i32
    "tpu.region"() ({
      %run_scoped3A_264 = tpu.sem_alloc : memref<!tpu.dma_semaphore, #tpu.memory_space<semaphore_mem>>
      %dma_start3A_265 = arith.constant 128 : i32
      %dma_start3A_266 = tpu.memref_slice %arg6[%run_scoped3A_39, %dma_start3A_265] : memref<8x256xi32, #tpu.memory_space<vmem>> -> memref<1x128xi32, #tpu.memory_space<vmem>>
      %dma_start3A_267 = tpu.memref_squeeze %dma_start3A_266 : memref<1x128xi32, #tpu.memory_space<vmem>> -> memref<128xi32, #tpu.memory_space<vmem>>
      %dma_start3A_268 = arith.constant 0 : i32
      %dma_start3A_269 = arith.constant 0 : i32
      %dma_start3A_270 = tpu.memref_slice %arg14[%dma_start3A_268, %dma_start3A_269] : memref<10008x128xf32, #tpu.memory_space<vmem_shared>> -> memref<10008x128xf32, #tpu.memory_space<vmem_shared>>
      tpu.enqueue_indirect_dma source(%arg8 : memref<128x128xf32, #tpu.memory_space<vmem>>) target(%dma_start3A_270 : memref<10008x128xf32, #tpu.memory_space<vmem_shared>>) offsets(%dma_start3A_267 : memref<128xi32, #tpu.memory_space<vmem>>) semaphore(%run_scoped3A_264 : memref<!tpu.dma_semaphore, #tpu.memory_space<semaphore_mem>>) {add = true}
      %dma_wait3A_271 = arith.constant 128 : i32
      %dma_wait3A_272 = tpu.memref_slice %arg6[%run_scoped3A_39, %dma_wait3A_271] : memref<8x256xi32, #tpu.memory_space<vmem>> -> memref<1x128xi32, #tpu.memory_space<vmem>>
      %dma_wait3A_273 = tpu.memref_squeeze %dma_wait3A_272 : memref<1x128xi32, #tpu.memory_space<vmem>> -> memref<128xi32, #tpu.memory_space<vmem>>
      %dma_wait3A_274 = arith.constant 0 : i32
      %dma_wait3A_275 = arith.constant 0 : i32
      %dma_wait3A_276 = tpu.memref_slice %arg14[%dma_wait3A_274, %dma_wait3A_275] : memref<10008x128xf32, #tpu.memory_space<vmem_shared>> -> memref<10008x128xf32, #tpu.memory_space<vmem_shared>>
      tpu.wait_indirect_dma semaphore(%run_scoped3A_264 : memref<!tpu.dma_semaphore, #tpu.memory_space<semaphore_mem>>) src(%arg8 : memref<128x128xf32, #tpu.memory_space<vmem>>) dst(%dma_wait3A_276 : memref<10008x128xf32, #tpu.memory_space<vmem_shared>>)
      tpu.yield
    }) : () -> ()
    %dma_start3A_40 = arith.constant 2 : i32
    %dma_start3A_41 = arith.constant 0 : i32
    %dma_start3A_42 = tpu.memref_slice %arg6[%dma_start3A_40, %dma_start3A_41] : memref<8x256xi32, #tpu.memory_space<vmem>> -> memref<1x128xi32, #tpu.memory_space<vmem>>
    %dma_start3A_43 = tpu.memref_squeeze %dma_start3A_42 : memref<1x128xi32, #tpu.memory_space<vmem>> -> memref<128xi32, #tpu.memory_space<vmem>>
    %dma_start3A_44 = arith.constant 0 : i32
    %dma_start3A_45 = arith.constant 0 : i32
    %dma_start3A_46 = tpu.memref_slice %arg2[%dma_start3A_44, %dma_start3A_45] : memref<40000x128xf32, #tpu.memory_space<hbm>> -> memref<40000x128xf32, #tpu.memory_space<hbm>>
    tpu.enqueue_indirect_dma source(%dma_start3A_46 : memref<40000x128xf32, #tpu.memory_space<hbm>>) target(%arg8 : memref<128x128xf32, #tpu.memory_space<vmem>>) offsets(%dma_start3A_43 : memref<128xi32, #tpu.memory_space<vmem>>) semaphore(%arg12 : memref<!tpu.dma_semaphore, #tpu.memory_space<semaphore_mem>>)
    %dma_wait3A_47 = arith.constant 0 : i32
    %dma_wait3A_48 = arith.constant 0 : i32
    %dma_wait3A_49 = tpu.memref_slice %arg2[%dma_wait3A_47, %dma_wait3A_48] : memref<40000x128xf32, #tpu.memory_space<hbm>> -> memref<128x128xf32, #tpu.memory_space<hbm>>
    %dma_wait3A_50 = arith.constant 0 : i32
    %dma_wait3A_51 = arith.constant 0 : i32
    %dma_wait3A_52 = tpu.memref_slice %arg2[%dma_wait3A_50, %dma_wait3A_51] : memref<40000x128xf32, #tpu.memory_space<hbm>> -> memref<128x128xf32, #tpu.memory_space<hbm>>
    tpu.wait_dma2 semaphore(%arg13 : memref<!tpu.dma_semaphore, #tpu.memory_space<semaphore_mem>>) src(%dma_wait3A_52 : memref<128x128xf32, #tpu.memory_space<hbm>>) dst(%arg9 : memref<128x128xf32, #tpu.memory_space<vmem>>)
    %run_scoped3A_53 = arith.constant 1 : i32
    "tpu.region"() ({
      %run_scoped3A_264 = tpu.sem_alloc : memref<!tpu.dma_semaphore, #tpu.memory_space<semaphore_mem>>
      %dma_start3A_265 = arith.constant 128 : i32
      %dma_start3A_266 = tpu.memref_slice %arg6[%run_scoped3A_53, %dma_start3A_265] : memref<8x256xi32, #tpu.memory_space<vmem>> -> memref<1x128xi32, #tpu.memory_space<vmem>>
      %dma_start3A_267 = tpu.memref_squeeze %dma_start3A_266 : memref<1x128xi32, #tpu.memory_space<vmem>> -> memref<128xi32, #tpu.memory_space<vmem>>
      %dma_start3A_268 = arith.constant 0 : i32
      %dma_start3A_269 = arith.constant 0 : i32
      %dma_start3A_270 = tpu.memref_slice %arg14[%dma_start3A_268, %dma_start3A_269] : memref<10008x128xf32, #tpu.memory_space<vmem_shared>> -> memref<10008x128xf32, #tpu.memory_space<vmem_shared>>
      tpu.enqueue_indirect_dma source(%arg9 : memref<128x128xf32, #tpu.memory_space<vmem>>) target(%dma_start3A_270 : memref<10008x128xf32, #tpu.memory_space<vmem_shared>>) offsets(%dma_start3A_267 : memref<128xi32, #tpu.memory_space<vmem>>) semaphore(%run_scoped3A_264 : memref<!tpu.dma_semaphore, #tpu.memory_space<semaphore_mem>>) {add = true}
      %dma_wait3A_271 = arith.constant 128 : i32
      %dma_wait3A_272 = tpu.memref_slice %arg6[%run_scoped3A_53, %dma_wait3A_271] : memref<8x256xi32, #tpu.memory_space<vmem>> -> memref<1x128xi32, #tpu.memory_space<vmem>>
      %dma_wait3A_273 = tpu.memref_squeeze %dma_wait3A_272 : memref<1x128xi32, #tpu.memory_space<vmem>> -> memref<128xi32, #tpu.memory_space<vmem>>
      %dma_wait3A_274 = arith.constant 0 : i32
      %dma_wait3A_275 = arith.constant 0 : i32
      %dma_wait3A_276 = tpu.memref_slice %arg14[%dma_wait3A_274, %dma_wait3A_275] : memref<10008x128xf32, #tpu.memory_space<vmem_shared>> -> memref<10008x128xf32, #tpu.memory_space<vmem_shared>>
      tpu.wait_indirect_dma semaphore(%run_scoped3A_264 : memref<!tpu.dma_semaphore, #tpu.memory_space<semaphore_mem>>) src(%arg9 : memref<128x128xf32, #tpu.memory_space<vmem>>) dst(%dma_wait3A_276 : memref<10008x128xf32, #tpu.memory_space<vmem_shared>>)
      tpu.yield
    }) : () -> ()
    %dma_start3A_54 = arith.constant 3 : i32
    %dma_start3A_55 = arith.constant 0 : i32
    %dma_start3A_56 = tpu.memref_slice %arg6[%dma_start3A_54, %dma_start3A_55] : memref<8x256xi32, #tpu.memory_space<vmem>> -> memref<1x128xi32, #tpu.memory_space<vmem>>
    %dma_start3A_57 = tpu.memref_squeeze %dma_start3A_56 : memref<1x128xi32, #tpu.memory_space<vmem>> -> memref<128xi32, #tpu.memory_space<vmem>>
    %dma_start3A_58 = arith.constant 0 : i32
    %dma_start3A_59 = arith.constant 0 : i32
    %dma_start3A_60 = tpu.memref_slice %arg2[%dma_start3A_58, %dma_start3A_59] : memref<40000x128xf32, #tpu.memory_space<hbm>> -> memref<40000x128xf32, #tpu.memory_space<hbm>>
    tpu.enqueue_indirect_dma source(%dma_start3A_60 : memref<40000x128xf32, #tpu.memory_space<hbm>>) target(%arg9 : memref<128x128xf32, #tpu.memory_space<vmem>>) offsets(%dma_start3A_57 : memref<128xi32, #tpu.memory_space<vmem>>) semaphore(%arg13 : memref<!tpu.dma_semaphore, #tpu.memory_space<semaphore_mem>>)
    %dma_wait3A_61 = arith.constant 0 : i32
    %dma_wait3A_62 = arith.constant 0 : i32
    %dma_wait3A_63 = tpu.memref_slice %arg2[%dma_wait3A_61, %dma_wait3A_62] : memref<40000x128xf32, #tpu.memory_space<hbm>> -> memref<128x128xf32, #tpu.memory_space<hbm>>
    %dma_wait3A_64 = arith.constant 0 : i32
    %dma_wait3A_65 = arith.constant 0 : i32
    %dma_wait3A_66 = tpu.memref_slice %arg2[%dma_wait3A_64, %dma_wait3A_65] : memref<40000x128xf32, #tpu.memory_space<hbm>> -> memref<128x128xf32, #tpu.memory_space<hbm>>
    tpu.wait_dma2 semaphore(%arg12 : memref<!tpu.dma_semaphore, #tpu.memory_space<semaphore_mem>>) src(%dma_wait3A_66 : memref<128x128xf32, #tpu.memory_space<hbm>>) dst(%arg8 : memref<128x128xf32, #tpu.memory_space<vmem>>)
    %run_scoped3A_67 = arith.constant 2 : i32
    "tpu.region"() ({
      %run_scoped3A_264 = tpu.sem_alloc : memref<!tpu.dma_semaphore, #tpu.memory_space<semaphore_mem>>
      %dma_start3A_265 = arith.constant 128 : i32
      %dma_start3A_266 = tpu.memref_slice %arg6[%run_scoped3A_67, %dma_start3A_265] : memref<8x256xi32, #tpu.memory_space<vmem>> -> memref<1x128xi32, #tpu.memory_space<vmem>>
      %dma_start3A_267 = tpu.memref_squeeze %dma_start3A_266 : memref<1x128xi32, #tpu.memory_space<vmem>> -> memref<128xi32, #tpu.memory_space<vmem>>
      %dma_start3A_268 = arith.constant 0 : i32
      %dma_start3A_269 = arith.constant 0 : i32
      %dma_start3A_270 = tpu.memref_slice %arg14[%dma_start3A_268, %dma_start3A_269] : memref<10008x128xf32, #tpu.memory_space<vmem_shared>> -> memref<10008x128xf32, #tpu.memory_space<vmem_shared>>
      tpu.enqueue_indirect_dma source(%arg8 : memref<128x128xf32, #tpu.memory_space<vmem>>) target(%dma_start3A_270 : memref<10008x128xf32, #tpu.memory_space<vmem_shared>>) offsets(%dma_start3A_267 : memref<128xi32, #tpu.memory_space<vmem>>) semaphore(%run_scoped3A_264 : memref<!tpu.dma_semaphore, #tpu.memory_space<semaphore_mem>>) {add = true}
      %dma_wait3A_271 = arith.constant 128 : i32
      %dma_wait3A_272 = tpu.memref_slice %arg6[%run_scoped3A_67, %dma_wait3A_271] : memref<8x256xi32, #tpu.memory_space<vmem>> -> memref<1x128xi32, #tpu.memory_space<vmem>>
      %dma_wait3A_273 = tpu.memref_squeeze %dma_wait3A_272 : memref<1x128xi32, #tpu.memory_space<vmem>> -> memref<128xi32, #tpu.memory_space<vmem>>
      %dma_wait3A_274 = arith.constant 0 : i32
      %dma_wait3A_275 = arith.constant 0 : i32
      %dma_wait3A_276 = tpu.memref_slice %arg14[%dma_wait3A_274, %dma_wait3A_275] : memref<10008x128xf32, #tpu.memory_space<vmem_shared>> -> memref<10008x128xf32, #tpu.memory_space<vmem_shared>>
      tpu.wait_indirect_dma semaphore(%run_scoped3A_264 : memref<!tpu.dma_semaphore, #tpu.memory_space<semaphore_mem>>) src(%arg8 : memref<128x128xf32, #tpu.memory_space<vmem>>) dst(%dma_wait3A_276 : memref<10008x128xf32, #tpu.memory_space<vmem_shared>>)
      tpu.yield
    }) : () -> ()
    %dma_start3A_68 = arith.constant 4 : i32
    %dma_start3A_69 = arith.constant 0 : i32
    %dma_start3A_70 = tpu.memref_slice %arg6[%dma_start3A_68, %dma_start3A_69] : memref<8x256xi32, #tpu.memory_space<vmem>> -> memref<1x128xi32, #tpu.memory_space<vmem>>
    %dma_start3A_71 = tpu.memref_squeeze %dma_start3A_70 : memref<1x128xi32, #tpu.memory_space<vmem>> -> memref<128xi32, #tpu.memory_space<vmem>>
    %dma_start3A_72 = arith.constant 0 : i32
    %dma_start3A_73 = arith.constant 0 : i32
    %dma_start3A_74 = tpu.memref_slice %arg2[%dma_start3A_72, %dma_start3A_73] : memref<40000x128xf32, #tpu.memory_space<hbm>> -> memref<40000x128xf32, #tpu.memory_space<hbm>>
    tpu.enqueue_indirect_dma source(%dma_start3A_74 : memref<40000x128xf32, #tpu.memory_space<hbm>>) target(%arg8 : memref<128x128xf32, #tpu.memory_space<vmem>>) offsets(%dma_start3A_71 : memref<128xi32, #tpu.memory_space<vmem>>) semaphore(%arg12 : memref<!tpu.dma_semaphore, #tpu.memory_space<semaphore_mem>>)
    %dma_wait3A_75 = arith.constant 0 : i32
    %dma_wait3A_76 = arith.constant 0 : i32
    %dma_wait3A_77 = tpu.memref_slice %arg2[%dma_wait3A_75, %dma_wait3A_76] : memref<40000x128xf32, #tpu.memory_space<hbm>> -> memref<128x128xf32, #tpu.memory_space<hbm>>
    %dma_wait3A_78 = arith.constant 0 : i32
    %dma_wait3A_79 = arith.constant 0 : i32
    %dma_wait3A_80 = tpu.memref_slice %arg2[%dma_wait3A_78, %dma_wait3A_79] : memref<40000x128xf32, #tpu.memory_space<hbm>> -> memref<128x128xf32, #tpu.memory_space<hbm>>
    tpu.wait_dma2 semaphore(%arg13 : memref<!tpu.dma_semaphore, #tpu.memory_space<semaphore_mem>>) src(%dma_wait3A_80 : memref<128x128xf32, #tpu.memory_space<hbm>>) dst(%arg9 : memref<128x128xf32, #tpu.memory_space<vmem>>)
    %run_scoped3A_81 = arith.constant 3 : i32
    "tpu.region"() ({
      %run_scoped3A_264 = tpu.sem_alloc : memref<!tpu.dma_semaphore, #tpu.memory_space<semaphore_mem>>
      %dma_start3A_265 = arith.constant 128 : i32
      %dma_start3A_266 = tpu.memref_slice %arg6[%run_scoped3A_81, %dma_start3A_265] : memref<8x256xi32, #tpu.memory_space<vmem>> -> memref<1x128xi32, #tpu.memory_space<vmem>>
      %dma_start3A_267 = tpu.memref_squeeze %dma_start3A_266 : memref<1x128xi32, #tpu.memory_space<vmem>> -> memref<128xi32, #tpu.memory_space<vmem>>
      %dma_start3A_268 = arith.constant 0 : i32
      %dma_start3A_269 = arith.constant 0 : i32
      %dma_start3A_270 = tpu.memref_slice %arg14[%dma_start3A_268, %dma_start3A_269] : memref<10008x128xf32, #tpu.memory_space<vmem_shared>> -> memref<10008x128xf32, #tpu.memory_space<vmem_shared>>
      tpu.enqueue_indirect_dma source(%arg9 : memref<128x128xf32, #tpu.memory_space<vmem>>) target(%dma_start3A_270 : memref<10008x128xf32, #tpu.memory_space<vmem_shared>>) offsets(%dma_start3A_267 : memref<128xi32, #tpu.memory_space<vmem>>) semaphore(%run_scoped3A_264 : memref<!tpu.dma_semaphore, #tpu.memory_space<semaphore_mem>>) {add = true}
      %dma_wait3A_271 = arith.constant 128 : i32
      %dma_wait3A_272 = tpu.memref_slice %arg6[%run_scoped3A_81, %dma_wait3A_271] : memref<8x256xi32, #tpu.memory_space<vmem>> -> memref<1x128xi32, #tpu.memory_space<vmem>>
      %dma_wait3A_273 = tpu.memref_squeeze %dma_wait3A_272 : memref<1x128xi32, #tpu.memory_space<vmem>> -> memref<128xi32, #tpu.memory_space<vmem>>
      %dma_wait3A_274 = arith.constant 0 : i32
      %dma_wait3A_275 = arith.constant 0 : i32
      %dma_wait3A_276 = tpu.memref_slice %arg14[%dma_wait3A_274, %dma_wait3A_275] : memref<10008x128xf32, #tpu.memory_space<vmem_shared>> -> memref<10008x128xf32, #tpu.memory_space<vmem_shared>>
      tpu.wait_indirect_dma semaphore(%run_scoped3A_264 : memref<!tpu.dma_semaphore, #tpu.memory_space<semaphore_mem>>) src(%arg9 : memref<128x128xf32, #tpu.memory_space<vmem>>) dst(%dma_wait3A_276 : memref<10008x128xf32, #tpu.memory_space<vmem_shared>>)
      tpu.yield
    }) : () -> ()
    %dma_start3A_82 = arith.constant 5 : i32
    %dma_start3A_83 = arith.constant 0 : i32
    %dma_start3A_84 = tpu.memref_slice %arg6[%dma_start3A_82, %dma_start3A_83] : memref<8x256xi32, #tpu.memory_space<vmem>> -> memref<1x128xi32, #tpu.memory_space<vmem>>
    %dma_start3A_85 = tpu.memref_squeeze %dma_start3A_84 : memref<1x128xi32, #tpu.memory_space<vmem>> -> memref<128xi32, #tpu.memory_space<vmem>>
    %dma_start3A_86 = arith.constant 0 : i32
    %dma_start3A_87 = arith.constant 0 : i32
    %dma_start3A_88 = tpu.memref_slice %arg2[%dma_start3A_86, %dma_start3A_87] : memref<40000x128xf32, #tpu.memory_space<hbm>> -> memref<40000x128xf32, #tpu.memory_space<hbm>>
    tpu.enqueue_indirect_dma source(%dma_start3A_88 : memref<40000x128xf32, #tpu.memory_space<hbm>>) target(%arg9 : memref<128x128xf32, #tpu.memory_space<vmem>>) offsets(%dma_start3A_85 : memref<128xi32, #tpu.memory_space<vmem>>) semaphore(%arg13 : memref<!tpu.dma_semaphore, #tpu.memory_space<semaphore_mem>>)
    %dma_wait3A_89 = arith.constant 0 : i32
    %dma_wait3A_90 = arith.constant 0 : i32
    %dma_wait3A_91 = tpu.memref_slice %arg2[%dma_wait3A_89, %dma_wait3A_90] : memref<40000x128xf32, #tpu.memory_space<hbm>> -> memref<128x128xf32, #tpu.memory_space<hbm>>
    %dma_wait3A_92 = arith.constant 0 : i32
    %dma_wait3A_93 = arith.constant 0 : i32
    %dma_wait3A_94 = tpu.memref_slice %arg2[%dma_wait3A_92, %dma_wait3A_93] : memref<40000x128xf32, #tpu.memory_space<hbm>> -> memref<128x128xf32, #tpu.memory_space<hbm>>
    tpu.wait_dma2 semaphore(%arg12 : memref<!tpu.dma_semaphore, #tpu.memory_space<semaphore_mem>>) src(%dma_wait3A_94 : memref<128x128xf32, #tpu.memory_space<hbm>>) dst(%arg8 : memref<128x128xf32, #tpu.memory_space<vmem>>)
    %run_scoped3A_95 = arith.constant 4 : i32
    "tpu.region"() ({
      %run_scoped3A_264 = tpu.sem_alloc : memref<!tpu.dma_semaphore, #tpu.memory_space<semaphore_mem>>
      %dma_start3A_265 = arith.constant 128 : i32
      %dma_start3A_266 = tpu.memref_slice %arg6[%run_scoped3A_95, %dma_start3A_265] : memref<8x256xi32, #tpu.memory_space<vmem>> -> memref<1x128xi32, #tpu.memory_space<vmem>>
      %dma_start3A_267 = tpu.memref_squeeze %dma_start3A_266 : memref<1x128xi32, #tpu.memory_space<vmem>> -> memref<128xi32, #tpu.memory_space<vmem>>
      %dma_start3A_268 = arith.constant 0 : i32
      %dma_start3A_269 = arith.constant 0 : i32
      %dma_start3A_270 = tpu.memref_slice %arg14[%dma_start3A_268, %dma_start3A_269] : memref<10008x128xf32, #tpu.memory_space<vmem_shared>> -> memref<10008x128xf32, #tpu.memory_space<vmem_shared>>
      tpu.enqueue_indirect_dma source(%arg8 : memref<128x128xf32, #tpu.memory_space<vmem>>) target(%dma_start3A_270 : memref<10008x128xf32, #tpu.memory_space<vmem_shared>>) offsets(%dma_start3A_267 : memref<128xi32, #tpu.memory_space<vmem>>) semaphore(%run_scoped3A_264 : memref<!tpu.dma_semaphore, #tpu.memory_space<semaphore_mem>>) {add = true}
      %dma_wait3A_271 = arith.constant 128 : i32
      %dma_wait3A_272 = tpu.memref_slice %arg6[%run_scoped3A_95, %dma_wait3A_271] : memref<8x256xi32, #tpu.memory_space<vmem>> -> memref<1x128xi32, #tpu.memory_space<vmem>>
      %dma_wait3A_273 = tpu.memref_squeeze %dma_wait3A_272 : memref<1x128xi32, #tpu.memory_space<vmem>> -> memref<128xi32, #tpu.memory_space<vmem>>
      %dma_wait3A_274 = arith.constant 0 : i32
      %dma_wait3A_275 = arith.constant 0 : i32
      %dma_wait3A_276 = tpu.memref_slice %arg14[%dma_wait3A_274, %dma_wait3A_275] : memref<10008x128xf32, #tpu.memory_space<vmem_shared>> -> memref<10008x128xf32, #tpu.memory_space<vmem_shared>>
      tpu.wait_indirect_dma semaphore(%run_scoped3A_264 : memref<!tpu.dma_semaphore, #tpu.memory_space<semaphore_mem>>) src(%arg8 : memref<128x128xf32, #tpu.memory_space<vmem>>) dst(%dma_wait3A_276 : memref<10008x128xf32, #tpu.memory_space<vmem_shared>>)
      tpu.yield
    }) : () -> ()
    %dma_start3A_96 = arith.constant 6 : i32
    %dma_start3A_97 = arith.constant 0 : i32
    %dma_start3A_98 = tpu.memref_slice %arg6[%dma_start3A_96, %dma_start3A_97] : memref<8x256xi32, #tpu.memory_space<vmem>> -> memref<1x128xi32, #tpu.memory_space<vmem>>
    %dma_start3A_99 = tpu.memref_squeeze %dma_start3A_98 : memref<1x128xi32, #tpu.memory_space<vmem>> -> memref<128xi32, #tpu.memory_space<vmem>>
    %dma_start3A_100 = arith.constant 0 : i32
    %dma_start3A_101 = arith.constant 0 : i32
    %dma_start3A_102 = tpu.memref_slice %arg2[%dma_start3A_100, %dma_start3A_101] : memref<40000x128xf32, #tpu.memory_space<hbm>> -> memref<40000x128xf32, #tpu.memory_space<hbm>>
    tpu.enqueue_indirect_dma source(%dma_start3A_102 : memref<40000x128xf32, #tpu.memory_space<hbm>>) target(%arg8 : memref<128x128xf32, #tpu.memory_space<vmem>>) offsets(%dma_start3A_99 : memref<128xi32, #tpu.memory_space<vmem>>) semaphore(%arg12 : memref<!tpu.dma_semaphore, #tpu.memory_space<semaphore_mem>>)
    %dma_wait3A_103 = arith.constant 0 : i32
    %dma_wait3A_104 = arith.constant 0 : i32
    %dma_wait3A_105 = tpu.memref_slice %arg2[%dma_wait3A_103, %dma_wait3A_104] : memref<40000x128xf32, #tpu.memory_space<hbm>> -> memref<128x128xf32, #tpu.memory_space<hbm>>
    %dma_wait3A_106 = arith.constant 0 : i32
    %dma_wait3A_107 = arith.constant 0 : i32
    %dma_wait3A_108 = tpu.memref_slice %arg2[%dma_wait3A_106, %dma_wait3A_107] : memref<40000x128xf32, #tpu.memory_space<hbm>> -> memref<128x128xf32, #tpu.memory_space<hbm>>
    tpu.wait_dma2 semaphore(%arg13 : memref<!tpu.dma_semaphore, #tpu.memory_space<semaphore_mem>>) src(%dma_wait3A_108 : memref<128x128xf32, #tpu.memory_space<hbm>>) dst(%arg9 : memref<128x128xf32, #tpu.memory_space<vmem>>)
    %run_scoped3A_109 = arith.constant 5 : i32
    "tpu.region"() ({
      %run_scoped3A_264 = tpu.sem_alloc : memref<!tpu.dma_semaphore, #tpu.memory_space<semaphore_mem>>
      %dma_start3A_265 = arith.constant 128 : i32
      %dma_start3A_266 = tpu.memref_slice %arg6[%run_scoped3A_109, %dma_start3A_265] : memref<8x256xi32, #tpu.memory_space<vmem>> -> memref<1x128xi32, #tpu.memory_space<vmem>>
      %dma_start3A_267 = tpu.memref_squeeze %dma_start3A_266 : memref<1x128xi32, #tpu.memory_space<vmem>> -> memref<128xi32, #tpu.memory_space<vmem>>
      %dma_start3A_268 = arith.constant 0 : i32
      %dma_start3A_269 = arith.constant 0 : i32
      %dma_start3A_270 = tpu.memref_slice %arg14[%dma_start3A_268, %dma_start3A_269] : memref<10008x128xf32, #tpu.memory_space<vmem_shared>> -> memref<10008x128xf32, #tpu.memory_space<vmem_shared>>
      tpu.enqueue_indirect_dma source(%arg9 : memref<128x128xf32, #tpu.memory_space<vmem>>) target(%dma_start3A_270 : memref<10008x128xf32, #tpu.memory_space<vmem_shared>>) offsets(%dma_start3A_267 : memref<128xi32, #tpu.memory_space<vmem>>) semaphore(%run_scoped3A_264 : memref<!tpu.dma_semaphore, #tpu.memory_space<semaphore_mem>>) {add = true}
      %dma_wait3A_271 = arith.constant 128 : i32
      %dma_wait3A_272 = tpu.memref_slice %arg6[%run_scoped3A_109, %dma_wait3A_271] : memref<8x256xi32, #tpu.memory_space<vmem>> -> memref<1x128xi32, #tpu.memory_space<vmem>>
      %dma_wait3A_273 = tpu.memref_squeeze %dma_wait3A_272 : memref<1x128xi32, #tpu.memory_space<vmem>> -> memref<128xi32, #tpu.memory_space<vmem>>
      %dma_wait3A_274 = arith.constant 0 : i32
      %dma_wait3A_275 = arith.constant 0 : i32
      %dma_wait3A_276 = tpu.memref_slice %arg14[%dma_wait3A_274, %dma_wait3A_275] : memref<10008x128xf32, #tpu.memory_space<vmem_shared>> -> memref<10008x128xf32, #tpu.memory_space<vmem_shared>>
      tpu.wait_indirect_dma semaphore(%run_scoped3A_264 : memref<!tpu.dma_semaphore, #tpu.memory_space<semaphore_mem>>) src(%arg9 : memref<128x128xf32, #tpu.memory_space<vmem>>) dst(%dma_wait3A_276 : memref<10008x128xf32, #tpu.memory_space<vmem_shared>>)
      tpu.yield
    }) : () -> ()
    %dma_start3A_110 = arith.constant 7 : i32
    %dma_start3A_111 = arith.constant 0 : i32
    %dma_start3A_112 = tpu.memref_slice %arg6[%dma_start3A_110, %dma_start3A_111] : memref<8x256xi32, #tpu.memory_space<vmem>> -> memref<1x128xi32, #tpu.memory_space<vmem>>
    %dma_start3A_113 = tpu.memref_squeeze %dma_start3A_112 : memref<1x128xi32, #tpu.memory_space<vmem>> -> memref<128xi32, #tpu.memory_space<vmem>>
    %dma_start3A_114 = arith.constant 0 : i32
    %dma_start3A_115 = arith.constant 0 : i32
    %dma_start3A_116 = tpu.memref_slice %arg2[%dma_start3A_114, %dma_start3A_115] : memref<40000x128xf32, #tpu.memory_space<hbm>> -> memref<40000x128xf32, #tpu.memory_space<hbm>>
    tpu.enqueue_indirect_dma source(%dma_start3A_116 : memref<40000x128xf32, #tpu.memory_space<hbm>>) target(%arg9 : memref<128x128xf32, #tpu.memory_space<vmem>>) offsets(%dma_start3A_113 : memref<128xi32, #tpu.memory_space<vmem>>) semaphore(%arg13 : memref<!tpu.dma_semaphore, #tpu.memory_space<semaphore_mem>>)
    %dma_wait3A_117 = arith.constant 0 : i32
    %dma_wait3A_118 = arith.constant 0 : i32
    %dma_wait3A_119 = tpu.memref_slice %arg2[%dma_wait3A_117, %dma_wait3A_118] : memref<40000x128xf32, #tpu.memory_space<hbm>> -> memref<128x128xf32, #tpu.memory_space<hbm>>
    %dma_wait3A_120 = arith.constant 0 : i32
    %dma_wait3A_121 = arith.constant 0 : i32
    %dma_wait3A_122 = tpu.memref_slice %arg2[%dma_wait3A_120, %dma_wait3A_121] : memref<40000x128xf32, #tpu.memory_space<hbm>> -> memref<128x128xf32, #tpu.memory_space<hbm>>
    tpu.wait_dma2 semaphore(%arg12 : memref<!tpu.dma_semaphore, #tpu.memory_space<semaphore_mem>>) src(%dma_wait3A_122 : memref<128x128xf32, #tpu.memory_space<hbm>>) dst(%arg8 : memref<128x128xf32, #tpu.memory_space<vmem>>)
    %run_scoped3A_123 = arith.constant 6 : i32
    "tpu.region"() ({
      %run_scoped3A_264 = tpu.sem_alloc : memref<!tpu.dma_semaphore, #tpu.memory_space<semaphore_mem>>
      %dma_start3A_265 = arith.constant 128 : i32
      %dma_start3A_266 = tpu.memref_slice %arg6[%run_scoped3A_123, %dma_start3A_265] : memref<8x256xi32, #tpu.memory_space<vmem>> -> memref<1x128xi32, #tpu.memory_space<vmem>>
      %dma_start3A_267 = tpu.memref_squeeze %dma_start3A_266 : memref<1x128xi32, #tpu.memory_space<vmem>> -> memref<128xi32, #tpu.memory_space<vmem>>
      %dma_start3A_268 = arith.constant 0 : i32
      %dma_start3A_269 = arith.constant 0 : i32
      %dma_start3A_270 = tpu.memref_slice %arg14[%dma_start3A_268, %dma_start3A_269] : memref<10008x128xf32, #tpu.memory_space<vmem_shared>> -> memref<10008x128xf32, #tpu.memory_space<vmem_shared>>
      tpu.enqueue_indirect_dma source(%arg8 : memref<128x128xf32, #tpu.memory_space<vmem>>) target(%dma_start3A_270 : memref<10008x128xf32, #tpu.memory_space<vmem_shared>>) offsets(%dma_start3A_267 : memref<128xi32, #tpu.memory_space<vmem>>) semaphore(%run_scoped3A_264 : memref<!tpu.dma_semaphore, #tpu.memory_space<semaphore_mem>>) {add = true}
      %dma_wait3A_271 = arith.constant 128 : i32
      %dma_wait3A_272 = tpu.memref_slice %arg6[%run_scoped3A_123, %dma_wait3A_271] : memref<8x256xi32, #tpu.memory_space<vmem>> -> memref<1x128xi32, #tpu.memory_space<vmem>>
      %dma_wait3A_273 = tpu.memref_squeeze %dma_wait3A_272 : memref<1x128xi32, #tpu.memory_space<vmem>> -> memref<128xi32, #tpu.memory_space<vmem>>
      %dma_wait3A_274 = arith.constant 0 : i32
      %dma_wait3A_275 = arith.constant 0 : i32
      %dma_wait3A_276 = tpu.memref_slice %arg14[%dma_wait3A_274, %dma_wait3A_275] : memref<10008x128xf32, #tpu.memory_space<vmem_shared>> -> memref<10008x128xf32, #tpu.memory_space<vmem_shared>>
      tpu.wait_indirect_dma semaphore(%run_scoped3A_264 : memref<!tpu.dma_semaphore, #tpu.memory_space<semaphore_mem>>) src(%arg8 : memref<128x128xf32, #tpu.memory_space<vmem>>) dst(%dma_wait3A_276 : memref<10008x128xf32, #tpu.memory_space<vmem_shared>>)
      tpu.yield
    }) : () -> ()
    %dma_wait3A_124 = arith.constant 0 : i32
    %dma_wait3A_125 = arith.constant 0 : i32
    %dma_wait3A_126 = arith.constant 0 : i32
    %dma_wait3A_127 = arith.constant 0 : i32
    %dma_wait3A_128 = tpu.memref_slice %arg3[%dma_wait3A_124, %dma_wait3A_125, %dma_wait3A_126, %dma_wait3A_127] : memref<32x10x8x256xi32, #tpu.memory_space<hbm>> -> memref<1x1x8x256xi32, #tpu.memory_space<hbm>>
    %dma_wait3A_129 = tpu.memref_squeeze %dma_wait3A_128 : memref<1x1x8x256xi32, #tpu.memory_space<hbm>> -> memref<8x256xi32, #tpu.memory_space<hbm>>
    %dma_wait3A_130 = arith.constant 0 : i32
    %dma_wait3A_131 = arith.constant 0 : i32
    %dma_wait3A_132 = tpu.memref_slice %arg3[%dma_wait3A_124, %dma_wait3A_125, %dma_wait3A_130, %dma_wait3A_131] : memref<32x10x8x256xi32, #tpu.memory_space<hbm>> -> memref<1x1x8x256xi32, #tpu.memory_space<hbm>>
    %dma_wait3A_133 = tpu.memref_squeeze %dma_wait3A_132 : memref<1x1x8x256xi32, #tpu.memory_space<hbm>> -> memref<8x256xi32, #tpu.memory_space<hbm>>
    tpu.wait_dma2 semaphore(%arg11 : memref<!tpu.dma_semaphore, #tpu.memory_space<semaphore_mem>>) src(%dma_wait3A_133 : memref<8x256xi32, #tpu.memory_space<hbm>>) dst(%arg7 : memref<8x256xi32, #tpu.memory_space<vmem>>)
    %dma_start3A_134 = arith.constant 0 : i32
    %dma_start3A_135 = arith.constant 0 : i32
    %dma_start3A_136 = tpu.memref_slice %arg7[%dma_start3A_134, %dma_start3A_135] : memref<8x256xi32, #tpu.memory_space<vmem>> -> memref<1x128xi32, #tpu.memory_space<vmem>>
    %dma_start3A_137 = tpu.memref_squeeze %dma_start3A_136 : memref<1x128xi32, #tpu.memory_space<vmem>> -> memref<128xi32, #tpu.memory_space<vmem>>
    %dma_start3A_138 = arith.constant 0 : i32
    %dma_start3A_139 = arith.constant 0 : i32
    %dma_start3A_140 = tpu.memref_slice %arg2[%dma_start3A_138, %dma_start3A_139] : memref<40000x128xf32, #tpu.memory_space<hbm>> -> memref<40000x128xf32, #tpu.memory_space<hbm>>
    tpu.enqueue_indirect_dma source(%dma_start3A_140 : memref<40000x128xf32, #tpu.memory_space<hbm>>) target(%arg8 : memref<128x128xf32, #tpu.memory_space<vmem>>) offsets(%dma_start3A_137 : memref<128xi32, #tpu.memory_space<vmem>>) semaphore(%arg12 : memref<!tpu.dma_semaphore, #tpu.memory_space<semaphore_mem>>)
    %dma_wait3A_141 = arith.constant 0 : i32
    %dma_wait3A_142 = arith.constant 0 : i32
    %dma_wait3A_143 = tpu.memref_slice %arg2[%dma_wait3A_141, %dma_wait3A_142] : memref<40000x128xf32, #tpu.memory_space<hbm>> -> memref<128x128xf32, #tpu.memory_space<hbm>>
    %dma_wait3A_144 = arith.constant 0 : i32
    %dma_wait3A_145 = arith.constant 0 : i32
    %dma_wait3A_146 = tpu.memref_slice %arg2[%dma_wait3A_144, %dma_wait3A_145] : memref<40000x128xf32, #tpu.memory_space<hbm>> -> memref<128x128xf32, #tpu.memory_space<hbm>>
    tpu.wait_dma2 semaphore(%arg13 : memref<!tpu.dma_semaphore, #tpu.memory_space<semaphore_mem>>) src(%dma_wait3A_146 : memref<128x128xf32, #tpu.memory_space<hbm>>) dst(%arg9 : memref<128x128xf32, #tpu.memory_space<vmem>>)
    %run_scoped3A_147 = arith.constant 7 : i32
    "tpu.region"() ({
      %run_scoped3A_264 = tpu.sem_alloc : memref<!tpu.dma_semaphore, #tpu.memory_space<semaphore_mem>>
      %dma_start3A_265 = arith.constant 128 : i32
      %dma_start3A_266 = tpu.memref_slice %arg6[%run_scoped3A_147, %dma_start3A_265] : memref<8x256xi32, #tpu.memory_space<vmem>> -> memref<1x128xi32, #tpu.memory_space<vmem>>
      %dma_start3A_267 = tpu.memref_squeeze %dma_start3A_266 : memref<1x128xi32, #tpu.memory_space<vmem>> -> memref<128xi32, #tpu.memory_space<vmem>>
      %dma_start3A_268 = arith.constant 0 : i32
      %dma_start3A_269 = arith.constant 0 : i32
      %dma_start3A_270 = tpu.memref_slice %arg14[%dma_start3A_268, %dma_start3A_269] : memref<10008x128xf32, #tpu.memory_space<vmem_shared>> -> memref<10008x128xf32, #tpu.memory_space<vmem_shared>>
      tpu.enqueue_indirect_dma source(%arg9 : memref<128x128xf32, #tpu.memory_space<vmem>>) target(%dma_start3A_270 : memref<10008x128xf32, #tpu.memory_space<vmem_shared>>) offsets(%dma_start3A_267 : memref<128xi32, #tpu.memory_space<vmem>>) semaphore(%run_scoped3A_264 : memref<!tpu.dma_semaphore, #tpu.memory_space<semaphore_mem>>) {add = true}
      %dma_wait3A_271 = arith.constant 128 : i32
      %dma_wait3A_272 = tpu.memref_slice %arg6[%run_scoped3A_147, %dma_wait3A_271] : memref<8x256xi32, #tpu.memory_space<vmem>> -> memref<1x128xi32, #tpu.memory_space<vmem>>
      %dma_wait3A_273 = tpu.memref_squeeze %dma_wait3A_272 : memref<1x128xi32, #tpu.memory_space<vmem>> -> memref<128xi32, #tpu.memory_space<vmem>>
      %dma_wait3A_274 = arith.constant 0 : i32
      %dma_wait3A_275 = arith.constant 0 : i32
      %dma_wait3A_276 = tpu.memref_slice %arg14[%dma_wait3A_274, %dma_wait3A_275] : memref<10008x128xf32, #tpu.memory_space<vmem_shared>> -> memref<10008x128xf32, #tpu.memory_space<vmem_shared>>
      tpu.wait_indirect_dma semaphore(%run_scoped3A_264 : memref<!tpu.dma_semaphore, #tpu.memory_space<semaphore_mem>>) src(%arg9 : memref<128x128xf32, #tpu.memory_space<vmem>>) dst(%dma_wait3A_276 : memref<10008x128xf32, #tpu.memory_space<vmem_shared>>)
      tpu.yield
    }) : () -> ()
    %dma_start3A_148 = arith.constant 1 : i32
    %dma_start3A_149 = arith.constant 0 : i32
    %dma_start3A_150 = tpu.memref_slice %arg7[%dma_start3A_148, %dma_start3A_149] : memref<8x256xi32, #tpu.memory_space<vmem>> -> memref<1x128xi32, #tpu.memory_space<vmem>>
    %dma_start3A_151 = tpu.memref_squeeze %dma_start3A_150 : memref<1x128xi32, #tpu.memory_space<vmem>> -> memref<128xi32, #tpu.memory_space<vmem>>
    %dma_start3A_152 = arith.constant 0 : i32
    %dma_start3A_153 = arith.constant 0 : i32
    %dma_start3A_154 = tpu.memref_slice %arg2[%dma_start3A_152, %dma_start3A_153] : memref<40000x128xf32, #tpu.memory_space<hbm>> -> memref<40000x128xf32, #tpu.memory_space<hbm>>
    tpu.enqueue_indirect_dma source(%dma_start3A_154 : memref<40000x128xf32, #tpu.memory_space<hbm>>) target(%arg9 : memref<128x128xf32, #tpu.memory_space<vmem>>) offsets(%dma_start3A_151 : memref<128xi32, #tpu.memory_space<vmem>>) semaphore(%arg13 : memref<!tpu.dma_semaphore, #tpu.memory_space<semaphore_mem>>)
    %dma_wait3A_155 = arith.constant 0 : i32
    %dma_wait3A_156 = arith.constant 0 : i32
    %dma_wait3A_157 = tpu.memref_slice %arg2[%dma_wait3A_155, %dma_wait3A_156] : memref<40000x128xf32, #tpu.memory_space<hbm>> -> memref<128x128xf32, #tpu.memory_space<hbm>>
    %dma_wait3A_158 = arith.constant 0 : i32
    %dma_wait3A_159 = arith.constant 0 : i32
    %dma_wait3A_160 = tpu.memref_slice %arg2[%dma_wait3A_158, %dma_wait3A_159] : memref<40000x128xf32, #tpu.memory_space<hbm>> -> memref<128x128xf32, #tpu.memory_space<hbm>>
    tpu.wait_dma2 semaphore(%arg12 : memref<!tpu.dma_semaphore, #tpu.memory_space<semaphore_mem>>) src(%dma_wait3A_160 : memref<128x128xf32, #tpu.memory_space<hbm>>) dst(%arg8 : memref<128x128xf32, #tpu.memory_space<vmem>>)
    %run_scoped3A_161 = arith.constant 0 : i32
    "tpu.region"() ({
      %run_scoped3A_264 = tpu.sem_alloc : memref<!tpu.dma_semaphore, #tpu.memory_space<semaphore_mem>>
      %dma_start3A_265 = arith.constant 128 : i32
      %dma_start3A_266 = tpu.memref_slice %arg7[%run_scoped3A_161, %dma_start3A_265] : memref<8x256xi32, #tpu.memory_space<vmem>> -> memref<1x128xi32, #tpu.memory_space<vmem>>
      %dma_start3A_267 = tpu.memref_squeeze %dma_start3A_266 : memref<1x128xi32, #tpu.memory_space<vmem>> -> memref<128xi32, #tpu.memory_space<vmem>>
      %dma_start3A_268 = arith.constant 0 : i32
      %dma_start3A_269 = arith.constant 0 : i32
      %dma_start3A_270 = tpu.memref_slice %arg14[%dma_start3A_268, %dma_start3A_269] : memref<10008x128xf32, #tpu.memory_space<vmem_shared>> -> memref<10008x128xf32, #tpu.memory_space<vmem_shared>>
      tpu.enqueue_indirect_dma source(%arg8 : memref<128x128xf32, #tpu.memory_space<vmem>>) target(%dma_start3A_270 : memref<10008x128xf32, #tpu.memory_space<vmem_shared>>) offsets(%dma_start3A_267 : memref<128xi32, #tpu.memory_space<vmem>>) semaphore(%run_scoped3A_264 : memref<!tpu.dma_semaphore, #tpu.memory_space<semaphore_mem>>) {add = true}
      %dma_wait3A_271 = arith.constant 128 : i32
      %dma_wait3A_272 = tpu.memref_slice %arg7[%run_scoped3A_161, %dma_wait3A_271] : memref<8x256xi32, #tpu.memory_space<vmem>> -> memref<1x128xi32, #tpu.memory_space<vmem>>
      %dma_wait3A_273 = tpu.memref_squeeze %dma_wait3A_272 : memref<1x128xi32, #tpu.memory_space<vmem>> -> memref<128xi32, #tpu.memory_space<vmem>>
      %dma_wait3A_274 = arith.constant 0 : i32
      %dma_wait3A_275 = arith.constant 0 : i32
      %dma_wait3A_276 = tpu.memref_slice %arg14[%dma_wait3A_274, %dma_wait3A_275] : memref<10008x128xf32, #tpu.memory_space<vmem_shared>> -> memref<10008x128xf32, #tpu.memory_space<vmem_shared>>
      tpu.wait_indirect_dma semaphore(%run_scoped3A_264 : memref<!tpu.dma_semaphore, #tpu.memory_space<semaphore_mem>>) src(%arg8 : memref<128x128xf32, #tpu.memory_space<vmem>>) dst(%dma_wait3A_276 : memref<10008x128xf32, #tpu.memory_space<vmem_shared>>)
      tpu.yield
    }) : () -> ()
    %dma_start3A_162 = arith.constant 2 : i32
    %dma_start3A_163 = arith.constant 0 : i32
    %dma_start3A_164 = tpu.memref_slice %arg7[%dma_start3A_162, %dma_start3A_163] : memref<8x256xi32, #tpu.memory_space<vmem>> -> memref<1x128xi32, #tpu.memory_space<vmem>>
    %dma_start3A_165 = tpu.memref_squeeze %dma_start3A_164 : memref<1x128xi32, #tpu.memory_space<vmem>> -> memref<128xi32, #tpu.memory_space<vmem>>
    %dma_start3A_166 = arith.constant 0 : i32
    %dma_start3A_167 = arith.constant 0 : i32
    %dma_start3A_168 = tpu.memref_slice %arg2[%dma_start3A_166, %dma_start3A_167] : memref<40000x128xf32, #tpu.memory_space<hbm>> -> memref<40000x128xf32, #tpu.memory_space<hbm>>
    tpu.enqueue_indirect_dma source(%dma_start3A_168 : memref<40000x128xf32, #tpu.memory_space<hbm>>) target(%arg8 : memref<128x128xf32, #tpu.memory_space<vmem>>) offsets(%dma_start3A_165 : memref<128xi32, #tpu.memory_space<vmem>>) semaphore(%arg12 : memref<!tpu.dma_semaphore, #tpu.memory_space<semaphore_mem>>)
    %dma_wait3A_169 = arith.constant 0 : i32
    %dma_wait3A_170 = arith.constant 0 : i32
    %dma_wait3A_171 = tpu.memref_slice %arg2[%dma_wait3A_169, %dma_wait3A_170] : memref<40000x128xf32, #tpu.memory_space<hbm>> -> memref<128x128xf32, #tpu.memory_space<hbm>>
    %dma_wait3A_172 = arith.constant 0 : i32
    %dma_wait3A_173 = arith.constant 0 : i32
    %dma_wait3A_174 = tpu.memref_slice %arg2[%dma_wait3A_172, %dma_wait3A_173] : memref<40000x128xf32, #tpu.memory_space<hbm>> -> memref<128x128xf32, #tpu.memory_space<hbm>>
    tpu.wait_dma2 semaphore(%arg13 : memref<!tpu.dma_semaphore, #tpu.memory_space<semaphore_mem>>) src(%dma_wait3A_174 : memref<128x128xf32, #tpu.memory_space<hbm>>) dst(%arg9 : memref<128x128xf32, #tpu.memory_space<vmem>>)
    %run_scoped3A_175 = arith.constant 1 : i32
    "tpu.region"() ({
      %run_scoped3A_264 = tpu.sem_alloc : memref<!tpu.dma_semaphore, #tpu.memory_space<semaphore_mem>>
      %dma_start3A_265 = arith.constant 128 : i32
      %dma_start3A_266 = tpu.memref_slice %arg7[%run_scoped3A_175, %dma_start3A_265] : memref<8x256xi32, #tpu.memory_space<vmem>> -> memref<1x128xi32, #tpu.memory_space<vmem>>
      %dma_start3A_267 = tpu.memref_squeeze %dma_start3A_266 : memref<1x128xi32, #tpu.memory_space<vmem>> -> memref<128xi32, #tpu.memory_space<vmem>>
      %dma_start3A_268 = arith.constant 0 : i32
      %dma_start3A_269 = arith.constant 0 : i32
      %dma_start3A_270 = tpu.memref_slice %arg14[%dma_start3A_268, %dma_start3A_269] : memref<10008x128xf32, #tpu.memory_space<vmem_shared>> -> memref<10008x128xf32, #tpu.memory_space<vmem_shared>>
      tpu.enqueue_indirect_dma source(%arg9 : memref<128x128xf32, #tpu.memory_space<vmem>>) target(%dma_start3A_270 : memref<10008x128xf32, #tpu.memory_space<vmem_shared>>) offsets(%dma_start3A_267 : memref<128xi32, #tpu.memory_space<vmem>>) semaphore(%run_scoped3A_264 : memref<!tpu.dma_semaphore, #tpu.memory_space<semaphore_mem>>) {add = true}
      %dma_wait3A_271 = arith.constant 128 : i32
      %dma_wait3A_272 = tpu.memref_slice %arg7[%run_scoped3A_175, %dma_wait3A_271] : memref<8x256xi32, #tpu.memory_space<vmem>> -> memref<1x128xi32, #tpu.memory_space<vmem>>
      %dma_wait3A_273 = tpu.memref_squeeze %dma_wait3A_272 : memref<1x128xi32, #tpu.memory_space<vmem>> -> memref<128xi32, #tpu.memory_space<vmem>>
      %dma_wait3A_274 = arith.constant 0 : i32
      %dma_wait3A_275 = arith.constant 0 : i32
      %dma_wait3A_276 = tpu.memref_slice %arg14[%dma_wait3A_274, %dma_wait3A_275] : memref<10008x128xf32, #tpu.memory_space<vmem_shared>> -> memref<10008x128xf32, #tpu.memory_space<vmem_shared>>
      tpu.wait_indirect_dma semaphore(%run_scoped3A_264 : memref<!tpu.dma_semaphore, #tpu.memory_space<semaphore_mem>>) src(%arg9 : memref<128x128xf32, #tpu.memory_space<vmem>>) dst(%dma_wait3A_276 : memref<10008x128xf32, #tpu.memory_space<vmem_shared>>)
      tpu.yield
    }) : () -> ()
    %dma_start3A_176 = arith.constant 3 : i32
    %dma_start3A_177 = arith.constant 0 : i32
    %dma_start3A_178 = tpu.memref_slice %arg7[%dma_start3A_176, %dma_start3A_177] : memref<8x256xi32, #tpu.memory_space<vmem>> -> memref<1x128xi32, #tpu.memory_space<vmem>>
    %dma_start3A_179 = tpu.memref_squeeze %dma_start3A_178 : memref<1x128xi32, #tpu.memory_space<vmem>> -> memref<128xi32, #tpu.memory_space<vmem>>
    %dma_start3A_180 = arith.constant 0 : i32
    %dma_start3A_181 = arith.constant 0 : i32
    %dma_start3A_182 = tpu.memref_slice %arg2[%dma_start3A_180, %dma_start3A_181] : memref<40000x128xf32, #tpu.memory_space<hbm>> -> memref<40000x128xf32, #tpu.memory_space<hbm>>
    tpu.enqueue_indirect_dma source(%dma_start3A_182 : memref<40000x128xf32, #tpu.memory_space<hbm>>) target(%arg9 : memref<128x128xf32, #tpu.memory_space<vmem>>) offsets(%dma_start3A_179 : memref<128xi32, #tpu.memory_space<vmem>>) semaphore(%arg13 : memref<!tpu.dma_semaphore, #tpu.memory_space<semaphore_mem>>)
    %dma_wait3A_183 = arith.constant 0 : i32
    %dma_wait3A_184 = arith.constant 0 : i32
    %dma_wait3A_185 = tpu.memref_slice %arg2[%dma_wait3A_183, %dma_wait3A_184] : memref<40000x128xf32, #tpu.memory_space<hbm>> -> memref<128x128xf32, #tpu.memory_space<hbm>>
    %dma_wait3A_186 = arith.constant 0 : i32
    %dma_wait3A_187 = arith.constant 0 : i32
    %dma_wait3A_188 = tpu.memref_slice %arg2[%dma_wait3A_186, %dma_wait3A_187] : memref<40000x128xf32, #tpu.memory_space<hbm>> -> memref<128x128xf32, #tpu.memory_space<hbm>>
    tpu.wait_dma2 semaphore(%arg12 : memref<!tpu.dma_semaphore, #tpu.memory_space<semaphore_mem>>) src(%dma_wait3A_188 : memref<128x128xf32, #tpu.memory_space<hbm>>) dst(%arg8 : memref<128x128xf32, #tpu.memory_space<vmem>>)
    %run_scoped3A_189 = arith.constant 2 : i32
    "tpu.region"() ({
      %run_scoped3A_264 = tpu.sem_alloc : memref<!tpu.dma_semaphore, #tpu.memory_space<semaphore_mem>>
      %dma_start3A_265 = arith.constant 128 : i32
      %dma_start3A_266 = tpu.memref_slice %arg7[%run_scoped3A_189, %dma_start3A_265] : memref<8x256xi32, #tpu.memory_space<vmem>> -> memref<1x128xi32, #tpu.memory_space<vmem>>
      %dma_start3A_267 = tpu.memref_squeeze %dma_start3A_266 : memref<1x128xi32, #tpu.memory_space<vmem>> -> memref<128xi32, #tpu.memory_space<vmem>>
      %dma_start3A_268 = arith.constant 0 : i32
      %dma_start3A_269 = arith.constant 0 : i32
      %dma_start3A_270 = tpu.memref_slice %arg14[%dma_start3A_268, %dma_start3A_269] : memref<10008x128xf32, #tpu.memory_space<vmem_shared>> -> memref<10008x128xf32, #tpu.memory_space<vmem_shared>>
      tpu.enqueue_indirect_dma source(%arg8 : memref<128x128xf32, #tpu.memory_space<vmem>>) target(%dma_start3A_270 : memref<10008x128xf32, #tpu.memory_space<vmem_shared>>) offsets(%dma_start3A_267 : memref<128xi32, #tpu.memory_space<vmem>>) semaphore(%run_scoped3A_264 : memref<!tpu.dma_semaphore, #tpu.memory_space<semaphore_mem>>) {add = true}
      %dma_wait3A_271 = arith.constant 128 : i32
      %dma_wait3A_272 = tpu.memref_slice %arg7[%run_scoped3A_189, %dma_wait3A_271] : memref<8x256xi32, #tpu.memory_space<vmem>> -> memref<1x128xi32, #tpu.memory_space<vmem>>
      %dma_wait3A_273 = tpu.memref_squeeze %dma_wait3A_272 : memref<1x128xi32, #tpu.memory_space<vmem>> -> memref<128xi32, #tpu.memory_space<vmem>>
      %dma_wait3A_274 = arith.constant 0 : i32
      %dma_wait3A_275 = arith.constant 0 : i32
      %dma_wait3A_276 = tpu.memref_slice %arg14[%dma_wait3A_274, %dma_wait3A_275] : memref<10008x128xf32, #tpu.memory_space<vmem_shared>> -> memref<10008x128xf32, #tpu.memory_space<vmem_shared>>
      tpu.wait_indirect_dma semaphore(%run_scoped3A_264 : memref<!tpu.dma_semaphore, #tpu.memory_space<semaphore_mem>>) src(%arg8 : memref<128x128xf32, #tpu.memory_space<vmem>>) dst(%dma_wait3A_276 : memref<10008x128xf32, #tpu.memory_space<vmem_shared>>)
      tpu.yield
    }) : () -> ()
    %dma_start3A_190 = arith.constant 4 : i32
    %dma_start3A_191 = arith.constant 0 : i32
    %dma_start3A_192 = tpu.memref_slice %arg7[%dma_start3A_190, %dma_start3A_191] : memref<8x256xi32, #tpu.memory_space<vmem>> -> memref<1x128xi32, #tpu.memory_space<vmem>>
    %dma_start3A_193 = tpu.memref_squeeze %dma_start3A_192 : memref<1x128xi32, #tpu.memory_space<vmem>> -> memref<128xi32, #tpu.memory_space<vmem>>
    %dma_start3A_194 = arith.constant 0 : i32
    %dma_start3A_195 = arith.constant 0 : i32
    %dma_start3A_196 = tpu.memref_slice %arg2[%dma_start3A_194, %dma_start3A_195] : memref<40000x128xf32, #tpu.memory_space<hbm>> -> memref<40000x128xf32, #tpu.memory_space<hbm>>
    tpu.enqueue_indirect_dma source(%dma_start3A_196 : memref<40000x128xf32, #tpu.memory_space<hbm>>) target(%arg8 : memref<128x128xf32, #tpu.memory_space<vmem>>) offsets(%dma_start3A_193 : memref<128xi32, #tpu.memory_space<vmem>>) semaphore(%arg12 : memref<!tpu.dma_semaphore, #tpu.memory_space<semaphore_mem>>)
    %dma_wait3A_197 = arith.constant 0 : i32
    %dma_wait3A_198 = arith.constant 0 : i32
    %dma_wait3A_199 = tpu.memref_slice %arg2[%dma_wait3A_197, %dma_wait3A_198] : memref<40000x128xf32, #tpu.memory_space<hbm>> -> memref<128x128xf32, #tpu.memory_space<hbm>>
    %dma_wait3A_200 = arith.constant 0 : i32
    %dma_wait3A_201 = arith.constant 0 : i32
    %dma_wait3A_202 = tpu.memref_slice %arg2[%dma_wait3A_200, %dma_wait3A_201] : memref<40000x128xf32, #tpu.memory_space<hbm>> -> memref<128x128xf32, #tpu.memory_space<hbm>>
    tpu.wait_dma2 semaphore(%arg13 : memref<!tpu.dma_semaphore, #tpu.memory_space<semaphore_mem>>) src(%dma_wait3A_202 : memref<128x128xf32, #tpu.memory_space<hbm>>) dst(%arg9 : memref<128x128xf32, #tpu.memory_space<vmem>>)
    %run_scoped3A_203 = arith.constant 3 : i32
    "tpu.region"() ({
      %run_scoped3A_264 = tpu.sem_alloc : memref<!tpu.dma_semaphore, #tpu.memory_space<semaphore_mem>>
      %dma_start3A_265 = arith.constant 128 : i32
      %dma_start3A_266 = tpu.memref_slice %arg7[%run_scoped3A_203, %dma_start3A_265] : memref<8x256xi32, #tpu.memory_space<vmem>> -> memref<1x128xi32, #tpu.memory_space<vmem>>
      %dma_start3A_267 = tpu.memref_squeeze %dma_start3A_266 : memref<1x128xi32, #tpu.memory_space<vmem>> -> memref<128xi32, #tpu.memory_space<vmem>>
      %dma_start3A_268 = arith.constant 0 : i32
      %dma_start3A_269 = arith.constant 0 : i32
      %dma_start3A_270 = tpu.memref_slice %arg14[%dma_start3A_268, %dma_start3A_269] : memref<10008x128xf32, #tpu.memory_space<vmem_shared>> -> memref<10008x128xf32, #tpu.memory_space<vmem_shared>>
      tpu.enqueue_indirect_dma source(%arg9 : memref<128x128xf32, #tpu.memory_space<vmem>>) target(%dma_start3A_270 : memref<10008x128xf32, #tpu.memory_space<vmem_shared>>) offsets(%dma_start3A_267 : memref<128xi32, #tpu.memory_space<vmem>>) semaphore(%run_scoped3A_264 : memref<!tpu.dma_semaphore, #tpu.memory_space<semaphore_mem>>) {add = true}
      %dma_wait3A_271 = arith.constant 128 : i32
      %dma_wait3A_272 = tpu.memref_slice %arg7[%run_scoped3A_203, %dma_wait3A_271] : memref<8x256xi32, #tpu.memory_space<vmem>> -> memref<1x128xi32, #tpu.memory_space<vmem>>
      %dma_wait3A_273 = tpu.memref_squeeze %dma_wait3A_272 : memref<1x128xi32, #tpu.memory_space<vmem>> -> memref<128xi32, #tpu.memory_space<vmem>>
      %dma_wait3A_274 = arith.constant 0 : i32
      %dma_wait3A_275 = arith.constant 0 : i32
      %dma_wait3A_276 = tpu.memref_slice %arg14[%dma_wait3A_274, %dma_wait3A_275] : memref<10008x128xf32, #tpu.memory_space<vmem_shared>> -> memref<10008x128xf32, #tpu.memory_space<vmem_shared>>
      tpu.wait_indirect_dma semaphore(%run_scoped3A_264 : memref<!tpu.dma_semaphore, #tpu.memory_space<semaphore_mem>>) src(%arg9 : memref<128x128xf32, #tpu.memory_space<vmem>>) dst(%dma_wait3A_276 : memref<10008x128xf32, #tpu.memory_space<vmem_shared>>)
      tpu.yield
    }) : () -> ()
    %dma_start3A_204 = arith.constant 5 : i32
    %dma_start3A_205 = arith.constant 0 : i32
    %dma_start3A_206 = tpu.memref_slice %arg7[%dma_start3A_204, %dma_start3A_205] : memref<8x256xi32, #tpu.memory_space<vmem>> -> memref<1x128xi32, #tpu.memory_space<vmem>>
    %dma_start3A_207 = tpu.memref_squeeze %dma_start3A_206 : memref<1x128xi32, #tpu.memory_space<vmem>> -> memref<128xi32, #tpu.memory_space<vmem>>
    %dma_start3A_208 = arith.constant 0 : i32
    %dma_start3A_209 = arith.constant 0 : i32
    %dma_start3A_210 = tpu.memref_slice %arg2[%dma_start3A_208, %dma_start3A_209] : memref<40000x128xf32, #tpu.memory_space<hbm>> -> memref<40000x128xf32, #tpu.memory_space<hbm>>
    tpu.enqueue_indirect_dma source(%dma_start3A_210 : memref<40000x128xf32, #tpu.memory_space<hbm>>) target(%arg9 : memref<128x128xf32, #tpu.memory_space<vmem>>) offsets(%dma_start3A_207 : memref<128xi32, #tpu.memory_space<vmem>>) semaphore(%arg13 : memref<!tpu.dma_semaphore, #tpu.memory_space<semaphore_mem>>)
    %dma_wait3A_211 = arith.constant 0 : i32
    %dma_wait3A_212 = arith.constant 0 : i32
    %dma_wait3A_213 = tpu.memref_slice %arg2[%dma_wait3A_211, %dma_wait3A_212] : memref<40000x128xf32, #tpu.memory_space<hbm>> -> memref<128x128xf32, #tpu.memory_space<hbm>>
    %dma_wait3A_214 = arith.constant 0 : i32
    %dma_wait3A_215 = arith.constant 0 : i32
    %dma_wait3A_216 = tpu.memref_slice %arg2[%dma_wait3A_214, %dma_wait3A_215] : memref<40000x128xf32, #tpu.memory_space<hbm>> -> memref<128x128xf32, #tpu.memory_space<hbm>>
    tpu.wait_dma2 semaphore(%arg12 : memref<!tpu.dma_semaphore, #tpu.memory_space<semaphore_mem>>) src(%dma_wait3A_216 : memref<128x128xf32, #tpu.memory_space<hbm>>) dst(%arg8 : memref<128x128xf32, #tpu.memory_space<vmem>>)
    %run_scoped3A_217 = arith.constant 4 : i32
    "tpu.region"() ({
      %run_scoped3A_264 = tpu.sem_alloc : memref<!tpu.dma_semaphore, #tpu.memory_space<semaphore_mem>>
      %dma_start3A_265 = arith.constant 128 : i32
      %dma_start3A_266 = tpu.memref_slice %arg7[%run_scoped3A_217, %dma_start3A_265] : memref<8x256xi32, #tpu.memory_space<vmem>> -> memref<1x128xi32, #tpu.memory_space<vmem>>
      %dma_start3A_267 = tpu.memref_squeeze %dma_start3A_266 : memref<1x128xi32, #tpu.memory_space<vmem>> -> memref<128xi32, #tpu.memory_space<vmem>>
      %dma_start3A_268 = arith.constant 0 : i32
      %dma_start3A_269 = arith.constant 0 : i32
      %dma_start3A_270 = tpu.memref_slice %arg14[%dma_start3A_268, %dma_start3A_269] : memref<10008x128xf32, #tpu.memory_space<vmem_shared>> -> memref<10008x128xf32, #tpu.memory_space<vmem_shared>>
      tpu.enqueue_indirect_dma source(%arg8 : memref<128x128xf32, #tpu.memory_space<vmem>>) target(%dma_start3A_270 : memref<10008x128xf32, #tpu.memory_space<vmem_shared>>) offsets(%dma_start3A_267 : memref<128xi32, #tpu.memory_space<vmem>>) semaphore(%run_scoped3A_264 : memref<!tpu.dma_semaphore, #tpu.memory_space<semaphore_mem>>) {add = true}
      %dma_wait3A_271 = arith.constant 128 : i32
      %dma_wait3A_272 = tpu.memref_slice %arg7[%run_scoped3A_217, %dma_wait3A_271] : memref<8x256xi32, #tpu.memory_space<vmem>> -> memref<1x128xi32, #tpu.memory_space<vmem>>
      %dma_wait3A_273 = tpu.memref_squeeze %dma_wait3A_272 : memref<1x128xi32, #tpu.memory_space<vmem>> -> memref<128xi32, #tpu.memory_space<vmem>>
      %dma_wait3A_274 = arith.constant 0 : i32
      %dma_wait3A_275 = arith.constant 0 : i32
      %dma_wait3A_276 = tpu.memref_slice %arg14[%dma_wait3A_274, %dma_wait3A_275] : memref<10008x128xf32, #tpu.memory_space<vmem_shared>> -> memref<10008x128xf32, #tpu.memory_space<vmem_shared>>
      tpu.wait_indirect_dma semaphore(%run_scoped3A_264 : memref<!tpu.dma_semaphore, #tpu.memory_space<semaphore_mem>>) src(%arg8 : memref<128x128xf32, #tpu.memory_space<vmem>>) dst(%dma_wait3A_276 : memref<10008x128xf32, #tpu.memory_space<vmem_shared>>)
      tpu.yield
    }) : () -> ()
    %dma_start3A_218 = arith.constant 6 : i32
    %dma_start3A_219 = arith.constant 0 : i32
    %dma_start3A_220 = tpu.memref_slice %arg7[%dma_start3A_218, %dma_start3A_219] : memref<8x256xi32, #tpu.memory_space<vmem>> -> memref<1x128xi32, #tpu.memory_space<vmem>>
    %dma_start3A_221 = tpu.memref_squeeze %dma_start3A_220 : memref<1x128xi32, #tpu.memory_space<vmem>> -> memref<128xi32, #tpu.memory_space<vmem>>
    %dma_start3A_222 = arith.constant 0 : i32
    %dma_start3A_223 = arith.constant 0 : i32
    %dma_start3A_224 = tpu.memref_slice %arg2[%dma_start3A_222, %dma_start3A_223] : memref<40000x128xf32, #tpu.memory_space<hbm>> -> memref<40000x128xf32, #tpu.memory_space<hbm>>
    tpu.enqueue_indirect_dma source(%dma_start3A_224 : memref<40000x128xf32, #tpu.memory_space<hbm>>) target(%arg8 : memref<128x128xf32, #tpu.memory_space<vmem>>) offsets(%dma_start3A_221 : memref<128xi32, #tpu.memory_space<vmem>>) semaphore(%arg12 : memref<!tpu.dma_semaphore, #tpu.memory_space<semaphore_mem>>)
    %dma_wait3A_225 = arith.constant 0 : i32
    %dma_wait3A_226 = arith.constant 0 : i32
    %dma_wait3A_227 = tpu.memref_slice %arg2[%dma_wait3A_225, %dma_wait3A_226] : memref<40000x128xf32, #tpu.memory_space<hbm>> -> memref<128x128xf32, #tpu.memory_space<hbm>>
    %dma_wait3A_228 = arith.constant 0 : i32
    %dma_wait3A_229 = arith.constant 0 : i32
    %dma_wait3A_230 = tpu.memref_slice %arg2[%dma_wait3A_228, %dma_wait3A_229] : memref<40000x128xf32, #tpu.memory_space<hbm>> -> memref<128x128xf32, #tpu.memory_space<hbm>>
    tpu.wait_dma2 semaphore(%arg13 : memref<!tpu.dma_semaphore, #tpu.memory_space<semaphore_mem>>) src(%dma_wait3A_230 : memref<128x128xf32, #tpu.memory_space<hbm>>) dst(%arg9 : memref<128x128xf32, #tpu.memory_space<vmem>>)
    %run_scoped3A_231 = arith.constant 5 : i32
    "tpu.region"() ({
      %run_scoped3A_264 = tpu.sem_alloc : memref<!tpu.dma_semaphore, #tpu.memory_space<semaphore_mem>>
      %dma_start3A_265 = arith.constant 128 : i32
      %dma_start3A_266 = tpu.memref_slice %arg7[%run_scoped3A_231, %dma_start3A_265] : memref<8x256xi32, #tpu.memory_space<vmem>> -> memref<1x128xi32, #tpu.memory_space<vmem>>
      %dma_start3A_267 = tpu.memref_squeeze %dma_start3A_266 : memref<1x128xi32, #tpu.memory_space<vmem>> -> memref<128xi32, #tpu.memory_space<vmem>>
      %dma_start3A_268 = arith.constant 0 : i32
      %dma_start3A_269 = arith.constant 0 : i32
      %dma_start3A_270 = tpu.memref_slice %arg14[%dma_start3A_268, %dma_start3A_269] : memref<10008x128xf32, #tpu.memory_space<vmem_shared>> -> memref<10008x128xf32, #tpu.memory_space<vmem_shared>>
      tpu.enqueue_indirect_dma source(%arg9 : memref<128x128xf32, #tpu.memory_space<vmem>>) target(%dma_start3A_270 : memref<10008x128xf32, #tpu.memory_space<vmem_shared>>) offsets(%dma_start3A_267 : memref<128xi32, #tpu.memory_space<vmem>>) semaphore(%run_scoped3A_264 : memref<!tpu.dma_semaphore, #tpu.memory_space<semaphore_mem>>) {add = true}
      %dma_wait3A_271 = arith.constant 128 : i32
      %dma_wait3A_272 = tpu.memref_slice %arg7[%run_scoped3A_231, %dma_wait3A_271] : memref<8x256xi32, #tpu.memory_space<vmem>> -> memref<1x128xi32, #tpu.memory_space<vmem>>
      %dma_wait3A_273 = tpu.memref_squeeze %dma_wait3A_272 : memref<1x128xi32, #tpu.memory_space<vmem>> -> memref<128xi32, #tpu.memory_space<vmem>>
      %dma_wait3A_274 = arith.constant 0 : i32
      %dma_wait3A_275 = arith.constant 0 : i32
      %dma_wait3A_276 = tpu.memref_slice %arg14[%dma_wait3A_274, %dma_wait3A_275] : memref<10008x128xf32, #tpu.memory_space<vmem_shared>> -> memref<10008x128xf32, #tpu.memory_space<vmem_shared>>
      tpu.wait_indirect_dma semaphore(%run_scoped3A_264 : memref<!tpu.dma_semaphore, #tpu.memory_space<semaphore_mem>>) src(%arg9 : memref<128x128xf32, #tpu.memory_space<vmem>>) dst(%dma_wait3A_276 : memref<10008x128xf32, #tpu.memory_space<vmem_shared>>)
      tpu.yield
    }) : () -> ()
    %dma_start3A_232 = arith.constant 7 : i32
    %dma_start3A_233 = arith.constant 0 : i32
    %dma_start3A_234 = tpu.memref_slice %arg7[%dma_start3A_232, %dma_start3A_233] : memref<8x256xi32, #tpu.memory_space<vmem>> -> memref<1x128xi32, #tpu.memory_space<vmem>>
    %dma_start3A_235 = tpu.memref_squeeze %dma_start3A_234 : memref<1x128xi32, #tpu.memory_space<vmem>> -> memref<128xi32, #tpu.memory_space<vmem>>
    %dma_start3A_236 = arith.constant 0 : i32
    %dma_start3A_237 = arith.constant 0 : i32
    %dma_start3A_238 = tpu.memref_slice %arg2[%dma_start3A_236, %dma_start3A_237] : memref<40000x128xf32, #tpu.memory_space<hbm>> -> memref<40000x128xf32, #tpu.memory_space<hbm>>
    tpu.enqueue_indirect_dma source(%dma_start3A_238 : memref<40000x128xf32, #tpu.memory_space<hbm>>) target(%arg9 : memref<128x128xf32, #tpu.memory_space<vmem>>) offsets(%dma_start3A_235 : memref<128xi32, #tpu.memory_space<vmem>>) semaphore(%arg13 : memref<!tpu.dma_semaphore, #tpu.memory_space<semaphore_mem>>)
    %dma_wait3A_239 = arith.constant 0 : i32
    %dma_wait3A_240 = arith.constant 0 : i32
    %dma_wait3A_241 = tpu.memref_slice %arg2[%dma_wait3A_239, %dma_wait3A_240] : memref<40000x128xf32, #tpu.memory_space<hbm>> -> memref<128x128xf32, #tpu.memory_space<hbm>>
    %dma_wait3A_242 = arith.constant 0 : i32
    %dma_wait3A_243 = arith.constant 0 : i32
    %dma_wait3A_244 = tpu.memref_slice %arg2[%dma_wait3A_242, %dma_wait3A_243] : memref<40000x128xf32, #tpu.memory_space<hbm>> -> memref<128x128xf32, #tpu.memory_space<hbm>>
    tpu.wait_dma2 semaphore(%arg12 : memref<!tpu.dma_semaphore, #tpu.memory_space<semaphore_mem>>) src(%dma_wait3A_244 : memref<128x128xf32, #tpu.memory_space<hbm>>) dst(%arg8 : memref<128x128xf32, #tpu.memory_space<vmem>>)
    %run_scoped3A_245 = arith.constant 6 : i32
    "tpu.region"() ({
      %run_scoped3A_264 = tpu.sem_alloc : memref<!tpu.dma_semaphore, #tpu.memory_space<semaphore_mem>>
      %dma_start3A_265 = arith.constant 128 : i32
      %dma_start3A_266 = tpu.memref_slice %arg7[%run_scoped3A_245, %dma_start3A_265] : memref<8x256xi32, #tpu.memory_space<vmem>> -> memref<1x128xi32, #tpu.memory_space<vmem>>
      %dma_start3A_267 = tpu.memref_squeeze %dma_start3A_266 : memref<1x128xi32, #tpu.memory_space<vmem>> -> memref<128xi32, #tpu.memory_space<vmem>>
      %dma_start3A_268 = arith.constant 0 : i32
      %dma_start3A_269 = arith.constant 0 : i32
      %dma_start3A_270 = tpu.memref_slice %arg14[%dma_start3A_268, %dma_start3A_269] : memref<10008x128xf32, #tpu.memory_space<vmem_shared>> -> memref<10008x128xf32, #tpu.memory_space<vmem_shared>>
      tpu.enqueue_indirect_dma source(%arg8 : memref<128x128xf32, #tpu.memory_space<vmem>>) target(%dma_start3A_270 : memref<10008x128xf32, #tpu.memory_space<vmem_shared>>) offsets(%dma_start3A_267 : memref<128xi32, #tpu.memory_space<vmem>>) semaphore(%run_scoped3A_264 : memref<!tpu.dma_semaphore, #tpu.memory_space<semaphore_mem>>) {add = true}
      %dma_wait3A_271 = arith.constant 128 : i32
      %dma_wait3A_272 = tpu.memref_slice %arg7[%run_scoped3A_245, %dma_wait3A_271] : memref<8x256xi32, #tpu.memory_space<vmem>> -> memref<1x128xi32, #tpu.memory_space<vmem>>
      %dma_wait3A_273 = tpu.memref_squeeze %dma_wait3A_272 : memref<1x128xi32, #tpu.memory_space<vmem>> -> memref<128xi32, #tpu.memory_space<vmem>>
      %dma_wait3A_274 = arith.constant 0 : i32
      %dma_wait3A_275 = arith.constant 0 : i32
      %dma_wait3A_276 = tpu.memref_slice %arg14[%dma_wait3A_274, %dma_wait3A_275] : memref<10008x128xf32, #tpu.memory_space<vmem_shared>> -> memref<10008x128xf32, #tpu.memory_space<vmem_shared>>
      tpu.wait_indirect_dma semaphore(%run_scoped3A_264 : memref<!tpu.dma_semaphore, #tpu.memory_space<semaphore_mem>>) src(%arg8 : memref<128x128xf32, #tpu.memory_space<vmem>>) dst(%dma_wait3A_276 : memref<10008x128xf32, #tpu.memory_space<vmem_shared>>)
      tpu.yield
    }) : () -> ()
    %dma_wait3A_246 = arith.constant 0 : i32
    %dma_wait3A_247 = arith.constant 0 : i32
    %dma_wait3A_248 = tpu.memref_slice %arg2[%dma_wait3A_246, %dma_wait3A_247] : memref<40000x128xf32, #tpu.memory_space<hbm>> -> memref<128x128xf32, #tpu.memory_space<hbm>>
    %dma_wait3A_249 = arith.constant 0 : i32
    %dma_wait3A_250 = arith.constant 0 : i32
    %dma_wait3A_251 = tpu.memref_slice %arg2[%dma_wait3A_249, %dma_wait3A_250] : memref<40000x128xf32, #tpu.memory_space<hbm>> -> memref<128x128xf32, #tpu.memory_space<hbm>>
    tpu.wait_dma2 semaphore(%arg13 : memref<!tpu.dma_semaphore, #tpu.memory_space<semaphore_mem>>) src(%dma_wait3A_251 : memref<128x128xf32, #tpu.memory_space<hbm>>) dst(%arg9 : memref<128x128xf32, #tpu.memory_space<vmem>>)
    %run_scoped3A_252 = arith.constant 7 : i32
    "tpu.region"() ({
      %run_scoped3A_264 = tpu.sem_alloc : memref<!tpu.dma_semaphore, #tpu.memory_space<semaphore_mem>>
      %dma_start3A_265 = arith.constant 128 : i32
      %dma_start3A_266 = tpu.memref_slice %arg7[%run_scoped3A_252, %dma_start3A_265] : memref<8x256xi32, #tpu.memory_space<vmem>> -> memref<1x128xi32, #tpu.memory_space<vmem>>
      %dma_start3A_267 = tpu.memref_squeeze %dma_start3A_266 : memref<1x128xi32, #tpu.memory_space<vmem>> -> memref<128xi32, #tpu.memory_space<vmem>>
      %dma_start3A_268 = arith.constant 0 : i32
      %dma_start3A_269 = arith.constant 0 : i32
      %dma_start3A_270 = tpu.memref_slice %arg14[%dma_start3A_268, %dma_start3A_269] : memref<10008x128xf32, #tpu.memory_space<vmem_shared>> -> memref<10008x128xf32, #tpu.memory_space<vmem_shared>>
      tpu.enqueue_indirect_dma source(%arg9 : memref<128x128xf32, #tpu.memory_space<vmem>>) target(%dma_start3A_270 : memref<10008x128xf32, #tpu.memory_space<vmem_shared>>) offsets(%dma_start3A_267 : memref<128xi32, #tpu.memory_space<vmem>>) semaphore(%run_scoped3A_264 : memref<!tpu.dma_semaphore, #tpu.memory_space<semaphore_mem>>) {add = true}
      %dma_wait3A_271 = arith.constant 128 : i32
      %dma_wait3A_272 = tpu.memref_slice %arg7[%run_scoped3A_252, %dma_wait3A_271] : memref<8x256xi32, #tpu.memory_space<vmem>> -> memref<1x128xi32, #tpu.memory_space<vmem>>
      %dma_wait3A_273 = tpu.memref_squeeze %dma_wait3A_272 : memref<1x128xi32, #tpu.memory_space<vmem>> -> memref<128xi32, #tpu.memory_space<vmem>>
      %dma_wait3A_274 = arith.constant 0 : i32
      %dma_wait3A_275 = arith.constant 0 : i32
      %dma_wait3A_276 = tpu.memref_slice %arg14[%dma_wait3A_274, %dma_wait3A_275] : memref<10008x128xf32, #tpu.memory_space<vmem_shared>> -> memref<10008x128xf32, #tpu.memory_space<vmem_shared>>
      tpu.wait_indirect_dma semaphore(%run_scoped3A_264 : memref<!tpu.dma_semaphore, #tpu.memory_space<semaphore_mem>>) src(%arg9 : memref<128x128xf32, #tpu.memory_space<vmem>>) dst(%dma_wait3A_276 : memref<10008x128xf32, #tpu.memory_space<vmem_shared>>)
      tpu.yield
    }) : () -> ()
    %barrier3A_253 = arith.constant 0 : index
    tpu.barrier barrier_id(%barrier3A_253)
    %lt3A_254 = arith.constant 15 : i32
    %lt3A_255 = arith.cmpi slt, %arg1, %lt3A_254 : i32
    %convert_element_type3A_256 = arith.extui %lt3A_255 : i1 to i32
    %cond3A_257 = arith.constant 0 : i32
    %cond3A_258 = arith.cmpi ne, %convert_element_type3A_256, %cond3A_257 : i32
    scf.if %cond3A_258 {
      %mul3A_264 = arith.constant 624 : i32
      %mul3A_265 = arith.muli %arg1, %mul3A_264 : i32
      %mul3A_266 = arith.constant 624 : i32
      %mul3A_267 = arith.muli %arg1, %mul3A_266 : i32
      "tpu.region"() ({
        %run_scoped3A_268 = tpu.sem_alloc : memref<!tpu.dma_semaphore, #tpu.memory_space<semaphore_mem>>
        %dma_start3A_269 = arith.constant 0 : i32
        %dma_start3A_270 = tpu.memref_slice %arg5[%arg0, %mul3A_267, %dma_start3A_269] : memref<2x10000x128xf32, #tpu.memory_space<hbm>> -> memref<1x624x128xf32, #tpu.memory_space<hbm>>
        %dma_start3A_271 = tpu.memref_squeeze %dma_start3A_270 : memref<1x624x128xf32, #tpu.memory_space<hbm>> -> memref<624x128xf32, #tpu.memory_space<hbm>>
        %dma_start3A_272 = arith.constant 0 : i32
        %dma_start3A_273 = tpu.memref_slice %arg14[%mul3A_265, %dma_start3A_272] : memref<10008x128xf32, #tpu.memory_space<vmem_shared>> -> memref<624x128xf32, #tpu.memory_space<vmem_shared>>
        tpu.enqueue_dma source(%dma_start3A_273 : memref<624x128xf32, #tpu.memory_space<vmem_shared>>) target(%dma_start3A_271 : memref<624x128xf32, #tpu.memory_space<hbm>>) target_semaphore(%run_scoped3A_268 : memref<!tpu.dma_semaphore, #tpu.memory_space<semaphore_mem>>)
        %dma_wait3A_274 = arith.constant 0 : i32
        %dma_wait3A_275 = tpu.memref_slice %arg5[%arg0, %mul3A_267, %dma_wait3A_274] : memref<2x10000x128xf32, #tpu.memory_space<hbm>> -> memref<1x624x128xf32, #tpu.memory_space<hbm>>
        %dma_wait3A_276 = tpu.memref_squeeze %dma_wait3A_275 : memref<1x624x128xf32, #tpu.memory_space<hbm>> -> memref<624x128xf32, #tpu.memory_space<hbm>>
        %dma_wait3A_277 = arith.constant 0 : i32
        %dma_wait3A_278 = tpu.memref_slice %arg14[%mul3A_265, %dma_wait3A_277] : memref<10008x128xf32, #tpu.memory_space<vmem_shared>> -> memref<624x128xf32, #tpu.memory_space<vmem_shared>>
        tpu.wait_dma2 semaphore(%run_scoped3A_268 : memref<!tpu.dma_semaphore, #tpu.memory_space<semaphore_mem>>) src(%dma_wait3A_278 : memref<624x128xf32, #tpu.memory_space<vmem_shared>>) dst(%dma_wait3A_276 : memref<624x128xf32, #tpu.memory_space<hbm>>)
        tpu.yield
      }) : () -> ()
    } else {
    }
    %eq3A_259 = arith.constant 15 : i32
    %eq3A_260 = arith.cmpi eq, %arg1, %eq3A_259 : i32
    %convert_element_type3A_261 = arith.extui %eq3A_260 : i1 to i32
    %cond3A_262 = arith.constant 0 : i32
    %cond3A_263 = arith.cmpi ne, %convert_element_type3A_261, %cond3A_262 : i32
    scf.if %cond3A_263 {
      "tpu.region"() ({
        %run_scoped3A_264 = tpu.sem_alloc : memref<!tpu.dma_semaphore, #tpu.memory_space<semaphore_mem>>
        %dma_start3A_265 = arith.constant 9360 : i32
        %dma_start3A_266 = arith.constant 0 : i32
        %dma_start3A_267 = tpu.memref_slice %arg5[%arg0, %dma_start3A_265, %dma_start3A_266] : memref<2x10000x128xf32, #tpu.memory_space<hbm>> -> memref<1x640x128xf32, #tpu.memory_space<hbm>>
        %dma_start3A_268 = tpu.memref_squeeze %dma_start3A_267 : memref<1x640x128xf32, #tpu.memory_space<hbm>> -> memref<640x128xf32, #tpu.memory_space<hbm>>
        %dma_start3A_269 = arith.constant 9360 : i32
        %dma_start3A_270 = arith.constant 0 : i32
        %dma_start3A_271 = tpu.memref_slice %arg14[%dma_start3A_269, %dma_start3A_270] : memref<10008x128xf32, #tpu.memory_space<vmem_shared>> -> memref<640x128xf32, #tpu.memory_space<vmem_shared>>
        tpu.enqueue_dma source(%dma_start3A_271 : memref<640x128xf32, #tpu.memory_space<vmem_shared>>) target(%dma_start3A_268 : memref<640x128xf32, #tpu.memory_space<hbm>>) target_semaphore(%run_scoped3A_264 : memref<!tpu.dma_semaphore, #tpu.memory_space<semaphore_mem>>)
        %dma_wait3A_272 = arith.constant 9360 : i32
        %dma_wait3A_273 = arith.constant 0 : i32
        %dma_wait3A_274 = tpu.memref_slice %arg5[%arg0, %dma_wait3A_272, %dma_wait3A_273] : memref<2x10000x128xf32, #tpu.memory_space<hbm>> -> memref<1x640x128xf32, #tpu.memory_space<hbm>>
        %dma_wait3A_275 = tpu.memref_squeeze %dma_wait3A_274 : memref<1x640x128xf32, #tpu.memory_space<hbm>> -> memref<640x128xf32, #tpu.memory_space<hbm>>
        %dma_wait3A_276 = arith.constant 9360 : i32
        %dma_wait3A_277 = arith.constant 0 : i32
        %dma_wait3A_278 = tpu.memref_slice %arg14[%dma_wait3A_276, %dma_wait3A_277] : memref<10008x128xf32, #tpu.memory_space<vmem_shared>> -> memref<640x128xf32, #tpu.memory_space<vmem_shared>>
        tpu.wait_dma2 semaphore(%run_scoped3A_264 : memref<!tpu.dma_semaphore, #tpu.memory_space<semaphore_mem>>) src(%dma_wait3A_278 : memref<640x128xf32, #tpu.memory_space<vmem_shared>>) dst(%dma_wait3A_275 : memref<640x128xf32, #tpu.memory_space<hbm>>)
        tpu.yield
      }) : () -> ()
    } else {
    }
    return
  }
}

#map = affine_map<(d0, d1) -> (0, 0)>
#map1 = affine_map<(d0, d1) -> (0, 0, 0, 0)>
#map2 = affine_map<(d0, d1) -> (0, 0, 0)>
module attributes {stable_mosaic.version = 14 : i64} {
  func.func @_sc_aggr_body(%arg0: i32, %arg1: i32, %arg2: memref<40000x128xf32, #tpu.memory_space<hbm>>, %arg3: memref<32x10x8x256xi32, #tpu.memory_space<hbm>>, %arg4: memref<10000x128xf32, #tpu.memory_space<hbm>>, %arg5: memref<2x10000x128xf32, #tpu.memory_space<hbm>>, %arg6: memref<8x256xi32, #tpu.memory_space<vmem>>, %arg7: memref<8x256xi32, #tpu.memory_space<vmem>>, %arg8: memref<128x128xf32, #tpu.memory_space<vmem>>, %arg9: memref<128x128xf32, #tpu.memory_space<vmem>>, %arg10: memref<!tpu.dma_semaphore, #tpu.memory_space<semaphore_mem>>, %arg11: memref<!tpu.dma_semaphore, #tpu.memory_space<semaphore_mem>>, %arg12: memref<!tpu.dma_semaphore, #tpu.memory_space<semaphore_mem>>, %arg13: memref<!tpu.dma_semaphore, #tpu.memory_space<semaphore_mem>>, %arg14: memref<10008x128xf32, #tpu.memory_space<vmem_shared>>) attributes {dimension_semantics = [#tpu.dimension_semantics<core_parallel>, #tpu.dimension_semantics<subcore_parallel>], iteration_bounds = array<i64: 2, 16>, scalar_prefetch = 0 : i64, scratch_operands = 9 : i64, tpu.core_type = #tpu.core_type<sc_vector_subcore>, window_params = [{transform_indices = #map}, {transform_indices = #map1}, {transform_indices = #map}, {transform_indices = #map2}]} {
    %mul3A = arith.constant 2 : i32
    %mul3A_0 = arith.muli %arg1, %mul3A : i32
    %add3A = arith.addi %mul3A_0, %arg0 : i32
    %lt3A = arith.constant 15 : i32
    %lt3A_1 = arith.cmpi slt, %arg1, %lt3A : i32
    %convert_element_type3A = arith.extui %lt3A_1 : i1 to i32
    %cond3A = arith.constant 0 : i32
    %cond3A_2 = arith.cmpi ne, %convert_element_type3A, %cond3A : i32
    scf.if %cond3A_2 {
      %mul3A_264 = arith.constant 624 : i32
      %mul3A_265 = arith.muli %arg1, %mul3A_264 : i32
      %mul3A_266 = arith.constant 624 : i32
      %mul3A_267 = arith.muli %arg1, %mul3A_266 : i32
      "tpu.region"() ({
        %run_scoped3A_268 = tpu.sem_alloc : memref<!tpu.dma_semaphore, #tpu.memory_space<semaphore_mem>>
        %dma_start3A_269 = arith.constant 0 : i32
        %dma_start3A_270 = tpu.memref_slice %arg14[%mul3A_267, %dma_start3A_269] : memref<10008x128xf32, #tpu.memory_space<vmem_shared>> -> memref<624x128xf32, #tpu.memory_space<vmem_shared>>
        %dma_start3A_271 = arith.constant 0 : i32
        %dma_start3A_272 = tpu.memref_slice %arg4[%mul3A_265, %dma_start3A_271] : memref<10000x128xf32, #tpu.memory_space<hbm>> -> memref<624x128xf32, #tpu.memory_space<hbm>>
        tpu.enqueue_dma source(%dma_start3A_272 : memref<624x128xf32, #tpu.memory_space<hbm>>) target(%dma_start3A_270 : memref<624x128xf32, #tpu.memory_space<vmem_shared>>) target_semaphore(%run_scoped3A_268 : memref<!tpu.dma_semaphore, #tpu.memory_space<semaphore_mem>>)
        %dma_wait3A_273 = arith.constant 0 : i32
        %dma_wait3A_274 = tpu.memref_slice %arg14[%mul3A_267, %dma_wait3A_273] : memref<10008x128xf32, #tpu.memory_space<vmem_shared>> -> memref<624x128xf32, #tpu.memory_space<vmem_shared>>
        %dma_wait3A_275 = arith.constant 0 : i32
        %dma_wait3A_276 = tpu.memref_slice %arg4[%mul3A_265, %dma_wait3A_275] : memref<10000x128xf32, #tpu.memory_space<hbm>> -> memref<624x128xf32, #tpu.memory_space<hbm>>
        tpu.wait_dma2 semaphore(%run_scoped3A_268 : memref<!tpu.dma_semaphore, #tpu.memory_space<semaphore_mem>>) src(%dma_wait3A_276 : memref<624x128xf32, #tpu.memory_space<hbm>>) dst(%dma_wait3A_274 : memref<624x128xf32, #tpu.memory_space<vmem_shared>>)
        tpu.yield
      }) : () -> ()
    } else {
    }
    %eq3A = arith.constant 15 : i32
    %eq3A_3 = arith.cmpi eq, %arg1, %eq3A : i32
    %convert_element_type3A_4 = arith.extui %eq3A_3 : i1 to i32
    %cond3A_5 = arith.constant 0 : i32
    %cond3A_6 = arith.cmpi ne, %convert_element_type3A_4, %cond3A_5 : i32
    scf.if %cond3A_6 {
      "tpu.region"() ({
        %run_scoped3A_264 = tpu.sem_alloc : memref<!tpu.dma_semaphore, #tpu.memory_space<semaphore_mem>>
        %dma_start3A_265 = arith.constant 9360 : i32
        %dma_start3A_266 = arith.constant 0 : i32
        %dma_start3A_267 = tpu.memref_slice %arg14[%dma_start3A_265, %dma_start3A_266] : memref<10008x128xf32, #tpu.memory_space<vmem_shared>> -> memref<640x128xf32, #tpu.memory_space<vmem_shared>>
        %dma_start3A_268 = arith.constant 9360 : i32
        %dma_start3A_269 = arith.constant 0 : i32
        %dma_start3A_270 = tpu.memref_slice %arg4[%dma_start3A_268, %dma_start3A_269] : memref<10000x128xf32, #tpu.memory_space<hbm>> -> memref<640x128xf32, #tpu.memory_space<hbm>>
        tpu.enqueue_dma source(%dma_start3A_270 : memref<640x128xf32, #tpu.memory_space<hbm>>) target(%dma_start3A_267 : memref<640x128xf32, #tpu.memory_space<vmem_shared>>) target_semaphore(%run_scoped3A_264 : memref<!tpu.dma_semaphore, #tpu.memory_space<semaphore_mem>>)
        %dma_wait3A_271 = arith.constant 9360 : i32
        %dma_wait3A_272 = arith.constant 0 : i32
        %dma_wait3A_273 = tpu.memref_slice %arg14[%dma_wait3A_271, %dma_wait3A_272] : memref<10008x128xf32, #tpu.memory_space<vmem_shared>> -> memref<640x128xf32, #tpu.memory_space<vmem_shared>>
        %dma_wait3A_274 = arith.constant 9360 : i32
        %dma_wait3A_275 = arith.constant 0 : i32
        %dma_wait3A_276 = tpu.memref_slice %arg4[%dma_wait3A_274, %dma_wait3A_275] : memref<10000x128xf32, #tpu.memory_space<hbm>> -> memref<640x128xf32, #tpu.memory_space<hbm>>
        tpu.wait_dma2 semaphore(%run_scoped3A_264 : memref<!tpu.dma_semaphore, #tpu.memory_space<semaphore_mem>>) src(%dma_wait3A_276 : memref<640x128xf32, #tpu.memory_space<hbm>>) dst(%dma_wait3A_273 : memref<640x128xf32, #tpu.memory_space<vmem_shared>>)
        tpu.yield
      }) : () -> ()
    } else {
    }
    %run_scoped3A = arith.constant 0 : i32
    "tpu.region"() ({
      %run_scoped3A_264 = tpu.sem_alloc : memref<!tpu.dma_semaphore, #tpu.memory_space<semaphore_mem>>
      %dma_start3A_265 = arith.constant 0 : i32
      %dma_start3A_266 = arith.constant 0 : i32
      %dma_start3A_267 = tpu.memref_slice %arg3[%add3A, %run_scoped3A, %dma_start3A_265, %dma_start3A_266] : memref<32x10x8x256xi32, #tpu.memory_space<hbm>> -> memref<1x1x8x256xi32, #tpu.memory_space<hbm>>
      %dma_start3A_268 = tpu.memref_squeeze %dma_start3A_267 : memref<1x1x8x256xi32, #tpu.memory_space<hbm>> -> memref<8x256xi32, #tpu.memory_space<hbm>>
      %dma_start3A_269 = arith.constant 0 : i32
      %dma_start3A_270 = arith.constant 0 : i32
      %dma_start3A_271 = tpu.memref_slice %arg3[%add3A, %run_scoped3A, %dma_start3A_269, %dma_start3A_270] : memref<32x10x8x256xi32, #tpu.memory_space<hbm>> -> memref<1x1x8x256xi32, #tpu.memory_space<hbm>>
      %dma_start3A_272 = tpu.memref_squeeze %dma_start3A_271 : memref<1x1x8x256xi32, #tpu.memory_space<hbm>> -> memref<8x256xi32, #tpu.memory_space<hbm>>
      tpu.enqueue_dma source(%dma_start3A_272 : memref<8x256xi32, #tpu.memory_space<hbm>>) target(%arg6 : memref<8x256xi32, #tpu.memory_space<vmem>>) target_semaphore(%run_scoped3A_264 : memref<!tpu.dma_semaphore, #tpu.memory_space<semaphore_mem>>)
      %dma_wait3A_273 = arith.constant 0 : i32
      %dma_wait3A_274 = arith.constant 0 : i32
      %dma_wait3A_275 = tpu.memref_slice %arg3[%add3A, %run_scoped3A, %dma_wait3A_273, %dma_wait3A_274] : memref<32x10x8x256xi32, #tpu.memory_space<hbm>> -> memref<1x1x8x256xi32, #tpu.memory_space<hbm>>
      %dma_wait3A_276 = tpu.memref_squeeze %dma_wait3A_275 : memref<1x1x8x256xi32, #tpu.memory_space<hbm>> -> memref<8x256xi32, #tpu.memory_space<hbm>>
      %dma_wait3A_277 = arith.constant 0 : i32
      %dma_wait3A_278 = arith.constant 0 : i32
      %dma_wait3A_279 = tpu.memref_slice %arg3[%add3A, %run_scoped3A, %dma_wait3A_277, %dma_wait3A_278] : memref<32x10x8x256xi32, #tpu.memory_space<hbm>> -> memref<1x1x8x256xi32, #tpu.memory_space<hbm>>
      %dma_wait3A_280 = tpu.memref_squeeze %dma_wait3A_279 : memref<1x1x8x256xi32, #tpu.memory_space<hbm>> -> memref<8x256xi32, #tpu.memory_space<hbm>>
      tpu.wait_dma2 semaphore(%run_scoped3A_264 : memref<!tpu.dma_semaphore, #tpu.memory_space<semaphore_mem>>) src(%dma_wait3A_280 : memref<8x256xi32, #tpu.memory_space<hbm>>) dst(%arg6 : memref<8x256xi32, #tpu.memory_space<vmem>>)
      tpu.yield
    }) : () -> ()
    %dma_start3A = arith.constant 1 : i32
    %dma_start3A_7 = arith.constant 0 : i32
    %dma_start3A_8 = arith.constant 0 : i32
    %dma_start3A_9 = tpu.memref_slice %arg3[%add3A, %dma_start3A, %dma_start3A_7, %dma_start3A_8] : memref<32x10x8x256xi32, #tpu.memory_space<hbm>> -> memref<1x1x8x256xi32, #tpu.memory_space<hbm>>
    %dma_start3A_10 = tpu.memref_squeeze %dma_start3A_9 : memref<1x1x8x256xi32, #tpu.memory_space<hbm>> -> memref<8x256xi32, #tpu.memory_space<hbm>>
    %dma_start3A_11 = arith.constant 0 : i32
    %dma_start3A_12 = arith.constant 0 : i32
    %dma_start3A_13 = tpu.memref_slice %arg3[%add3A, %dma_start3A, %dma_start3A_11, %dma_start3A_12] : memref<32x10x8x256xi32, #tpu.memory_space<hbm>> -> memref<1x1x8x256xi32, #tpu.memory_space<hbm>>
    %dma_start3A_14 = tpu.memref_squeeze %dma_start3A_13 : memref<1x1x8x256xi32, #tpu.memory_space<hbm>> -> memref<8x256xi32, #tpu.memory_space<hbm>>
    tpu.enqueue_dma source(%dma_start3A_14 : memref<8x256xi32, #tpu.memory_space<hbm>>) target(%arg7 : memref<8x256xi32, #tpu.memory_space<vmem>>) target_semaphore(%arg11 : memref<!tpu.dma_semaphore, #tpu.memory_space<semaphore_mem>>)
    %barrier3A = arith.constant 0 : index
    tpu.barrier barrier_id(%barrier3A)
    %dma_start3A_15 = arith.constant 0 : i32
    %dma_start3A_16 = arith.constant 0 : i32
    %dma_start3A_17 = tpu.memref_slice %arg6[%dma_start3A_15, %dma_start3A_16] : memref<8x256xi32, #tpu.memory_space<vmem>> -> memref<1x128xi32, #tpu.memory_space<vmem>>
    %dma_start3A_18 = tpu.memref_squeeze %dma_start3A_17 : memref<1x128xi32, #tpu.memory_space<vmem>> -> memref<128xi32, #tpu.memory_space<vmem>>
    %dma_start3A_19 = arith.constant 0 : i32
    %dma_start3A_20 = arith.constant 0 : i32
    %dma_start3A_21 = tpu.memref_slice %arg2[%dma_start3A_19, %dma_start3A_20] : memref<40000x128xf32, #tpu.memory_space<hbm>> -> memref<40000x128xf32, #tpu.memory_space<hbm>>
    tpu.enqueue_indirect_dma source(%dma_start3A_21 : memref<40000x128xf32, #tpu.memory_space<hbm>>) target(%arg8 : memref<128x128xf32, #tpu.memory_space<vmem>>) offsets(%dma_start3A_18 : memref<128xi32, #tpu.memory_space<vmem>>) semaphore(%arg12 : memref<!tpu.dma_semaphore, #tpu.memory_space<semaphore_mem>>)
    %scan3A = arith.constant 0 : i32
    %scan3A_22 = arith.constant 0 : i32
    %scan3A_23 = arith.constant 4 : i32
    %scan3A_24 = arith.addi %scan3A_22, %scan3A_23 : i32
    %scan3A_25 = arith.constant 1 : i32
    scf.for %scan3A_264 = %scan3A_22 to %scan3A_24 step %scan3A_25  : i32 {
      %dma_start3A_265 = arith.constant 1 : i32
      %dma_start3A_266 = arith.constant 0 : i32
      %dma_start3A_267 = tpu.memref_slice %arg6[%dma_start3A_265, %dma_start3A_266] : memref<8x256xi32, #tpu.memory_space<vmem>> -> memref<1x128xi32, #tpu.memory_space<vmem>>
      %dma_start3A_268 = tpu.memref_squeeze %dma_start3A_267 : memref<1x128xi32, #tpu.memory_space<vmem>> -> memref<128xi32, #tpu.memory_space<vmem>>
      %dma_start3A_269 = arith.constant 0 : i32
      %dma_start3A_270 = arith.constant 0 : i32
      %dma_start3A_271 = tpu.memref_slice %arg2[%dma_start3A_269, %dma_start3A_270] : memref<40000x128xf32, #tpu.memory_space<hbm>> -> memref<40000x128xf32, #tpu.memory_space<hbm>>
      tpu.enqueue_indirect_dma source(%dma_start3A_271 : memref<40000x128xf32, #tpu.memory_space<hbm>>) target(%arg9 : memref<128x128xf32, #tpu.memory_space<vmem>>) offsets(%dma_start3A_268 : memref<128xi32, #tpu.memory_space<vmem>>) semaphore(%arg13 : memref<!tpu.dma_semaphore, #tpu.memory_space<semaphore_mem>>)
      %dma_wait3A_272 = arith.constant 0 : i32
      %dma_wait3A_273 = arith.constant 0 : i32
      %dma_wait3A_274 = tpu.memref_slice %arg2[%dma_wait3A_272, %dma_wait3A_273] : memref<40000x128xf32, #tpu.memory_space<hbm>> -> memref<128x128xf32, #tpu.memory_space<hbm>>
      %dma_wait3A_275 = arith.constant 0 : i32
      %dma_wait3A_276 = arith.constant 0 : i32
      %dma_wait3A_277 = tpu.memref_slice %arg2[%dma_wait3A_275, %dma_wait3A_276] : memref<40000x128xf32, #tpu.memory_space<hbm>> -> memref<128x128xf32, #tpu.memory_space<hbm>>
      tpu.wait_dma2 semaphore(%arg12 : memref<!tpu.dma_semaphore, #tpu.memory_space<semaphore_mem>>) src(%dma_wait3A_277 : memref<128x128xf32, #tpu.memory_space<hbm>>) dst(%arg8 : memref<128x128xf32, #tpu.memory_space<vmem>>)
      %run_scoped3A_278 = arith.constant 0 : i32
      "tpu.region"() ({
        %run_scoped3A_533 = tpu.sem_alloc : memref<!tpu.dma_semaphore, #tpu.memory_space<semaphore_mem>>
        %dma_start3A_534 = arith.constant 128 : i32
        %dma_start3A_535 = tpu.memref_slice %arg6[%run_scoped3A_278, %dma_start3A_534] : memref<8x256xi32, #tpu.memory_space<vmem>> -> memref<1x128xi32, #tpu.memory_space<vmem>>
        %dma_start3A_536 = tpu.memref_squeeze %dma_start3A_535 : memref<1x128xi32, #tpu.memory_space<vmem>> -> memref<128xi32, #tpu.memory_space<vmem>>
        %dma_start3A_537 = arith.constant 0 : i32
        %dma_start3A_538 = arith.constant 0 : i32
        %dma_start3A_539 = tpu.memref_slice %arg14[%dma_start3A_537, %dma_start3A_538] : memref<10008x128xf32, #tpu.memory_space<vmem_shared>> -> memref<10008x128xf32, #tpu.memory_space<vmem_shared>>
        tpu.enqueue_indirect_dma source(%arg8 : memref<128x128xf32, #tpu.memory_space<vmem>>) target(%dma_start3A_539 : memref<10008x128xf32, #tpu.memory_space<vmem_shared>>) offsets(%dma_start3A_536 : memref<128xi32, #tpu.memory_space<vmem>>) semaphore(%run_scoped3A_533 : memref<!tpu.dma_semaphore, #tpu.memory_space<semaphore_mem>>) {add = true}
        %dma_wait3A_540 = arith.constant 128 : i32
        %dma_wait3A_541 = tpu.memref_slice %arg6[%run_scoped3A_278, %dma_wait3A_540] : memref<8x256xi32, #tpu.memory_space<vmem>> -> memref<1x128xi32, #tpu.memory_space<vmem>>
        %dma_wait3A_542 = tpu.memref_squeeze %dma_wait3A_541 : memref<1x128xi32, #tpu.memory_space<vmem>> -> memref<128xi32, #tpu.memory_space<vmem>>
        %dma_wait3A_543 = arith.constant 0 : i32
        %dma_wait3A_544 = arith.constant 0 : i32
        %dma_wait3A_545 = tpu.memref_slice %arg14[%dma_wait3A_543, %dma_wait3A_544] : memref<10008x128xf32, #tpu.memory_space<vmem_shared>> -> memref<10008x128xf32, #tpu.memory_space<vmem_shared>>
        tpu.wait_indirect_dma semaphore(%run_scoped3A_533 : memref<!tpu.dma_semaphore, #tpu.memory_space<semaphore_mem>>) src(%arg8 : memref<128x128xf32, #tpu.memory_space<vmem>>) dst(%dma_wait3A_545 : memref<10008x128xf32, #tpu.memory_space<vmem_shared>>)
        tpu.yield
      }) : () -> ()
      %dma_start3A_279 = arith.constant 2 : i32
      %dma_start3A_280 = arith.constant 0 : i32
      %dma_start3A_281 = tpu.memref_slice %arg6[%dma_start3A_279, %dma_start3A_280] : memref<8x256xi32, #tpu.memory_space<vmem>> -> memref<1x128xi32, #tpu.memory_space<vmem>>
      %dma_start3A_282 = tpu.memref_squeeze %dma_start3A_281 : memref<1x128xi32, #tpu.memory_space<vmem>> -> memref<128xi32, #tpu.memory_space<vmem>>
      %dma_start3A_283 = arith.constant 0 : i32
      %dma_start3A_284 = arith.constant 0 : i32
      %dma_start3A_285 = tpu.memref_slice %arg2[%dma_start3A_283, %dma_start3A_284] : memref<40000x128xf32, #tpu.memory_space<hbm>> -> memref<40000x128xf32, #tpu.memory_space<hbm>>
      tpu.enqueue_indirect_dma source(%dma_start3A_285 : memref<40000x128xf32, #tpu.memory_space<hbm>>) target(%arg8 : memref<128x128xf32, #tpu.memory_space<vmem>>) offsets(%dma_start3A_282 : memref<128xi32, #tpu.memory_space<vmem>>) semaphore(%arg12 : memref<!tpu.dma_semaphore, #tpu.memory_space<semaphore_mem>>)
      %dma_wait3A_286 = arith.constant 0 : i32
      %dma_wait3A_287 = arith.constant 0 : i32
      %dma_wait3A_288 = tpu.memref_slice %arg2[%dma_wait3A_286, %dma_wait3A_287] : memref<40000x128xf32, #tpu.memory_space<hbm>> -> memref<128x128xf32, #tpu.memory_space<hbm>>
      %dma_wait3A_289 = arith.constant 0 : i32
      %dma_wait3A_290 = arith.constant 0 : i32
      %dma_wait3A_291 = tpu.memref_slice %arg2[%dma_wait3A_289, %dma_wait3A_290] : memref<40000x128xf32, #tpu.memory_space<hbm>> -> memref<128x128xf32, #tpu.memory_space<hbm>>
      tpu.wait_dma2 semaphore(%arg13 : memref<!tpu.dma_semaphore, #tpu.memory_space<semaphore_mem>>) src(%dma_wait3A_291 : memref<128x128xf32, #tpu.memory_space<hbm>>) dst(%arg9 : memref<128x128xf32, #tpu.memory_space<vmem>>)
      %run_scoped3A_292 = arith.constant 1 : i32
      "tpu.region"() ({
        %run_scoped3A_533 = tpu.sem_alloc : memref<!tpu.dma_semaphore, #tpu.memory_space<semaphore_mem>>
        %dma_start3A_534 = arith.constant 128 : i32
        %dma_start3A_535 = tpu.memref_slice %arg6[%run_scoped3A_292, %dma_start3A_534] : memref<8x256xi32, #tpu.memory_space<vmem>> -> memref<1x128xi32, #tpu.memory_space<vmem>>
        %dma_start3A_536 = tpu.memref_squeeze %dma_start3A_535 : memref<1x128xi32, #tpu.memory_space<vmem>> -> memref<128xi32, #tpu.memory_space<vmem>>
        %dma_start3A_537 = arith.constant 0 : i32
        %dma_start3A_538 = arith.constant 0 : i32
        %dma_start3A_539 = tpu.memref_slice %arg14[%dma_start3A_537, %dma_start3A_538] : memref<10008x128xf32, #tpu.memory_space<vmem_shared>> -> memref<10008x128xf32, #tpu.memory_space<vmem_shared>>
        tpu.enqueue_indirect_dma source(%arg9 : memref<128x128xf32, #tpu.memory_space<vmem>>) target(%dma_start3A_539 : memref<10008x128xf32, #tpu.memory_space<vmem_shared>>) offsets(%dma_start3A_536 : memref<128xi32, #tpu.memory_space<vmem>>) semaphore(%run_scoped3A_533 : memref<!tpu.dma_semaphore, #tpu.memory_space<semaphore_mem>>) {add = true}
        %dma_wait3A_540 = arith.constant 128 : i32
        %dma_wait3A_541 = tpu.memref_slice %arg6[%run_scoped3A_292, %dma_wait3A_540] : memref<8x256xi32, #tpu.memory_space<vmem>> -> memref<1x128xi32, #tpu.memory_space<vmem>>
        %dma_wait3A_542 = tpu.memref_squeeze %dma_wait3A_541 : memref<1x128xi32, #tpu.memory_space<vmem>> -> memref<128xi32, #tpu.memory_space<vmem>>
        %dma_wait3A_543 = arith.constant 0 : i32
        %dma_wait3A_544 = arith.constant 0 : i32
        %dma_wait3A_545 = tpu.memref_slice %arg14[%dma_wait3A_543, %dma_wait3A_544] : memref<10008x128xf32, #tpu.memory_space<vmem_shared>> -> memref<10008x128xf32, #tpu.memory_space<vmem_shared>>
        tpu.wait_indirect_dma semaphore(%run_scoped3A_533 : memref<!tpu.dma_semaphore, #tpu.memory_space<semaphore_mem>>) src(%arg9 : memref<128x128xf32, #tpu.memory_space<vmem>>) dst(%dma_wait3A_545 : memref<10008x128xf32, #tpu.memory_space<vmem_shared>>)
        tpu.yield
      }) : () -> ()
      %dma_start3A_293 = arith.constant 3 : i32
      %dma_start3A_294 = arith.constant 0 : i32
      %dma_start3A_295 = tpu.memref_slice %arg6[%dma_start3A_293, %dma_start3A_294] : memref<8x256xi32, #tpu.memory_space<vmem>> -> memref<1x128xi32, #tpu.memory_space<vmem>>
      %dma_start3A_296 = tpu.memref_squeeze %dma_start3A_295 : memref<1x128xi32, #tpu.memory_space<vmem>> -> memref<128xi32, #tpu.memory_space<vmem>>
      %dma_start3A_297 = arith.constant 0 : i32
      %dma_start3A_298 = arith.constant 0 : i32
      %dma_start3A_299 = tpu.memref_slice %arg2[%dma_start3A_297, %dma_start3A_298] : memref<40000x128xf32, #tpu.memory_space<hbm>> -> memref<40000x128xf32, #tpu.memory_space<hbm>>
      tpu.enqueue_indirect_dma source(%dma_start3A_299 : memref<40000x128xf32, #tpu.memory_space<hbm>>) target(%arg9 : memref<128x128xf32, #tpu.memory_space<vmem>>) offsets(%dma_start3A_296 : memref<128xi32, #tpu.memory_space<vmem>>) semaphore(%arg13 : memref<!tpu.dma_semaphore, #tpu.memory_space<semaphore_mem>>)
      %dma_wait3A_300 = arith.constant 0 : i32
      %dma_wait3A_301 = arith.constant 0 : i32
      %dma_wait3A_302 = tpu.memref_slice %arg2[%dma_wait3A_300, %dma_wait3A_301] : memref<40000x128xf32, #tpu.memory_space<hbm>> -> memref<128x128xf32, #tpu.memory_space<hbm>>
      %dma_wait3A_303 = arith.constant 0 : i32
      %dma_wait3A_304 = arith.constant 0 : i32
      %dma_wait3A_305 = tpu.memref_slice %arg2[%dma_wait3A_303, %dma_wait3A_304] : memref<40000x128xf32, #tpu.memory_space<hbm>> -> memref<128x128xf32, #tpu.memory_space<hbm>>
      tpu.wait_dma2 semaphore(%arg12 : memref<!tpu.dma_semaphore, #tpu.memory_space<semaphore_mem>>) src(%dma_wait3A_305 : memref<128x128xf32, #tpu.memory_space<hbm>>) dst(%arg8 : memref<128x128xf32, #tpu.memory_space<vmem>>)
      %run_scoped3A_306 = arith.constant 2 : i32
      "tpu.region"() ({
        %run_scoped3A_533 = tpu.sem_alloc : memref<!tpu.dma_semaphore, #tpu.memory_space<semaphore_mem>>
        %dma_start3A_534 = arith.constant 128 : i32
        %dma_start3A_535 = tpu.memref_slice %arg6[%run_scoped3A_306, %dma_start3A_534] : memref<8x256xi32, #tpu.memory_space<vmem>> -> memref<1x128xi32, #tpu.memory_space<vmem>>
        %dma_start3A_536 = tpu.memref_squeeze %dma_start3A_535 : memref<1x128xi32, #tpu.memory_space<vmem>> -> memref<128xi32, #tpu.memory_space<vmem>>
        %dma_start3A_537 = arith.constant 0 : i32
        %dma_start3A_538 = arith.constant 0 : i32
        %dma_start3A_539 = tpu.memref_slice %arg14[%dma_start3A_537, %dma_start3A_538] : memref<10008x128xf32, #tpu.memory_space<vmem_shared>> -> memref<10008x128xf32, #tpu.memory_space<vmem_shared>>
        tpu.enqueue_indirect_dma source(%arg8 : memref<128x128xf32, #tpu.memory_space<vmem>>) target(%dma_start3A_539 : memref<10008x128xf32, #tpu.memory_space<vmem_shared>>) offsets(%dma_start3A_536 : memref<128xi32, #tpu.memory_space<vmem>>) semaphore(%run_scoped3A_533 : memref<!tpu.dma_semaphore, #tpu.memory_space<semaphore_mem>>) {add = true}
        %dma_wait3A_540 = arith.constant 128 : i32
        %dma_wait3A_541 = tpu.memref_slice %arg6[%run_scoped3A_306, %dma_wait3A_540] : memref<8x256xi32, #tpu.memory_space<vmem>> -> memref<1x128xi32, #tpu.memory_space<vmem>>
        %dma_wait3A_542 = tpu.memref_squeeze %dma_wait3A_541 : memref<1x128xi32, #tpu.memory_space<vmem>> -> memref<128xi32, #tpu.memory_space<vmem>>
        %dma_wait3A_543 = arith.constant 0 : i32
        %dma_wait3A_544 = arith.constant 0 : i32
        %dma_wait3A_545 = tpu.memref_slice %arg14[%dma_wait3A_543, %dma_wait3A_544] : memref<10008x128xf32, #tpu.memory_space<vmem_shared>> -> memref<10008x128xf32, #tpu.memory_space<vmem_shared>>
        tpu.wait_indirect_dma semaphore(%run_scoped3A_533 : memref<!tpu.dma_semaphore, #tpu.memory_space<semaphore_mem>>) src(%arg8 : memref<128x128xf32, #tpu.memory_space<vmem>>) dst(%dma_wait3A_545 : memref<10008x128xf32, #tpu.memory_space<vmem_shared>>)
        tpu.yield
      }) : () -> ()
      %dma_start3A_307 = arith.constant 4 : i32
      %dma_start3A_308 = arith.constant 0 : i32
      %dma_start3A_309 = tpu.memref_slice %arg6[%dma_start3A_307, %dma_start3A_308] : memref<8x256xi32, #tpu.memory_space<vmem>> -> memref<1x128xi32, #tpu.memory_space<vmem>>
      %dma_start3A_310 = tpu.memref_squeeze %dma_start3A_309 : memref<1x128xi32, #tpu.memory_space<vmem>> -> memref<128xi32, #tpu.memory_space<vmem>>
      %dma_start3A_311 = arith.constant 0 : i32
      %dma_start3A_312 = arith.constant 0 : i32
      %dma_start3A_313 = tpu.memref_slice %arg2[%dma_start3A_311, %dma_start3A_312] : memref<40000x128xf32, #tpu.memory_space<hbm>> -> memref<40000x128xf32, #tpu.memory_space<hbm>>
      tpu.enqueue_indirect_dma source(%dma_start3A_313 : memref<40000x128xf32, #tpu.memory_space<hbm>>) target(%arg8 : memref<128x128xf32, #tpu.memory_space<vmem>>) offsets(%dma_start3A_310 : memref<128xi32, #tpu.memory_space<vmem>>) semaphore(%arg12 : memref<!tpu.dma_semaphore, #tpu.memory_space<semaphore_mem>>)
      %dma_wait3A_314 = arith.constant 0 : i32
      %dma_wait3A_315 = arith.constant 0 : i32
      %dma_wait3A_316 = tpu.memref_slice %arg2[%dma_wait3A_314, %dma_wait3A_315] : memref<40000x128xf32, #tpu.memory_space<hbm>> -> memref<128x128xf32, #tpu.memory_space<hbm>>
      %dma_wait3A_317 = arith.constant 0 : i32
      %dma_wait3A_318 = arith.constant 0 : i32
      %dma_wait3A_319 = tpu.memref_slice %arg2[%dma_wait3A_317, %dma_wait3A_318] : memref<40000x128xf32, #tpu.memory_space<hbm>> -> memref<128x128xf32, #tpu.memory_space<hbm>>
      tpu.wait_dma2 semaphore(%arg13 : memref<!tpu.dma_semaphore, #tpu.memory_space<semaphore_mem>>) src(%dma_wait3A_319 : memref<128x128xf32, #tpu.memory_space<hbm>>) dst(%arg9 : memref<128x128xf32, #tpu.memory_space<vmem>>)
      %run_scoped3A_320 = arith.constant 3 : i32
      "tpu.region"() ({
        %run_scoped3A_533 = tpu.sem_alloc : memref<!tpu.dma_semaphore, #tpu.memory_space<semaphore_mem>>
        %dma_start3A_534 = arith.constant 128 : i32
        %dma_start3A_535 = tpu.memref_slice %arg6[%run_scoped3A_320, %dma_start3A_534] : memref<8x256xi32, #tpu.memory_space<vmem>> -> memref<1x128xi32, #tpu.memory_space<vmem>>
        %dma_start3A_536 = tpu.memref_squeeze %dma_start3A_535 : memref<1x128xi32, #tpu.memory_space<vmem>> -> memref<128xi32, #tpu.memory_space<vmem>>
        %dma_start3A_537 = arith.constant 0 : i32
        %dma_start3A_538 = arith.constant 0 : i32
        %dma_start3A_539 = tpu.memref_slice %arg14[%dma_start3A_537, %dma_start3A_538] : memref<10008x128xf32, #tpu.memory_space<vmem_shared>> -> memref<10008x128xf32, #tpu.memory_space<vmem_shared>>
        tpu.enqueue_indirect_dma source(%arg9 : memref<128x128xf32, #tpu.memory_space<vmem>>) target(%dma_start3A_539 : memref<10008x128xf32, #tpu.memory_space<vmem_shared>>) offsets(%dma_start3A_536 : memref<128xi32, #tpu.memory_space<vmem>>) semaphore(%run_scoped3A_533 : memref<!tpu.dma_semaphore, #tpu.memory_space<semaphore_mem>>) {add = true}
        %dma_wait3A_540 = arith.constant 128 : i32
        %dma_wait3A_541 = tpu.memref_slice %arg6[%run_scoped3A_320, %dma_wait3A_540] : memref<8x256xi32, #tpu.memory_space<vmem>> -> memref<1x128xi32, #tpu.memory_space<vmem>>
        %dma_wait3A_542 = tpu.memref_squeeze %dma_wait3A_541 : memref<1x128xi32, #tpu.memory_space<vmem>> -> memref<128xi32, #tpu.memory_space<vmem>>
        %dma_wait3A_543 = arith.constant 0 : i32
        %dma_wait3A_544 = arith.constant 0 : i32
        %dma_wait3A_545 = tpu.memref_slice %arg14[%dma_wait3A_543, %dma_wait3A_544] : memref<10008x128xf32, #tpu.memory_space<vmem_shared>> -> memref<10008x128xf32, #tpu.memory_space<vmem_shared>>
        tpu.wait_indirect_dma semaphore(%run_scoped3A_533 : memref<!tpu.dma_semaphore, #tpu.memory_space<semaphore_mem>>) src(%arg9 : memref<128x128xf32, #tpu.memory_space<vmem>>) dst(%dma_wait3A_545 : memref<10008x128xf32, #tpu.memory_space<vmem_shared>>)
        tpu.yield
      }) : () -> ()
      %dma_start3A_321 = arith.constant 5 : i32
      %dma_start3A_322 = arith.constant 0 : i32
      %dma_start3A_323 = tpu.memref_slice %arg6[%dma_start3A_321, %dma_start3A_322] : memref<8x256xi32, #tpu.memory_space<vmem>> -> memref<1x128xi32, #tpu.memory_space<vmem>>
      %dma_start3A_324 = tpu.memref_squeeze %dma_start3A_323 : memref<1x128xi32, #tpu.memory_space<vmem>> -> memref<128xi32, #tpu.memory_space<vmem>>
      %dma_start3A_325 = arith.constant 0 : i32
      %dma_start3A_326 = arith.constant 0 : i32
      %dma_start3A_327 = tpu.memref_slice %arg2[%dma_start3A_325, %dma_start3A_326] : memref<40000x128xf32, #tpu.memory_space<hbm>> -> memref<40000x128xf32, #tpu.memory_space<hbm>>
      tpu.enqueue_indirect_dma source(%dma_start3A_327 : memref<40000x128xf32, #tpu.memory_space<hbm>>) target(%arg9 : memref<128x128xf32, #tpu.memory_space<vmem>>) offsets(%dma_start3A_324 : memref<128xi32, #tpu.memory_space<vmem>>) semaphore(%arg13 : memref<!tpu.dma_semaphore, #tpu.memory_space<semaphore_mem>>)
      %dma_wait3A_328 = arith.constant 0 : i32
      %dma_wait3A_329 = arith.constant 0 : i32
      %dma_wait3A_330 = tpu.memref_slice %arg2[%dma_wait3A_328, %dma_wait3A_329] : memref<40000x128xf32, #tpu.memory_space<hbm>> -> memref<128x128xf32, #tpu.memory_space<hbm>>
      %dma_wait3A_331 = arith.constant 0 : i32
      %dma_wait3A_332 = arith.constant 0 : i32
      %dma_wait3A_333 = tpu.memref_slice %arg2[%dma_wait3A_331, %dma_wait3A_332] : memref<40000x128xf32, #tpu.memory_space<hbm>> -> memref<128x128xf32, #tpu.memory_space<hbm>>
      tpu.wait_dma2 semaphore(%arg12 : memref<!tpu.dma_semaphore, #tpu.memory_space<semaphore_mem>>) src(%dma_wait3A_333 : memref<128x128xf32, #tpu.memory_space<hbm>>) dst(%arg8 : memref<128x128xf32, #tpu.memory_space<vmem>>)
      %run_scoped3A_334 = arith.constant 4 : i32
      "tpu.region"() ({
        %run_scoped3A_533 = tpu.sem_alloc : memref<!tpu.dma_semaphore, #tpu.memory_space<semaphore_mem>>
        %dma_start3A_534 = arith.constant 128 : i32
        %dma_start3A_535 = tpu.memref_slice %arg6[%run_scoped3A_334, %dma_start3A_534] : memref<8x256xi32, #tpu.memory_space<vmem>> -> memref<1x128xi32, #tpu.memory_space<vmem>>
        %dma_start3A_536 = tpu.memref_squeeze %dma_start3A_535 : memref<1x128xi32, #tpu.memory_space<vmem>> -> memref<128xi32, #tpu.memory_space<vmem>>
        %dma_start3A_537 = arith.constant 0 : i32
        %dma_start3A_538 = arith.constant 0 : i32
        %dma_start3A_539 = tpu.memref_slice %arg14[%dma_start3A_537, %dma_start3A_538] : memref<10008x128xf32, #tpu.memory_space<vmem_shared>> -> memref<10008x128xf32, #tpu.memory_space<vmem_shared>>
        tpu.enqueue_indirect_dma source(%arg8 : memref<128x128xf32, #tpu.memory_space<vmem>>) target(%dma_start3A_539 : memref<10008x128xf32, #tpu.memory_space<vmem_shared>>) offsets(%dma_start3A_536 : memref<128xi32, #tpu.memory_space<vmem>>) semaphore(%run_scoped3A_533 : memref<!tpu.dma_semaphore, #tpu.memory_space<semaphore_mem>>) {add = true}
        %dma_wait3A_540 = arith.constant 128 : i32
        %dma_wait3A_541 = tpu.memref_slice %arg6[%run_scoped3A_334, %dma_wait3A_540] : memref<8x256xi32, #tpu.memory_space<vmem>> -> memref<1x128xi32, #tpu.memory_space<vmem>>
        %dma_wait3A_542 = tpu.memref_squeeze %dma_wait3A_541 : memref<1x128xi32, #tpu.memory_space<vmem>> -> memref<128xi32, #tpu.memory_space<vmem>>
        %dma_wait3A_543 = arith.constant 0 : i32
        %dma_wait3A_544 = arith.constant 0 : i32
        %dma_wait3A_545 = tpu.memref_slice %arg14[%dma_wait3A_543, %dma_wait3A_544] : memref<10008x128xf32, #tpu.memory_space<vmem_shared>> -> memref<10008x128xf32, #tpu.memory_space<vmem_shared>>
        tpu.wait_indirect_dma semaphore(%run_scoped3A_533 : memref<!tpu.dma_semaphore, #tpu.memory_space<semaphore_mem>>) src(%arg8 : memref<128x128xf32, #tpu.memory_space<vmem>>) dst(%dma_wait3A_545 : memref<10008x128xf32, #tpu.memory_space<vmem_shared>>)
        tpu.yield
      }) : () -> ()
      %dma_start3A_335 = arith.constant 6 : i32
      %dma_start3A_336 = arith.constant 0 : i32
      %dma_start3A_337 = tpu.memref_slice %arg6[%dma_start3A_335, %dma_start3A_336] : memref<8x256xi32, #tpu.memory_space<vmem>> -> memref<1x128xi32, #tpu.memory_space<vmem>>
      %dma_start3A_338 = tpu.memref_squeeze %dma_start3A_337 : memref<1x128xi32, #tpu.memory_space<vmem>> -> memref<128xi32, #tpu.memory_space<vmem>>
      %dma_start3A_339 = arith.constant 0 : i32
      %dma_start3A_340 = arith.constant 0 : i32
      %dma_start3A_341 = tpu.memref_slice %arg2[%dma_start3A_339, %dma_start3A_340] : memref<40000x128xf32, #tpu.memory_space<hbm>> -> memref<40000x128xf32, #tpu.memory_space<hbm>>
      tpu.enqueue_indirect_dma source(%dma_start3A_341 : memref<40000x128xf32, #tpu.memory_space<hbm>>) target(%arg8 : memref<128x128xf32, #tpu.memory_space<vmem>>) offsets(%dma_start3A_338 : memref<128xi32, #tpu.memory_space<vmem>>) semaphore(%arg12 : memref<!tpu.dma_semaphore, #tpu.memory_space<semaphore_mem>>)
      %dma_wait3A_342 = arith.constant 0 : i32
      %dma_wait3A_343 = arith.constant 0 : i32
      %dma_wait3A_344 = tpu.memref_slice %arg2[%dma_wait3A_342, %dma_wait3A_343] : memref<40000x128xf32, #tpu.memory_space<hbm>> -> memref<128x128xf32, #tpu.memory_space<hbm>>
      %dma_wait3A_345 = arith.constant 0 : i32
      %dma_wait3A_346 = arith.constant 0 : i32
      %dma_wait3A_347 = tpu.memref_slice %arg2[%dma_wait3A_345, %dma_wait3A_346] : memref<40000x128xf32, #tpu.memory_space<hbm>> -> memref<128x128xf32, #tpu.memory_space<hbm>>
      tpu.wait_dma2 semaphore(%arg13 : memref<!tpu.dma_semaphore, #tpu.memory_space<semaphore_mem>>) src(%dma_wait3A_347 : memref<128x128xf32, #tpu.memory_space<hbm>>) dst(%arg9 : memref<128x128xf32, #tpu.memory_space<vmem>>)
      %run_scoped3A_348 = arith.constant 5 : i32
      "tpu.region"() ({
        %run_scoped3A_533 = tpu.sem_alloc : memref<!tpu.dma_semaphore, #tpu.memory_space<semaphore_mem>>
        %dma_start3A_534 = arith.constant 128 : i32
        %dma_start3A_535 = tpu.memref_slice %arg6[%run_scoped3A_348, %dma_start3A_534] : memref<8x256xi32, #tpu.memory_space<vmem>> -> memref<1x128xi32, #tpu.memory_space<vmem>>
        %dma_start3A_536 = tpu.memref_squeeze %dma_start3A_535 : memref<1x128xi32, #tpu.memory_space<vmem>> -> memref<128xi32, #tpu.memory_space<vmem>>
        %dma_start3A_537 = arith.constant 0 : i32
        %dma_start3A_538 = arith.constant 0 : i32
        %dma_start3A_539 = tpu.memref_slice %arg14[%dma_start3A_537, %dma_start3A_538] : memref<10008x128xf32, #tpu.memory_space<vmem_shared>> -> memref<10008x128xf32, #tpu.memory_space<vmem_shared>>
        tpu.enqueue_indirect_dma source(%arg9 : memref<128x128xf32, #tpu.memory_space<vmem>>) target(%dma_start3A_539 : memref<10008x128xf32, #tpu.memory_space<vmem_shared>>) offsets(%dma_start3A_536 : memref<128xi32, #tpu.memory_space<vmem>>) semaphore(%run_scoped3A_533 : memref<!tpu.dma_semaphore, #tpu.memory_space<semaphore_mem>>) {add = true}
        %dma_wait3A_540 = arith.constant 128 : i32
        %dma_wait3A_541 = tpu.memref_slice %arg6[%run_scoped3A_348, %dma_wait3A_540] : memref<8x256xi32, #tpu.memory_space<vmem>> -> memref<1x128xi32, #tpu.memory_space<vmem>>
        %dma_wait3A_542 = tpu.memref_squeeze %dma_wait3A_541 : memref<1x128xi32, #tpu.memory_space<vmem>> -> memref<128xi32, #tpu.memory_space<vmem>>
        %dma_wait3A_543 = arith.constant 0 : i32
        %dma_wait3A_544 = arith.constant 0 : i32
        %dma_wait3A_545 = tpu.memref_slice %arg14[%dma_wait3A_543, %dma_wait3A_544] : memref<10008x128xf32, #tpu.memory_space<vmem_shared>> -> memref<10008x128xf32, #tpu.memory_space<vmem_shared>>
        tpu.wait_indirect_dma semaphore(%run_scoped3A_533 : memref<!tpu.dma_semaphore, #tpu.memory_space<semaphore_mem>>) src(%arg9 : memref<128x128xf32, #tpu.memory_space<vmem>>) dst(%dma_wait3A_545 : memref<10008x128xf32, #tpu.memory_space<vmem_shared>>)
        tpu.yield
      }) : () -> ()
      %dma_start3A_349 = arith.constant 7 : i32
      %dma_start3A_350 = arith.constant 0 : i32
      %dma_start3A_351 = tpu.memref_slice %arg6[%dma_start3A_349, %dma_start3A_350] : memref<8x256xi32, #tpu.memory_space<vmem>> -> memref<1x128xi32, #tpu.memory_space<vmem>>
      %dma_start3A_352 = tpu.memref_squeeze %dma_start3A_351 : memref<1x128xi32, #tpu.memory_space<vmem>> -> memref<128xi32, #tpu.memory_space<vmem>>
      %dma_start3A_353 = arith.constant 0 : i32
      %dma_start3A_354 = arith.constant 0 : i32
      %dma_start3A_355 = tpu.memref_slice %arg2[%dma_start3A_353, %dma_start3A_354] : memref<40000x128xf32, #tpu.memory_space<hbm>> -> memref<40000x128xf32, #tpu.memory_space<hbm>>
      tpu.enqueue_indirect_dma source(%dma_start3A_355 : memref<40000x128xf32, #tpu.memory_space<hbm>>) target(%arg9 : memref<128x128xf32, #tpu.memory_space<vmem>>) offsets(%dma_start3A_352 : memref<128xi32, #tpu.memory_space<vmem>>) semaphore(%arg13 : memref<!tpu.dma_semaphore, #tpu.memory_space<semaphore_mem>>)
      %dma_wait3A_356 = arith.constant 0 : i32
      %dma_wait3A_357 = arith.constant 0 : i32
      %dma_wait3A_358 = tpu.memref_slice %arg2[%dma_wait3A_356, %dma_wait3A_357] : memref<40000x128xf32, #tpu.memory_space<hbm>> -> memref<128x128xf32, #tpu.memory_space<hbm>>
      %dma_wait3A_359 = arith.constant 0 : i32
      %dma_wait3A_360 = arith.constant 0 : i32
      %dma_wait3A_361 = tpu.memref_slice %arg2[%dma_wait3A_359, %dma_wait3A_360] : memref<40000x128xf32, #tpu.memory_space<hbm>> -> memref<128x128xf32, #tpu.memory_space<hbm>>
      tpu.wait_dma2 semaphore(%arg12 : memref<!tpu.dma_semaphore, #tpu.memory_space<semaphore_mem>>) src(%dma_wait3A_361 : memref<128x128xf32, #tpu.memory_space<hbm>>) dst(%arg8 : memref<128x128xf32, #tpu.memory_space<vmem>>)
      %run_scoped3A_362 = arith.constant 6 : i32
      "tpu.region"() ({
        %run_scoped3A_533 = tpu.sem_alloc : memref<!tpu.dma_semaphore, #tpu.memory_space<semaphore_mem>>
        %dma_start3A_534 = arith.constant 128 : i32
        %dma_start3A_535 = tpu.memref_slice %arg6[%run_scoped3A_362, %dma_start3A_534] : memref<8x256xi32, #tpu.memory_space<vmem>> -> memref<1x128xi32, #tpu.memory_space<vmem>>
        %dma_start3A_536 = tpu.memref_squeeze %dma_start3A_535 : memref<1x128xi32, #tpu.memory_space<vmem>> -> memref<128xi32, #tpu.memory_space<vmem>>
        %dma_start3A_537 = arith.constant 0 : i32
        %dma_start3A_538 = arith.constant 0 : i32
        %dma_start3A_539 = tpu.memref_slice %arg14[%dma_start3A_537, %dma_start3A_538] : memref<10008x128xf32, #tpu.memory_space<vmem_shared>> -> memref<10008x128xf32, #tpu.memory_space<vmem_shared>>
        tpu.enqueue_indirect_dma source(%arg8 : memref<128x128xf32, #tpu.memory_space<vmem>>) target(%dma_start3A_539 : memref<10008x128xf32, #tpu.memory_space<vmem_shared>>) offsets(%dma_start3A_536 : memref<128xi32, #tpu.memory_space<vmem>>) semaphore(%run_scoped3A_533 : memref<!tpu.dma_semaphore, #tpu.memory_space<semaphore_mem>>) {add = true}
        %dma_wait3A_540 = arith.constant 128 : i32
        %dma_wait3A_541 = tpu.memref_slice %arg6[%run_scoped3A_362, %dma_wait3A_540] : memref<8x256xi32, #tpu.memory_space<vmem>> -> memref<1x128xi32, #tpu.memory_space<vmem>>
        %dma_wait3A_542 = tpu.memref_squeeze %dma_wait3A_541 : memref<1x128xi32, #tpu.memory_space<vmem>> -> memref<128xi32, #tpu.memory_space<vmem>>
        %dma_wait3A_543 = arith.constant 0 : i32
        %dma_wait3A_544 = arith.constant 0 : i32
        %dma_wait3A_545 = tpu.memref_slice %arg14[%dma_wait3A_543, %dma_wait3A_544] : memref<10008x128xf32, #tpu.memory_space<vmem_shared>> -> memref<10008x128xf32, #tpu.memory_space<vmem_shared>>
        tpu.wait_indirect_dma semaphore(%run_scoped3A_533 : memref<!tpu.dma_semaphore, #tpu.memory_space<semaphore_mem>>) src(%arg8 : memref<128x128xf32, #tpu.memory_space<vmem>>) dst(%dma_wait3A_545 : memref<10008x128xf32, #tpu.memory_space<vmem_shared>>)
        tpu.yield
      }) : () -> ()
      %dma_wait3A_363 = arith.constant 0 : i32
      %dma_wait3A_364 = arith.constant 0 : i32
      %dma_wait3A_365 = arith.constant 0 : i32
      %dma_wait3A_366 = arith.constant 0 : i32
      %dma_wait3A_367 = tpu.memref_slice %arg3[%dma_wait3A_363, %dma_wait3A_364, %dma_wait3A_365, %dma_wait3A_366] : memref<32x10x8x256xi32, #tpu.memory_space<hbm>> -> memref<1x1x8x256xi32, #tpu.memory_space<hbm>>
      %dma_wait3A_368 = tpu.memref_squeeze %dma_wait3A_367 : memref<1x1x8x256xi32, #tpu.memory_space<hbm>> -> memref<8x256xi32, #tpu.memory_space<hbm>>
      %dma_wait3A_369 = arith.constant 0 : i32
      %dma_wait3A_370 = arith.constant 0 : i32
      %dma_wait3A_371 = tpu.memref_slice %arg3[%dma_wait3A_363, %dma_wait3A_364, %dma_wait3A_369, %dma_wait3A_370] : memref<32x10x8x256xi32, #tpu.memory_space<hbm>> -> memref<1x1x8x256xi32, #tpu.memory_space<hbm>>
      %dma_wait3A_372 = tpu.memref_squeeze %dma_wait3A_371 : memref<1x1x8x256xi32, #tpu.memory_space<hbm>> -> memref<8x256xi32, #tpu.memory_space<hbm>>
      tpu.wait_dma2 semaphore(%arg11 : memref<!tpu.dma_semaphore, #tpu.memory_space<semaphore_mem>>) src(%dma_wait3A_372 : memref<8x256xi32, #tpu.memory_space<hbm>>) dst(%arg7 : memref<8x256xi32, #tpu.memory_space<vmem>>)
      %dma_start3A_373 = arith.constant 0 : i32
      %dma_start3A_374 = arith.constant 0 : i32
      %dma_start3A_375 = tpu.memref_slice %arg7[%dma_start3A_373, %dma_start3A_374] : memref<8x256xi32, #tpu.memory_space<vmem>> -> memref<1x128xi32, #tpu.memory_space<vmem>>
      %dma_start3A_376 = tpu.memref_squeeze %dma_start3A_375 : memref<1x128xi32, #tpu.memory_space<vmem>> -> memref<128xi32, #tpu.memory_space<vmem>>
      %dma_start3A_377 = arith.constant 0 : i32
      %dma_start3A_378 = arith.constant 0 : i32
      %dma_start3A_379 = tpu.memref_slice %arg2[%dma_start3A_377, %dma_start3A_378] : memref<40000x128xf32, #tpu.memory_space<hbm>> -> memref<40000x128xf32, #tpu.memory_space<hbm>>
      tpu.enqueue_indirect_dma source(%dma_start3A_379 : memref<40000x128xf32, #tpu.memory_space<hbm>>) target(%arg8 : memref<128x128xf32, #tpu.memory_space<vmem>>) offsets(%dma_start3A_376 : memref<128xi32, #tpu.memory_space<vmem>>) semaphore(%arg12 : memref<!tpu.dma_semaphore, #tpu.memory_space<semaphore_mem>>)
      %dma_wait3A_380 = arith.constant 0 : i32
      %dma_wait3A_381 = arith.constant 0 : i32
      %dma_wait3A_382 = tpu.memref_slice %arg2[%dma_wait3A_380, %dma_wait3A_381] : memref<40000x128xf32, #tpu.memory_space<hbm>> -> memref<128x128xf32, #tpu.memory_space<hbm>>
      %dma_wait3A_383 = arith.constant 0 : i32
      %dma_wait3A_384 = arith.constant 0 : i32
      %dma_wait3A_385 = tpu.memref_slice %arg2[%dma_wait3A_383, %dma_wait3A_384] : memref<40000x128xf32, #tpu.memory_space<hbm>> -> memref<128x128xf32, #tpu.memory_space<hbm>>
      tpu.wait_dma2 semaphore(%arg13 : memref<!tpu.dma_semaphore, #tpu.memory_space<semaphore_mem>>) src(%dma_wait3A_385 : memref<128x128xf32, #tpu.memory_space<hbm>>) dst(%arg9 : memref<128x128xf32, #tpu.memory_space<vmem>>)
      %run_scoped3A_386 = arith.constant 7 : i32
      "tpu.region"() ({
        %run_scoped3A_533 = tpu.sem_alloc : memref<!tpu.dma_semaphore, #tpu.memory_space<semaphore_mem>>
        %dma_start3A_534 = arith.constant 128 : i32
        %dma_start3A_535 = tpu.memref_slice %arg6[%run_scoped3A_386, %dma_start3A_534] : memref<8x256xi32, #tpu.memory_space<vmem>> -> memref<1x128xi32, #tpu.memory_space<vmem>>
        %dma_start3A_536 = tpu.memref_squeeze %dma_start3A_535 : memref<1x128xi32, #tpu.memory_space<vmem>> -> memref<128xi32, #tpu.memory_space<vmem>>
        %dma_start3A_537 = arith.constant 0 : i32
        %dma_start3A_538 = arith.constant 0 : i32
        %dma_start3A_539 = tpu.memref_slice %arg14[%dma_start3A_537, %dma_start3A_538] : memref<10008x128xf32, #tpu.memory_space<vmem_shared>> -> memref<10008x128xf32, #tpu.memory_space<vmem_shared>>
        tpu.enqueue_indirect_dma source(%arg9 : memref<128x128xf32, #tpu.memory_space<vmem>>) target(%dma_start3A_539 : memref<10008x128xf32, #tpu.memory_space<vmem_shared>>) offsets(%dma_start3A_536 : memref<128xi32, #tpu.memory_space<vmem>>) semaphore(%run_scoped3A_533 : memref<!tpu.dma_semaphore, #tpu.memory_space<semaphore_mem>>) {add = true}
        %dma_wait3A_540 = arith.constant 128 : i32
        %dma_wait3A_541 = tpu.memref_slice %arg6[%run_scoped3A_386, %dma_wait3A_540] : memref<8x256xi32, #tpu.memory_space<vmem>> -> memref<1x128xi32, #tpu.memory_space<vmem>>
        %dma_wait3A_542 = tpu.memref_squeeze %dma_wait3A_541 : memref<1x128xi32, #tpu.memory_space<vmem>> -> memref<128xi32, #tpu.memory_space<vmem>>
        %dma_wait3A_543 = arith.constant 0 : i32
        %dma_wait3A_544 = arith.constant 0 : i32
        %dma_wait3A_545 = tpu.memref_slice %arg14[%dma_wait3A_543, %dma_wait3A_544] : memref<10008x128xf32, #tpu.memory_space<vmem_shared>> -> memref<10008x128xf32, #tpu.memory_space<vmem_shared>>
        tpu.wait_indirect_dma semaphore(%run_scoped3A_533 : memref<!tpu.dma_semaphore, #tpu.memory_space<semaphore_mem>>) src(%arg9 : memref<128x128xf32, #tpu.memory_space<vmem>>) dst(%dma_wait3A_545 : memref<10008x128xf32, #tpu.memory_space<vmem_shared>>)
        tpu.yield
      }) : () -> ()
      %mul3A_387 = arith.constant 2 : i32
      %mul3A_388 = arith.muli %mul3A_387, %scan3A_264 : i32
      %add3A_389 = arith.constant 2 : i32
      %add3A_390 = arith.addi %mul3A_388, %add3A_389 : i32
      %dma_start3A_391 = arith.constant 0 : i32
      %dma_start3A_392 = arith.constant 0 : i32
      %dma_start3A_393 = tpu.memref_slice %arg3[%add3A, %add3A_390, %dma_start3A_391, %dma_start3A_392] : memref<32x10x8x256xi32, #tpu.memory_space<hbm>> -> memref<1x1x8x256xi32, #tpu.memory_space<hbm>>
      %dma_start3A_394 = tpu.memref_squeeze %dma_start3A_393 : memref<1x1x8x256xi32, #tpu.memory_space<hbm>> -> memref<8x256xi32, #tpu.memory_space<hbm>>
      %dma_start3A_395 = arith.constant 0 : i32
      %dma_start3A_396 = arith.constant 0 : i32
      %dma_start3A_397 = tpu.memref_slice %arg3[%add3A, %add3A_390, %dma_start3A_395, %dma_start3A_396] : memref<32x10x8x256xi32, #tpu.memory_space<hbm>> -> memref<1x1x8x256xi32, #tpu.memory_space<hbm>>
      %dma_start3A_398 = tpu.memref_squeeze %dma_start3A_397 : memref<1x1x8x256xi32, #tpu.memory_space<hbm>> -> memref<8x256xi32, #tpu.memory_space<hbm>>
      tpu.enqueue_dma source(%dma_start3A_398 : memref<8x256xi32, #tpu.memory_space<hbm>>) target(%arg6 : memref<8x256xi32, #tpu.memory_space<vmem>>) target_semaphore(%arg10 : memref<!tpu.dma_semaphore, #tpu.memory_space<semaphore_mem>>)
      %dma_start3A_399 = arith.constant 1 : i32
      %dma_start3A_400 = arith.constant 0 : i32
      %dma_start3A_401 = tpu.memref_slice %arg7[%dma_start3A_399, %dma_start3A_400] : memref<8x256xi32, #tpu.memory_space<vmem>> -> memref<1x128xi32, #tpu.memory_space<vmem>>
      %dma_start3A_402 = tpu.memref_squeeze %dma_start3A_401 : memref<1x128xi32, #tpu.memory_space<vmem>> -> memref<128xi32, #tpu.memory_space<vmem>>
      %dma_start3A_403 = arith.constant 0 : i32
      %dma_start3A_404 = arith.constant 0 : i32
      %dma_start3A_405 = tpu.memref_slice %arg2[%dma_start3A_403, %dma_start3A_404] : memref<40000x128xf32, #tpu.memory_space<hbm>> -> memref<40000x128xf32, #tpu.memory_space<hbm>>
      tpu.enqueue_indirect_dma source(%dma_start3A_405 : memref<40000x128xf32, #tpu.memory_space<hbm>>) target(%arg9 : memref<128x128xf32, #tpu.memory_space<vmem>>) offsets(%dma_start3A_402 : memref<128xi32, #tpu.memory_space<vmem>>) semaphore(%arg13 : memref<!tpu.dma_semaphore, #tpu.memory_space<semaphore_mem>>)
      %dma_wait3A_406 = arith.constant 0 : i32
      %dma_wait3A_407 = arith.constant 0 : i32
      %dma_wait3A_408 = tpu.memref_slice %arg2[%dma_wait3A_406, %dma_wait3A_407] : memref<40000x128xf32, #tpu.memory_space<hbm>> -> memref<128x128xf32, #tpu.memory_space<hbm>>
      %dma_wait3A_409 = arith.constant 0 : i32
      %dma_wait3A_410 = arith.constant 0 : i32
      %dma_wait3A_411 = tpu.memref_slice %arg2[%dma_wait3A_409, %dma_wait3A_410] : memref<40000x128xf32, #tpu.memory_space<hbm>> -> memref<128x128xf32, #tpu.memory_space<hbm>>
      tpu.wait_dma2 semaphore(%arg12 : memref<!tpu.dma_semaphore, #tpu.memory_space<semaphore_mem>>) src(%dma_wait3A_411 : memref<128x128xf32, #tpu.memory_space<hbm>>) dst(%arg8 : memref<128x128xf32, #tpu.memory_space<vmem>>)
      %run_scoped3A_412 = arith.constant 0 : i32
      "tpu.region"() ({
        %run_scoped3A_533 = tpu.sem_alloc : memref<!tpu.dma_semaphore, #tpu.memory_space<semaphore_mem>>
        %dma_start3A_534 = arith.constant 128 : i32
        %dma_start3A_535 = tpu.memref_slice %arg7[%run_scoped3A_412, %dma_start3A_534] : memref<8x256xi32, #tpu.memory_space<vmem>> -> memref<1x128xi32, #tpu.memory_space<vmem>>
        %dma_start3A_536 = tpu.memref_squeeze %dma_start3A_535 : memref<1x128xi32, #tpu.memory_space<vmem>> -> memref<128xi32, #tpu.memory_space<vmem>>
        %dma_start3A_537 = arith.constant 0 : i32
        %dma_start3A_538 = arith.constant 0 : i32
        %dma_start3A_539 = tpu.memref_slice %arg14[%dma_start3A_537, %dma_start3A_538] : memref<10008x128xf32, #tpu.memory_space<vmem_shared>> -> memref<10008x128xf32, #tpu.memory_space<vmem_shared>>
        tpu.enqueue_indirect_dma source(%arg8 : memref<128x128xf32, #tpu.memory_space<vmem>>) target(%dma_start3A_539 : memref<10008x128xf32, #tpu.memory_space<vmem_shared>>) offsets(%dma_start3A_536 : memref<128xi32, #tpu.memory_space<vmem>>) semaphore(%run_scoped3A_533 : memref<!tpu.dma_semaphore, #tpu.memory_space<semaphore_mem>>) {add = true}
        %dma_wait3A_540 = arith.constant 128 : i32
        %dma_wait3A_541 = tpu.memref_slice %arg7[%run_scoped3A_412, %dma_wait3A_540] : memref<8x256xi32, #tpu.memory_space<vmem>> -> memref<1x128xi32, #tpu.memory_space<vmem>>
        %dma_wait3A_542 = tpu.memref_squeeze %dma_wait3A_541 : memref<1x128xi32, #tpu.memory_space<vmem>> -> memref<128xi32, #tpu.memory_space<vmem>>
        %dma_wait3A_543 = arith.constant 0 : i32
        %dma_wait3A_544 = arith.constant 0 : i32
        %dma_wait3A_545 = tpu.memref_slice %arg14[%dma_wait3A_543, %dma_wait3A_544] : memref<10008x128xf32, #tpu.memory_space<vmem_shared>> -> memref<10008x128xf32, #tpu.memory_space<vmem_shared>>
        tpu.wait_indirect_dma semaphore(%run_scoped3A_533 : memref<!tpu.dma_semaphore, #tpu.memory_space<semaphore_mem>>) src(%arg8 : memref<128x128xf32, #tpu.memory_space<vmem>>) dst(%dma_wait3A_545 : memref<10008x128xf32, #tpu.memory_space<vmem_shared>>)
        tpu.yield
      }) : () -> ()
      %dma_start3A_413 = arith.constant 2 : i32
      %dma_start3A_414 = arith.constant 0 : i32
      %dma_start3A_415 = tpu.memref_slice %arg7[%dma_start3A_413, %dma_start3A_414] : memref<8x256xi32, #tpu.memory_space<vmem>> -> memref<1x128xi32, #tpu.memory_space<vmem>>
      %dma_start3A_416 = tpu.memref_squeeze %dma_start3A_415 : memref<1x128xi32, #tpu.memory_space<vmem>> -> memref<128xi32, #tpu.memory_space<vmem>>
      %dma_start3A_417 = arith.constant 0 : i32
      %dma_start3A_418 = arith.constant 0 : i32
      %dma_start3A_419 = tpu.memref_slice %arg2[%dma_start3A_417, %dma_start3A_418] : memref<40000x128xf32, #tpu.memory_space<hbm>> -> memref<40000x128xf32, #tpu.memory_space<hbm>>
      tpu.enqueue_indirect_dma source(%dma_start3A_419 : memref<40000x128xf32, #tpu.memory_space<hbm>>) target(%arg8 : memref<128x128xf32, #tpu.memory_space<vmem>>) offsets(%dma_start3A_416 : memref<128xi32, #tpu.memory_space<vmem>>) semaphore(%arg12 : memref<!tpu.dma_semaphore, #tpu.memory_space<semaphore_mem>>)
      %dma_wait3A_420 = arith.constant 0 : i32
      %dma_wait3A_421 = arith.constant 0 : i32
      %dma_wait3A_422 = tpu.memref_slice %arg2[%dma_wait3A_420, %dma_wait3A_421] : memref<40000x128xf32, #tpu.memory_space<hbm>> -> memref<128x128xf32, #tpu.memory_space<hbm>>
      %dma_wait3A_423 = arith.constant 0 : i32
      %dma_wait3A_424 = arith.constant 0 : i32
      %dma_wait3A_425 = tpu.memref_slice %arg2[%dma_wait3A_423, %dma_wait3A_424] : memref<40000x128xf32, #tpu.memory_space<hbm>> -> memref<128x128xf32, #tpu.memory_space<hbm>>
      tpu.wait_dma2 semaphore(%arg13 : memref<!tpu.dma_semaphore, #tpu.memory_space<semaphore_mem>>) src(%dma_wait3A_425 : memref<128x128xf32, #tpu.memory_space<hbm>>) dst(%arg9 : memref<128x128xf32, #tpu.memory_space<vmem>>)
      %run_scoped3A_426 = arith.constant 1 : i32
      "tpu.region"() ({
        %run_scoped3A_533 = tpu.sem_alloc : memref<!tpu.dma_semaphore, #tpu.memory_space<semaphore_mem>>
        %dma_start3A_534 = arith.constant 128 : i32
        %dma_start3A_535 = tpu.memref_slice %arg7[%run_scoped3A_426, %dma_start3A_534] : memref<8x256xi32, #tpu.memory_space<vmem>> -> memref<1x128xi32, #tpu.memory_space<vmem>>
        %dma_start3A_536 = tpu.memref_squeeze %dma_start3A_535 : memref<1x128xi32, #tpu.memory_space<vmem>> -> memref<128xi32, #tpu.memory_space<vmem>>
        %dma_start3A_537 = arith.constant 0 : i32
        %dma_start3A_538 = arith.constant 0 : i32
        %dma_start3A_539 = tpu.memref_slice %arg14[%dma_start3A_537, %dma_start3A_538] : memref<10008x128xf32, #tpu.memory_space<vmem_shared>> -> memref<10008x128xf32, #tpu.memory_space<vmem_shared>>
        tpu.enqueue_indirect_dma source(%arg9 : memref<128x128xf32, #tpu.memory_space<vmem>>) target(%dma_start3A_539 : memref<10008x128xf32, #tpu.memory_space<vmem_shared>>) offsets(%dma_start3A_536 : memref<128xi32, #tpu.memory_space<vmem>>) semaphore(%run_scoped3A_533 : memref<!tpu.dma_semaphore, #tpu.memory_space<semaphore_mem>>) {add = true}
        %dma_wait3A_540 = arith.constant 128 : i32
        %dma_wait3A_541 = tpu.memref_slice %arg7[%run_scoped3A_426, %dma_wait3A_540] : memref<8x256xi32, #tpu.memory_space<vmem>> -> memref<1x128xi32, #tpu.memory_space<vmem>>
        %dma_wait3A_542 = tpu.memref_squeeze %dma_wait3A_541 : memref<1x128xi32, #tpu.memory_space<vmem>> -> memref<128xi32, #tpu.memory_space<vmem>>
        %dma_wait3A_543 = arith.constant 0 : i32
        %dma_wait3A_544 = arith.constant 0 : i32
        %dma_wait3A_545 = tpu.memref_slice %arg14[%dma_wait3A_543, %dma_wait3A_544] : memref<10008x128xf32, #tpu.memory_space<vmem_shared>> -> memref<10008x128xf32, #tpu.memory_space<vmem_shared>>
        tpu.wait_indirect_dma semaphore(%run_scoped3A_533 : memref<!tpu.dma_semaphore, #tpu.memory_space<semaphore_mem>>) src(%arg9 : memref<128x128xf32, #tpu.memory_space<vmem>>) dst(%dma_wait3A_545 : memref<10008x128xf32, #tpu.memory_space<vmem_shared>>)
        tpu.yield
      }) : () -> ()
      %dma_start3A_427 = arith.constant 3 : i32
      %dma_start3A_428 = arith.constant 0 : i32
      %dma_start3A_429 = tpu.memref_slice %arg7[%dma_start3A_427, %dma_start3A_428] : memref<8x256xi32, #tpu.memory_space<vmem>> -> memref<1x128xi32, #tpu.memory_space<vmem>>
      %dma_start3A_430 = tpu.memref_squeeze %dma_start3A_429 : memref<1x128xi32, #tpu.memory_space<vmem>> -> memref<128xi32, #tpu.memory_space<vmem>>
      %dma_start3A_431 = arith.constant 0 : i32
      %dma_start3A_432 = arith.constant 0 : i32
      %dma_start3A_433 = tpu.memref_slice %arg2[%dma_start3A_431, %dma_start3A_432] : memref<40000x128xf32, #tpu.memory_space<hbm>> -> memref<40000x128xf32, #tpu.memory_space<hbm>>
      tpu.enqueue_indirect_dma source(%dma_start3A_433 : memref<40000x128xf32, #tpu.memory_space<hbm>>) target(%arg9 : memref<128x128xf32, #tpu.memory_space<vmem>>) offsets(%dma_start3A_430 : memref<128xi32, #tpu.memory_space<vmem>>) semaphore(%arg13 : memref<!tpu.dma_semaphore, #tpu.memory_space<semaphore_mem>>)
      %dma_wait3A_434 = arith.constant 0 : i32
      %dma_wait3A_435 = arith.constant 0 : i32
      %dma_wait3A_436 = tpu.memref_slice %arg2[%dma_wait3A_434, %dma_wait3A_435] : memref<40000x128xf32, #tpu.memory_space<hbm>> -> memref<128x128xf32, #tpu.memory_space<hbm>>
      %dma_wait3A_437 = arith.constant 0 : i32
      %dma_wait3A_438 = arith.constant 0 : i32
      %dma_wait3A_439 = tpu.memref_slice %arg2[%dma_wait3A_437, %dma_wait3A_438] : memref<40000x128xf32, #tpu.memory_space<hbm>> -> memref<128x128xf32, #tpu.memory_space<hbm>>
      tpu.wait_dma2 semaphore(%arg12 : memref<!tpu.dma_semaphore, #tpu.memory_space<semaphore_mem>>) src(%dma_wait3A_439 : memref<128x128xf32, #tpu.memory_space<hbm>>) dst(%arg8 : memref<128x128xf32, #tpu.memory_space<vmem>>)
      %run_scoped3A_440 = arith.constant 2 : i32
      "tpu.region"() ({
        %run_scoped3A_533 = tpu.sem_alloc : memref<!tpu.dma_semaphore, #tpu.memory_space<semaphore_mem>>
        %dma_start3A_534 = arith.constant 128 : i32
        %dma_start3A_535 = tpu.memref_slice %arg7[%run_scoped3A_440, %dma_start3A_534] : memref<8x256xi32, #tpu.memory_space<vmem>> -> memref<1x128xi32, #tpu.memory_space<vmem>>
        %dma_start3A_536 = tpu.memref_squeeze %dma_start3A_535 : memref<1x128xi32, #tpu.memory_space<vmem>> -> memref<128xi32, #tpu.memory_space<vmem>>
        %dma_start3A_537 = arith.constant 0 : i32
        %dma_start3A_538 = arith.constant 0 : i32
        %dma_start3A_539 = tpu.memref_slice %arg14[%dma_start3A_537, %dma_start3A_538] : memref<10008x128xf32, #tpu.memory_space<vmem_shared>> -> memref<10008x128xf32, #tpu.memory_space<vmem_shared>>
        tpu.enqueue_indirect_dma source(%arg8 : memref<128x128xf32, #tpu.memory_space<vmem>>) target(%dma_start3A_539 : memref<10008x128xf32, #tpu.memory_space<vmem_shared>>) offsets(%dma_start3A_536 : memref<128xi32, #tpu.memory_space<vmem>>) semaphore(%run_scoped3A_533 : memref<!tpu.dma_semaphore, #tpu.memory_space<semaphore_mem>>) {add = true}
        %dma_wait3A_540 = arith.constant 128 : i32
        %dma_wait3A_541 = tpu.memref_slice %arg7[%run_scoped3A_440, %dma_wait3A_540] : memref<8x256xi32, #tpu.memory_space<vmem>> -> memref<1x128xi32, #tpu.memory_space<vmem>>
        %dma_wait3A_542 = tpu.memref_squeeze %dma_wait3A_541 : memref<1x128xi32, #tpu.memory_space<vmem>> -> memref<128xi32, #tpu.memory_space<vmem>>
        %dma_wait3A_543 = arith.constant 0 : i32
        %dma_wait3A_544 = arith.constant 0 : i32
        %dma_wait3A_545 = tpu.memref_slice %arg14[%dma_wait3A_543, %dma_wait3A_544] : memref<10008x128xf32, #tpu.memory_space<vmem_shared>> -> memref<10008x128xf32, #tpu.memory_space<vmem_shared>>
        tpu.wait_indirect_dma semaphore(%run_scoped3A_533 : memref<!tpu.dma_semaphore, #tpu.memory_space<semaphore_mem>>) src(%arg8 : memref<128x128xf32, #tpu.memory_space<vmem>>) dst(%dma_wait3A_545 : memref<10008x128xf32, #tpu.memory_space<vmem_shared>>)
        tpu.yield
      }) : () -> ()
      %dma_start3A_441 = arith.constant 4 : i32
      %dma_start3A_442 = arith.constant 0 : i32
      %dma_start3A_443 = tpu.memref_slice %arg7[%dma_start3A_441, %dma_start3A_442] : memref<8x256xi32, #tpu.memory_space<vmem>> -> memref<1x128xi32, #tpu.memory_space<vmem>>
      %dma_start3A_444 = tpu.memref_squeeze %dma_start3A_443 : memref<1x128xi32, #tpu.memory_space<vmem>> -> memref<128xi32, #tpu.memory_space<vmem>>
      %dma_start3A_445 = arith.constant 0 : i32
      %dma_start3A_446 = arith.constant 0 : i32
      %dma_start3A_447 = tpu.memref_slice %arg2[%dma_start3A_445, %dma_start3A_446] : memref<40000x128xf32, #tpu.memory_space<hbm>> -> memref<40000x128xf32, #tpu.memory_space<hbm>>
      tpu.enqueue_indirect_dma source(%dma_start3A_447 : memref<40000x128xf32, #tpu.memory_space<hbm>>) target(%arg8 : memref<128x128xf32, #tpu.memory_space<vmem>>) offsets(%dma_start3A_444 : memref<128xi32, #tpu.memory_space<vmem>>) semaphore(%arg12 : memref<!tpu.dma_semaphore, #tpu.memory_space<semaphore_mem>>)
      %dma_wait3A_448 = arith.constant 0 : i32
      %dma_wait3A_449 = arith.constant 0 : i32
      %dma_wait3A_450 = tpu.memref_slice %arg2[%dma_wait3A_448, %dma_wait3A_449] : memref<40000x128xf32, #tpu.memory_space<hbm>> -> memref<128x128xf32, #tpu.memory_space<hbm>>
      %dma_wait3A_451 = arith.constant 0 : i32
      %dma_wait3A_452 = arith.constant 0 : i32
      %dma_wait3A_453 = tpu.memref_slice %arg2[%dma_wait3A_451, %dma_wait3A_452] : memref<40000x128xf32, #tpu.memory_space<hbm>> -> memref<128x128xf32, #tpu.memory_space<hbm>>
      tpu.wait_dma2 semaphore(%arg13 : memref<!tpu.dma_semaphore, #tpu.memory_space<semaphore_mem>>) src(%dma_wait3A_453 : memref<128x128xf32, #tpu.memory_space<hbm>>) dst(%arg9 : memref<128x128xf32, #tpu.memory_space<vmem>>)
      %run_scoped3A_454 = arith.constant 3 : i32
      "tpu.region"() ({
        %run_scoped3A_533 = tpu.sem_alloc : memref<!tpu.dma_semaphore, #tpu.memory_space<semaphore_mem>>
        %dma_start3A_534 = arith.constant 128 : i32
        %dma_start3A_535 = tpu.memref_slice %arg7[%run_scoped3A_454, %dma_start3A_534] : memref<8x256xi32, #tpu.memory_space<vmem>> -> memref<1x128xi32, #tpu.memory_space<vmem>>
        %dma_start3A_536 = tpu.memref_squeeze %dma_start3A_535 : memref<1x128xi32, #tpu.memory_space<vmem>> -> memref<128xi32, #tpu.memory_space<vmem>>
        %dma_start3A_537 = arith.constant 0 : i32
        %dma_start3A_538 = arith.constant 0 : i32
        %dma_start3A_539 = tpu.memref_slice %arg14[%dma_start3A_537, %dma_start3A_538] : memref<10008x128xf32, #tpu.memory_space<vmem_shared>> -> memref<10008x128xf32, #tpu.memory_space<vmem_shared>>
        tpu.enqueue_indirect_dma source(%arg9 : memref<128x128xf32, #tpu.memory_space<vmem>>) target(%dma_start3A_539 : memref<10008x128xf32, #tpu.memory_space<vmem_shared>>) offsets(%dma_start3A_536 : memref<128xi32, #tpu.memory_space<vmem>>) semaphore(%run_scoped3A_533 : memref<!tpu.dma_semaphore, #tpu.memory_space<semaphore_mem>>) {add = true}
        %dma_wait3A_540 = arith.constant 128 : i32
        %dma_wait3A_541 = tpu.memref_slice %arg7[%run_scoped3A_454, %dma_wait3A_540] : memref<8x256xi32, #tpu.memory_space<vmem>> -> memref<1x128xi32, #tpu.memory_space<vmem>>
        %dma_wait3A_542 = tpu.memref_squeeze %dma_wait3A_541 : memref<1x128xi32, #tpu.memory_space<vmem>> -> memref<128xi32, #tpu.memory_space<vmem>>
        %dma_wait3A_543 = arith.constant 0 : i32
        %dma_wait3A_544 = arith.constant 0 : i32
        %dma_wait3A_545 = tpu.memref_slice %arg14[%dma_wait3A_543, %dma_wait3A_544] : memref<10008x128xf32, #tpu.memory_space<vmem_shared>> -> memref<10008x128xf32, #tpu.memory_space<vmem_shared>>
        tpu.wait_indirect_dma semaphore(%run_scoped3A_533 : memref<!tpu.dma_semaphore, #tpu.memory_space<semaphore_mem>>) src(%arg9 : memref<128x128xf32, #tpu.memory_space<vmem>>) dst(%dma_wait3A_545 : memref<10008x128xf32, #tpu.memory_space<vmem_shared>>)
        tpu.yield
      }) : () -> ()
      %dma_start3A_455 = arith.constant 5 : i32
      %dma_start3A_456 = arith.constant 0 : i32
      %dma_start3A_457 = tpu.memref_slice %arg7[%dma_start3A_455, %dma_start3A_456] : memref<8x256xi32, #tpu.memory_space<vmem>> -> memref<1x128xi32, #tpu.memory_space<vmem>>
      %dma_start3A_458 = tpu.memref_squeeze %dma_start3A_457 : memref<1x128xi32, #tpu.memory_space<vmem>> -> memref<128xi32, #tpu.memory_space<vmem>>
      %dma_start3A_459 = arith.constant 0 : i32
      %dma_start3A_460 = arith.constant 0 : i32
      %dma_start3A_461 = tpu.memref_slice %arg2[%dma_start3A_459, %dma_start3A_460] : memref<40000x128xf32, #tpu.memory_space<hbm>> -> memref<40000x128xf32, #tpu.memory_space<hbm>>
      tpu.enqueue_indirect_dma source(%dma_start3A_461 : memref<40000x128xf32, #tpu.memory_space<hbm>>) target(%arg9 : memref<128x128xf32, #tpu.memory_space<vmem>>) offsets(%dma_start3A_458 : memref<128xi32, #tpu.memory_space<vmem>>) semaphore(%arg13 : memref<!tpu.dma_semaphore, #tpu.memory_space<semaphore_mem>>)
      %dma_wait3A_462 = arith.constant 0 : i32
      %dma_wait3A_463 = arith.constant 0 : i32
      %dma_wait3A_464 = tpu.memref_slice %arg2[%dma_wait3A_462, %dma_wait3A_463] : memref<40000x128xf32, #tpu.memory_space<hbm>> -> memref<128x128xf32, #tpu.memory_space<hbm>>
      %dma_wait3A_465 = arith.constant 0 : i32
      %dma_wait3A_466 = arith.constant 0 : i32
      %dma_wait3A_467 = tpu.memref_slice %arg2[%dma_wait3A_465, %dma_wait3A_466] : memref<40000x128xf32, #tpu.memory_space<hbm>> -> memref<128x128xf32, #tpu.memory_space<hbm>>
      tpu.wait_dma2 semaphore(%arg12 : memref<!tpu.dma_semaphore, #tpu.memory_space<semaphore_mem>>) src(%dma_wait3A_467 : memref<128x128xf32, #tpu.memory_space<hbm>>) dst(%arg8 : memref<128x128xf32, #tpu.memory_space<vmem>>)
      %run_scoped3A_468 = arith.constant 4 : i32
      "tpu.region"() ({
        %run_scoped3A_533 = tpu.sem_alloc : memref<!tpu.dma_semaphore, #tpu.memory_space<semaphore_mem>>
        %dma_start3A_534 = arith.constant 128 : i32
        %dma_start3A_535 = tpu.memref_slice %arg7[%run_scoped3A_468, %dma_start3A_534] : memref<8x256xi32, #tpu.memory_space<vmem>> -> memref<1x128xi32, #tpu.memory_space<vmem>>
        %dma_start3A_536 = tpu.memref_squeeze %dma_start3A_535 : memref<1x128xi32, #tpu.memory_space<vmem>> -> memref<128xi32, #tpu.memory_space<vmem>>
        %dma_start3A_537 = arith.constant 0 : i32
        %dma_start3A_538 = arith.constant 0 : i32
        %dma_start3A_539 = tpu.memref_slice %arg14[%dma_start3A_537, %dma_start3A_538] : memref<10008x128xf32, #tpu.memory_space<vmem_shared>> -> memref<10008x128xf32, #tpu.memory_space<vmem_shared>>
        tpu.enqueue_indirect_dma source(%arg8 : memref<128x128xf32, #tpu.memory_space<vmem>>) target(%dma_start3A_539 : memref<10008x128xf32, #tpu.memory_space<vmem_shared>>) offsets(%dma_start3A_536 : memref<128xi32, #tpu.memory_space<vmem>>) semaphore(%run_scoped3A_533 : memref<!tpu.dma_semaphore, #tpu.memory_space<semaphore_mem>>) {add = true}
        %dma_wait3A_540 = arith.constant 128 : i32
        %dma_wait3A_541 = tpu.memref_slice %arg7[%run_scoped3A_468, %dma_wait3A_540] : memref<8x256xi32, #tpu.memory_space<vmem>> -> memref<1x128xi32, #tpu.memory_space<vmem>>
        %dma_wait3A_542 = tpu.memref_squeeze %dma_wait3A_541 : memref<1x128xi32, #tpu.memory_space<vmem>> -> memref<128xi32, #tpu.memory_space<vmem>>
        %dma_wait3A_543 = arith.constant 0 : i32
        %dma_wait3A_544 = arith.constant 0 : i32
        %dma_wait3A_545 = tpu.memref_slice %arg14[%dma_wait3A_543, %dma_wait3A_544] : memref<10008x128xf32, #tpu.memory_space<vmem_shared>> -> memref<10008x128xf32, #tpu.memory_space<vmem_shared>>
        tpu.wait_indirect_dma semaphore(%run_scoped3A_533 : memref<!tpu.dma_semaphore, #tpu.memory_space<semaphore_mem>>) src(%arg8 : memref<128x128xf32, #tpu.memory_space<vmem>>) dst(%dma_wait3A_545 : memref<10008x128xf32, #tpu.memory_space<vmem_shared>>)
        tpu.yield
      }) : () -> ()
      %dma_start3A_469 = arith.constant 6 : i32
      %dma_start3A_470 = arith.constant 0 : i32
      %dma_start3A_471 = tpu.memref_slice %arg7[%dma_start3A_469, %dma_start3A_470] : memref<8x256xi32, #tpu.memory_space<vmem>> -> memref<1x128xi32, #tpu.memory_space<vmem>>
      %dma_start3A_472 = tpu.memref_squeeze %dma_start3A_471 : memref<1x128xi32, #tpu.memory_space<vmem>> -> memref<128xi32, #tpu.memory_space<vmem>>
      %dma_start3A_473 = arith.constant 0 : i32
      %dma_start3A_474 = arith.constant 0 : i32
      %dma_start3A_475 = tpu.memref_slice %arg2[%dma_start3A_473, %dma_start3A_474] : memref<40000x128xf32, #tpu.memory_space<hbm>> -> memref<40000x128xf32, #tpu.memory_space<hbm>>
      tpu.enqueue_indirect_dma source(%dma_start3A_475 : memref<40000x128xf32, #tpu.memory_space<hbm>>) target(%arg8 : memref<128x128xf32, #tpu.memory_space<vmem>>) offsets(%dma_start3A_472 : memref<128xi32, #tpu.memory_space<vmem>>) semaphore(%arg12 : memref<!tpu.dma_semaphore, #tpu.memory_space<semaphore_mem>>)
      %dma_wait3A_476 = arith.constant 0 : i32
      %dma_wait3A_477 = arith.constant 0 : i32
      %dma_wait3A_478 = tpu.memref_slice %arg2[%dma_wait3A_476, %dma_wait3A_477] : memref<40000x128xf32, #tpu.memory_space<hbm>> -> memref<128x128xf32, #tpu.memory_space<hbm>>
      %dma_wait3A_479 = arith.constant 0 : i32
      %dma_wait3A_480 = arith.constant 0 : i32
      %dma_wait3A_481 = tpu.memref_slice %arg2[%dma_wait3A_479, %dma_wait3A_480] : memref<40000x128xf32, #tpu.memory_space<hbm>> -> memref<128x128xf32, #tpu.memory_space<hbm>>
      tpu.wait_dma2 semaphore(%arg13 : memref<!tpu.dma_semaphore, #tpu.memory_space<semaphore_mem>>) src(%dma_wait3A_481 : memref<128x128xf32, #tpu.memory_space<hbm>>) dst(%arg9 : memref<128x128xf32, #tpu.memory_space<vmem>>)
      %run_scoped3A_482 = arith.constant 5 : i32
      "tpu.region"() ({
        %run_scoped3A_533 = tpu.sem_alloc : memref<!tpu.dma_semaphore, #tpu.memory_space<semaphore_mem>>
        %dma_start3A_534 = arith.constant 128 : i32
        %dma_start3A_535 = tpu.memref_slice %arg7[%run_scoped3A_482, %dma_start3A_534] : memref<8x256xi32, #tpu.memory_space<vmem>> -> memref<1x128xi32, #tpu.memory_space<vmem>>
        %dma_start3A_536 = tpu.memref_squeeze %dma_start3A_535 : memref<1x128xi32, #tpu.memory_space<vmem>> -> memref<128xi32, #tpu.memory_space<vmem>>
        %dma_start3A_537 = arith.constant 0 : i32
        %dma_start3A_538 = arith.constant 0 : i32
        %dma_start3A_539 = tpu.memref_slice %arg14[%dma_start3A_537, %dma_start3A_538] : memref<10008x128xf32, #tpu.memory_space<vmem_shared>> -> memref<10008x128xf32, #tpu.memory_space<vmem_shared>>
        tpu.enqueue_indirect_dma source(%arg9 : memref<128x128xf32, #tpu.memory_space<vmem>>) target(%dma_start3A_539 : memref<10008x128xf32, #tpu.memory_space<vmem_shared>>) offsets(%dma_start3A_536 : memref<128xi32, #tpu.memory_space<vmem>>) semaphore(%run_scoped3A_533 : memref<!tpu.dma_semaphore, #tpu.memory_space<semaphore_mem>>) {add = true}
        %dma_wait3A_540 = arith.constant 128 : i32
        %dma_wait3A_541 = tpu.memref_slice %arg7[%run_scoped3A_482, %dma_wait3A_540] : memref<8x256xi32, #tpu.memory_space<vmem>> -> memref<1x128xi32, #tpu.memory_space<vmem>>
        %dma_wait3A_542 = tpu.memref_squeeze %dma_wait3A_541 : memref<1x128xi32, #tpu.memory_space<vmem>> -> memref<128xi32, #tpu.memory_space<vmem>>
        %dma_wait3A_543 = arith.constant 0 : i32
        %dma_wait3A_544 = arith.constant 0 : i32
        %dma_wait3A_545 = tpu.memref_slice %arg14[%dma_wait3A_543, %dma_wait3A_544] : memref<10008x128xf32, #tpu.memory_space<vmem_shared>> -> memref<10008x128xf32, #tpu.memory_space<vmem_shared>>
        tpu.wait_indirect_dma semaphore(%run_scoped3A_533 : memref<!tpu.dma_semaphore, #tpu.memory_space<semaphore_mem>>) src(%arg9 : memref<128x128xf32, #tpu.memory_space<vmem>>) dst(%dma_wait3A_545 : memref<10008x128xf32, #tpu.memory_space<vmem_shared>>)
        tpu.yield
      }) : () -> ()
      %dma_start3A_483 = arith.constant 7 : i32
      %dma_start3A_484 = arith.constant 0 : i32
      %dma_start3A_485 = tpu.memref_slice %arg7[%dma_start3A_483, %dma_start3A_484] : memref<8x256xi32, #tpu.memory_space<vmem>> -> memref<1x128xi32, #tpu.memory_space<vmem>>
      %dma_start3A_486 = tpu.memref_squeeze %dma_start3A_485 : memref<1x128xi32, #tpu.memory_space<vmem>> -> memref<128xi32, #tpu.memory_space<vmem>>
      %dma_start3A_487 = arith.constant 0 : i32
      %dma_start3A_488 = arith.constant 0 : i32
      %dma_start3A_489 = tpu.memref_slice %arg2[%dma_start3A_487, %dma_start3A_488] : memref<40000x128xf32, #tpu.memory_space<hbm>> -> memref<40000x128xf32, #tpu.memory_space<hbm>>
      tpu.enqueue_indirect_dma source(%dma_start3A_489 : memref<40000x128xf32, #tpu.memory_space<hbm>>) target(%arg9 : memref<128x128xf32, #tpu.memory_space<vmem>>) offsets(%dma_start3A_486 : memref<128xi32, #tpu.memory_space<vmem>>) semaphore(%arg13 : memref<!tpu.dma_semaphore, #tpu.memory_space<semaphore_mem>>)
      %dma_wait3A_490 = arith.constant 0 : i32
      %dma_wait3A_491 = arith.constant 0 : i32
      %dma_wait3A_492 = tpu.memref_slice %arg2[%dma_wait3A_490, %dma_wait3A_491] : memref<40000x128xf32, #tpu.memory_space<hbm>> -> memref<128x128xf32, #tpu.memory_space<hbm>>
      %dma_wait3A_493 = arith.constant 0 : i32
      %dma_wait3A_494 = arith.constant 0 : i32
      %dma_wait3A_495 = tpu.memref_slice %arg2[%dma_wait3A_493, %dma_wait3A_494] : memref<40000x128xf32, #tpu.memory_space<hbm>> -> memref<128x128xf32, #tpu.memory_space<hbm>>
      tpu.wait_dma2 semaphore(%arg12 : memref<!tpu.dma_semaphore, #tpu.memory_space<semaphore_mem>>) src(%dma_wait3A_495 : memref<128x128xf32, #tpu.memory_space<hbm>>) dst(%arg8 : memref<128x128xf32, #tpu.memory_space<vmem>>)
      %run_scoped3A_496 = arith.constant 6 : i32
      "tpu.region"() ({
        %run_scoped3A_533 = tpu.sem_alloc : memref<!tpu.dma_semaphore, #tpu.memory_space<semaphore_mem>>
        %dma_start3A_534 = arith.constant 128 : i32
        %dma_start3A_535 = tpu.memref_slice %arg7[%run_scoped3A_496, %dma_start3A_534] : memref<8x256xi32, #tpu.memory_space<vmem>> -> memref<1x128xi32, #tpu.memory_space<vmem>>
        %dma_start3A_536 = tpu.memref_squeeze %dma_start3A_535 : memref<1x128xi32, #tpu.memory_space<vmem>> -> memref<128xi32, #tpu.memory_space<vmem>>
        %dma_start3A_537 = arith.constant 0 : i32
        %dma_start3A_538 = arith.constant 0 : i32
        %dma_start3A_539 = tpu.memref_slice %arg14[%dma_start3A_537, %dma_start3A_538] : memref<10008x128xf32, #tpu.memory_space<vmem_shared>> -> memref<10008x128xf32, #tpu.memory_space<vmem_shared>>
        tpu.enqueue_indirect_dma source(%arg8 : memref<128x128xf32, #tpu.memory_space<vmem>>) target(%dma_start3A_539 : memref<10008x128xf32, #tpu.memory_space<vmem_shared>>) offsets(%dma_start3A_536 : memref<128xi32, #tpu.memory_space<vmem>>) semaphore(%run_scoped3A_533 : memref<!tpu.dma_semaphore, #tpu.memory_space<semaphore_mem>>) {add = true}
        %dma_wait3A_540 = arith.constant 128 : i32
        %dma_wait3A_541 = tpu.memref_slice %arg7[%run_scoped3A_496, %dma_wait3A_540] : memref<8x256xi32, #tpu.memory_space<vmem>> -> memref<1x128xi32, #tpu.memory_space<vmem>>
        %dma_wait3A_542 = tpu.memref_squeeze %dma_wait3A_541 : memref<1x128xi32, #tpu.memory_space<vmem>> -> memref<128xi32, #tpu.memory_space<vmem>>
        %dma_wait3A_543 = arith.constant 0 : i32
        %dma_wait3A_544 = arith.constant 0 : i32
        %dma_wait3A_545 = tpu.memref_slice %arg14[%dma_wait3A_543, %dma_wait3A_544] : memref<10008x128xf32, #tpu.memory_space<vmem_shared>> -> memref<10008x128xf32, #tpu.memory_space<vmem_shared>>
        tpu.wait_indirect_dma semaphore(%run_scoped3A_533 : memref<!tpu.dma_semaphore, #tpu.memory_space<semaphore_mem>>) src(%arg8 : memref<128x128xf32, #tpu.memory_space<vmem>>) dst(%dma_wait3A_545 : memref<10008x128xf32, #tpu.memory_space<vmem_shared>>)
        tpu.yield
      }) : () -> ()
      %dma_wait3A_497 = arith.constant 0 : i32
      %dma_wait3A_498 = arith.constant 0 : i32
      %dma_wait3A_499 = arith.constant 0 : i32
      %dma_wait3A_500 = arith.constant 0 : i32
      %dma_wait3A_501 = tpu.memref_slice %arg3[%dma_wait3A_497, %dma_wait3A_498, %dma_wait3A_499, %dma_wait3A_500] : memref<32x10x8x256xi32, #tpu.memory_space<hbm>> -> memref<1x1x8x256xi32, #tpu.memory_space<hbm>>
      %dma_wait3A_502 = tpu.memref_squeeze %dma_wait3A_501 : memref<1x1x8x256xi32, #tpu.memory_space<hbm>> -> memref<8x256xi32, #tpu.memory_space<hbm>>
      %dma_wait3A_503 = arith.constant 0 : i32
      %dma_wait3A_504 = arith.constant 0 : i32
      %dma_wait3A_505 = tpu.memref_slice %arg3[%dma_wait3A_497, %dma_wait3A_498, %dma_wait3A_503, %dma_wait3A_504] : memref<32x10x8x256xi32, #tpu.memory_space<hbm>> -> memref<1x1x8x256xi32, #tpu.memory_space<hbm>>
      %dma_wait3A_506 = tpu.memref_squeeze %dma_wait3A_505 : memref<1x1x8x256xi32, #tpu.memory_space<hbm>> -> memref<8x256xi32, #tpu.memory_space<hbm>>
      tpu.wait_dma2 semaphore(%arg10 : memref<!tpu.dma_semaphore, #tpu.memory_space<semaphore_mem>>) src(%dma_wait3A_506 : memref<8x256xi32, #tpu.memory_space<hbm>>) dst(%arg6 : memref<8x256xi32, #tpu.memory_space<vmem>>)
      %dma_start3A_507 = arith.constant 0 : i32
      %dma_start3A_508 = arith.constant 0 : i32
      %dma_start3A_509 = tpu.memref_slice %arg6[%dma_start3A_507, %dma_start3A_508] : memref<8x256xi32, #tpu.memory_space<vmem>> -> memref<1x128xi32, #tpu.memory_space<vmem>>
      %dma_start3A_510 = tpu.memref_squeeze %dma_start3A_509 : memref<1x128xi32, #tpu.memory_space<vmem>> -> memref<128xi32, #tpu.memory_space<vmem>>
      %dma_start3A_511 = arith.constant 0 : i32
      %dma_start3A_512 = arith.constant 0 : i32
      %dma_start3A_513 = tpu.memref_slice %arg2[%dma_start3A_511, %dma_start3A_512] : memref<40000x128xf32, #tpu.memory_space<hbm>> -> memref<40000x128xf32, #tpu.memory_space<hbm>>
      tpu.enqueue_indirect_dma source(%dma_start3A_513 : memref<40000x128xf32, #tpu.memory_space<hbm>>) target(%arg8 : memref<128x128xf32, #tpu.memory_space<vmem>>) offsets(%dma_start3A_510 : memref<128xi32, #tpu.memory_space<vmem>>) semaphore(%arg12 : memref<!tpu.dma_semaphore, #tpu.memory_space<semaphore_mem>>)
      %dma_wait3A_514 = arith.constant 0 : i32
      %dma_wait3A_515 = arith.constant 0 : i32
      %dma_wait3A_516 = tpu.memref_slice %arg2[%dma_wait3A_514, %dma_wait3A_515] : memref<40000x128xf32, #tpu.memory_space<hbm>> -> memref<128x128xf32, #tpu.memory_space<hbm>>
      %dma_wait3A_517 = arith.constant 0 : i32
      %dma_wait3A_518 = arith.constant 0 : i32
      %dma_wait3A_519 = tpu.memref_slice %arg2[%dma_wait3A_517, %dma_wait3A_518] : memref<40000x128xf32, #tpu.memory_space<hbm>> -> memref<128x128xf32, #tpu.memory_space<hbm>>
      tpu.wait_dma2 semaphore(%arg13 : memref<!tpu.dma_semaphore, #tpu.memory_space<semaphore_mem>>) src(%dma_wait3A_519 : memref<128x128xf32, #tpu.memory_space<hbm>>) dst(%arg9 : memref<128x128xf32, #tpu.memory_space<vmem>>)
      %run_scoped3A_520 = arith.constant 7 : i32
      "tpu.region"() ({
        %run_scoped3A_533 = tpu.sem_alloc : memref<!tpu.dma_semaphore, #tpu.memory_space<semaphore_mem>>
        %dma_start3A_534 = arith.constant 128 : i32
        %dma_start3A_535 = tpu.memref_slice %arg7[%run_scoped3A_520, %dma_start3A_534] : memref<8x256xi32, #tpu.memory_space<vmem>> -> memref<1x128xi32, #tpu.memory_space<vmem>>
        %dma_start3A_536 = tpu.memref_squeeze %dma_start3A_535 : memref<1x128xi32, #tpu.memory_space<vmem>> -> memref<128xi32, #tpu.memory_space<vmem>>
        %dma_start3A_537 = arith.constant 0 : i32
        %dma_start3A_538 = arith.constant 0 : i32
        %dma_start3A_539 = tpu.memref_slice %arg14[%dma_start3A_537, %dma_start3A_538] : memref<10008x128xf32, #tpu.memory_space<vmem_shared>> -> memref<10008x128xf32, #tpu.memory_space<vmem_shared>>
        tpu.enqueue_indirect_dma source(%arg9 : memref<128x128xf32, #tpu.memory_space<vmem>>) target(%dma_start3A_539 : memref<10008x128xf32, #tpu.memory_space<vmem_shared>>) offsets(%dma_start3A_536 : memref<128xi32, #tpu.memory_space<vmem>>) semaphore(%run_scoped3A_533 : memref<!tpu.dma_semaphore, #tpu.memory_space<semaphore_mem>>) {add = true}
        %dma_wait3A_540 = arith.constant 128 : i32
        %dma_wait3A_541 = tpu.memref_slice %arg7[%run_scoped3A_520, %dma_wait3A_540] : memref<8x256xi32, #tpu.memory_space<vmem>> -> memref<1x128xi32, #tpu.memory_space<vmem>>
        %dma_wait3A_542 = tpu.memref_squeeze %dma_wait3A_541 : memref<1x128xi32, #tpu.memory_space<vmem>> -> memref<128xi32, #tpu.memory_space<vmem>>
        %dma_wait3A_543 = arith.constant 0 : i32
        %dma_wait3A_544 = arith.constant 0 : i32
        %dma_wait3A_545 = tpu.memref_slice %arg14[%dma_wait3A_543, %dma_wait3A_544] : memref<10008x128xf32, #tpu.memory_space<vmem_shared>> -> memref<10008x128xf32, #tpu.memory_space<vmem_shared>>
        tpu.wait_indirect_dma semaphore(%run_scoped3A_533 : memref<!tpu.dma_semaphore, #tpu.memory_space<semaphore_mem>>) src(%arg9 : memref<128x128xf32, #tpu.memory_space<vmem>>) dst(%dma_wait3A_545 : memref<10008x128xf32, #tpu.memory_space<vmem_shared>>)
        tpu.yield
      }) : () -> ()
      %mul3A_521 = arith.constant 2 : i32
      %mul3A_522 = arith.muli %mul3A_521, %scan3A_264 : i32
      %add3A_523 = arith.constant 3 : i32
      %add3A_524 = arith.addi %mul3A_522, %add3A_523 : i32
      %dma_start3A_525 = arith.constant 0 : i32
      %dma_start3A_526 = arith.constant 0 : i32
      %dma_start3A_527 = tpu.memref_slice %arg3[%add3A, %add3A_524, %dma_start3A_525, %dma_start3A_526] : memref<32x10x8x256xi32, #tpu.memory_space<hbm>> -> memref<1x1x8x256xi32, #tpu.memory_space<hbm>>
      %dma_start3A_528 = tpu.memref_squeeze %dma_start3A_527 : memref<1x1x8x256xi32, #tpu.memory_space<hbm>> -> memref<8x256xi32, #tpu.memory_space<hbm>>
      %dma_start3A_529 = arith.constant 0 : i32
      %dma_start3A_530 = arith.constant 0 : i32
      %dma_start3A_531 = tpu.memref_slice %arg3[%add3A, %add3A_524, %dma_start3A_529, %dma_start3A_530] : memref<32x10x8x256xi32, #tpu.memory_space<hbm>> -> memref<1x1x8x256xi32, #tpu.memory_space<hbm>>
      %dma_start3A_532 = tpu.memref_squeeze %dma_start3A_531 : memref<1x1x8x256xi32, #tpu.memory_space<hbm>> -> memref<8x256xi32, #tpu.memory_space<hbm>>
      tpu.enqueue_dma source(%dma_start3A_532 : memref<8x256xi32, #tpu.memory_space<hbm>>) target(%arg7 : memref<8x256xi32, #tpu.memory_space<vmem>>) target_semaphore(%arg11 : memref<!tpu.dma_semaphore, #tpu.memory_space<semaphore_mem>>)
    }
    %scan3A_26 = arith.constant 4 : i32
    %dma_start3A_27 = arith.constant 1 : i32
    %dma_start3A_28 = arith.constant 0 : i32
    %dma_start3A_29 = tpu.memref_slice %arg6[%dma_start3A_27, %dma_start3A_28] : memref<8x256xi32, #tpu.memory_space<vmem>> -> memref<1x128xi32, #tpu.memory_space<vmem>>
    %dma_start3A_30 = tpu.memref_squeeze %dma_start3A_29 : memref<1x128xi32, #tpu.memory_space<vmem>> -> memref<128xi32, #tpu.memory_space<vmem>>
    %dma_start3A_31 = arith.constant 0 : i32
    %dma_start3A_32 = arith.constant 0 : i32
    %dma_start3A_33 = tpu.memref_slice %arg2[%dma_start3A_31, %dma_start3A_32] : memref<40000x128xf32, #tpu.memory_space<hbm>> -> memref<40000x128xf32, #tpu.memory_space<hbm>>
    tpu.enqueue_indirect_dma source(%dma_start3A_33 : memref<40000x128xf32, #tpu.memory_space<hbm>>) target(%arg9 : memref<128x128xf32, #tpu.memory_space<vmem>>) offsets(%dma_start3A_30 : memref<128xi32, #tpu.memory_space<vmem>>) semaphore(%arg13 : memref<!tpu.dma_semaphore, #tpu.memory_space<semaphore_mem>>)
    %dma_wait3A = arith.constant 0 : i32
    %dma_wait3A_34 = arith.constant 0 : i32
    %dma_wait3A_35 = tpu.memref_slice %arg2[%dma_wait3A, %dma_wait3A_34] : memref<40000x128xf32, #tpu.memory_space<hbm>> -> memref<128x128xf32, #tpu.memory_space<hbm>>
    %dma_wait3A_36 = arith.constant 0 : i32
    %dma_wait3A_37 = arith.constant 0 : i32
    %dma_wait3A_38 = tpu.memref_slice %arg2[%dma_wait3A_36, %dma_wait3A_37] : memref<40000x128xf32, #tpu.memory_space<hbm>> -> memref<128x128xf32, #tpu.memory_space<hbm>>
    tpu.wait_dma2 semaphore(%arg12 : memref<!tpu.dma_semaphore, #tpu.memory_space<semaphore_mem>>) src(%dma_wait3A_38 : memref<128x128xf32, #tpu.memory_space<hbm>>) dst(%arg8 : memref<128x128xf32, #tpu.memory_space<vmem>>)
    %run_scoped3A_39 = arith.constant 0 : i32
    "tpu.region"() ({
      %run_scoped3A_264 = tpu.sem_alloc : memref<!tpu.dma_semaphore, #tpu.memory_space<semaphore_mem>>
      %dma_start3A_265 = arith.constant 128 : i32
      %dma_start3A_266 = tpu.memref_slice %arg6[%run_scoped3A_39, %dma_start3A_265] : memref<8x256xi32, #tpu.memory_space<vmem>> -> memref<1x128xi32, #tpu.memory_space<vmem>>
      %dma_start3A_267 = tpu.memref_squeeze %dma_start3A_266 : memref<1x128xi32, #tpu.memory_space<vmem>> -> memref<128xi32, #tpu.memory_space<vmem>>
      %dma_start3A_268 = arith.constant 0 : i32
      %dma_start3A_269 = arith.constant 0 : i32
      %dma_start3A_270 = tpu.memref_slice %arg14[%dma_start3A_268, %dma_start3A_269] : memref<10008x128xf32, #tpu.memory_space<vmem_shared>> -> memref<10008x128xf32, #tpu.memory_space<vmem_shared>>
      tpu.enqueue_indirect_dma source(%arg8 : memref<128x128xf32, #tpu.memory_space<vmem>>) target(%dma_start3A_270 : memref<10008x128xf32, #tpu.memory_space<vmem_shared>>) offsets(%dma_start3A_267 : memref<128xi32, #tpu.memory_space<vmem>>) semaphore(%run_scoped3A_264 : memref<!tpu.dma_semaphore, #tpu.memory_space<semaphore_mem>>) {add = true}
      %dma_wait3A_271 = arith.constant 128 : i32
      %dma_wait3A_272 = tpu.memref_slice %arg6[%run_scoped3A_39, %dma_wait3A_271] : memref<8x256xi32, #tpu.memory_space<vmem>> -> memref<1x128xi32, #tpu.memory_space<vmem>>
      %dma_wait3A_273 = tpu.memref_squeeze %dma_wait3A_272 : memref<1x128xi32, #tpu.memory_space<vmem>> -> memref<128xi32, #tpu.memory_space<vmem>>
      %dma_wait3A_274 = arith.constant 0 : i32
      %dma_wait3A_275 = arith.constant 0 : i32
      %dma_wait3A_276 = tpu.memref_slice %arg14[%dma_wait3A_274, %dma_wait3A_275] : memref<10008x128xf32, #tpu.memory_space<vmem_shared>> -> memref<10008x128xf32, #tpu.memory_space<vmem_shared>>
      tpu.wait_indirect_dma semaphore(%run_scoped3A_264 : memref<!tpu.dma_semaphore, #tpu.memory_space<semaphore_mem>>) src(%arg8 : memref<128x128xf32, #tpu.memory_space<vmem>>) dst(%dma_wait3A_276 : memref<10008x128xf32, #tpu.memory_space<vmem_shared>>)
      tpu.yield
    }) : () -> ()
    %dma_start3A_40 = arith.constant 2 : i32
    %dma_start3A_41 = arith.constant 0 : i32
    %dma_start3A_42 = tpu.memref_slice %arg6[%dma_start3A_40, %dma_start3A_41] : memref<8x256xi32, #tpu.memory_space<vmem>> -> memref<1x128xi32, #tpu.memory_space<vmem>>
    %dma_start3A_43 = tpu.memref_squeeze %dma_start3A_42 : memref<1x128xi32, #tpu.memory_space<vmem>> -> memref<128xi32, #tpu.memory_space<vmem>>
    %dma_start3A_44 = arith.constant 0 : i32
    %dma_start3A_45 = arith.constant 0 : i32
    %dma_start3A_46 = tpu.memref_slice %arg2[%dma_start3A_44, %dma_start3A_45] : memref<40000x128xf32, #tpu.memory_space<hbm>> -> memref<40000x128xf32, #tpu.memory_space<hbm>>
    tpu.enqueue_indirect_dma source(%dma_start3A_46 : memref<40000x128xf32, #tpu.memory_space<hbm>>) target(%arg8 : memref<128x128xf32, #tpu.memory_space<vmem>>) offsets(%dma_start3A_43 : memref<128xi32, #tpu.memory_space<vmem>>) semaphore(%arg12 : memref<!tpu.dma_semaphore, #tpu.memory_space<semaphore_mem>>)
    %dma_wait3A_47 = arith.constant 0 : i32
    %dma_wait3A_48 = arith.constant 0 : i32
    %dma_wait3A_49 = tpu.memref_slice %arg2[%dma_wait3A_47, %dma_wait3A_48] : memref<40000x128xf32, #tpu.memory_space<hbm>> -> memref<128x128xf32, #tpu.memory_space<hbm>>
    %dma_wait3A_50 = arith.constant 0 : i32
    %dma_wait3A_51 = arith.constant 0 : i32
    %dma_wait3A_52 = tpu.memref_slice %arg2[%dma_wait3A_50, %dma_wait3A_51] : memref<40000x128xf32, #tpu.memory_space<hbm>> -> memref<128x128xf32, #tpu.memory_space<hbm>>
    tpu.wait_dma2 semaphore(%arg13 : memref<!tpu.dma_semaphore, #tpu.memory_space<semaphore_mem>>) src(%dma_wait3A_52 : memref<128x128xf32, #tpu.memory_space<hbm>>) dst(%arg9 : memref<128x128xf32, #tpu.memory_space<vmem>>)
    %run_scoped3A_53 = arith.constant 1 : i32
    "tpu.region"() ({
      %run_scoped3A_264 = tpu.sem_alloc : memref<!tpu.dma_semaphore, #tpu.memory_space<semaphore_mem>>
      %dma_start3A_265 = arith.constant 128 : i32
      %dma_start3A_266 = tpu.memref_slice %arg6[%run_scoped3A_53, %dma_start3A_265] : memref<8x256xi32, #tpu.memory_space<vmem>> -> memref<1x128xi32, #tpu.memory_space<vmem>>
      %dma_start3A_267 = tpu.memref_squeeze %dma_start3A_266 : memref<1x128xi32, #tpu.memory_space<vmem>> -> memref<128xi32, #tpu.memory_space<vmem>>
      %dma_start3A_268 = arith.constant 0 : i32
      %dma_start3A_269 = arith.constant 0 : i32
      %dma_start3A_270 = tpu.memref_slice %arg14[%dma_start3A_268, %dma_start3A_269] : memref<10008x128xf32, #tpu.memory_space<vmem_shared>> -> memref<10008x128xf32, #tpu.memory_space<vmem_shared>>
      tpu.enqueue_indirect_dma source(%arg9 : memref<128x128xf32, #tpu.memory_space<vmem>>) target(%dma_start3A_270 : memref<10008x128xf32, #tpu.memory_space<vmem_shared>>) offsets(%dma_start3A_267 : memref<128xi32, #tpu.memory_space<vmem>>) semaphore(%run_scoped3A_264 : memref<!tpu.dma_semaphore, #tpu.memory_space<semaphore_mem>>) {add = true}
      %dma_wait3A_271 = arith.constant 128 : i32
      %dma_wait3A_272 = tpu.memref_slice %arg6[%run_scoped3A_53, %dma_wait3A_271] : memref<8x256xi32, #tpu.memory_space<vmem>> -> memref<1x128xi32, #tpu.memory_space<vmem>>
      %dma_wait3A_273 = tpu.memref_squeeze %dma_wait3A_272 : memref<1x128xi32, #tpu.memory_space<vmem>> -> memref<128xi32, #tpu.memory_space<vmem>>
      %dma_wait3A_274 = arith.constant 0 : i32
      %dma_wait3A_275 = arith.constant 0 : i32
      %dma_wait3A_276 = tpu.memref_slice %arg14[%dma_wait3A_274, %dma_wait3A_275] : memref<10008x128xf32, #tpu.memory_space<vmem_shared>> -> memref<10008x128xf32, #tpu.memory_space<vmem_shared>>
      tpu.wait_indirect_dma semaphore(%run_scoped3A_264 : memref<!tpu.dma_semaphore, #tpu.memory_space<semaphore_mem>>) src(%arg9 : memref<128x128xf32, #tpu.memory_space<vmem>>) dst(%dma_wait3A_276 : memref<10008x128xf32, #tpu.memory_space<vmem_shared>>)
      tpu.yield
    }) : () -> ()
    %dma_start3A_54 = arith.constant 3 : i32
    %dma_start3A_55 = arith.constant 0 : i32
    %dma_start3A_56 = tpu.memref_slice %arg6[%dma_start3A_54, %dma_start3A_55] : memref<8x256xi32, #tpu.memory_space<vmem>> -> memref<1x128xi32, #tpu.memory_space<vmem>>
    %dma_start3A_57 = tpu.memref_squeeze %dma_start3A_56 : memref<1x128xi32, #tpu.memory_space<vmem>> -> memref<128xi32, #tpu.memory_space<vmem>>
    %dma_start3A_58 = arith.constant 0 : i32
    %dma_start3A_59 = arith.constant 0 : i32
    %dma_start3A_60 = tpu.memref_slice %arg2[%dma_start3A_58, %dma_start3A_59] : memref<40000x128xf32, #tpu.memory_space<hbm>> -> memref<40000x128xf32, #tpu.memory_space<hbm>>
    tpu.enqueue_indirect_dma source(%dma_start3A_60 : memref<40000x128xf32, #tpu.memory_space<hbm>>) target(%arg9 : memref<128x128xf32, #tpu.memory_space<vmem>>) offsets(%dma_start3A_57 : memref<128xi32, #tpu.memory_space<vmem>>) semaphore(%arg13 : memref<!tpu.dma_semaphore, #tpu.memory_space<semaphore_mem>>)
    %dma_wait3A_61 = arith.constant 0 : i32
    %dma_wait3A_62 = arith.constant 0 : i32
    %dma_wait3A_63 = tpu.memref_slice %arg2[%dma_wait3A_61, %dma_wait3A_62] : memref<40000x128xf32, #tpu.memory_space<hbm>> -> memref<128x128xf32, #tpu.memory_space<hbm>>
    %dma_wait3A_64 = arith.constant 0 : i32
    %dma_wait3A_65 = arith.constant 0 : i32
    %dma_wait3A_66 = tpu.memref_slice %arg2[%dma_wait3A_64, %dma_wait3A_65] : memref<40000x128xf32, #tpu.memory_space<hbm>> -> memref<128x128xf32, #tpu.memory_space<hbm>>
    tpu.wait_dma2 semaphore(%arg12 : memref<!tpu.dma_semaphore, #tpu.memory_space<semaphore_mem>>) src(%dma_wait3A_66 : memref<128x128xf32, #tpu.memory_space<hbm>>) dst(%arg8 : memref<128x128xf32, #tpu.memory_space<vmem>>)
    %run_scoped3A_67 = arith.constant 2 : i32
    "tpu.region"() ({
      %run_scoped3A_264 = tpu.sem_alloc : memref<!tpu.dma_semaphore, #tpu.memory_space<semaphore_mem>>
      %dma_start3A_265 = arith.constant 128 : i32
      %dma_start3A_266 = tpu.memref_slice %arg6[%run_scoped3A_67, %dma_start3A_265] : memref<8x256xi32, #tpu.memory_space<vmem>> -> memref<1x128xi32, #tpu.memory_space<vmem>>
      %dma_start3A_267 = tpu.memref_squeeze %dma_start3A_266 : memref<1x128xi32, #tpu.memory_space<vmem>> -> memref<128xi32, #tpu.memory_space<vmem>>
      %dma_start3A_268 = arith.constant 0 : i32
      %dma_start3A_269 = arith.constant 0 : i32
      %dma_start3A_270 = tpu.memref_slice %arg14[%dma_start3A_268, %dma_start3A_269] : memref<10008x128xf32, #tpu.memory_space<vmem_shared>> -> memref<10008x128xf32, #tpu.memory_space<vmem_shared>>
      tpu.enqueue_indirect_dma source(%arg8 : memref<128x128xf32, #tpu.memory_space<vmem>>) target(%dma_start3A_270 : memref<10008x128xf32, #tpu.memory_space<vmem_shared>>) offsets(%dma_start3A_267 : memref<128xi32, #tpu.memory_space<vmem>>) semaphore(%run_scoped3A_264 : memref<!tpu.dma_semaphore, #tpu.memory_space<semaphore_mem>>) {add = true}
      %dma_wait3A_271 = arith.constant 128 : i32
      %dma_wait3A_272 = tpu.memref_slice %arg6[%run_scoped3A_67, %dma_wait3A_271] : memref<8x256xi32, #tpu.memory_space<vmem>> -> memref<1x128xi32, #tpu.memory_space<vmem>>
      %dma_wait3A_273 = tpu.memref_squeeze %dma_wait3A_272 : memref<1x128xi32, #tpu.memory_space<vmem>> -> memref<128xi32, #tpu.memory_space<vmem>>
      %dma_wait3A_274 = arith.constant 0 : i32
      %dma_wait3A_275 = arith.constant 0 : i32
      %dma_wait3A_276 = tpu.memref_slice %arg14[%dma_wait3A_274, %dma_wait3A_275] : memref<10008x128xf32, #tpu.memory_space<vmem_shared>> -> memref<10008x128xf32, #tpu.memory_space<vmem_shared>>
      tpu.wait_indirect_dma semaphore(%run_scoped3A_264 : memref<!tpu.dma_semaphore, #tpu.memory_space<semaphore_mem>>) src(%arg8 : memref<128x128xf32, #tpu.memory_space<vmem>>) dst(%dma_wait3A_276 : memref<10008x128xf32, #tpu.memory_space<vmem_shared>>)
      tpu.yield
    }) : () -> ()
    %dma_start3A_68 = arith.constant 4 : i32
    %dma_start3A_69 = arith.constant 0 : i32
    %dma_start3A_70 = tpu.memref_slice %arg6[%dma_start3A_68, %dma_start3A_69] : memref<8x256xi32, #tpu.memory_space<vmem>> -> memref<1x128xi32, #tpu.memory_space<vmem>>
    %dma_start3A_71 = tpu.memref_squeeze %dma_start3A_70 : memref<1x128xi32, #tpu.memory_space<vmem>> -> memref<128xi32, #tpu.memory_space<vmem>>
    %dma_start3A_72 = arith.constant 0 : i32
    %dma_start3A_73 = arith.constant 0 : i32
    %dma_start3A_74 = tpu.memref_slice %arg2[%dma_start3A_72, %dma_start3A_73] : memref<40000x128xf32, #tpu.memory_space<hbm>> -> memref<40000x128xf32, #tpu.memory_space<hbm>>
    tpu.enqueue_indirect_dma source(%dma_start3A_74 : memref<40000x128xf32, #tpu.memory_space<hbm>>) target(%arg8 : memref<128x128xf32, #tpu.memory_space<vmem>>) offsets(%dma_start3A_71 : memref<128xi32, #tpu.memory_space<vmem>>) semaphore(%arg12 : memref<!tpu.dma_semaphore, #tpu.memory_space<semaphore_mem>>)
    %dma_wait3A_75 = arith.constant 0 : i32
    %dma_wait3A_76 = arith.constant 0 : i32
    %dma_wait3A_77 = tpu.memref_slice %arg2[%dma_wait3A_75, %dma_wait3A_76] : memref<40000x128xf32, #tpu.memory_space<hbm>> -> memref<128x128xf32, #tpu.memory_space<hbm>>
    %dma_wait3A_78 = arith.constant 0 : i32
    %dma_wait3A_79 = arith.constant 0 : i32
    %dma_wait3A_80 = tpu.memref_slice %arg2[%dma_wait3A_78, %dma_wait3A_79] : memref<40000x128xf32, #tpu.memory_space<hbm>> -> memref<128x128xf32, #tpu.memory_space<hbm>>
    tpu.wait_dma2 semaphore(%arg13 : memref<!tpu.dma_semaphore, #tpu.memory_space<semaphore_mem>>) src(%dma_wait3A_80 : memref<128x128xf32, #tpu.memory_space<hbm>>) dst(%arg9 : memref<128x128xf32, #tpu.memory_space<vmem>>)
    %run_scoped3A_81 = arith.constant 3 : i32
    "tpu.region"() ({
      %run_scoped3A_264 = tpu.sem_alloc : memref<!tpu.dma_semaphore, #tpu.memory_space<semaphore_mem>>
      %dma_start3A_265 = arith.constant 128 : i32
      %dma_start3A_266 = tpu.memref_slice %arg6[%run_scoped3A_81, %dma_start3A_265] : memref<8x256xi32, #tpu.memory_space<vmem>> -> memref<1x128xi32, #tpu.memory_space<vmem>>
      %dma_start3A_267 = tpu.memref_squeeze %dma_start3A_266 : memref<1x128xi32, #tpu.memory_space<vmem>> -> memref<128xi32, #tpu.memory_space<vmem>>
      %dma_start3A_268 = arith.constant 0 : i32
      %dma_start3A_269 = arith.constant 0 : i32
      %dma_start3A_270 = tpu.memref_slice %arg14[%dma_start3A_268, %dma_start3A_269] : memref<10008x128xf32, #tpu.memory_space<vmem_shared>> -> memref<10008x128xf32, #tpu.memory_space<vmem_shared>>
      tpu.enqueue_indirect_dma source(%arg9 : memref<128x128xf32, #tpu.memory_space<vmem>>) target(%dma_start3A_270 : memref<10008x128xf32, #tpu.memory_space<vmem_shared>>) offsets(%dma_start3A_267 : memref<128xi32, #tpu.memory_space<vmem>>) semaphore(%run_scoped3A_264 : memref<!tpu.dma_semaphore, #tpu.memory_space<semaphore_mem>>) {add = true}
      %dma_wait3A_271 = arith.constant 128 : i32
      %dma_wait3A_272 = tpu.memref_slice %arg6[%run_scoped3A_81, %dma_wait3A_271] : memref<8x256xi32, #tpu.memory_space<vmem>> -> memref<1x128xi32, #tpu.memory_space<vmem>>
      %dma_wait3A_273 = tpu.memref_squeeze %dma_wait3A_272 : memref<1x128xi32, #tpu.memory_space<vmem>> -> memref<128xi32, #tpu.memory_space<vmem>>
      %dma_wait3A_274 = arith.constant 0 : i32
      %dma_wait3A_275 = arith.constant 0 : i32
      %dma_wait3A_276 = tpu.memref_slice %arg14[%dma_wait3A_274, %dma_wait3A_275] : memref<10008x128xf32, #tpu.memory_space<vmem_shared>> -> memref<10008x128xf32, #tpu.memory_space<vmem_shared>>
      tpu.wait_indirect_dma semaphore(%run_scoped3A_264 : memref<!tpu.dma_semaphore, #tpu.memory_space<semaphore_mem>>) src(%arg9 : memref<128x128xf32, #tpu.memory_space<vmem>>) dst(%dma_wait3A_276 : memref<10008x128xf32, #tpu.memory_space<vmem_shared>>)
      tpu.yield
    }) : () -> ()
    %dma_start3A_82 = arith.constant 5 : i32
    %dma_start3A_83 = arith.constant 0 : i32
    %dma_start3A_84 = tpu.memref_slice %arg6[%dma_start3A_82, %dma_start3A_83] : memref<8x256xi32, #tpu.memory_space<vmem>> -> memref<1x128xi32, #tpu.memory_space<vmem>>
    %dma_start3A_85 = tpu.memref_squeeze %dma_start3A_84 : memref<1x128xi32, #tpu.memory_space<vmem>> -> memref<128xi32, #tpu.memory_space<vmem>>
    %dma_start3A_86 = arith.constant 0 : i32
    %dma_start3A_87 = arith.constant 0 : i32
    %dma_start3A_88 = tpu.memref_slice %arg2[%dma_start3A_86, %dma_start3A_87] : memref<40000x128xf32, #tpu.memory_space<hbm>> -> memref<40000x128xf32, #tpu.memory_space<hbm>>
    tpu.enqueue_indirect_dma source(%dma_start3A_88 : memref<40000x128xf32, #tpu.memory_space<hbm>>) target(%arg9 : memref<128x128xf32, #tpu.memory_space<vmem>>) offsets(%dma_start3A_85 : memref<128xi32, #tpu.memory_space<vmem>>) semaphore(%arg13 : memref<!tpu.dma_semaphore, #tpu.memory_space<semaphore_mem>>)
    %dma_wait3A_89 = arith.constant 0 : i32
    %dma_wait3A_90 = arith.constant 0 : i32
    %dma_wait3A_91 = tpu.memref_slice %arg2[%dma_wait3A_89, %dma_wait3A_90] : memref<40000x128xf32, #tpu.memory_space<hbm>> -> memref<128x128xf32, #tpu.memory_space<hbm>>
    %dma_wait3A_92 = arith.constant 0 : i32
    %dma_wait3A_93 = arith.constant 0 : i32
    %dma_wait3A_94 = tpu.memref_slice %arg2[%dma_wait3A_92, %dma_wait3A_93] : memref<40000x128xf32, #tpu.memory_space<hbm>> -> memref<128x128xf32, #tpu.memory_space<hbm>>
    tpu.wait_dma2 semaphore(%arg12 : memref<!tpu.dma_semaphore, #tpu.memory_space<semaphore_mem>>) src(%dma_wait3A_94 : memref<128x128xf32, #tpu.memory_space<hbm>>) dst(%arg8 : memref<128x128xf32, #tpu.memory_space<vmem>>)
    %run_scoped3A_95 = arith.constant 4 : i32
    "tpu.region"() ({
      %run_scoped3A_264 = tpu.sem_alloc : memref<!tpu.dma_semaphore, #tpu.memory_space<semaphore_mem>>
      %dma_start3A_265 = arith.constant 128 : i32
      %dma_start3A_266 = tpu.memref_slice %arg6[%run_scoped3A_95, %dma_start3A_265] : memref<8x256xi32, #tpu.memory_space<vmem>> -> memref<1x128xi32, #tpu.memory_space<vmem>>
      %dma_start3A_267 = tpu.memref_squeeze %dma_start3A_266 : memref<1x128xi32, #tpu.memory_space<vmem>> -> memref<128xi32, #tpu.memory_space<vmem>>
      %dma_start3A_268 = arith.constant 0 : i32
      %dma_start3A_269 = arith.constant 0 : i32
      %dma_start3A_270 = tpu.memref_slice %arg14[%dma_start3A_268, %dma_start3A_269] : memref<10008x128xf32, #tpu.memory_space<vmem_shared>> -> memref<10008x128xf32, #tpu.memory_space<vmem_shared>>
      tpu.enqueue_indirect_dma source(%arg8 : memref<128x128xf32, #tpu.memory_space<vmem>>) target(%dma_start3A_270 : memref<10008x128xf32, #tpu.memory_space<vmem_shared>>) offsets(%dma_start3A_267 : memref<128xi32, #tpu.memory_space<vmem>>) semaphore(%run_scoped3A_264 : memref<!tpu.dma_semaphore, #tpu.memory_space<semaphore_mem>>) {add = true}
      %dma_wait3A_271 = arith.constant 128 : i32
      %dma_wait3A_272 = tpu.memref_slice %arg6[%run_scoped3A_95, %dma_wait3A_271] : memref<8x256xi32, #tpu.memory_space<vmem>> -> memref<1x128xi32, #tpu.memory_space<vmem>>
      %dma_wait3A_273 = tpu.memref_squeeze %dma_wait3A_272 : memref<1x128xi32, #tpu.memory_space<vmem>> -> memref<128xi32, #tpu.memory_space<vmem>>
      %dma_wait3A_274 = arith.constant 0 : i32
      %dma_wait3A_275 = arith.constant 0 : i32
      %dma_wait3A_276 = tpu.memref_slice %arg14[%dma_wait3A_274, %dma_wait3A_275] : memref<10008x128xf32, #tpu.memory_space<vmem_shared>> -> memref<10008x128xf32, #tpu.memory_space<vmem_shared>>
      tpu.wait_indirect_dma semaphore(%run_scoped3A_264 : memref<!tpu.dma_semaphore, #tpu.memory_space<semaphore_mem>>) src(%arg8 : memref<128x128xf32, #tpu.memory_space<vmem>>) dst(%dma_wait3A_276 : memref<10008x128xf32, #tpu.memory_space<vmem_shared>>)
      tpu.yield
    }) : () -> ()
    %dma_start3A_96 = arith.constant 6 : i32
    %dma_start3A_97 = arith.constant 0 : i32
    %dma_start3A_98 = tpu.memref_slice %arg6[%dma_start3A_96, %dma_start3A_97] : memref<8x256xi32, #tpu.memory_space<vmem>> -> memref<1x128xi32, #tpu.memory_space<vmem>>
    %dma_start3A_99 = tpu.memref_squeeze %dma_start3A_98 : memref<1x128xi32, #tpu.memory_space<vmem>> -> memref<128xi32, #tpu.memory_space<vmem>>
    %dma_start3A_100 = arith.constant 0 : i32
    %dma_start3A_101 = arith.constant 0 : i32
    %dma_start3A_102 = tpu.memref_slice %arg2[%dma_start3A_100, %dma_start3A_101] : memref<40000x128xf32, #tpu.memory_space<hbm>> -> memref<40000x128xf32, #tpu.memory_space<hbm>>
    tpu.enqueue_indirect_dma source(%dma_start3A_102 : memref<40000x128xf32, #tpu.memory_space<hbm>>) target(%arg8 : memref<128x128xf32, #tpu.memory_space<vmem>>) offsets(%dma_start3A_99 : memref<128xi32, #tpu.memory_space<vmem>>) semaphore(%arg12 : memref<!tpu.dma_semaphore, #tpu.memory_space<semaphore_mem>>)
    %dma_wait3A_103 = arith.constant 0 : i32
    %dma_wait3A_104 = arith.constant 0 : i32
    %dma_wait3A_105 = tpu.memref_slice %arg2[%dma_wait3A_103, %dma_wait3A_104] : memref<40000x128xf32, #tpu.memory_space<hbm>> -> memref<128x128xf32, #tpu.memory_space<hbm>>
    %dma_wait3A_106 = arith.constant 0 : i32
    %dma_wait3A_107 = arith.constant 0 : i32
    %dma_wait3A_108 = tpu.memref_slice %arg2[%dma_wait3A_106, %dma_wait3A_107] : memref<40000x128xf32, #tpu.memory_space<hbm>> -> memref<128x128xf32, #tpu.memory_space<hbm>>
    tpu.wait_dma2 semaphore(%arg13 : memref<!tpu.dma_semaphore, #tpu.memory_space<semaphore_mem>>) src(%dma_wait3A_108 : memref<128x128xf32, #tpu.memory_space<hbm>>) dst(%arg9 : memref<128x128xf32, #tpu.memory_space<vmem>>)
    %run_scoped3A_109 = arith.constant 5 : i32
    "tpu.region"() ({
      %run_scoped3A_264 = tpu.sem_alloc : memref<!tpu.dma_semaphore, #tpu.memory_space<semaphore_mem>>
      %dma_start3A_265 = arith.constant 128 : i32
      %dma_start3A_266 = tpu.memref_slice %arg6[%run_scoped3A_109, %dma_start3A_265] : memref<8x256xi32, #tpu.memory_space<vmem>> -> memref<1x128xi32, #tpu.memory_space<vmem>>
      %dma_start3A_267 = tpu.memref_squeeze %dma_start3A_266 : memref<1x128xi32, #tpu.memory_space<vmem>> -> memref<128xi32, #tpu.memory_space<vmem>>
      %dma_start3A_268 = arith.constant 0 : i32
      %dma_start3A_269 = arith.constant 0 : i32
      %dma_start3A_270 = tpu.memref_slice %arg14[%dma_start3A_268, %dma_start3A_269] : memref<10008x128xf32, #tpu.memory_space<vmem_shared>> -> memref<10008x128xf32, #tpu.memory_space<vmem_shared>>
      tpu.enqueue_indirect_dma source(%arg9 : memref<128x128xf32, #tpu.memory_space<vmem>>) target(%dma_start3A_270 : memref<10008x128xf32, #tpu.memory_space<vmem_shared>>) offsets(%dma_start3A_267 : memref<128xi32, #tpu.memory_space<vmem>>) semaphore(%run_scoped3A_264 : memref<!tpu.dma_semaphore, #tpu.memory_space<semaphore_mem>>) {add = true}
      %dma_wait3A_271 = arith.constant 128 : i32
      %dma_wait3A_272 = tpu.memref_slice %arg6[%run_scoped3A_109, %dma_wait3A_271] : memref<8x256xi32, #tpu.memory_space<vmem>> -> memref<1x128xi32, #tpu.memory_space<vmem>>
      %dma_wait3A_273 = tpu.memref_squeeze %dma_wait3A_272 : memref<1x128xi32, #tpu.memory_space<vmem>> -> memref<128xi32, #tpu.memory_space<vmem>>
      %dma_wait3A_274 = arith.constant 0 : i32
      %dma_wait3A_275 = arith.constant 0 : i32
      %dma_wait3A_276 = tpu.memref_slice %arg14[%dma_wait3A_274, %dma_wait3A_275] : memref<10008x128xf32, #tpu.memory_space<vmem_shared>> -> memref<10008x128xf32, #tpu.memory_space<vmem_shared>>
      tpu.wait_indirect_dma semaphore(%run_scoped3A_264 : memref<!tpu.dma_semaphore, #tpu.memory_space<semaphore_mem>>) src(%arg9 : memref<128x128xf32, #tpu.memory_space<vmem>>) dst(%dma_wait3A_276 : memref<10008x128xf32, #tpu.memory_space<vmem_shared>>)
      tpu.yield
    }) : () -> ()
    %dma_start3A_110 = arith.constant 7 : i32
    %dma_start3A_111 = arith.constant 0 : i32
    %dma_start3A_112 = tpu.memref_slice %arg6[%dma_start3A_110, %dma_start3A_111] : memref<8x256xi32, #tpu.memory_space<vmem>> -> memref<1x128xi32, #tpu.memory_space<vmem>>
    %dma_start3A_113 = tpu.memref_squeeze %dma_start3A_112 : memref<1x128xi32, #tpu.memory_space<vmem>> -> memref<128xi32, #tpu.memory_space<vmem>>
    %dma_start3A_114 = arith.constant 0 : i32
    %dma_start3A_115 = arith.constant 0 : i32
    %dma_start3A_116 = tpu.memref_slice %arg2[%dma_start3A_114, %dma_start3A_115] : memref<40000x128xf32, #tpu.memory_space<hbm>> -> memref<40000x128xf32, #tpu.memory_space<hbm>>
    tpu.enqueue_indirect_dma source(%dma_start3A_116 : memref<40000x128xf32, #tpu.memory_space<hbm>>) target(%arg9 : memref<128x128xf32, #tpu.memory_space<vmem>>) offsets(%dma_start3A_113 : memref<128xi32, #tpu.memory_space<vmem>>) semaphore(%arg13 : memref<!tpu.dma_semaphore, #tpu.memory_space<semaphore_mem>>)
    %dma_wait3A_117 = arith.constant 0 : i32
    %dma_wait3A_118 = arith.constant 0 : i32
    %dma_wait3A_119 = tpu.memref_slice %arg2[%dma_wait3A_117, %dma_wait3A_118] : memref<40000x128xf32, #tpu.memory_space<hbm>> -> memref<128x128xf32, #tpu.memory_space<hbm>>
    %dma_wait3A_120 = arith.constant 0 : i32
    %dma_wait3A_121 = arith.constant 0 : i32
    %dma_wait3A_122 = tpu.memref_slice %arg2[%dma_wait3A_120, %dma_wait3A_121] : memref<40000x128xf32, #tpu.memory_space<hbm>> -> memref<128x128xf32, #tpu.memory_space<hbm>>
    tpu.wait_dma2 semaphore(%arg12 : memref<!tpu.dma_semaphore, #tpu.memory_space<semaphore_mem>>) src(%dma_wait3A_122 : memref<128x128xf32, #tpu.memory_space<hbm>>) dst(%arg8 : memref<128x128xf32, #tpu.memory_space<vmem>>)
    %run_scoped3A_123 = arith.constant 6 : i32
    "tpu.region"() ({
      %run_scoped3A_264 = tpu.sem_alloc : memref<!tpu.dma_semaphore, #tpu.memory_space<semaphore_mem>>
      %dma_start3A_265 = arith.constant 128 : i32
      %dma_start3A_266 = tpu.memref_slice %arg6[%run_scoped3A_123, %dma_start3A_265] : memref<8x256xi32, #tpu.memory_space<vmem>> -> memref<1x128xi32, #tpu.memory_space<vmem>>
      %dma_start3A_267 = tpu.memref_squeeze %dma_start3A_266 : memref<1x128xi32, #tpu.memory_space<vmem>> -> memref<128xi32, #tpu.memory_space<vmem>>
      %dma_start3A_268 = arith.constant 0 : i32
      %dma_start3A_269 = arith.constant 0 : i32
      %dma_start3A_270 = tpu.memref_slice %arg14[%dma_start3A_268, %dma_start3A_269] : memref<10008x128xf32, #tpu.memory_space<vmem_shared>> -> memref<10008x128xf32, #tpu.memory_space<vmem_shared>>
      tpu.enqueue_indirect_dma source(%arg8 : memref<128x128xf32, #tpu.memory_space<vmem>>) target(%dma_start3A_270 : memref<10008x128xf32, #tpu.memory_space<vmem_shared>>) offsets(%dma_start3A_267 : memref<128xi32, #tpu.memory_space<vmem>>) semaphore(%run_scoped3A_264 : memref<!tpu.dma_semaphore, #tpu.memory_space<semaphore_mem>>) {add = true}
      %dma_wait3A_271 = arith.constant 128 : i32
      %dma_wait3A_272 = tpu.memref_slice %arg6[%run_scoped3A_123, %dma_wait3A_271] : memref<8x256xi32, #tpu.memory_space<vmem>> -> memref<1x128xi32, #tpu.memory_space<vmem>>
      %dma_wait3A_273 = tpu.memref_squeeze %dma_wait3A_272 : memref<1x128xi32, #tpu.memory_space<vmem>> -> memref<128xi32, #tpu.memory_space<vmem>>
      %dma_wait3A_274 = arith.constant 0 : i32
      %dma_wait3A_275 = arith.constant 0 : i32
      %dma_wait3A_276 = tpu.memref_slice %arg14[%dma_wait3A_274, %dma_wait3A_275] : memref<10008x128xf32, #tpu.memory_space<vmem_shared>> -> memref<10008x128xf32, #tpu.memory_space<vmem_shared>>
      tpu.wait_indirect_dma semaphore(%run_scoped3A_264 : memref<!tpu.dma_semaphore, #tpu.memory_space<semaphore_mem>>) src(%arg8 : memref<128x128xf32, #tpu.memory_space<vmem>>) dst(%dma_wait3A_276 : memref<10008x128xf32, #tpu.memory_space<vmem_shared>>)
      tpu.yield
    }) : () -> ()
    %dma_wait3A_124 = arith.constant 0 : i32
    %dma_wait3A_125 = arith.constant 0 : i32
    %dma_wait3A_126 = arith.constant 0 : i32
    %dma_wait3A_127 = arith.constant 0 : i32
    %dma_wait3A_128 = tpu.memref_slice %arg3[%dma_wait3A_124, %dma_wait3A_125, %dma_wait3A_126, %dma_wait3A_127] : memref<32x10x8x256xi32, #tpu.memory_space<hbm>> -> memref<1x1x8x256xi32, #tpu.memory_space<hbm>>
    %dma_wait3A_129 = tpu.memref_squeeze %dma_wait3A_128 : memref<1x1x8x256xi32, #tpu.memory_space<hbm>> -> memref<8x256xi32, #tpu.memory_space<hbm>>
    %dma_wait3A_130 = arith.constant 0 : i32
    %dma_wait3A_131 = arith.constant 0 : i32
    %dma_wait3A_132 = tpu.memref_slice %arg3[%dma_wait3A_124, %dma_wait3A_125, %dma_wait3A_130, %dma_wait3A_131] : memref<32x10x8x256xi32, #tpu.memory_space<hbm>> -> memref<1x1x8x256xi32, #tpu.memory_space<hbm>>
    %dma_wait3A_133 = tpu.memref_squeeze %dma_wait3A_132 : memref<1x1x8x256xi32, #tpu.memory_space<hbm>> -> memref<8x256xi32, #tpu.memory_space<hbm>>
    tpu.wait_dma2 semaphore(%arg11 : memref<!tpu.dma_semaphore, #tpu.memory_space<semaphore_mem>>) src(%dma_wait3A_133 : memref<8x256xi32, #tpu.memory_space<hbm>>) dst(%arg7 : memref<8x256xi32, #tpu.memory_space<vmem>>)
    %dma_start3A_134 = arith.constant 0 : i32
    %dma_start3A_135 = arith.constant 0 : i32
    %dma_start3A_136 = tpu.memref_slice %arg7[%dma_start3A_134, %dma_start3A_135] : memref<8x256xi32, #tpu.memory_space<vmem>> -> memref<1x128xi32, #tpu.memory_space<vmem>>
    %dma_start3A_137 = tpu.memref_squeeze %dma_start3A_136 : memref<1x128xi32, #tpu.memory_space<vmem>> -> memref<128xi32, #tpu.memory_space<vmem>>
    %dma_start3A_138 = arith.constant 0 : i32
    %dma_start3A_139 = arith.constant 0 : i32
    %dma_start3A_140 = tpu.memref_slice %arg2[%dma_start3A_138, %dma_start3A_139] : memref<40000x128xf32, #tpu.memory_space<hbm>> -> memref<40000x128xf32, #tpu.memory_space<hbm>>
    tpu.enqueue_indirect_dma source(%dma_start3A_140 : memref<40000x128xf32, #tpu.memory_space<hbm>>) target(%arg8 : memref<128x128xf32, #tpu.memory_space<vmem>>) offsets(%dma_start3A_137 : memref<128xi32, #tpu.memory_space<vmem>>) semaphore(%arg12 : memref<!tpu.dma_semaphore, #tpu.memory_space<semaphore_mem>>)
    %dma_wait3A_141 = arith.constant 0 : i32
    %dma_wait3A_142 = arith.constant 0 : i32
    %dma_wait3A_143 = tpu.memref_slice %arg2[%dma_wait3A_141, %dma_wait3A_142] : memref<40000x128xf32, #tpu.memory_space<hbm>> -> memref<128x128xf32, #tpu.memory_space<hbm>>
    %dma_wait3A_144 = arith.constant 0 : i32
    %dma_wait3A_145 = arith.constant 0 : i32
    %dma_wait3A_146 = tpu.memref_slice %arg2[%dma_wait3A_144, %dma_wait3A_145] : memref<40000x128xf32, #tpu.memory_space<hbm>> -> memref<128x128xf32, #tpu.memory_space<hbm>>
    tpu.wait_dma2 semaphore(%arg13 : memref<!tpu.dma_semaphore, #tpu.memory_space<semaphore_mem>>) src(%dma_wait3A_146 : memref<128x128xf32, #tpu.memory_space<hbm>>) dst(%arg9 : memref<128x128xf32, #tpu.memory_space<vmem>>)
    %run_scoped3A_147 = arith.constant 7 : i32
    "tpu.region"() ({
      %run_scoped3A_264 = tpu.sem_alloc : memref<!tpu.dma_semaphore, #tpu.memory_space<semaphore_mem>>
      %dma_start3A_265 = arith.constant 128 : i32
      %dma_start3A_266 = tpu.memref_slice %arg6[%run_scoped3A_147, %dma_start3A_265] : memref<8x256xi32, #tpu.memory_space<vmem>> -> memref<1x128xi32, #tpu.memory_space<vmem>>
      %dma_start3A_267 = tpu.memref_squeeze %dma_start3A_266 : memref<1x128xi32, #tpu.memory_space<vmem>> -> memref<128xi32, #tpu.memory_space<vmem>>
      %dma_start3A_268 = arith.constant 0 : i32
      %dma_start3A_269 = arith.constant 0 : i32
      %dma_start3A_270 = tpu.memref_slice %arg14[%dma_start3A_268, %dma_start3A_269] : memref<10008x128xf32, #tpu.memory_space<vmem_shared>> -> memref<10008x128xf32, #tpu.memory_space<vmem_shared>>
      tpu.enqueue_indirect_dma source(%arg9 : memref<128x128xf32, #tpu.memory_space<vmem>>) target(%dma_start3A_270 : memref<10008x128xf32, #tpu.memory_space<vmem_shared>>) offsets(%dma_start3A_267 : memref<128xi32, #tpu.memory_space<vmem>>) semaphore(%run_scoped3A_264 : memref<!tpu.dma_semaphore, #tpu.memory_space<semaphore_mem>>) {add = true}
      %dma_wait3A_271 = arith.constant 128 : i32
      %dma_wait3A_272 = tpu.memref_slice %arg6[%run_scoped3A_147, %dma_wait3A_271] : memref<8x256xi32, #tpu.memory_space<vmem>> -> memref<1x128xi32, #tpu.memory_space<vmem>>
      %dma_wait3A_273 = tpu.memref_squeeze %dma_wait3A_272 : memref<1x128xi32, #tpu.memory_space<vmem>> -> memref<128xi32, #tpu.memory_space<vmem>>
      %dma_wait3A_274 = arith.constant 0 : i32
      %dma_wait3A_275 = arith.constant 0 : i32
      %dma_wait3A_276 = tpu.memref_slice %arg14[%dma_wait3A_274, %dma_wait3A_275] : memref<10008x128xf32, #tpu.memory_space<vmem_shared>> -> memref<10008x128xf32, #tpu.memory_space<vmem_shared>>
      tpu.wait_indirect_dma semaphore(%run_scoped3A_264 : memref<!tpu.dma_semaphore, #tpu.memory_space<semaphore_mem>>) src(%arg9 : memref<128x128xf32, #tpu.memory_space<vmem>>) dst(%dma_wait3A_276 : memref<10008x128xf32, #tpu.memory_space<vmem_shared>>)
      tpu.yield
    }) : () -> ()
    %dma_start3A_148 = arith.constant 1 : i32
    %dma_start3A_149 = arith.constant 0 : i32
    %dma_start3A_150 = tpu.memref_slice %arg7[%dma_start3A_148, %dma_start3A_149] : memref<8x256xi32, #tpu.memory_space<vmem>> -> memref<1x128xi32, #tpu.memory_space<vmem>>
    %dma_start3A_151 = tpu.memref_squeeze %dma_start3A_150 : memref<1x128xi32, #tpu.memory_space<vmem>> -> memref<128xi32, #tpu.memory_space<vmem>>
    %dma_start3A_152 = arith.constant 0 : i32
    %dma_start3A_153 = arith.constant 0 : i32
    %dma_start3A_154 = tpu.memref_slice %arg2[%dma_start3A_152, %dma_start3A_153] : memref<40000x128xf32, #tpu.memory_space<hbm>> -> memref<40000x128xf32, #tpu.memory_space<hbm>>
    tpu.enqueue_indirect_dma source(%dma_start3A_154 : memref<40000x128xf32, #tpu.memory_space<hbm>>) target(%arg9 : memref<128x128xf32, #tpu.memory_space<vmem>>) offsets(%dma_start3A_151 : memref<128xi32, #tpu.memory_space<vmem>>) semaphore(%arg13 : memref<!tpu.dma_semaphore, #tpu.memory_space<semaphore_mem>>)
    %dma_wait3A_155 = arith.constant 0 : i32
    %dma_wait3A_156 = arith.constant 0 : i32
    %dma_wait3A_157 = tpu.memref_slice %arg2[%dma_wait3A_155, %dma_wait3A_156] : memref<40000x128xf32, #tpu.memory_space<hbm>> -> memref<128x128xf32, #tpu.memory_space<hbm>>
    %dma_wait3A_158 = arith.constant 0 : i32
    %dma_wait3A_159 = arith.constant 0 : i32
    %dma_wait3A_160 = tpu.memref_slice %arg2[%dma_wait3A_158, %dma_wait3A_159] : memref<40000x128xf32, #tpu.memory_space<hbm>> -> memref<128x128xf32, #tpu.memory_space<hbm>>
    tpu.wait_dma2 semaphore(%arg12 : memref<!tpu.dma_semaphore, #tpu.memory_space<semaphore_mem>>) src(%dma_wait3A_160 : memref<128x128xf32, #tpu.memory_space<hbm>>) dst(%arg8 : memref<128x128xf32, #tpu.memory_space<vmem>>)
    %run_scoped3A_161 = arith.constant 0 : i32
    "tpu.region"() ({
      %run_scoped3A_264 = tpu.sem_alloc : memref<!tpu.dma_semaphore, #tpu.memory_space<semaphore_mem>>
      %dma_start3A_265 = arith.constant 128 : i32
      %dma_start3A_266 = tpu.memref_slice %arg7[%run_scoped3A_161, %dma_start3A_265] : memref<8x256xi32, #tpu.memory_space<vmem>> -> memref<1x128xi32, #tpu.memory_space<vmem>>
      %dma_start3A_267 = tpu.memref_squeeze %dma_start3A_266 : memref<1x128xi32, #tpu.memory_space<vmem>> -> memref<128xi32, #tpu.memory_space<vmem>>
      %dma_start3A_268 = arith.constant 0 : i32
      %dma_start3A_269 = arith.constant 0 : i32
      %dma_start3A_270 = tpu.memref_slice %arg14[%dma_start3A_268, %dma_start3A_269] : memref<10008x128xf32, #tpu.memory_space<vmem_shared>> -> memref<10008x128xf32, #tpu.memory_space<vmem_shared>>
      tpu.enqueue_indirect_dma source(%arg8 : memref<128x128xf32, #tpu.memory_space<vmem>>) target(%dma_start3A_270 : memref<10008x128xf32, #tpu.memory_space<vmem_shared>>) offsets(%dma_start3A_267 : memref<128xi32, #tpu.memory_space<vmem>>) semaphore(%run_scoped3A_264 : memref<!tpu.dma_semaphore, #tpu.memory_space<semaphore_mem>>) {add = true}
      %dma_wait3A_271 = arith.constant 128 : i32
      %dma_wait3A_272 = tpu.memref_slice %arg7[%run_scoped3A_161, %dma_wait3A_271] : memref<8x256xi32, #tpu.memory_space<vmem>> -> memref<1x128xi32, #tpu.memory_space<vmem>>
      %dma_wait3A_273 = tpu.memref_squeeze %dma_wait3A_272 : memref<1x128xi32, #tpu.memory_space<vmem>> -> memref<128xi32, #tpu.memory_space<vmem>>
      %dma_wait3A_274 = arith.constant 0 : i32
      %dma_wait3A_275 = arith.constant 0 : i32
      %dma_wait3A_276 = tpu.memref_slice %arg14[%dma_wait3A_274, %dma_wait3A_275] : memref<10008x128xf32, #tpu.memory_space<vmem_shared>> -> memref<10008x128xf32, #tpu.memory_space<vmem_shared>>
      tpu.wait_indirect_dma semaphore(%run_scoped3A_264 : memref<!tpu.dma_semaphore, #tpu.memory_space<semaphore_mem>>) src(%arg8 : memref<128x128xf32, #tpu.memory_space<vmem>>) dst(%dma_wait3A_276 : memref<10008x128xf32, #tpu.memory_space<vmem_shared>>)
      tpu.yield
    }) : () -> ()
    %dma_start3A_162 = arith.constant 2 : i32
    %dma_start3A_163 = arith.constant 0 : i32
    %dma_start3A_164 = tpu.memref_slice %arg7[%dma_start3A_162, %dma_start3A_163] : memref<8x256xi32, #tpu.memory_space<vmem>> -> memref<1x128xi32, #tpu.memory_space<vmem>>
    %dma_start3A_165 = tpu.memref_squeeze %dma_start3A_164 : memref<1x128xi32, #tpu.memory_space<vmem>> -> memref<128xi32, #tpu.memory_space<vmem>>
    %dma_start3A_166 = arith.constant 0 : i32
    %dma_start3A_167 = arith.constant 0 : i32
    %dma_start3A_168 = tpu.memref_slice %arg2[%dma_start3A_166, %dma_start3A_167] : memref<40000x128xf32, #tpu.memory_space<hbm>> -> memref<40000x128xf32, #tpu.memory_space<hbm>>
    tpu.enqueue_indirect_dma source(%dma_start3A_168 : memref<40000x128xf32, #tpu.memory_space<hbm>>) target(%arg8 : memref<128x128xf32, #tpu.memory_space<vmem>>) offsets(%dma_start3A_165 : memref<128xi32, #tpu.memory_space<vmem>>) semaphore(%arg12 : memref<!tpu.dma_semaphore, #tpu.memory_space<semaphore_mem>>)
    %dma_wait3A_169 = arith.constant 0 : i32
    %dma_wait3A_170 = arith.constant 0 : i32
    %dma_wait3A_171 = tpu.memref_slice %arg2[%dma_wait3A_169, %dma_wait3A_170] : memref<40000x128xf32, #tpu.memory_space<hbm>> -> memref<128x128xf32, #tpu.memory_space<hbm>>
    %dma_wait3A_172 = arith.constant 0 : i32
    %dma_wait3A_173 = arith.constant 0 : i32
    %dma_wait3A_174 = tpu.memref_slice %arg2[%dma_wait3A_172, %dma_wait3A_173] : memref<40000x128xf32, #tpu.memory_space<hbm>> -> memref<128x128xf32, #tpu.memory_space<hbm>>
    tpu.wait_dma2 semaphore(%arg13 : memref<!tpu.dma_semaphore, #tpu.memory_space<semaphore_mem>>) src(%dma_wait3A_174 : memref<128x128xf32, #tpu.memory_space<hbm>>) dst(%arg9 : memref<128x128xf32, #tpu.memory_space<vmem>>)
    %run_scoped3A_175 = arith.constant 1 : i32
    "tpu.region"() ({
      %run_scoped3A_264 = tpu.sem_alloc : memref<!tpu.dma_semaphore, #tpu.memory_space<semaphore_mem>>
      %dma_start3A_265 = arith.constant 128 : i32
      %dma_start3A_266 = tpu.memref_slice %arg7[%run_scoped3A_175, %dma_start3A_265] : memref<8x256xi32, #tpu.memory_space<vmem>> -> memref<1x128xi32, #tpu.memory_space<vmem>>
      %dma_start3A_267 = tpu.memref_squeeze %dma_start3A_266 : memref<1x128xi32, #tpu.memory_space<vmem>> -> memref<128xi32, #tpu.memory_space<vmem>>
      %dma_start3A_268 = arith.constant 0 : i32
      %dma_start3A_269 = arith.constant 0 : i32
      %dma_start3A_270 = tpu.memref_slice %arg14[%dma_start3A_268, %dma_start3A_269] : memref<10008x128xf32, #tpu.memory_space<vmem_shared>> -> memref<10008x128xf32, #tpu.memory_space<vmem_shared>>
      tpu.enqueue_indirect_dma source(%arg9 : memref<128x128xf32, #tpu.memory_space<vmem>>) target(%dma_start3A_270 : memref<10008x128xf32, #tpu.memory_space<vmem_shared>>) offsets(%dma_start3A_267 : memref<128xi32, #tpu.memory_space<vmem>>) semaphore(%run_scoped3A_264 : memref<!tpu.dma_semaphore, #tpu.memory_space<semaphore_mem>>) {add = true}
      %dma_wait3A_271 = arith.constant 128 : i32
      %dma_wait3A_272 = tpu.memref_slice %arg7[%run_scoped3A_175, %dma_wait3A_271] : memref<8x256xi32, #tpu.memory_space<vmem>> -> memref<1x128xi32, #tpu.memory_space<vmem>>
      %dma_wait3A_273 = tpu.memref_squeeze %dma_wait3A_272 : memref<1x128xi32, #tpu.memory_space<vmem>> -> memref<128xi32, #tpu.memory_space<vmem>>
      %dma_wait3A_274 = arith.constant 0 : i32
      %dma_wait3A_275 = arith.constant 0 : i32
      %dma_wait3A_276 = tpu.memref_slice %arg14[%dma_wait3A_274, %dma_wait3A_275] : memref<10008x128xf32, #tpu.memory_space<vmem_shared>> -> memref<10008x128xf32, #tpu.memory_space<vmem_shared>>
      tpu.wait_indirect_dma semaphore(%run_scoped3A_264 : memref<!tpu.dma_semaphore, #tpu.memory_space<semaphore_mem>>) src(%arg9 : memref<128x128xf32, #tpu.memory_space<vmem>>) dst(%dma_wait3A_276 : memref<10008x128xf32, #tpu.memory_space<vmem_shared>>)
      tpu.yield
    }) : () -> ()
    %dma_start3A_176 = arith.constant 3 : i32
    %dma_start3A_177 = arith.constant 0 : i32
    %dma_start3A_178 = tpu.memref_slice %arg7[%dma_start3A_176, %dma_start3A_177] : memref<8x256xi32, #tpu.memory_space<vmem>> -> memref<1x128xi32, #tpu.memory_space<vmem>>
    %dma_start3A_179 = tpu.memref_squeeze %dma_start3A_178 : memref<1x128xi32, #tpu.memory_space<vmem>> -> memref<128xi32, #tpu.memory_space<vmem>>
    %dma_start3A_180 = arith.constant 0 : i32
    %dma_start3A_181 = arith.constant 0 : i32
    %dma_start3A_182 = tpu.memref_slice %arg2[%dma_start3A_180, %dma_start3A_181] : memref<40000x128xf32, #tpu.memory_space<hbm>> -> memref<40000x128xf32, #tpu.memory_space<hbm>>
    tpu.enqueue_indirect_dma source(%dma_start3A_182 : memref<40000x128xf32, #tpu.memory_space<hbm>>) target(%arg9 : memref<128x128xf32, #tpu.memory_space<vmem>>) offsets(%dma_start3A_179 : memref<128xi32, #tpu.memory_space<vmem>>) semaphore(%arg13 : memref<!tpu.dma_semaphore, #tpu.memory_space<semaphore_mem>>)
    %dma_wait3A_183 = arith.constant 0 : i32
    %dma_wait3A_184 = arith.constant 0 : i32
    %dma_wait3A_185 = tpu.memref_slice %arg2[%dma_wait3A_183, %dma_wait3A_184] : memref<40000x128xf32, #tpu.memory_space<hbm>> -> memref<128x128xf32, #tpu.memory_space<hbm>>
    %dma_wait3A_186 = arith.constant 0 : i32
    %dma_wait3A_187 = arith.constant 0 : i32
    %dma_wait3A_188 = tpu.memref_slice %arg2[%dma_wait3A_186, %dma_wait3A_187] : memref<40000x128xf32, #tpu.memory_space<hbm>> -> memref<128x128xf32, #tpu.memory_space<hbm>>
    tpu.wait_dma2 semaphore(%arg12 : memref<!tpu.dma_semaphore, #tpu.memory_space<semaphore_mem>>) src(%dma_wait3A_188 : memref<128x128xf32, #tpu.memory_space<hbm>>) dst(%arg8 : memref<128x128xf32, #tpu.memory_space<vmem>>)
    %run_scoped3A_189 = arith.constant 2 : i32
    "tpu.region"() ({
      %run_scoped3A_264 = tpu.sem_alloc : memref<!tpu.dma_semaphore, #tpu.memory_space<semaphore_mem>>
      %dma_start3A_265 = arith.constant 128 : i32
      %dma_start3A_266 = tpu.memref_slice %arg7[%run_scoped3A_189, %dma_start3A_265] : memref<8x256xi32, #tpu.memory_space<vmem>> -> memref<1x128xi32, #tpu.memory_space<vmem>>
      %dma_start3A_267 = tpu.memref_squeeze %dma_start3A_266 : memref<1x128xi32, #tpu.memory_space<vmem>> -> memref<128xi32, #tpu.memory_space<vmem>>
      %dma_start3A_268 = arith.constant 0 : i32
      %dma_start3A_269 = arith.constant 0 : i32
      %dma_start3A_270 = tpu.memref_slice %arg14[%dma_start3A_268, %dma_start3A_269] : memref<10008x128xf32, #tpu.memory_space<vmem_shared>> -> memref<10008x128xf32, #tpu.memory_space<vmem_shared>>
      tpu.enqueue_indirect_dma source(%arg8 : memref<128x128xf32, #tpu.memory_space<vmem>>) target(%dma_start3A_270 : memref<10008x128xf32, #tpu.memory_space<vmem_shared>>) offsets(%dma_start3A_267 : memref<128xi32, #tpu.memory_space<vmem>>) semaphore(%run_scoped3A_264 : memref<!tpu.dma_semaphore, #tpu.memory_space<semaphore_mem>>) {add = true}
      %dma_wait3A_271 = arith.constant 128 : i32
      %dma_wait3A_272 = tpu.memref_slice %arg7[%run_scoped3A_189, %dma_wait3A_271] : memref<8x256xi32, #tpu.memory_space<vmem>> -> memref<1x128xi32, #tpu.memory_space<vmem>>
      %dma_wait3A_273 = tpu.memref_squeeze %dma_wait3A_272 : memref<1x128xi32, #tpu.memory_space<vmem>> -> memref<128xi32, #tpu.memory_space<vmem>>
      %dma_wait3A_274 = arith.constant 0 : i32
      %dma_wait3A_275 = arith.constant 0 : i32
      %dma_wait3A_276 = tpu.memref_slice %arg14[%dma_wait3A_274, %dma_wait3A_275] : memref<10008x128xf32, #tpu.memory_space<vmem_shared>> -> memref<10008x128xf32, #tpu.memory_space<vmem_shared>>
      tpu.wait_indirect_dma semaphore(%run_scoped3A_264 : memref<!tpu.dma_semaphore, #tpu.memory_space<semaphore_mem>>) src(%arg8 : memref<128x128xf32, #tpu.memory_space<vmem>>) dst(%dma_wait3A_276 : memref<10008x128xf32, #tpu.memory_space<vmem_shared>>)
      tpu.yield
    }) : () -> ()
    %dma_start3A_190 = arith.constant 4 : i32
    %dma_start3A_191 = arith.constant 0 : i32
    %dma_start3A_192 = tpu.memref_slice %arg7[%dma_start3A_190, %dma_start3A_191] : memref<8x256xi32, #tpu.memory_space<vmem>> -> memref<1x128xi32, #tpu.memory_space<vmem>>
    %dma_start3A_193 = tpu.memref_squeeze %dma_start3A_192 : memref<1x128xi32, #tpu.memory_space<vmem>> -> memref<128xi32, #tpu.memory_space<vmem>>
    %dma_start3A_194 = arith.constant 0 : i32
    %dma_start3A_195 = arith.constant 0 : i32
    %dma_start3A_196 = tpu.memref_slice %arg2[%dma_start3A_194, %dma_start3A_195] : memref<40000x128xf32, #tpu.memory_space<hbm>> -> memref<40000x128xf32, #tpu.memory_space<hbm>>
    tpu.enqueue_indirect_dma source(%dma_start3A_196 : memref<40000x128xf32, #tpu.memory_space<hbm>>) target(%arg8 : memref<128x128xf32, #tpu.memory_space<vmem>>) offsets(%dma_start3A_193 : memref<128xi32, #tpu.memory_space<vmem>>) semaphore(%arg12 : memref<!tpu.dma_semaphore, #tpu.memory_space<semaphore_mem>>)
    %dma_wait3A_197 = arith.constant 0 : i32
    %dma_wait3A_198 = arith.constant 0 : i32
    %dma_wait3A_199 = tpu.memref_slice %arg2[%dma_wait3A_197, %dma_wait3A_198] : memref<40000x128xf32, #tpu.memory_space<hbm>> -> memref<128x128xf32, #tpu.memory_space<hbm>>
    %dma_wait3A_200 = arith.constant 0 : i32
    %dma_wait3A_201 = arith.constant 0 : i32
    %dma_wait3A_202 = tpu.memref_slice %arg2[%dma_wait3A_200, %dma_wait3A_201] : memref<40000x128xf32, #tpu.memory_space<hbm>> -> memref<128x128xf32, #tpu.memory_space<hbm>>
    tpu.wait_dma2 semaphore(%arg13 : memref<!tpu.dma_semaphore, #tpu.memory_space<semaphore_mem>>) src(%dma_wait3A_202 : memref<128x128xf32, #tpu.memory_space<hbm>>) dst(%arg9 : memref<128x128xf32, #tpu.memory_space<vmem>>)
    %run_scoped3A_203 = arith.constant 3 : i32
    "tpu.region"() ({
      %run_scoped3A_264 = tpu.sem_alloc : memref<!tpu.dma_semaphore, #tpu.memory_space<semaphore_mem>>
      %dma_start3A_265 = arith.constant 128 : i32
      %dma_start3A_266 = tpu.memref_slice %arg7[%run_scoped3A_203, %dma_start3A_265] : memref<8x256xi32, #tpu.memory_space<vmem>> -> memref<1x128xi32, #tpu.memory_space<vmem>>
      %dma_start3A_267 = tpu.memref_squeeze %dma_start3A_266 : memref<1x128xi32, #tpu.memory_space<vmem>> -> memref<128xi32, #tpu.memory_space<vmem>>
      %dma_start3A_268 = arith.constant 0 : i32
      %dma_start3A_269 = arith.constant 0 : i32
      %dma_start3A_270 = tpu.memref_slice %arg14[%dma_start3A_268, %dma_start3A_269] : memref<10008x128xf32, #tpu.memory_space<vmem_shared>> -> memref<10008x128xf32, #tpu.memory_space<vmem_shared>>
      tpu.enqueue_indirect_dma source(%arg9 : memref<128x128xf32, #tpu.memory_space<vmem>>) target(%dma_start3A_270 : memref<10008x128xf32, #tpu.memory_space<vmem_shared>>) offsets(%dma_start3A_267 : memref<128xi32, #tpu.memory_space<vmem>>) semaphore(%run_scoped3A_264 : memref<!tpu.dma_semaphore, #tpu.memory_space<semaphore_mem>>) {add = true}
      %dma_wait3A_271 = arith.constant 128 : i32
      %dma_wait3A_272 = tpu.memref_slice %arg7[%run_scoped3A_203, %dma_wait3A_271] : memref<8x256xi32, #tpu.memory_space<vmem>> -> memref<1x128xi32, #tpu.memory_space<vmem>>
      %dma_wait3A_273 = tpu.memref_squeeze %dma_wait3A_272 : memref<1x128xi32, #tpu.memory_space<vmem>> -> memref<128xi32, #tpu.memory_space<vmem>>
      %dma_wait3A_274 = arith.constant 0 : i32
      %dma_wait3A_275 = arith.constant 0 : i32
      %dma_wait3A_276 = tpu.memref_slice %arg14[%dma_wait3A_274, %dma_wait3A_275] : memref<10008x128xf32, #tpu.memory_space<vmem_shared>> -> memref<10008x128xf32, #tpu.memory_space<vmem_shared>>
      tpu.wait_indirect_dma semaphore(%run_scoped3A_264 : memref<!tpu.dma_semaphore, #tpu.memory_space<semaphore_mem>>) src(%arg9 : memref<128x128xf32, #tpu.memory_space<vmem>>) dst(%dma_wait3A_276 : memref<10008x128xf32, #tpu.memory_space<vmem_shared>>)
      tpu.yield
    }) : () -> ()
    %dma_start3A_204 = arith.constant 5 : i32
    %dma_start3A_205 = arith.constant 0 : i32
    %dma_start3A_206 = tpu.memref_slice %arg7[%dma_start3A_204, %dma_start3A_205] : memref<8x256xi32, #tpu.memory_space<vmem>> -> memref<1x128xi32, #tpu.memory_space<vmem>>
    %dma_start3A_207 = tpu.memref_squeeze %dma_start3A_206 : memref<1x128xi32, #tpu.memory_space<vmem>> -> memref<128xi32, #tpu.memory_space<vmem>>
    %dma_start3A_208 = arith.constant 0 : i32
    %dma_start3A_209 = arith.constant 0 : i32
    %dma_start3A_210 = tpu.memref_slice %arg2[%dma_start3A_208, %dma_start3A_209] : memref<40000x128xf32, #tpu.memory_space<hbm>> -> memref<40000x128xf32, #tpu.memory_space<hbm>>
    tpu.enqueue_indirect_dma source(%dma_start3A_210 : memref<40000x128xf32, #tpu.memory_space<hbm>>) target(%arg9 : memref<128x128xf32, #tpu.memory_space<vmem>>) offsets(%dma_start3A_207 : memref<128xi32, #tpu.memory_space<vmem>>) semaphore(%arg13 : memref<!tpu.dma_semaphore, #tpu.memory_space<semaphore_mem>>)
    %dma_wait3A_211 = arith.constant 0 : i32
    %dma_wait3A_212 = arith.constant 0 : i32
    %dma_wait3A_213 = tpu.memref_slice %arg2[%dma_wait3A_211, %dma_wait3A_212] : memref<40000x128xf32, #tpu.memory_space<hbm>> -> memref<128x128xf32, #tpu.memory_space<hbm>>
    %dma_wait3A_214 = arith.constant 0 : i32
    %dma_wait3A_215 = arith.constant 0 : i32
    %dma_wait3A_216 = tpu.memref_slice %arg2[%dma_wait3A_214, %dma_wait3A_215] : memref<40000x128xf32, #tpu.memory_space<hbm>> -> memref<128x128xf32, #tpu.memory_space<hbm>>
    tpu.wait_dma2 semaphore(%arg12 : memref<!tpu.dma_semaphore, #tpu.memory_space<semaphore_mem>>) src(%dma_wait3A_216 : memref<128x128xf32, #tpu.memory_space<hbm>>) dst(%arg8 : memref<128x128xf32, #tpu.memory_space<vmem>>)
    %run_scoped3A_217 = arith.constant 4 : i32
    "tpu.region"() ({
      %run_scoped3A_264 = tpu.sem_alloc : memref<!tpu.dma_semaphore, #tpu.memory_space<semaphore_mem>>
      %dma_start3A_265 = arith.constant 128 : i32
      %dma_start3A_266 = tpu.memref_slice %arg7[%run_scoped3A_217, %dma_start3A_265] : memref<8x256xi32, #tpu.memory_space<vmem>> -> memref<1x128xi32, #tpu.memory_space<vmem>>
      %dma_start3A_267 = tpu.memref_squeeze %dma_start3A_266 : memref<1x128xi32, #tpu.memory_space<vmem>> -> memref<128xi32, #tpu.memory_space<vmem>>
      %dma_start3A_268 = arith.constant 0 : i32
      %dma_start3A_269 = arith.constant 0 : i32
      %dma_start3A_270 = tpu.memref_slice %arg14[%dma_start3A_268, %dma_start3A_269] : memref<10008x128xf32, #tpu.memory_space<vmem_shared>> -> memref<10008x128xf32, #tpu.memory_space<vmem_shared>>
      tpu.enqueue_indirect_dma source(%arg8 : memref<128x128xf32, #tpu.memory_space<vmem>>) target(%dma_start3A_270 : memref<10008x128xf32, #tpu.memory_space<vmem_shared>>) offsets(%dma_start3A_267 : memref<128xi32, #tpu.memory_space<vmem>>) semaphore(%run_scoped3A_264 : memref<!tpu.dma_semaphore, #tpu.memory_space<semaphore_mem>>) {add = true}
      %dma_wait3A_271 = arith.constant 128 : i32
      %dma_wait3A_272 = tpu.memref_slice %arg7[%run_scoped3A_217, %dma_wait3A_271] : memref<8x256xi32, #tpu.memory_space<vmem>> -> memref<1x128xi32, #tpu.memory_space<vmem>>
      %dma_wait3A_273 = tpu.memref_squeeze %dma_wait3A_272 : memref<1x128xi32, #tpu.memory_space<vmem>> -> memref<128xi32, #tpu.memory_space<vmem>>
      %dma_wait3A_274 = arith.constant 0 : i32
      %dma_wait3A_275 = arith.constant 0 : i32
      %dma_wait3A_276 = tpu.memref_slice %arg14[%dma_wait3A_274, %dma_wait3A_275] : memref<10008x128xf32, #tpu.memory_space<vmem_shared>> -> memref<10008x128xf32, #tpu.memory_space<vmem_shared>>
      tpu.wait_indirect_dma semaphore(%run_scoped3A_264 : memref<!tpu.dma_semaphore, #tpu.memory_space<semaphore_mem>>) src(%arg8 : memref<128x128xf32, #tpu.memory_space<vmem>>) dst(%dma_wait3A_276 : memref<10008x128xf32, #tpu.memory_space<vmem_shared>>)
      tpu.yield
    }) : () -> ()
    %dma_start3A_218 = arith.constant 6 : i32
    %dma_start3A_219 = arith.constant 0 : i32
    %dma_start3A_220 = tpu.memref_slice %arg7[%dma_start3A_218, %dma_start3A_219] : memref<8x256xi32, #tpu.memory_space<vmem>> -> memref<1x128xi32, #tpu.memory_space<vmem>>
    %dma_start3A_221 = tpu.memref_squeeze %dma_start3A_220 : memref<1x128xi32, #tpu.memory_space<vmem>> -> memref<128xi32, #tpu.memory_space<vmem>>
    %dma_start3A_222 = arith.constant 0 : i32
    %dma_start3A_223 = arith.constant 0 : i32
    %dma_start3A_224 = tpu.memref_slice %arg2[%dma_start3A_222, %dma_start3A_223] : memref<40000x128xf32, #tpu.memory_space<hbm>> -> memref<40000x128xf32, #tpu.memory_space<hbm>>
    tpu.enqueue_indirect_dma source(%dma_start3A_224 : memref<40000x128xf32, #tpu.memory_space<hbm>>) target(%arg8 : memref<128x128xf32, #tpu.memory_space<vmem>>) offsets(%dma_start3A_221 : memref<128xi32, #tpu.memory_space<vmem>>) semaphore(%arg12 : memref<!tpu.dma_semaphore, #tpu.memory_space<semaphore_mem>>)
    %dma_wait3A_225 = arith.constant 0 : i32
    %dma_wait3A_226 = arith.constant 0 : i32
    %dma_wait3A_227 = tpu.memref_slice %arg2[%dma_wait3A_225, %dma_wait3A_226] : memref<40000x128xf32, #tpu.memory_space<hbm>> -> memref<128x128xf32, #tpu.memory_space<hbm>>
    %dma_wait3A_228 = arith.constant 0 : i32
    %dma_wait3A_229 = arith.constant 0 : i32
    %dma_wait3A_230 = tpu.memref_slice %arg2[%dma_wait3A_228, %dma_wait3A_229] : memref<40000x128xf32, #tpu.memory_space<hbm>> -> memref<128x128xf32, #tpu.memory_space<hbm>>
    tpu.wait_dma2 semaphore(%arg13 : memref<!tpu.dma_semaphore, #tpu.memory_space<semaphore_mem>>) src(%dma_wait3A_230 : memref<128x128xf32, #tpu.memory_space<hbm>>) dst(%arg9 : memref<128x128xf32, #tpu.memory_space<vmem>>)
    %run_scoped3A_231 = arith.constant 5 : i32
    "tpu.region"() ({
      %run_scoped3A_264 = tpu.sem_alloc : memref<!tpu.dma_semaphore, #tpu.memory_space<semaphore_mem>>
      %dma_start3A_265 = arith.constant 128 : i32
      %dma_start3A_266 = tpu.memref_slice %arg7[%run_scoped3A_231, %dma_start3A_265] : memref<8x256xi32, #tpu.memory_space<vmem>> -> memref<1x128xi32, #tpu.memory_space<vmem>>
      %dma_start3A_267 = tpu.memref_squeeze %dma_start3A_266 : memref<1x128xi32, #tpu.memory_space<vmem>> -> memref<128xi32, #tpu.memory_space<vmem>>
      %dma_start3A_268 = arith.constant 0 : i32
      %dma_start3A_269 = arith.constant 0 : i32
      %dma_start3A_270 = tpu.memref_slice %arg14[%dma_start3A_268, %dma_start3A_269] : memref<10008x128xf32, #tpu.memory_space<vmem_shared>> -> memref<10008x128xf32, #tpu.memory_space<vmem_shared>>
      tpu.enqueue_indirect_dma source(%arg9 : memref<128x128xf32, #tpu.memory_space<vmem>>) target(%dma_start3A_270 : memref<10008x128xf32, #tpu.memory_space<vmem_shared>>) offsets(%dma_start3A_267 : memref<128xi32, #tpu.memory_space<vmem>>) semaphore(%run_scoped3A_264 : memref<!tpu.dma_semaphore, #tpu.memory_space<semaphore_mem>>) {add = true}
      %dma_wait3A_271 = arith.constant 128 : i32
      %dma_wait3A_272 = tpu.memref_slice %arg7[%run_scoped3A_231, %dma_wait3A_271] : memref<8x256xi32, #tpu.memory_space<vmem>> -> memref<1x128xi32, #tpu.memory_space<vmem>>
      %dma_wait3A_273 = tpu.memref_squeeze %dma_wait3A_272 : memref<1x128xi32, #tpu.memory_space<vmem>> -> memref<128xi32, #tpu.memory_space<vmem>>
      %dma_wait3A_274 = arith.constant 0 : i32
      %dma_wait3A_275 = arith.constant 0 : i32
      %dma_wait3A_276 = tpu.memref_slice %arg14[%dma_wait3A_274, %dma_wait3A_275] : memref<10008x128xf32, #tpu.memory_space<vmem_shared>> -> memref<10008x128xf32, #tpu.memory_space<vmem_shared>>
      tpu.wait_indirect_dma semaphore(%run_scoped3A_264 : memref<!tpu.dma_semaphore, #tpu.memory_space<semaphore_mem>>) src(%arg9 : memref<128x128xf32, #tpu.memory_space<vmem>>) dst(%dma_wait3A_276 : memref<10008x128xf32, #tpu.memory_space<vmem_shared>>)
      tpu.yield
    }) : () -> ()
    %dma_start3A_232 = arith.constant 7 : i32
    %dma_start3A_233 = arith.constant 0 : i32
    %dma_start3A_234 = tpu.memref_slice %arg7[%dma_start3A_232, %dma_start3A_233] : memref<8x256xi32, #tpu.memory_space<vmem>> -> memref<1x128xi32, #tpu.memory_space<vmem>>
    %dma_start3A_235 = tpu.memref_squeeze %dma_start3A_234 : memref<1x128xi32, #tpu.memory_space<vmem>> -> memref<128xi32, #tpu.memory_space<vmem>>
    %dma_start3A_236 = arith.constant 0 : i32
    %dma_start3A_237 = arith.constant 0 : i32
    %dma_start3A_238 = tpu.memref_slice %arg2[%dma_start3A_236, %dma_start3A_237] : memref<40000x128xf32, #tpu.memory_space<hbm>> -> memref<40000x128xf32, #tpu.memory_space<hbm>>
    tpu.enqueue_indirect_dma source(%dma_start3A_238 : memref<40000x128xf32, #tpu.memory_space<hbm>>) target(%arg9 : memref<128x128xf32, #tpu.memory_space<vmem>>) offsets(%dma_start3A_235 : memref<128xi32, #tpu.memory_space<vmem>>) semaphore(%arg13 : memref<!tpu.dma_semaphore, #tpu.memory_space<semaphore_mem>>)
    %dma_wait3A_239 = arith.constant 0 : i32
    %dma_wait3A_240 = arith.constant 0 : i32
    %dma_wait3A_241 = tpu.memref_slice %arg2[%dma_wait3A_239, %dma_wait3A_240] : memref<40000x128xf32, #tpu.memory_space<hbm>> -> memref<128x128xf32, #tpu.memory_space<hbm>>
    %dma_wait3A_242 = arith.constant 0 : i32
    %dma_wait3A_243 = arith.constant 0 : i32
    %dma_wait3A_244 = tpu.memref_slice %arg2[%dma_wait3A_242, %dma_wait3A_243] : memref<40000x128xf32, #tpu.memory_space<hbm>> -> memref<128x128xf32, #tpu.memory_space<hbm>>
    tpu.wait_dma2 semaphore(%arg12 : memref<!tpu.dma_semaphore, #tpu.memory_space<semaphore_mem>>) src(%dma_wait3A_244 : memref<128x128xf32, #tpu.memory_space<hbm>>) dst(%arg8 : memref<128x128xf32, #tpu.memory_space<vmem>>)
    %run_scoped3A_245 = arith.constant 6 : i32
    "tpu.region"() ({
      %run_scoped3A_264 = tpu.sem_alloc : memref<!tpu.dma_semaphore, #tpu.memory_space<semaphore_mem>>
      %dma_start3A_265 = arith.constant 128 : i32
      %dma_start3A_266 = tpu.memref_slice %arg7[%run_scoped3A_245, %dma_start3A_265] : memref<8x256xi32, #tpu.memory_space<vmem>> -> memref<1x128xi32, #tpu.memory_space<vmem>>
      %dma_start3A_267 = tpu.memref_squeeze %dma_start3A_266 : memref<1x128xi32, #tpu.memory_space<vmem>> -> memref<128xi32, #tpu.memory_space<vmem>>
      %dma_start3A_268 = arith.constant 0 : i32
      %dma_start3A_269 = arith.constant 0 : i32
      %dma_start3A_270 = tpu.memref_slice %arg14[%dma_start3A_268, %dma_start3A_269] : memref<10008x128xf32, #tpu.memory_space<vmem_shared>> -> memref<10008x128xf32, #tpu.memory_space<vmem_shared>>
      tpu.enqueue_indirect_dma source(%arg8 : memref<128x128xf32, #tpu.memory_space<vmem>>) target(%dma_start3A_270 : memref<10008x128xf32, #tpu.memory_space<vmem_shared>>) offsets(%dma_start3A_267 : memref<128xi32, #tpu.memory_space<vmem>>) semaphore(%run_scoped3A_264 : memref<!tpu.dma_semaphore, #tpu.memory_space<semaphore_mem>>) {add = true}
      %dma_wait3A_271 = arith.constant 128 : i32
      %dma_wait3A_272 = tpu.memref_slice %arg7[%run_scoped3A_245, %dma_wait3A_271] : memref<8x256xi32, #tpu.memory_space<vmem>> -> memref<1x128xi32, #tpu.memory_space<vmem>>
      %dma_wait3A_273 = tpu.memref_squeeze %dma_wait3A_272 : memref<1x128xi32, #tpu.memory_space<vmem>> -> memref<128xi32, #tpu.memory_space<vmem>>
      %dma_wait3A_274 = arith.constant 0 : i32
      %dma_wait3A_275 = arith.constant 0 : i32
      %dma_wait3A_276 = tpu.memref_slice %arg14[%dma_wait3A_274, %dma_wait3A_275] : memref<10008x128xf32, #tpu.memory_space<vmem_shared>> -> memref<10008x128xf32, #tpu.memory_space<vmem_shared>>
      tpu.wait_indirect_dma semaphore(%run_scoped3A_264 : memref<!tpu.dma_semaphore, #tpu.memory_space<semaphore_mem>>) src(%arg8 : memref<128x128xf32, #tpu.memory_space<vmem>>) dst(%dma_wait3A_276 : memref<10008x128xf32, #tpu.memory_space<vmem_shared>>)
      tpu.yield
    }) : () -> ()
    %dma_wait3A_246 = arith.constant 0 : i32
    %dma_wait3A_247 = arith.constant 0 : i32
    %dma_wait3A_248 = tpu.memref_slice %arg2[%dma_wait3A_246, %dma_wait3A_247] : memref<40000x128xf32, #tpu.memory_space<hbm>> -> memref<128x128xf32, #tpu.memory_space<hbm>>
    %dma_wait3A_249 = arith.constant 0 : i32
    %dma_wait3A_250 = arith.constant 0 : i32
    %dma_wait3A_251 = tpu.memref_slice %arg2[%dma_wait3A_249, %dma_wait3A_250] : memref<40000x128xf32, #tpu.memory_space<hbm>> -> memref<128x128xf32, #tpu.memory_space<hbm>>
    tpu.wait_dma2 semaphore(%arg13 : memref<!tpu.dma_semaphore, #tpu.memory_space<semaphore_mem>>) src(%dma_wait3A_251 : memref<128x128xf32, #tpu.memory_space<hbm>>) dst(%arg9 : memref<128x128xf32, #tpu.memory_space<vmem>>)
    %run_scoped3A_252 = arith.constant 7 : i32
    "tpu.region"() ({
      %run_scoped3A_264 = tpu.sem_alloc : memref<!tpu.dma_semaphore, #tpu.memory_space<semaphore_mem>>
      %dma_start3A_265 = arith.constant 128 : i32
      %dma_start3A_266 = tpu.memref_slice %arg7[%run_scoped3A_252, %dma_start3A_265] : memref<8x256xi32, #tpu.memory_space<vmem>> -> memref<1x128xi32, #tpu.memory_space<vmem>>
      %dma_start3A_267 = tpu.memref_squeeze %dma_start3A_266 : memref<1x128xi32, #tpu.memory_space<vmem>> -> memref<128xi32, #tpu.memory_space<vmem>>
      %dma_start3A_268 = arith.constant 0 : i32
      %dma_start3A_269 = arith.constant 0 : i32
      %dma_start3A_270 = tpu.memref_slice %arg14[%dma_start3A_268, %dma_start3A_269] : memref<10008x128xf32, #tpu.memory_space<vmem_shared>> -> memref<10008x128xf32, #tpu.memory_space<vmem_shared>>
      tpu.enqueue_indirect_dma source(%arg9 : memref<128x128xf32, #tpu.memory_space<vmem>>) target(%dma_start3A_270 : memref<10008x128xf32, #tpu.memory_space<vmem_shared>>) offsets(%dma_start3A_267 : memref<128xi32, #tpu.memory_space<vmem>>) semaphore(%run_scoped3A_264 : memref<!tpu.dma_semaphore, #tpu.memory_space<semaphore_mem>>) {add = true}
      %dma_wait3A_271 = arith.constant 128 : i32
      %dma_wait3A_272 = tpu.memref_slice %arg7[%run_scoped3A_252, %dma_wait3A_271] : memref<8x256xi32, #tpu.memory_space<vmem>> -> memref<1x128xi32, #tpu.memory_space<vmem>>
      %dma_wait3A_273 = tpu.memref_squeeze %dma_wait3A_272 : memref<1x128xi32, #tpu.memory_space<vmem>> -> memref<128xi32, #tpu.memory_space<vmem>>
      %dma_wait3A_274 = arith.constant 0 : i32
      %dma_wait3A_275 = arith.constant 0 : i32
      %dma_wait3A_276 = tpu.memref_slice %arg14[%dma_wait3A_274, %dma_wait3A_275] : memref<10008x128xf32, #tpu.memory_space<vmem_shared>> -> memref<10008x128xf32, #tpu.memory_space<vmem_shared>>
      tpu.wait_indirect_dma semaphore(%run_scoped3A_264 : memref<!tpu.dma_semaphore, #tpu.memory_space<semaphore_mem>>) src(%arg9 : memref<128x128xf32, #tpu.memory_space<vmem>>) dst(%dma_wait3A_276 : memref<10008x128xf32, #tpu.memory_space<vmem_shared>>)
      tpu.yield
    }) : () -> ()
    %barrier3A_253 = arith.constant 0 : index
    tpu.barrier barrier_id(%barrier3A_253)
    %lt3A_254 = arith.constant 15 : i32
    %lt3A_255 = arith.cmpi slt, %arg1, %lt3A_254 : i32
    %convert_element_type3A_256 = arith.extui %lt3A_255 : i1 to i32
    %cond3A_257 = arith.constant 0 : i32
    %cond3A_258 = arith.cmpi ne, %convert_element_type3A_256, %cond3A_257 : i32
    scf.if %cond3A_258 {
      %mul3A_264 = arith.constant 624 : i32
      %mul3A_265 = arith.muli %arg1, %mul3A_264 : i32
      %mul3A_266 = arith.constant 624 : i32
      %mul3A_267 = arith.muli %arg1, %mul3A_266 : i32
      "tpu.region"() ({
        %run_scoped3A_268 = tpu.sem_alloc : memref<!tpu.dma_semaphore, #tpu.memory_space<semaphore_mem>>
        %dma_start3A_269 = arith.constant 0 : i32
        %dma_start3A_270 = tpu.memref_slice %arg5[%arg0, %mul3A_267, %dma_start3A_269] : memref<2x10000x128xf32, #tpu.memory_space<hbm>> -> memref<1x624x128xf32, #tpu.memory_space<hbm>>
        %dma_start3A_271 = tpu.memref_squeeze %dma_start3A_270 : memref<1x624x128xf32, #tpu.memory_space<hbm>> -> memref<624x128xf32, #tpu.memory_space<hbm>>
        %dma_start3A_272 = arith.constant 0 : i32
        %dma_start3A_273 = tpu.memref_slice %arg14[%mul3A_265, %dma_start3A_272] : memref<10008x128xf32, #tpu.memory_space<vmem_shared>> -> memref<624x128xf32, #tpu.memory_space<vmem_shared>>
        tpu.enqueue_dma source(%dma_start3A_273 : memref<624x128xf32, #tpu.memory_space<vmem_shared>>) target(%dma_start3A_271 : memref<624x128xf32, #tpu.memory_space<hbm>>) target_semaphore(%run_scoped3A_268 : memref<!tpu.dma_semaphore, #tpu.memory_space<semaphore_mem>>)
        %dma_wait3A_274 = arith.constant 0 : i32
        %dma_wait3A_275 = tpu.memref_slice %arg5[%arg0, %mul3A_267, %dma_wait3A_274] : memref<2x10000x128xf32, #tpu.memory_space<hbm>> -> memref<1x624x128xf32, #tpu.memory_space<hbm>>
        %dma_wait3A_276 = tpu.memref_squeeze %dma_wait3A_275 : memref<1x624x128xf32, #tpu.memory_space<hbm>> -> memref<624x128xf32, #tpu.memory_space<hbm>>
        %dma_wait3A_277 = arith.constant 0 : i32
        %dma_wait3A_278 = tpu.memref_slice %arg14[%mul3A_265, %dma_wait3A_277] : memref<10008x128xf32, #tpu.memory_space<vmem_shared>> -> memref<624x128xf32, #tpu.memory_space<vmem_shared>>
        tpu.wait_dma2 semaphore(%run_scoped3A_268 : memref<!tpu.dma_semaphore, #tpu.memory_space<semaphore_mem>>) src(%dma_wait3A_278 : memref<624x128xf32, #tpu.memory_space<vmem_shared>>) dst(%dma_wait3A_276 : memref<624x128xf32, #tpu.memory_space<hbm>>)
        tpu.yield
      }) : () -> ()
    } else {
    }
    %eq3A_259 = arith.constant 15 : i32
    %eq3A_260 = arith.cmpi eq, %arg1, %eq3A_259 : i32
    %convert_element_type3A_261 = arith.extui %eq3A_260 : i1 to i32
    %cond3A_262 = arith.constant 0 : i32
    %cond3A_263 = arith.cmpi ne, %convert_element_type3A_261, %cond3A_262 : i32
    scf.if %cond3A_263 {
      "tpu.region"() ({
        %run_scoped3A_264 = tpu.sem_alloc : memref<!tpu.dma_semaphore, #tpu.memory_space<semaphore_mem>>
        %dma_start3A_265 = arith.constant 9360 : i32
        %dma_start3A_266 = arith.constant 0 : i32
        %dma_start3A_267 = tpu.memref_slice %arg5[%arg0, %dma_start3A_265, %dma_start3A_266] : memref<2x10000x128xf32, #tpu.memory_space<hbm>> -> memref<1x640x128xf32, #tpu.memory_space<hbm>>
        %dma_start3A_268 = tpu.memref_squeeze %dma_start3A_267 : memref<1x640x128xf32, #tpu.memory_space<hbm>> -> memref<640x128xf32, #tpu.memory_space<hbm>>
        %dma_start3A_269 = arith.constant 9360 : i32
        %dma_start3A_270 = arith.constant 0 : i32
        %dma_start3A_271 = tpu.memref_slice %arg14[%dma_start3A_269, %dma_start3A_270] : memref<10008x128xf32, #tpu.memory_space<vmem_shared>> -> memref<640x128xf32, #tpu.memory_space<vmem_shared>>
        tpu.enqueue_dma source(%dma_start3A_271 : memref<640x128xf32, #tpu.memory_space<vmem_shared>>) target(%dma_start3A_268 : memref<640x128xf32, #tpu.memory_space<hbm>>) target_semaphore(%run_scoped3A_264 : memref<!tpu.dma_semaphore, #tpu.memory_space<semaphore_mem>>)
        %dma_wait3A_272 = arith.constant 9360 : i32
        %dma_wait3A_273 = arith.constant 0 : i32
        %dma_wait3A_274 = tpu.memref_slice %arg5[%arg0, %dma_wait3A_272, %dma_wait3A_273] : memref<2x10000x128xf32, #tpu.memory_space<hbm>> -> memref<1x640x128xf32, #tpu.memory_space<hbm>>
        %dma_wait3A_275 = tpu.memref_squeeze %dma_wait3A_274 : memref<1x640x128xf32, #tpu.memory_space<hbm>> -> memref<640x128xf32, #tpu.memory_space<hbm>>
        %dma_wait3A_276 = arith.constant 9360 : i32
        %dma_wait3A_277 = arith.constant 0 : i32
        %dma_wait3A_278 = tpu.memref_slice %arg14[%dma_wait3A_276, %dma_wait3A_277] : memref<10008x128xf32, #tpu.memory_space<vmem_shared>> -> memref<640x128xf32, #tpu.memory_space<vmem_shared>>
        tpu.wait_dma2 semaphore(%run_scoped3A_264 : memref<!tpu.dma_semaphore, #tpu.memory_space<semaphore_mem>>) src(%dma_wait3A_278 : memref<640x128xf32, #tpu.memory_space<vmem_shared>>) dst(%dma_wait3A_275 : memref<640x128xf32, #tpu.memory_space<hbm>>)
        tpu.yield
      }) : () -> ()
    } else {
    }
    return
  }
}

module attributes {stable_mosaic.version = 14 : i64} {
  func.func @_embed_body(%arg0: memref<10000x1xi32, #tpu.memory_space<vmem>>, %arg1: memref<10000x20xf32, #tpu.memory_space<vmem>>, %arg2: memref<28x128xf32, #tpu.memory_space<vmem>>, %arg3: memref<20x128xf32, #tpu.memory_space<vmem>>, %arg4: memref<1x128xf32, #tpu.memory_space<vmem>>, %arg5: memref<1x20xf32, #tpu.memory_space<vmem>>, %arg6: memref<1x20xf32, #tpu.memory_space<vmem>>, %arg7: memref<10000x128xf32, #tpu.memory_space<vmem>>) attributes {dimension_semantics = [], scalar_prefetch = 0 : i64, scratch_operands = 0 : i64, tpu.core_type = #tpu.core_type<tc>} {
    %get3A = arith.constant 0 : index
    %get3A_0 = arith.constant 0 : index
    %get3A_1 = vector.load %arg1[%get3A, %get3A_0] : memref<10000x20xf32, #tpu.memory_space<vmem>>, vector<10000x20xf32>
    %get3A_2 = arith.constant 0 : index
    %get3A_3 = arith.constant 0 : index
    %get3A_4 = vector.load %arg5[%get3A_2, %get3A_3] : memref<1x20xf32, #tpu.memory_space<vmem>>, vector<1x20xf32>
    %get3A_5 = arith.constant 0 : index
    %get3A_6 = arith.constant 0 : index
    %get3A_7 = vector.load %arg6[%get3A_5, %get3A_6] : memref<1x20xf32, #tpu.memory_space<vmem>>, vector<1x20xf32>
    %reduce_sum3A = arith.constant dense<0.000000e+00> : vector<20xf32>
    %reduce_sum3A_8 = vector.multi_reduction <add>, %get3A_1, %reduce_sum3A [0] : vector<10000x20xf32> to vector<20xf32>
    %broadcast_in_dim3A = vector.shape_cast %reduce_sum3A_8 : vector<20xf32> to vector<1x20xf32>
    %mul3A = arith.constant 9.99999974E-5 : f32
    %mul3A_9 = vector.broadcast %mul3A : f32 to vector<1x20xf32>
    %mul3A_10 = arith.mulf %broadcast_in_dim3A, %mul3A_9 : vector<1x20xf32>
    %mul3A_11 = arith.mulf %get3A_1, %get3A_1 : vector<10000x20xf32>
    %reduce_sum3A_12 = arith.constant dense<0.000000e+00> : vector<20xf32>
    %reduce_sum3A_13 = vector.multi_reduction <add>, %mul3A_11, %reduce_sum3A_12 [0] : vector<10000x20xf32> to vector<20xf32>
    %broadcast_in_dim3A_14 = vector.shape_cast %reduce_sum3A_13 : vector<20xf32> to vector<1x20xf32>
    %mul3A_15 = arith.constant 9.99999974E-5 : f32
    %mul3A_16 = vector.broadcast %mul3A_15 : f32 to vector<1x20xf32>
    %mul3A_17 = arith.mulf %broadcast_in_dim3A_14, %mul3A_16 : vector<1x20xf32>
    %mul3A_18 = arith.mulf %mul3A_10, %mul3A_10 : vector<1x20xf32>
    %sub3A = arith.subf %mul3A_17, %mul3A_18 : vector<1x20xf32>
    %sub3A_19 = vector.broadcast %mul3A_10 : vector<1x20xf32> to vector<10000x20xf32>
    %sub3A_20 = arith.subf %get3A_1, %sub3A_19 : vector<10000x20xf32>
    %add3A = arith.constant 9.99999974E-6 : f32
    %add3A_21 = vector.broadcast %add3A : f32 to vector<1x20xf32>
    %add3A_22 = arith.addf %sub3A, %add3A_21 : vector<1x20xf32>
    %rsqrt3A = math.rsqrt %add3A_22 : vector<1x20xf32>
    %mul3A_23 = vector.broadcast %rsqrt3A : vector<1x20xf32> to vector<10000x20xf32>
    %mul3A_24 = arith.mulf %sub3A_20, %mul3A_23 : vector<10000x20xf32>
    %mul3A_25 = vector.broadcast %get3A_4 : vector<1x20xf32> to vector<10000x20xf32>
    %mul3A_26 = arith.mulf %mul3A_24, %mul3A_25 : vector<10000x20xf32>
    %add3A_27 = vector.broadcast %get3A_7 : vector<1x20xf32> to vector<10000x20xf32>
    %add3A_28 = arith.addf %mul3A_26, %add3A_27 : vector<10000x20xf32>
    %get3A_29 = arith.constant 0 : index
    %get3A_30 = arith.constant 0 : index
    %get3A_31 = vector.load %arg0[%get3A_29, %get3A_30] : memref<10000x1xi32, #tpu.memory_space<vmem>>, vector<10000x1xi32>
    %iota3A = tpu.iota {dimensions = array<i32: 1>} : vector<1x28xi32>
    %eq3A = vector.broadcast %get3A_31 : vector<10000x1xi32> to vector<10000x28xi32>
    %eq3A_32 = vector.broadcast %iota3A : vector<1x28xi32> to vector<10000x28xi32>
    %eq3A_33 = arith.cmpi eq, %eq3A, %eq3A_32 : vector<10000x28xi32>
    %convert_element_type3A = arith.extui %eq3A_33 : vector<10000x28xi1> to vector<10000x28xi32>
    %convert_element_type3A_34 = arith.sitofp %convert_element_type3A : vector<10000x28xi32> to vector<10000x28xf32>
    %get3A_35 = arith.constant 0 : index
    %get3A_36 = arith.constant 0 : index
    %get3A_37 = vector.load %arg2[%get3A_35, %get3A_36] : memref<28x128xf32, #tpu.memory_space<vmem>>, vector<28x128xf32>
    %dot_general3A = arith.constant dense<0.000000e+00> : vector<10000x128xf32>
    %dot_general3A_38 = tpu.matmul %convert_element_type3A_34, %get3A_37, %dot_general3A {dimension_numbers = #tpu.dot_dimension_numbers<[1], [0], [0], [1], [0, 0, 1, 1], [], []>, transpose_lhs_hint = false} : vector<10000x28xf32>, vector<28x128xf32>, vector<10000x128xf32> -> vector<10000x128xf32>
    %get3A_39 = arith.constant 0 : index
    %get3A_40 = arith.constant 0 : index
    %get3A_41 = vector.load %arg3[%get3A_39, %get3A_40] : memref<20x128xf32, #tpu.memory_space<vmem>>, vector<20x128xf32>
    %dot_general3A_42 = arith.constant dense<0.000000e+00> : vector<10000x128xf32>
    %dot_general3A_43 = tpu.matmul %add3A_28, %get3A_41, %dot_general3A_42 {dimension_numbers = #tpu.dot_dimension_numbers<[1], [0], [0], [1], [0, 0, 1, 1], [], []>, transpose_lhs_hint = false} : vector<10000x20xf32>, vector<20x128xf32>, vector<10000x128xf32> -> vector<10000x128xf32>
    %add3A_44 = arith.addf %dot_general3A_38, %dot_general3A_43 : vector<10000x128xf32>
    %get3A_45 = arith.constant 0 : index
    %get3A_46 = arith.constant 0 : index
    %get3A_47 = vector.load %arg4[%get3A_45, %get3A_46] : memref<1x128xf32, #tpu.memory_space<vmem>>, vector<1x128xf32>
    %add3A_48 = vector.broadcast %get3A_47 : vector<1x128xf32> to vector<10000x128xf32>
    %add3A_49 = arith.addf %add3A_44, %add3A_48 : vector<10000x128xf32>
    %swap3A = arith.constant 0 : index
    %swap3A_50 = arith.constant 0 : index
    %swap3A_51 = vector.load %arg7[%swap3A, %swap3A_50] : memref<10000x128xf32, #tpu.memory_space<vmem>>, vector<10000x128xf32>
    tpu.vector_store %arg7[%swap3A, %swap3A_50], %add3A_49 {strides = array<i32>} : memref<10000x128xf32, #tpu.memory_space<vmem>>, vector<10000x128xf32>,
    return
  }
}

module attributes {stable_mosaic.version = 14 : i64} {
  func.func @_expand_body(%arg0: memref<10000x128xf32, #tpu.memory_space<vmem>>, %arg1: memref<4x128xf32, #tpu.memory_space<vmem>>, %arg2: memref<40000x128xf32, #tpu.memory_space<vmem>>) attributes {dimension_semantics = [], scalar_prefetch = 0 : i64, scratch_operands = 0 : i64, tpu.core_type = #tpu.core_type<tc>} {
    %get3A = arith.constant 0 : index
    %get3A_0 = arith.constant 0 : index
    %get3A_1 = vector.load %arg0[%get3A, %get3A_0] : memref<10000x128xf32, #tpu.memory_space<vmem>>, vector<10000x128xf32>
    %get3A_2 = arith.constant 0 : index
    %get3A_3 = arith.constant 0 : index
    %get3A_4 = vector.load %arg1[%get3A_2, %get3A_3] : memref<4x128xf32, #tpu.memory_space<vmem>>, vector<1x128xf32>
    %get3A_5 = vector.shape_cast %get3A_4 : vector<1x128xf32> to vector<128xf32>
    %broadcast_in_dim3A = vector.shape_cast %get3A_5 : vector<128xf32> to vector<1x128xf32>
    %add3A = vector.broadcast %broadcast_in_dim3A : vector<1x128xf32> to vector<10000x128xf32>
    %add3A_6 = arith.addf %get3A_1, %add3A : vector<10000x128xf32>
    %max3A = arith.constant 0.000000e+00 : f32
    %max3A_7 = vector.broadcast %max3A : f32 to vector<10000x128xf32>
    %max3A_8 = arith.maximumf %add3A_6, %max3A_7 : vector<10000x128xf32>
    %swap3A = arith.constant 0 : index
    %swap3A_9 = arith.constant 0 : index
    %swap3A_10 = vector.load %arg2[%swap3A, %swap3A_9] : memref<40000x128xf32, #tpu.memory_space<vmem>>, vector<10000x128xf32>
    tpu.vector_store %arg2[%swap3A, %swap3A_9], %max3A_8 {strides = array<i32>} : memref<40000x128xf32, #tpu.memory_space<vmem>>, vector<10000x128xf32>,
    %get3A_11 = arith.constant 1 : index
    %get3A_12 = arith.constant 0 : index
    %get3A_13 = vector.load %arg1[%get3A_11, %get3A_12] : memref<4x128xf32, #tpu.memory_space<vmem>>, vector<1x128xf32>
    %get3A_14 = vector.shape_cast %get3A_13 : vector<1x128xf32> to vector<128xf32>
    %broadcast_in_dim3A_15 = vector.shape_cast %get3A_14 : vector<128xf32> to vector<1x128xf32>
    %add3A_16 = vector.broadcast %broadcast_in_dim3A_15 : vector<1x128xf32> to vector<10000x128xf32>
    %add3A_17 = arith.addf %get3A_1, %add3A_16 : vector<10000x128xf32>
    %max3A_18 = arith.constant 0.000000e+00 : f32
    %max3A_19 = vector.broadcast %max3A_18 : f32 to vector<10000x128xf32>
    %max3A_20 = arith.maximumf %add3A_17, %max3A_19 : vector<10000x128xf32>
    %swap3A_21 = arith.constant 10000 : index
    %swap3A_22 = arith.constant 0 : index
    %swap3A_23 = vector.load %arg2[%swap3A_21, %swap3A_22] : memref<40000x128xf32, #tpu.memory_space<vmem>>, vector<10000x128xf32>
    tpu.vector_store %arg2[%swap3A_21, %swap3A_22], %max3A_20 {strides = array<i32>} : memref<40000x128xf32, #tpu.memory_space<vmem>>, vector<10000x128xf32>,
    %get3A_24 = arith.constant 2 : index
    %get3A_25 = arith.constant 0 : index
    %get3A_26 = vector.load %arg1[%get3A_24, %get3A_25] : memref<4x128xf32, #tpu.memory_space<vmem>>, vector<1x128xf32>
    %get3A_27 = vector.shape_cast %get3A_26 : vector<1x128xf32> to vector<128xf32>
    %broadcast_in_dim3A_28 = vector.shape_cast %get3A_27 : vector<128xf32> to vector<1x128xf32>
    %add3A_29 = vector.broadcast %broadcast_in_dim3A_28 : vector<1x128xf32> to vector<10000x128xf32>
    %add3A_30 = arith.addf %get3A_1, %add3A_29 : vector<10000x128xf32>
    %max3A_31 = arith.constant 0.000000e+00 : f32
    %max3A_32 = vector.broadcast %max3A_31 : f32 to vector<10000x128xf32>
    %max3A_33 = arith.maximumf %add3A_30, %max3A_32 : vector<10000x128xf32>
    %swap3A_34 = arith.constant 20000 : index
    %swap3A_35 = arith.constant 0 : index
    %swap3A_36 = vector.load %arg2[%swap3A_34, %swap3A_35] : memref<40000x128xf32, #tpu.memory_space<vmem>>, vector<10000x128xf32>
    tpu.vector_store %arg2[%swap3A_34, %swap3A_35], %max3A_33 {strides = array<i32>} : memref<40000x128xf32, #tpu.memory_space<vmem>>, vector<10000x128xf32>,
    %get3A_37 = arith.constant 3 : index
    %get3A_38 = arith.constant 0 : index
    %get3A_39 = vector.load %arg1[%get3A_37, %get3A_38] : memref<4x128xf32, #tpu.memory_space<vmem>>, vector<1x128xf32>
    %get3A_40 = vector.shape_cast %get3A_39 : vector<1x128xf32> to vector<128xf32>
    %broadcast_in_dim3A_41 = vector.shape_cast %get3A_40 : vector<128xf32> to vector<1x128xf32>
    %add3A_42 = vector.broadcast %broadcast_in_dim3A_41 : vector<1x128xf32> to vector<10000x128xf32>
    %add3A_43 = arith.addf %get3A_1, %add3A_42 : vector<10000x128xf32>
    %max3A_44 = arith.constant 0.000000e+00 : f32
    %max3A_45 = vector.broadcast %max3A_44 : f32 to vector<10000x128xf32>
    %max3A_46 = arith.maximumf %add3A_43, %max3A_45 : vector<10000x128xf32>
    %swap3A_47 = arith.constant 30000 : index
    %swap3A_48 = arith.constant 0 : index
    %swap3A_49 = vector.load %arg2[%swap3A_47, %swap3A_48] : memref<40000x128xf32, #tpu.memory_space<vmem>>, vector<10000x128xf32>
    tpu.vector_store %arg2[%swap3A_47, %swap3A_48], %max3A_46 {strides = array<i32>} : memref<40000x128xf32, #tpu.memory_space<vmem>>, vector<10000x128xf32>,
    return
  }
}

module attributes {stable_mosaic.version = 14 : i64} {
  func.func @_attn_body(%arg0: memref<10000x128xf32, #tpu.memory_space<vmem>>, %arg1: memref<10000x1xi32, #tpu.memory_space<vmem>>, %arg2: memref<10000x1xi32, #tpu.memory_space<vmem>>, %arg3: memref<25xi32, #tpu.memory_space<smem>>, %arg4: memref<25xi32, #tpu.memory_space<smem>>, %arg5: memref<4x128x32xf32, #tpu.memory_space<vmem>>, %arg6: memref<4x128x32xf32, #tpu.memory_space<vmem>>, %arg7: memref<4x128x32xf32, #tpu.memory_space<vmem>>, %arg8: memref<4x1x32xf32, #tpu.memory_space<vmem>>, %arg9: memref<4x1x32xf32, #tpu.memory_space<vmem>>, %arg10: memref<4x1x32xf32, #tpu.memory_space<vmem>>, %arg11: memref<4x32x128xf32, #tpu.memory_space<vmem>>, %arg12: memref<1x128xf32, #tpu.memory_space<vmem>>, %arg13: memref<10000x128xf32, #tpu.memory_space<vmem>>) attributes {dimension_semantics = [], scalar_prefetch = 0 : i64, scratch_operands = 0 : i64, tpu.core_type = #tpu.core_type<tc>} {
    %scan3A = arith.constant 0 : i32
    %scan3A_0 = arith.constant 25 : i32
    %scan3A_1 = arith.addi %scan3A, %scan3A_0 : i32
    %scan3A_2 = arith.constant 1 : i32
    scf.for %scan3A_4 = %scan3A to %scan3A_1 step %scan3A_2  : i32 {
      %mul3A = arith.constant 400 : i32
      %mul3A_5 = arith.muli %scan3A_4, %mul3A : i32
      %get3A = arith.index_cast %mul3A_5 : i32 to index
      %get3A_6 = arith.constant 0 : index
      %get3A_7 = vector.load %arg0[%get3A, %get3A_6] : memref<10000x128xf32, #tpu.memory_space<vmem>>, vector<400x128xf32>
      %get3A_8 = arith.index_cast %mul3A_5 : i32 to index
      %get3A_9 = arith.constant 0 : index
      %get3A_10 = vector.load %arg1[%get3A_8, %get3A_9] : memref<10000x1xi32, #tpu.memory_space<vmem>>, vector<400x1xi32>
      %get3A_11 = arith.index_cast %mul3A_5 : i32 to index
      %get3A_12 = arith.constant 0 : index
      %get3A_13 = vector.load %arg2[%get3A_11, %get3A_12] : memref<10000x1xi32, #tpu.memory_space<vmem>>, vector<400x1xi32>
      %get3A_14 = arith.index_cast %scan3A_4 : i32 to index
      %get3A_15 = memref.load %arg3[%get3A_14] : memref<25xi32, #tpu.memory_space<smem>>
      %jit3A = arith.constant 400 : i32
      %div3A = arith.divsi %get3A_15, %jit3A : i32
      %sign3A = arith.constant 0 : i32
      %sign3A_16 = arith.cmpi sgt, %get3A_15, %sign3A : i32
      %sign3A_17 = arith.extui %sign3A_16 : i1 to i32
      %sign3A_18 = arith.constant 0 : i32
      %sign3A_19 = arith.cmpi slt, %get3A_15, %sign3A_18 : i32
      %sign3A_20 = arith.extui %sign3A_19 : i1 to i32
      %sign3A_21 = arith.subi %sign3A_17, %sign3A_20 : i32
      %sign3A_22 = arith.constant 0 : i32
      %sign3A_23 = arith.cmpi sgt, %jit3A, %sign3A_22 : i32
      %sign3A_24 = arith.extui %sign3A_23 : i1 to i32
      %sign3A_25 = arith.constant 0 : i32
      %sign3A_26 = arith.cmpi slt, %jit3A, %sign3A_25 : i32
      %sign3A_27 = arith.extui %sign3A_26 : i1 to i32
      %sign3A_28 = arith.subi %sign3A_24, %sign3A_27 : i32
      %ne3A = arith.cmpi ne, %sign3A_21, %sign3A_28 : i32
      %rem3A = arith.remsi %get3A_15, %jit3A : i32
      %ne3A_29 = arith.constant 0 : i32
      %ne3A_30 = arith.cmpi ne, %rem3A, %ne3A_29 : i32
      %and3A = arith.andi %ne3A, %ne3A_30 : i1
      %sub3A = arith.constant 1 : i32
      %sub3A_31 = arith.subi %div3A, %sub3A : i32
      %select_n3A = arith.select %and3A, %sub3A_31, %div3A : i32
      %get3A_32 = arith.index_cast %scan3A_4 : i32 to index
      %get3A_33 = memref.load %arg4[%get3A_32] : memref<25xi32, #tpu.memory_space<smem>>
      %add3A = arith.constant 400 : i32
      %add3A_34 = arith.addi %get3A_33, %add3A : i32
      %sub3A_35 = arith.constant 1 : i32
      %sub3A_36 = arith.subi %add3A_34, %sub3A_35 : i32
      %jit3A_37 = arith.constant 400 : i32
      %div3A_38 = arith.divsi %sub3A_36, %jit3A_37 : i32
      %sign3A_39 = arith.constant 0 : i32
      %sign3A_40 = arith.cmpi sgt, %sub3A_36, %sign3A_39 : i32
      %sign3A_41 = arith.extui %sign3A_40 : i1 to i32
      %sign3A_42 = arith.constant 0 : i32
      %sign3A_43 = arith.cmpi slt, %sub3A_36, %sign3A_42 : i32
      %sign3A_44 = arith.extui %sign3A_43 : i1 to i32
      %sign3A_45 = arith.subi %sign3A_41, %sign3A_44 : i32
      %sign3A_46 = arith.constant 0 : i32
      %sign3A_47 = arith.cmpi sgt, %jit3A_37, %sign3A_46 : i32
      %sign3A_48 = arith.extui %sign3A_47 : i1 to i32
      %sign3A_49 = arith.constant 0 : i32
      %sign3A_50 = arith.cmpi slt, %jit3A_37, %sign3A_49 : i32
      %sign3A_51 = arith.extui %sign3A_50 : i1 to i32
      %sign3A_52 = arith.subi %sign3A_48, %sign3A_51 : i32
      %ne3A_53 = arith.cmpi ne, %sign3A_45, %sign3A_52 : i32
      %rem3A_54 = arith.remsi %sub3A_36, %jit3A_37 : i32
      %ne3A_55 = arith.constant 0 : i32
      %ne3A_56 = arith.cmpi ne, %rem3A_54, %ne3A_55 : i32
      %and3A_57 = arith.andi %ne3A_53, %ne3A_56 : i1
      %sub3A_58 = arith.constant 1 : i32
      %sub3A_59 = arith.subi %div3A_38, %sub3A_58 : i32
      %select_n3A_60 = arith.select %and3A_57, %sub3A_59, %div3A_38 : i32
      %broadcast_in_dim3A = arith.constant 0.000000e+00 : f32
      %broadcast_in_dim3A_61 = vector.broadcast %broadcast_in_dim3A : f32 to vector<400x128xf32>
      %get3A_62 = arith.constant 0 : index
      %get3A_63 = arith.constant 0 : index
      %get3A_64 = arith.constant 0 : index
      %get3A_65 = vector.load %arg5[%get3A_62, %get3A_63, %get3A_64] : memref<4x128x32xf32, #tpu.memory_space<vmem>>, vector<1x128x32xf32>
      %get3A_66 = vector.shape_cast %get3A_65 : vector<1x128x32xf32> to vector<128x32xf32>
      %dot_general3A = arith.constant dense<0.000000e+00> : vector<400x32xf32>
      %dot_general3A_67 = tpu.matmul %get3A_7, %get3A_66, %dot_general3A {dimension_numbers = #tpu.dot_dimension_numbers<[1], [0], [0], [1], [0, 0, 1, 1], [], []>, transpose_lhs_hint = false} : vector<400x128xf32>, vector<128x32xf32>, vector<400x32xf32> -> vector<400x32xf32>
      %get3A_68 = arith.constant 0 : index
      %get3A_69 = arith.constant 0 : index
      %get3A_70 = arith.constant 0 : index
      %get3A_71 = vector.load %arg8[%get3A_68, %get3A_69, %get3A_70] : memref<4x1x32xf32, #tpu.memory_space<vmem>>, vector<1x1x32xf32>
      %get3A_72 = vector.shape_cast %get3A_71 : vector<1x1x32xf32> to vector<1x32xf32>
      %add3A_73 = vector.broadcast %get3A_72 : vector<1x32xf32> to vector<400x32xf32>
      %add3A_74 = arith.addf %dot_general3A_67, %add3A_73 : vector<400x32xf32>
      %broadcast_in_dim3A_75 = arith.constant -1.000000e+30 : f32
      %broadcast_in_dim3A_76 = vector.broadcast %broadcast_in_dim3A_75 : f32 to vector<400x1xf32>
      %broadcast_in_dim3A_77 = arith.constant 0.000000e+00 : f32
      %broadcast_in_dim3A_78 = vector.broadcast %broadcast_in_dim3A_77 : f32 to vector<400x1xf32>
      %broadcast_in_dim3A_79 = arith.constant 0.000000e+00 : f32
      %broadcast_in_dim3A_80 = vector.broadcast %broadcast_in_dim3A_79 : f32 to vector<400x32xf32>
      %while3A = arith.subi %select_n3A_60, %select_n3A : i32
      %while3A_81 = arith.addi %select_n3A, %while3A : i32
      %while3A_82 = arith.constant 1 : i32
      %while3A_83 = arith.divsi %while3A, %while3A_82 : i32
      %while3A_84 = arith.muli %while3A_83, %while3A_82 : i32
      %while3A_85 = arith.addi %select_n3A, %while3A_84 : i32
      %while3A_86 = arith.constant 1 : i32
      %while3A_87:3 = scf.for %while3A_227 = %select_n3A to %while3A_85 step %while3A_86 iter_args(%while3A_228 = %broadcast_in_dim3A_76, %while3A_229 = %broadcast_in_dim3A_78, %while3A_230 = %broadcast_in_dim3A_80) -> (vector<400x1xf32>, vector<400x1xf32>, vector<400x32xf32>)  : i32 {
        %mul3A_231 = arith.constant 400 : i32
        %mul3A_232 = arith.muli %while3A_227, %mul3A_231 : i32
        %get3A_233 = arith.index_cast %mul3A_232 : i32 to index
        %get3A_234 = arith.constant 0 : index
        %get3A_235 = vector.load %arg0[%get3A_233, %get3A_234] : memref<10000x128xf32, #tpu.memory_space<vmem>>, vector<400x128xf32>
        %get3A_236 = arith.constant 0 : index
        %get3A_237 = arith.constant 0 : index
        %get3A_238 = arith.constant 0 : index
        %get3A_239 = vector.load %arg6[%get3A_236, %get3A_237, %get3A_238] : memref<4x128x32xf32, #tpu.memory_space<vmem>>, vector<1x128x32xf32>
        %get3A_240 = vector.shape_cast %get3A_239 : vector<1x128x32xf32> to vector<128x32xf32>
        %dot_general3A_241 = arith.constant dense<0.000000e+00> : vector<400x32xf32>
        %dot_general3A_242 = tpu.matmul %get3A_235, %get3A_240, %dot_general3A_241 {dimension_numbers = #tpu.dot_dimension_numbers<[1], [0], [0], [1], [0, 0, 1, 1], [], []>, transpose_lhs_hint = false} : vector<400x128xf32>, vector<128x32xf32>, vector<400x32xf32> -> vector<400x32xf32>
        %get3A_243 = arith.constant 0 : index
        %get3A_244 = arith.constant 0 : index
        %get3A_245 = arith.constant 0 : index
        %get3A_246 = vector.load %arg9[%get3A_243, %get3A_244, %get3A_245] : memref<4x1x32xf32, #tpu.memory_space<vmem>>, vector<1x1x32xf32>
        %get3A_247 = vector.shape_cast %get3A_246 : vector<1x1x32xf32> to vector<1x32xf32>
        %add3A_248 = vector.broadcast %get3A_247 : vector<1x32xf32> to vector<400x32xf32>
        %add3A_249 = arith.addf %dot_general3A_242, %add3A_248 : vector<400x32xf32>
        %get3A_250 = arith.constant 0 : index
        %get3A_251 = arith.constant 0 : index
        %get3A_252 = arith.constant 0 : index
        %get3A_253 = vector.load %arg7[%get3A_250, %get3A_251, %get3A_252] : memref<4x128x32xf32, #tpu.memory_space<vmem>>, vector<1x128x32xf32>
        %get3A_254 = vector.shape_cast %get3A_253 : vector<1x128x32xf32> to vector<128x32xf32>
        %dot_general3A_255 = arith.constant dense<0.000000e+00> : vector<400x32xf32>
        %dot_general3A_256 = tpu.matmul %get3A_235, %get3A_254, %dot_general3A_255 {dimension_numbers = #tpu.dot_dimension_numbers<[1], [0], [0], [1], [0, 0, 1, 1], [], []>, transpose_lhs_hint = false} : vector<400x128xf32>, vector<128x32xf32>, vector<400x32xf32> -> vector<400x32xf32>
        %get3A_257 = arith.constant 0 : index
        %get3A_258 = arith.constant 0 : index
        %get3A_259 = arith.constant 0 : index
        %get3A_260 = vector.load %arg10[%get3A_257, %get3A_258, %get3A_259] : memref<4x1x32xf32, #tpu.memory_space<vmem>>, vector<1x1x32xf32>
        %get3A_261 = vector.shape_cast %get3A_260 : vector<1x1x32xf32> to vector<1x32xf32>
        %add3A_262 = vector.broadcast %get3A_261 : vector<1x32xf32> to vector<400x32xf32>
        %add3A_263 = arith.addf %dot_general3A_256, %add3A_262 : vector<400x32xf32>
        %dot_general3A_264 = arith.constant dense<0.000000e+00> : vector<400x400xf32>
        %dot_general3A_265 = tpu.matmul %add3A_74, %add3A_249, %dot_general3A_264 {dimension_numbers = #tpu.dot_dimension_numbers<[1], [1], [0], [0], [0, 0, 1, 0], [], []>, transpose_lhs_hint = false} : vector<400x32xf32>, vector<400x32xf32>, vector<400x400xf32> -> vector<400x400xf32>
        %iota3A = tpu.iota {dimensions = array<i32: 1>} : vector<400x400xi32>
        %add3A_266 = vector.broadcast %mul3A_232 : i32 to vector<400x400xi32>
        %add3A_267 = arith.addi %add3A_266, %iota3A : vector<400x400xi32>
        %ge3A = vector.broadcast %get3A_10 : vector<400x1xi32> to vector<400x400xi32>
        %ge3A_268 = arith.cmpi sge, %add3A_267, %ge3A : vector<400x400xi32>
        %lt3A = vector.broadcast %get3A_13 : vector<400x1xi32> to vector<400x400xi32>
        %lt3A_269 = arith.cmpi slt, %add3A_267, %lt3A : vector<400x400xi32>
        %and3A_270 = arith.andi %ge3A_268, %lt3A_269 : vector<400x400xi1>
        %jit3A_271 = arith.constant -1.000000e+09 : f32
        %broadcast_in_dim3A_272 = vector.broadcast %jit3A_271 : f32 to vector<400x400xf32>
        %select_n3A_273 = arith.select %and3A_270, %dot_general3A_265, %broadcast_in_dim3A_272 : vector<400x400xi1>, vector<400x400xf32>
        %reduce_max3A = arith.constant dense<0xFF800000> : vector<400xf32>
        %reduce_max3A_274 = vector.multi_reduction <maximumf>, %select_n3A_273, %reduce_max3A [1] : vector<400x400xf32> to vector<400xf32>
        %broadcast_in_dim3A_275 = vector.shape_cast %reduce_max3A_274 : vector<400xf32> to vector<400x1xf32>
        %max3A = arith.maximumf %while3A_228, %broadcast_in_dim3A_275 : vector<400x1xf32>
        %sub3A_276 = vector.broadcast %max3A : vector<400x1xf32> to vector<400x400xf32>
        %sub3A_277 = arith.subf %select_n3A_273, %sub3A_276 : vector<400x400xf32>
        %exp3A = math.exp %sub3A_277 : vector<400x400xf32>
        %sub3A_278 = arith.subf %while3A_228, %max3A : vector<400x1xf32>
        %exp3A_279 = math.exp %sub3A_278 : vector<400x1xf32>
        %mul3A_280 = arith.mulf %while3A_229, %exp3A_279 : vector<400x1xf32>
        %reduce_sum3A = arith.constant dense<0.000000e+00> : vector<400xf32>
        %reduce_sum3A_281 = vector.multi_reduction <add>, %exp3A, %reduce_sum3A [1] : vector<400x400xf32> to vector<400xf32>
        %broadcast_in_dim3A_282 = vector.shape_cast %reduce_sum3A_281 : vector<400xf32> to vector<400x1xf32>
        %add3A_283 = arith.addf %mul3A_280, %broadcast_in_dim3A_282 : vector<400x1xf32>
        %mul3A_284 = vector.broadcast %exp3A_279 : vector<400x1xf32> to vector<400x32xf32>
        %mul3A_285 = arith.mulf %while3A_230, %mul3A_284 : vector<400x32xf32>
        %dot_general3A_286 = arith.constant dense<0.000000e+00> : vector<400x32xf32>
        %dot_general3A_287 = tpu.matmul %exp3A, %add3A_263, %dot_general3A_286 {dimension_numbers = #tpu.dot_dimension_numbers<[1], [0], [0], [1], [0, 0, 1, 1], [], []>, transpose_lhs_hint = false} : vector<400x400xf32>, vector<400x32xf32>, vector<400x32xf32> -> vector<400x32xf32>
        %add3A_288 = arith.addf %mul3A_285, %dot_general3A_287 : vector<400x32xf32>
        scf.yield %max3A, %add3A_283, %add3A_288 : vector<400x1xf32>, vector<400x1xf32>, vector<400x32xf32>
      }
      %while3A_88 = arith.constant 1 : i32
      %while3A_89:3 = scf.for %while3A_227 = %while3A_85 to %while3A_81 step %while3A_88 iter_args(%while3A_228 = %while3A_87#0, %while3A_229 = %while3A_87#1, %while3A_230 = %while3A_87#2) -> (vector<400x1xf32>, vector<400x1xf32>, vector<400x32xf32>)  : i32 {
        %mul3A_231 = arith.constant 400 : i32
        %mul3A_232 = arith.muli %while3A_227, %mul3A_231 : i32
        %get3A_233 = arith.index_cast %mul3A_232 : i32 to index
        %get3A_234 = arith.constant 0 : index
        %get3A_235 = vector.load %arg0[%get3A_233, %get3A_234] : memref<10000x128xf32, #tpu.memory_space<vmem>>, vector<400x128xf32>
        %get3A_236 = arith.constant 0 : index
        %get3A_237 = arith.constant 0 : index
        %get3A_238 = arith.constant 0 : index
        %get3A_239 = vector.load %arg6[%get3A_236, %get3A_237, %get3A_238] : memref<4x128x32xf32, #tpu.memory_space<vmem>>, vector<1x128x32xf32>
        %get3A_240 = vector.shape_cast %get3A_239 : vector<1x128x32xf32> to vector<128x32xf32>
        %dot_general3A_241 = arith.constant dense<0.000000e+00> : vector<400x32xf32>
        %dot_general3A_242 = tpu.matmul %get3A_235, %get3A_240, %dot_general3A_241 {dimension_numbers = #tpu.dot_dimension_numbers<[1], [0], [0], [1], [0, 0, 1, 1], [], []>, transpose_lhs_hint = false} : vector<400x128xf32>, vector<128x32xf32>, vector<400x32xf32> -> vector<400x32xf32>
        %get3A_243 = arith.constant 0 : index
        %get3A_244 = arith.constant 0 : index
        %get3A_245 = arith.constant 0 : index
        %get3A_246 = vector.load %arg9[%get3A_243, %get3A_244, %get3A_245] : memref<4x1x32xf32, #tpu.memory_space<vmem>>, vector<1x1x32xf32>
        %get3A_247 = vector.shape_cast %get3A_246 : vector<1x1x32xf32> to vector<1x32xf32>
        %add3A_248 = vector.broadcast %get3A_247 : vector<1x32xf32> to vector<400x32xf32>
        %add3A_249 = arith.addf %dot_general3A_242, %add3A_248 : vector<400x32xf32>
        %get3A_250 = arith.constant 0 : index
        %get3A_251 = arith.constant 0 : index
        %get3A_252 = arith.constant 0 : index
        %get3A_253 = vector.load %arg7[%get3A_250, %get3A_251, %get3A_252] : memref<4x128x32xf32, #tpu.memory_space<vmem>>, vector<1x128x32xf32>
        %get3A_254 = vector.shape_cast %get3A_253 : vector<1x128x32xf32> to vector<128x32xf32>
        %dot_general3A_255 = arith.constant dense<0.000000e+00> : vector<400x32xf32>
        %dot_general3A_256 = tpu.matmul %get3A_235, %get3A_254, %dot_general3A_255 {dimension_numbers = #tpu.dot_dimension_numbers<[1], [0], [0], [1], [0, 0, 1, 1], [], []>, transpose_lhs_hint = false} : vector<400x128xf32>, vector<128x32xf32>, vector<400x32xf32> -> vector<400x32xf32>
        %get3A_257 = arith.constant 0 : index
        %get3A_258 = arith.constant 0 : index
        %get3A_259 = arith.constant 0 : index
        %get3A_260 = vector.load %arg10[%get3A_257, %get3A_258, %get3A_259] : memref<4x1x32xf32, #tpu.memory_space<vmem>>, vector<1x1x32xf32>
        %get3A_261 = vector.shape_cast %get3A_260 : vector<1x1x32xf32> to vector<1x32xf32>
        %add3A_262 = vector.broadcast %get3A_261 : vector<1x32xf32> to vector<400x32xf32>
        %add3A_263 = arith.addf %dot_general3A_256, %add3A_262 : vector<400x32xf32>
        %dot_general3A_264 = arith.constant dense<0.000000e+00> : vector<400x400xf32>
        %dot_general3A_265 = tpu.matmul %add3A_74, %add3A_249, %dot_general3A_264 {dimension_numbers = #tpu.dot_dimension_numbers<[1], [1], [0], [0], [0, 0, 1, 0], [], []>, transpose_lhs_hint = false} : vector<400x32xf32>, vector<400x32xf32>, vector<400x400xf32> -> vector<400x400xf32>
        %iota3A = tpu.iota {dimensions = array<i32: 1>} : vector<400x400xi32>
        %add3A_266 = vector.broadcast %mul3A_232 : i32 to vector<400x400xi32>
        %add3A_267 = arith.addi %add3A_266, %iota3A : vector<400x400xi32>
        %ge3A = vector.broadcast %get3A_10 : vector<400x1xi32> to vector<400x400xi32>
        %ge3A_268 = arith.cmpi sge, %add3A_267, %ge3A : vector<400x400xi32>
        %lt3A = vector.broadcast %get3A_13 : vector<400x1xi32> to vector<400x400xi32>
        %lt3A_269 = arith.cmpi slt, %add3A_267, %lt3A : vector<400x400xi32>
        %and3A_270 = arith.andi %ge3A_268, %lt3A_269 : vector<400x400xi1>
        %jit3A_271 = arith.constant -1.000000e+09 : f32
        %broadcast_in_dim3A_272 = vector.broadcast %jit3A_271 : f32 to vector<400x400xf32>
        %select_n3A_273 = arith.select %and3A_270, %dot_general3A_265, %broadcast_in_dim3A_272 : vector<400x400xi1>, vector<400x400xf32>
        %reduce_max3A = arith.constant dense<0xFF800000> : vector<400xf32>
        %reduce_max3A_274 = vector.multi_reduction <maximumf>, %select_n3A_273, %reduce_max3A [1] : vector<400x400xf32> to vector<400xf32>
        %broadcast_in_dim3A_275 = vector.shape_cast %reduce_max3A_274 : vector<400xf32> to vector<400x1xf32>
        %max3A = arith.maximumf %while3A_228, %broadcast_in_dim3A_275 : vector<400x1xf32>
        %sub3A_276 = vector.broadcast %max3A : vector<400x1xf32> to vector<400x400xf32>
        %sub3A_277 = arith.subf %select_n3A_273, %sub3A_276 : vector<400x400xf32>
        %exp3A = math.exp %sub3A_277 : vector<400x400xf32>
        %sub3A_278 = arith.subf %while3A_228, %max3A : vector<400x1xf32>
        %exp3A_279 = math.exp %sub3A_278 : vector<400x1xf32>
        %mul3A_280 = arith.mulf %while3A_229, %exp3A_279 : vector<400x1xf32>
        %reduce_sum3A = arith.constant dense<0.000000e+00> : vector<400xf32>
        %reduce_sum3A_281 = vector.multi_reduction <add>, %exp3A, %reduce_sum3A [1] : vector<400x400xf32> to vector<400xf32>
        %broadcast_in_dim3A_282 = vector.shape_cast %reduce_sum3A_281 : vector<400xf32> to vector<400x1xf32>
        %add3A_283 = arith.addf %mul3A_280, %broadcast_in_dim3A_282 : vector<400x1xf32>
        %mul3A_284 = vector.broadcast %exp3A_279 : vector<400x1xf32> to vector<400x32xf32>
        %mul3A_285 = arith.mulf %while3A_230, %mul3A_284 : vector<400x32xf32>
        %dot_general3A_286 = arith.constant dense<0.000000e+00> : vector<400x32xf32>
        %dot_general3A_287 = tpu.matmul %exp3A, %add3A_263, %dot_general3A_286 {dimension_numbers = #tpu.dot_dimension_numbers<[1], [0], [0], [1], [0, 0, 1, 1], [], []>, transpose_lhs_hint = false} : vector<400x400xf32>, vector<400x32xf32>, vector<400x32xf32> -> vector<400x32xf32>
        %add3A_288 = arith.addf %mul3A_285, %dot_general3A_287 : vector<400x32xf32>
        scf.yield %max3A, %add3A_283, %add3A_288 : vector<400x1xf32>, vector<400x1xf32>, vector<400x32xf32>
      }
      %div3A_90 = vector.broadcast %while3A_89#1 : vector<400x1xf32> to vector<400x32xf32>
      %div3A_91 = arith.divf %while3A_89#2, %div3A_90 : vector<400x32xf32>
      %get3A_92 = arith.constant 0 : index
      %get3A_93 = arith.constant 0 : index
      %get3A_94 = arith.constant 0 : index
      %get3A_95 = vector.load %arg11[%get3A_92, %get3A_93, %get3A_94] : memref<4x32x128xf32, #tpu.memory_space<vmem>>, vector<1x32x128xf32>
      %get3A_96 = vector.shape_cast %get3A_95 : vector<1x32x128xf32> to vector<32x128xf32>
      %dot_general3A_97 = arith.constant dense<0.000000e+00> : vector<400x128xf32>
      %dot_general3A_98 = tpu.matmul %div3A_91, %get3A_96, %dot_general3A_97 {dimension_numbers = #tpu.dot_dimension_numbers<[1], [0], [0], [1], [0, 0, 1, 1], [], []>, transpose_lhs_hint = false} : vector<400x32xf32>, vector<32x128xf32>, vector<400x128xf32> -> vector<400x128xf32>
      %add3A_99 = arith.addf %broadcast_in_dim3A_61, %dot_general3A_98 : vector<400x128xf32>
      %get3A_100 = arith.constant 1 : index
      %get3A_101 = arith.constant 0 : index
      %get3A_102 = arith.constant 0 : index
      %get3A_103 = vector.load %arg5[%get3A_100, %get3A_101, %get3A_102] : memref<4x128x32xf32, #tpu.memory_space<vmem>>, vector<1x128x32xf32>
      %get3A_104 = vector.shape_cast %get3A_103 : vector<1x128x32xf32> to vector<128x32xf32>
      %dot_general3A_105 = arith.constant dense<0.000000e+00> : vector<400x32xf32>
      %dot_general3A_106 = tpu.matmul %get3A_7, %get3A_104, %dot_general3A_105 {dimension_numbers = #tpu.dot_dimension_numbers<[1], [0], [0], [1], [0, 0, 1, 1], [], []>, transpose_lhs_hint = false} : vector<400x128xf32>, vector<128x32xf32>, vector<400x32xf32> -> vector<400x32xf32>
      %get3A_107 = arith.constant 1 : index
      %get3A_108 = arith.constant 0 : index
      %get3A_109 = arith.constant 0 : index
      %get3A_110 = vector.load %arg8[%get3A_107, %get3A_108, %get3A_109] : memref<4x1x32xf32, #tpu.memory_space<vmem>>, vector<1x1x32xf32>
      %get3A_111 = vector.shape_cast %get3A_110 : vector<1x1x32xf32> to vector<1x32xf32>
      %add3A_112 = vector.broadcast %get3A_111 : vector<1x32xf32> to vector<400x32xf32>
      %add3A_113 = arith.addf %dot_general3A_106, %add3A_112 : vector<400x32xf32>
      %broadcast_in_dim3A_114 = arith.constant -1.000000e+30 : f32
      %broadcast_in_dim3A_115 = vector.broadcast %broadcast_in_dim3A_114 : f32 to vector<400x1xf32>
      %broadcast_in_dim3A_116 = arith.constant 0.000000e+00 : f32
      %broadcast_in_dim3A_117 = vector.broadcast %broadcast_in_dim3A_116 : f32 to vector<400x1xf32>
      %broadcast_in_dim3A_118 = arith.constant 0.000000e+00 : f32
      %broadcast_in_dim3A_119 = vector.broadcast %broadcast_in_dim3A_118 : f32 to vector<400x32xf32>
      %while3A_120 = arith.subi %select_n3A_60, %select_n3A : i32
      %while3A_121 = arith.addi %select_n3A, %while3A_120 : i32
      %while3A_122 = arith.constant 1 : i32
      %while3A_123 = arith.divsi %while3A_120, %while3A_122 : i32
      %while3A_124 = arith.muli %while3A_123, %while3A_122 : i32
      %while3A_125 = arith.addi %select_n3A, %while3A_124 : i32
      %while3A_126 = arith.constant 1 : i32
      %while3A_127:3 = scf.for %while3A_227 = %select_n3A to %while3A_125 step %while3A_126 iter_args(%while3A_228 = %broadcast_in_dim3A_115, %while3A_229 = %broadcast_in_dim3A_117, %while3A_230 = %broadcast_in_dim3A_119) -> (vector<400x1xf32>, vector<400x1xf32>, vector<400x32xf32>)  : i32 {
        %mul3A_231 = arith.constant 400 : i32
        %mul3A_232 = arith.muli %while3A_227, %mul3A_231 : i32
        %get3A_233 = arith.index_cast %mul3A_232 : i32 to index
        %get3A_234 = arith.constant 0 : index
        %get3A_235 = vector.load %arg0[%get3A_233, %get3A_234] : memref<10000x128xf32, #tpu.memory_space<vmem>>, vector<400x128xf32>
        %get3A_236 = arith.constant 1 : index
        %get3A_237 = arith.constant 0 : index
        %get3A_238 = arith.constant 0 : index
        %get3A_239 = vector.load %arg6[%get3A_236, %get3A_237, %get3A_238] : memref<4x128x32xf32, #tpu.memory_space<vmem>>, vector<1x128x32xf32>
        %get3A_240 = vector.shape_cast %get3A_239 : vector<1x128x32xf32> to vector<128x32xf32>
        %dot_general3A_241 = arith.constant dense<0.000000e+00> : vector<400x32xf32>
        %dot_general3A_242 = tpu.matmul %get3A_235, %get3A_240, %dot_general3A_241 {dimension_numbers = #tpu.dot_dimension_numbers<[1], [0], [0], [1], [0, 0, 1, 1], [], []>, transpose_lhs_hint = false} : vector<400x128xf32>, vector<128x32xf32>, vector<400x32xf32> -> vector<400x32xf32>
        %get3A_243 = arith.constant 1 : index
        %get3A_244 = arith.constant 0 : index
        %get3A_245 = arith.constant 0 : index
        %get3A_246 = vector.load %arg9[%get3A_243, %get3A_244, %get3A_245] : memref<4x1x32xf32, #tpu.memory_space<vmem>>, vector<1x1x32xf32>
        %get3A_247 = vector.shape_cast %get3A_246 : vector<1x1x32xf32> to vector<1x32xf32>
        %add3A_248 = vector.broadcast %get3A_247 : vector<1x32xf32> to vector<400x32xf32>
        %add3A_249 = arith.addf %dot_general3A_242, %add3A_248 : vector<400x32xf32>
        %get3A_250 = arith.constant 1 : index
        %get3A_251 = arith.constant 0 : index
        %get3A_252 = arith.constant 0 : index
        %get3A_253 = vector.load %arg7[%get3A_250, %get3A_251, %get3A_252] : memref<4x128x32xf32, #tpu.memory_space<vmem>>, vector<1x128x32xf32>
        %get3A_254 = vector.shape_cast %get3A_253 : vector<1x128x32xf32> to vector<128x32xf32>
        %dot_general3A_255 = arith.constant dense<0.000000e+00> : vector<400x32xf32>
        %dot_general3A_256 = tpu.matmul %get3A_235, %get3A_254, %dot_general3A_255 {dimension_numbers = #tpu.dot_dimension_numbers<[1], [0], [0], [1], [0, 0, 1, 1], [], []>, transpose_lhs_hint = false} : vector<400x128xf32>, vector<128x32xf32>, vector<400x32xf32> -> vector<400x32xf32>
        %get3A_257 = arith.constant 1 : index
        %get3A_258 = arith.constant 0 : index
        %get3A_259 = arith.constant 0 : index
        %get3A_260 = vector.load %arg10[%get3A_257, %get3A_258, %get3A_259] : memref<4x1x32xf32, #tpu.memory_space<vmem>>, vector<1x1x32xf32>
        %get3A_261 = vector.shape_cast %get3A_260 : vector<1x1x32xf32> to vector<1x32xf32>
        %add3A_262 = vector.broadcast %get3A_261 : vector<1x32xf32> to vector<400x32xf32>
        %add3A_263 = arith.addf %dot_general3A_256, %add3A_262 : vector<400x32xf32>
        %dot_general3A_264 = arith.constant dense<0.000000e+00> : vector<400x400xf32>
        %dot_general3A_265 = tpu.matmul %add3A_113, %add3A_249, %dot_general3A_264 {dimension_numbers = #tpu.dot_dimension_numbers<[1], [1], [0], [0], [0, 0, 1, 0], [], []>, transpose_lhs_hint = false} : vector<400x32xf32>, vector<400x32xf32>, vector<400x400xf32> -> vector<400x400xf32>
        %iota3A = tpu.iota {dimensions = array<i32: 1>} : vector<400x400xi32>
        %add3A_266 = vector.broadcast %mul3A_232 : i32 to vector<400x400xi32>
        %add3A_267 = arith.addi %add3A_266, %iota3A : vector<400x400xi32>
        %ge3A = vector.broadcast %get3A_10 : vector<400x1xi32> to vector<400x400xi32>
        %ge3A_268 = arith.cmpi sge, %add3A_267, %ge3A : vector<400x400xi32>
        %lt3A = vector.broadcast %get3A_13 : vector<400x1xi32> to vector<400x400xi32>
        %lt3A_269 = arith.cmpi slt, %add3A_267, %lt3A : vector<400x400xi32>
        %and3A_270 = arith.andi %ge3A_268, %lt3A_269 : vector<400x400xi1>
        %jit3A_271 = arith.constant -1.000000e+09 : f32
        %broadcast_in_dim3A_272 = vector.broadcast %jit3A_271 : f32 to vector<400x400xf32>
        %select_n3A_273 = arith.select %and3A_270, %dot_general3A_265, %broadcast_in_dim3A_272 : vector<400x400xi1>, vector<400x400xf32>
        %reduce_max3A = arith.constant dense<0xFF800000> : vector<400xf32>
        %reduce_max3A_274 = vector.multi_reduction <maximumf>, %select_n3A_273, %reduce_max3A [1] : vector<400x400xf32> to vector<400xf32>
        %broadcast_in_dim3A_275 = vector.shape_cast %reduce_max3A_274 : vector<400xf32> to vector<400x1xf32>
        %max3A = arith.maximumf %while3A_228, %broadcast_in_dim3A_275 : vector<400x1xf32>
        %sub3A_276 = vector.broadcast %max3A : vector<400x1xf32> to vector<400x400xf32>
        %sub3A_277 = arith.subf %select_n3A_273, %sub3A_276 : vector<400x400xf32>
        %exp3A = math.exp %sub3A_277 : vector<400x400xf32>
        %sub3A_278 = arith.subf %while3A_228, %max3A : vector<400x1xf32>
        %exp3A_279 = math.exp %sub3A_278 : vector<400x1xf32>
        %mul3A_280 = arith.mulf %while3A_229, %exp3A_279 : vector<400x1xf32>
        %reduce_sum3A = arith.constant dense<0.000000e+00> : vector<400xf32>
        %reduce_sum3A_281 = vector.multi_reduction <add>, %exp3A, %reduce_sum3A [1] : vector<400x400xf32> to vector<400xf32>
        %broadcast_in_dim3A_282 = vector.shape_cast %reduce_sum3A_281 : vector<400xf32> to vector<400x1xf32>
        %add3A_283 = arith.addf %mul3A_280, %broadcast_in_dim3A_282 : vector<400x1xf32>
        %mul3A_284 = vector.broadcast %exp3A_279 : vector<400x1xf32> to vector<400x32xf32>
        %mul3A_285 = arith.mulf %while3A_230, %mul3A_284 : vector<400x32xf32>
        %dot_general3A_286 = arith.constant dense<0.000000e+00> : vector<400x32xf32>
        %dot_general3A_287 = tpu.matmul %exp3A, %add3A_263, %dot_general3A_286 {dimension_numbers = #tpu.dot_dimension_numbers<[1], [0], [0], [1], [0, 0, 1, 1], [], []>, transpose_lhs_hint = false} : vector<400x400xf32>, vector<400x32xf32>, vector<400x32xf32> -> vector<400x32xf32>
        %add3A_288 = arith.addf %mul3A_285, %dot_general3A_287 : vector<400x32xf32>
        scf.yield %max3A, %add3A_283, %add3A_288 : vector<400x1xf32>, vector<400x1xf32>, vector<400x32xf32>
      }
      %while3A_128 = arith.constant 1 : i32
      %while3A_129:3 = scf.for %while3A_227 = %while3A_125 to %while3A_121 step %while3A_128 iter_args(%while3A_228 = %while3A_127#0, %while3A_229 = %while3A_127#1, %while3A_230 = %while3A_127#2) -> (vector<400x1xf32>, vector<400x1xf32>, vector<400x32xf32>)  : i32 {
        %mul3A_231 = arith.constant 400 : i32
        %mul3A_232 = arith.muli %while3A_227, %mul3A_231 : i32
        %get3A_233 = arith.index_cast %mul3A_232 : i32 to index
        %get3A_234 = arith.constant 0 : index
        %get3A_235 = vector.load %arg0[%get3A_233, %get3A_234] : memref<10000x128xf32, #tpu.memory_space<vmem>>, vector<400x128xf32>
        %get3A_236 = arith.constant 1 : index
        %get3A_237 = arith.constant 0 : index
        %get3A_238 = arith.constant 0 : index
        %get3A_239 = vector.load %arg6[%get3A_236, %get3A_237, %get3A_238] : memref<4x128x32xf32, #tpu.memory_space<vmem>>, vector<1x128x32xf32>
        %get3A_240 = vector.shape_cast %get3A_239 : vector<1x128x32xf32> to vector<128x32xf32>
        %dot_general3A_241 = arith.constant dense<0.000000e+00> : vector<400x32xf32>
        %dot_general3A_242 = tpu.matmul %get3A_235, %get3A_240, %dot_general3A_241 {dimension_numbers = #tpu.dot_dimension_numbers<[1], [0], [0], [1], [0, 0, 1, 1], [], []>, transpose_lhs_hint = false} : vector<400x128xf32>, vector<128x32xf32>, vector<400x32xf32> -> vector<400x32xf32>
        %get3A_243 = arith.constant 1 : index
        %get3A_244 = arith.constant 0 : index
        %get3A_245 = arith.constant 0 : index
        %get3A_246 = vector.load %arg9[%get3A_243, %get3A_244, %get3A_245] : memref<4x1x32xf32, #tpu.memory_space<vmem>>, vector<1x1x32xf32>
        %get3A_247 = vector.shape_cast %get3A_246 : vector<1x1x32xf32> to vector<1x32xf32>
        %add3A_248 = vector.broadcast %get3A_247 : vector<1x32xf32> to vector<400x32xf32>
        %add3A_249 = arith.addf %dot_general3A_242, %add3A_248 : vector<400x32xf32>
        %get3A_250 = arith.constant 1 : index
        %get3A_251 = arith.constant 0 : index
        %get3A_252 = arith.constant 0 : index
        %get3A_253 = vector.load %arg7[%get3A_250, %get3A_251, %get3A_252] : memref<4x128x32xf32, #tpu.memory_space<vmem>>, vector<1x128x32xf32>
        %get3A_254 = vector.shape_cast %get3A_253 : vector<1x128x32xf32> to vector<128x32xf32>
        %dot_general3A_255 = arith.constant dense<0.000000e+00> : vector<400x32xf32>
        %dot_general3A_256 = tpu.matmul %get3A_235, %get3A_254, %dot_general3A_255 {dimension_numbers = #tpu.dot_dimension_numbers<[1], [0], [0], [1], [0, 0, 1, 1], [], []>, transpose_lhs_hint = false} : vector<400x128xf32>, vector<128x32xf32>, vector<400x32xf32> -> vector<400x32xf32>
        %get3A_257 = arith.constant 1 : index
        %get3A_258 = arith.constant 0 : index
        %get3A_259 = arith.constant 0 : index
        %get3A_260 = vector.load %arg10[%get3A_257, %get3A_258, %get3A_259] : memref<4x1x32xf32, #tpu.memory_space<vmem>>, vector<1x1x32xf32>
        %get3A_261 = vector.shape_cast %get3A_260 : vector<1x1x32xf32> to vector<1x32xf32>
        %add3A_262 = vector.broadcast %get3A_261 : vector<1x32xf32> to vector<400x32xf32>
        %add3A_263 = arith.addf %dot_general3A_256, %add3A_262 : vector<400x32xf32>
        %dot_general3A_264 = arith.constant dense<0.000000e+00> : vector<400x400xf32>
        %dot_general3A_265 = tpu.matmul %add3A_113, %add3A_249, %dot_general3A_264 {dimension_numbers = #tpu.dot_dimension_numbers<[1], [1], [0], [0], [0, 0, 1, 0], [], []>, transpose_lhs_hint = false} : vector<400x32xf32>, vector<400x32xf32>, vector<400x400xf32> -> vector<400x400xf32>
        %iota3A = tpu.iota {dimensions = array<i32: 1>} : vector<400x400xi32>
        %add3A_266 = vector.broadcast %mul3A_232 : i32 to vector<400x400xi32>
        %add3A_267 = arith.addi %add3A_266, %iota3A : vector<400x400xi32>
        %ge3A = vector.broadcast %get3A_10 : vector<400x1xi32> to vector<400x400xi32>
        %ge3A_268 = arith.cmpi sge, %add3A_267, %ge3A : vector<400x400xi32>
        %lt3A = vector.broadcast %get3A_13 : vector<400x1xi32> to vector<400x400xi32>
        %lt3A_269 = arith.cmpi slt, %add3A_267, %lt3A : vector<400x400xi32>
        %and3A_270 = arith.andi %ge3A_268, %lt3A_269 : vector<400x400xi1>
        %jit3A_271 = arith.constant -1.000000e+09 : f32
        %broadcast_in_dim3A_272 = vector.broadcast %jit3A_271 : f32 to vector<400x400xf32>
        %select_n3A_273 = arith.select %and3A_270, %dot_general3A_265, %broadcast_in_dim3A_272 : vector<400x400xi1>, vector<400x400xf32>
        %reduce_max3A = arith.constant dense<0xFF800000> : vector<400xf32>
        %reduce_max3A_274 = vector.multi_reduction <maximumf>, %select_n3A_273, %reduce_max3A [1] : vector<400x400xf32> to vector<400xf32>
        %broadcast_in_dim3A_275 = vector.shape_cast %reduce_max3A_274 : vector<400xf32> to vector<400x1xf32>
        %max3A = arith.maximumf %while3A_228, %broadcast_in_dim3A_275 : vector<400x1xf32>
        %sub3A_276 = vector.broadcast %max3A : vector<400x1xf32> to vector<400x400xf32>
        %sub3A_277 = arith.subf %select_n3A_273, %sub3A_276 : vector<400x400xf32>
        %exp3A = math.exp %sub3A_277 : vector<400x400xf32>
        %sub3A_278 = arith.subf %while3A_228, %max3A : vector<400x1xf32>
        %exp3A_279 = math.exp %sub3A_278 : vector<400x1xf32>
        %mul3A_280 = arith.mulf %while3A_229, %exp3A_279 : vector<400x1xf32>
        %reduce_sum3A = arith.constant dense<0.000000e+00> : vector<400xf32>
        %reduce_sum3A_281 = vector.multi_reduction <add>, %exp3A, %reduce_sum3A [1] : vector<400x400xf32> to vector<400xf32>
        %broadcast_in_dim3A_282 = vector.shape_cast %reduce_sum3A_281 : vector<400xf32> to vector<400x1xf32>
        %add3A_283 = arith.addf %mul3A_280, %broadcast_in_dim3A_282 : vector<400x1xf32>
        %mul3A_284 = vector.broadcast %exp3A_279 : vector<400x1xf32> to vector<400x32xf32>
        %mul3A_285 = arith.mulf %while3A_230, %mul3A_284 : vector<400x32xf32>
        %dot_general3A_286 = arith.constant dense<0.000000e+00> : vector<400x32xf32>
        %dot_general3A_287 = tpu.matmul %exp3A, %add3A_263, %dot_general3A_286 {dimension_numbers = #tpu.dot_dimension_numbers<[1], [0], [0], [1], [0, 0, 1, 1], [], []>, transpose_lhs_hint = false} : vector<400x400xf32>, vector<400x32xf32>, vector<400x32xf32> -> vector<400x32xf32>
        %add3A_288 = arith.addf %mul3A_285, %dot_general3A_287 : vector<400x32xf32>
        scf.yield %max3A, %add3A_283, %add3A_288 : vector<400x1xf32>, vector<400x1xf32>, vector<400x32xf32>
      }
      %div3A_130 = vector.broadcast %while3A_129#1 : vector<400x1xf32> to vector<400x32xf32>
      %div3A_131 = arith.divf %while3A_129#2, %div3A_130 : vector<400x32xf32>
      %get3A_132 = arith.constant 1 : index
      %get3A_133 = arith.constant 0 : index
      %get3A_134 = arith.constant 0 : index
      %get3A_135 = vector.load %arg11[%get3A_132, %get3A_133, %get3A_134] : memref<4x32x128xf32, #tpu.memory_space<vmem>>, vector<1x32x128xf32>
      %get3A_136 = vector.shape_cast %get3A_135 : vector<1x32x128xf32> to vector<32x128xf32>
      %dot_general3A_137 = arith.constant dense<0.000000e+00> : vector<400x128xf32>
      %dot_general3A_138 = tpu.matmul %div3A_131, %get3A_136, %dot_general3A_137 {dimension_numbers = #tpu.dot_dimension_numbers<[1], [0], [0], [1], [0, 0, 1, 1], [], []>, transpose_lhs_hint = false} : vector<400x32xf32>, vector<32x128xf32>, vector<400x128xf32> -> vector<400x128xf32>
      %add3A_139 = arith.addf %add3A_99, %dot_general3A_138 : vector<400x128xf32>
      %get3A_140 = arith.constant 2 : index
      %get3A_141 = arith.constant 0 : index
      %get3A_142 = arith.constant 0 : index
      %get3A_143 = vector.load %arg5[%get3A_140, %get3A_141, %get3A_142] : memref<4x128x32xf32, #tpu.memory_space<vmem>>, vector<1x128x32xf32>
      %get3A_144 = vector.shape_cast %get3A_143 : vector<1x128x32xf32> to vector<128x32xf32>
      %dot_general3A_145 = arith.constant dense<0.000000e+00> : vector<400x32xf32>
      %dot_general3A_146 = tpu.matmul %get3A_7, %get3A_144, %dot_general3A_145 {dimension_numbers = #tpu.dot_dimension_numbers<[1], [0], [0], [1], [0, 0, 1, 1], [], []>, transpose_lhs_hint = false} : vector<400x128xf32>, vector<128x32xf32>, vector<400x32xf32> -> vector<400x32xf32>
      %get3A_147 = arith.constant 2 : index
      %get3A_148 = arith.constant 0 : index
      %get3A_149 = arith.constant 0 : index
      %get3A_150 = vector.load %arg8[%get3A_147, %get3A_148, %get3A_149] : memref<4x1x32xf32, #tpu.memory_space<vmem>>, vector<1x1x32xf32>
      %get3A_151 = vector.shape_cast %get3A_150 : vector<1x1x32xf32> to vector<1x32xf32>
      %add3A_152 = vector.broadcast %get3A_151 : vector<1x32xf32> to vector<400x32xf32>
      %add3A_153 = arith.addf %dot_general3A_146, %add3A_152 : vector<400x32xf32>
      %broadcast_in_dim3A_154 = arith.constant -1.000000e+30 : f32
      %broadcast_in_dim3A_155 = vector.broadcast %broadcast_in_dim3A_154 : f32 to vector<400x1xf32>
      %broadcast_in_dim3A_156 = arith.constant 0.000000e+00 : f32
      %broadcast_in_dim3A_157 = vector.broadcast %broadcast_in_dim3A_156 : f32 to vector<400x1xf32>
      %broadcast_in_dim3A_158 = arith.constant 0.000000e+00 : f32
      %broadcast_in_dim3A_159 = vector.broadcast %broadcast_in_dim3A_158 : f32 to vector<400x32xf32>
      %while3A_160 = arith.subi %select_n3A_60, %select_n3A : i32
      %while3A_161 = arith.addi %select_n3A, %while3A_160 : i32
      %while3A_162 = arith.constant 1 : i32
      %while3A_163 = arith.divsi %while3A_160, %while3A_162 : i32
      %while3A_164 = arith.muli %while3A_163, %while3A_162 : i32
      %while3A_165 = arith.addi %select_n3A, %while3A_164 : i32
      %while3A_166 = arith.constant 1 : i32
      %while3A_167:3 = scf.for %while3A_227 = %select_n3A to %while3A_165 step %while3A_166 iter_args(%while3A_228 = %broadcast_in_dim3A_155, %while3A_229 = %broadcast_in_dim3A_157, %while3A_230 = %broadcast_in_dim3A_159) -> (vector<400x1xf32>, vector<400x1xf32>, vector<400x32xf32>)  : i32 {
        %mul3A_231 = arith.constant 400 : i32
        %mul3A_232 = arith.muli %while3A_227, %mul3A_231 : i32
        %get3A_233 = arith.index_cast %mul3A_232 : i32 to index
        %get3A_234 = arith.constant 0 : index
        %get3A_235 = vector.load %arg0[%get3A_233, %get3A_234] : memref<10000x128xf32, #tpu.memory_space<vmem>>, vector<400x128xf32>
        %get3A_236 = arith.constant 2 : index
        %get3A_237 = arith.constant 0 : index
        %get3A_238 = arith.constant 0 : index
        %get3A_239 = vector.load %arg6[%get3A_236, %get3A_237, %get3A_238] : memref<4x128x32xf32, #tpu.memory_space<vmem>>, vector<1x128x32xf32>
        %get3A_240 = vector.shape_cast %get3A_239 : vector<1x128x32xf32> to vector<128x32xf32>
        %dot_general3A_241 = arith.constant dense<0.000000e+00> : vector<400x32xf32>
        %dot_general3A_242 = tpu.matmul %get3A_235, %get3A_240, %dot_general3A_241 {dimension_numbers = #tpu.dot_dimension_numbers<[1], [0], [0], [1], [0, 0, 1, 1], [], []>, transpose_lhs_hint = false} : vector<400x128xf32>, vector<128x32xf32>, vector<400x32xf32> -> vector<400x32xf32>
        %get3A_243 = arith.constant 2 : index
        %get3A_244 = arith.constant 0 : index
        %get3A_245 = arith.constant 0 : index
        %get3A_246 = vector.load %arg9[%get3A_243, %get3A_244, %get3A_245] : memref<4x1x32xf32, #tpu.memory_space<vmem>>, vector<1x1x32xf32>
        %get3A_247 = vector.shape_cast %get3A_246 : vector<1x1x32xf32> to vector<1x32xf32>
        %add3A_248 = vector.broadcast %get3A_247 : vector<1x32xf32> to vector<400x32xf32>
        %add3A_249 = arith.addf %dot_general3A_242, %add3A_248 : vector<400x32xf32>
        %get3A_250 = arith.constant 2 : index
        %get3A_251 = arith.constant 0 : index
        %get3A_252 = arith.constant 0 : index
        %get3A_253 = vector.load %arg7[%get3A_250, %get3A_251, %get3A_252] : memref<4x128x32xf32, #tpu.memory_space<vmem>>, vector<1x128x32xf32>
        %get3A_254 = vector.shape_cast %get3A_253 : vector<1x128x32xf32> to vector<128x32xf32>
        %dot_general3A_255 = arith.constant dense<0.000000e+00> : vector<400x32xf32>
        %dot_general3A_256 = tpu.matmul %get3A_235, %get3A_254, %dot_general3A_255 {dimension_numbers = #tpu.dot_dimension_numbers<[1], [0], [0], [1], [0, 0, 1, 1], [], []>, transpose_lhs_hint = false} : vector<400x128xf32>, vector<128x32xf32>, vector<400x32xf32> -> vector<400x32xf32>
        %get3A_257 = arith.constant 2 : index
        %get3A_258 = arith.constant 0 : index
        %get3A_259 = arith.constant 0 : index
        %get3A_260 = vector.load %arg10[%get3A_257, %get3A_258, %get3A_259] : memref<4x1x32xf32, #tpu.memory_space<vmem>>, vector<1x1x32xf32>
        %get3A_261 = vector.shape_cast %get3A_260 : vector<1x1x32xf32> to vector<1x32xf32>
        %add3A_262 = vector.broadcast %get3A_261 : vector<1x32xf32> to vector<400x32xf32>
        %add3A_263 = arith.addf %dot_general3A_256, %add3A_262 : vector<400x32xf32>
        %dot_general3A_264 = arith.constant dense<0.000000e+00> : vector<400x400xf32>
        %dot_general3A_265 = tpu.matmul %add3A_153, %add3A_249, %dot_general3A_264 {dimension_numbers = #tpu.dot_dimension_numbers<[1], [1], [0], [0], [0, 0, 1, 0], [], []>, transpose_lhs_hint = false} : vector<400x32xf32>, vector<400x32xf32>, vector<400x400xf32> -> vector<400x400xf32>
        %iota3A = tpu.iota {dimensions = array<i32: 1>} : vector<400x400xi32>
        %add3A_266 = vector.broadcast %mul3A_232 : i32 to vector<400x400xi32>
        %add3A_267 = arith.addi %add3A_266, %iota3A : vector<400x400xi32>
        %ge3A = vector.broadcast %get3A_10 : vector<400x1xi32> to vector<400x400xi32>
        %ge3A_268 = arith.cmpi sge, %add3A_267, %ge3A : vector<400x400xi32>
        %lt3A = vector.broadcast %get3A_13 : vector<400x1xi32> to vector<400x400xi32>
        %lt3A_269 = arith.cmpi slt, %add3A_267, %lt3A : vector<400x400xi32>
        %and3A_270 = arith.andi %ge3A_268, %lt3A_269 : vector<400x400xi1>
        %jit3A_271 = arith.constant -1.000000e+09 : f32
        %broadcast_in_dim3A_272 = vector.broadcast %jit3A_271 : f32 to vector<400x400xf32>
        %select_n3A_273 = arith.select %and3A_270, %dot_general3A_265, %broadcast_in_dim3A_272 : vector<400x400xi1>, vector<400x400xf32>
        %reduce_max3A = arith.constant dense<0xFF800000> : vector<400xf32>
        %reduce_max3A_274 = vector.multi_reduction <maximumf>, %select_n3A_273, %reduce_max3A [1] : vector<400x400xf32> to vector<400xf32>
        %broadcast_in_dim3A_275 = vector.shape_cast %reduce_max3A_274 : vector<400xf32> to vector<400x1xf32>
        %max3A = arith.maximumf %while3A_228, %broadcast_in_dim3A_275 : vector<400x1xf32>
        %sub3A_276 = vector.broadcast %max3A : vector<400x1xf32> to vector<400x400xf32>
        %sub3A_277 = arith.subf %select_n3A_273, %sub3A_276 : vector<400x400xf32>
        %exp3A = math.exp %sub3A_277 : vector<400x400xf32>
        %sub3A_278 = arith.subf %while3A_228, %max3A : vector<400x1xf32>
        %exp3A_279 = math.exp %sub3A_278 : vector<400x1xf32>
        %mul3A_280 = arith.mulf %while3A_229, %exp3A_279 : vector<400x1xf32>
        %reduce_sum3A = arith.constant dense<0.000000e+00> : vector<400xf32>
        %reduce_sum3A_281 = vector.multi_reduction <add>, %exp3A, %reduce_sum3A [1] : vector<400x400xf32> to vector<400xf32>
        %broadcast_in_dim3A_282 = vector.shape_cast %reduce_sum3A_281 : vector<400xf32> to vector<400x1xf32>
        %add3A_283 = arith.addf %mul3A_280, %broadcast_in_dim3A_282 : vector<400x1xf32>
        %mul3A_284 = vector.broadcast %exp3A_279 : vector<400x1xf32> to vector<400x32xf32>
        %mul3A_285 = arith.mulf %while3A_230, %mul3A_284 : vector<400x32xf32>
        %dot_general3A_286 = arith.constant dense<0.000000e+00> : vector<400x32xf32>
        %dot_general3A_287 = tpu.matmul %exp3A, %add3A_263, %dot_general3A_286 {dimension_numbers = #tpu.dot_dimension_numbers<[1], [0], [0], [1], [0, 0, 1, 1], [], []>, transpose_lhs_hint = false} : vector<400x400xf32>, vector<400x32xf32>, vector<400x32xf32> -> vector<400x32xf32>
        %add3A_288 = arith.addf %mul3A_285, %dot_general3A_287 : vector<400x32xf32>
        scf.yield %max3A, %add3A_283, %add3A_288 : vector<400x1xf32>, vector<400x1xf32>, vector<400x32xf32>
      }
      %while3A_168 = arith.constant 1 : i32
      %while3A_169:3 = scf.for %while3A_227 = %while3A_165 to %while3A_161 step %while3A_168 iter_args(%while3A_228 = %while3A_167#0, %while3A_229 = %while3A_167#1, %while3A_230 = %while3A_167#2) -> (vector<400x1xf32>, vector<400x1xf32>, vector<400x32xf32>)  : i32 {
        %mul3A_231 = arith.constant 400 : i32
        %mul3A_232 = arith.muli %while3A_227, %mul3A_231 : i32
        %get3A_233 = arith.index_cast %mul3A_232 : i32 to index
        %get3A_234 = arith.constant 0 : index
        %get3A_235 = vector.load %arg0[%get3A_233, %get3A_234] : memref<10000x128xf32, #tpu.memory_space<vmem>>, vector<400x128xf32>
        %get3A_236 = arith.constant 2 : index
        %get3A_237 = arith.constant 0 : index
        %get3A_238 = arith.constant 0 : index
        %get3A_239 = vector.load %arg6[%get3A_236, %get3A_237, %get3A_238] : memref<4x128x32xf32, #tpu.memory_space<vmem>>, vector<1x128x32xf32>
        %get3A_240 = vector.shape_cast %get3A_239 : vector<1x128x32xf32> to vector<128x32xf32>
        %dot_general3A_241 = arith.constant dense<0.000000e+00> : vector<400x32xf32>
        %dot_general3A_242 = tpu.matmul %get3A_235, %get3A_240, %dot_general3A_241 {dimension_numbers = #tpu.dot_dimension_numbers<[1], [0], [0], [1], [0, 0, 1, 1], [], []>, transpose_lhs_hint = false} : vector<400x128xf32>, vector<128x32xf32>, vector<400x32xf32> -> vector<400x32xf32>
        %get3A_243 = arith.constant 2 : index
        %get3A_244 = arith.constant 0 : index
        %get3A_245 = arith.constant 0 : index
        %get3A_246 = vector.load %arg9[%get3A_243, %get3A_244, %get3A_245] : memref<4x1x32xf32, #tpu.memory_space<vmem>>, vector<1x1x32xf32>
        %get3A_247 = vector.shape_cast %get3A_246 : vector<1x1x32xf32> to vector<1x32xf32>
        %add3A_248 = vector.broadcast %get3A_247 : vector<1x32xf32> to vector<400x32xf32>
        %add3A_249 = arith.addf %dot_general3A_242, %add3A_248 : vector<400x32xf32>
        %get3A_250 = arith.constant 2 : index
        %get3A_251 = arith.constant 0 : index
        %get3A_252 = arith.constant 0 : index
        %get3A_253 = vector.load %arg7[%get3A_250, %get3A_251, %get3A_252] : memref<4x128x32xf32, #tpu.memory_space<vmem>>, vector<1x128x32xf32>
        %get3A_254 = vector.shape_cast %get3A_253 : vector<1x128x32xf32> to vector<128x32xf32>
        %dot_general3A_255 = arith.constant dense<0.000000e+00> : vector<400x32xf32>
        %dot_general3A_256 = tpu.matmul %get3A_235, %get3A_254, %dot_general3A_255 {dimension_numbers = #tpu.dot_dimension_numbers<[1], [0], [0], [1], [0, 0, 1, 1], [], []>, transpose_lhs_hint = false} : vector<400x128xf32>, vector<128x32xf32>, vector<400x32xf32> -> vector<400x32xf32>
        %get3A_257 = arith.constant 2 : index
        %get3A_258 = arith.constant 0 : index
        %get3A_259 = arith.constant 0 : index
        %get3A_260 = vector.load %arg10[%get3A_257, %get3A_258, %get3A_259] : memref<4x1x32xf32, #tpu.memory_space<vmem>>, vector<1x1x32xf32>
        %get3A_261 = vector.shape_cast %get3A_260 : vector<1x1x32xf32> to vector<1x32xf32>
        %add3A_262 = vector.broadcast %get3A_261 : vector<1x32xf32> to vector<400x32xf32>
        %add3A_263 = arith.addf %dot_general3A_256, %add3A_262 : vector<400x32xf32>
        %dot_general3A_264 = arith.constant dense<0.000000e+00> : vector<400x400xf32>
        %dot_general3A_265 = tpu.matmul %add3A_153, %add3A_249, %dot_general3A_264 {dimension_numbers = #tpu.dot_dimension_numbers<[1], [1], [0], [0], [0, 0, 1, 0], [], []>, transpose_lhs_hint = false} : vector<400x32xf32>, vector<400x32xf32>, vector<400x400xf32> -> vector<400x400xf32>
        %iota3A = tpu.iota {dimensions = array<i32: 1>} : vector<400x400xi32>
        %add3A_266 = vector.broadcast %mul3A_232 : i32 to vector<400x400xi32>
        %add3A_267 = arith.addi %add3A_266, %iota3A : vector<400x400xi32>
        %ge3A = vector.broadcast %get3A_10 : vector<400x1xi32> to vector<400x400xi32>
        %ge3A_268 = arith.cmpi sge, %add3A_267, %ge3A : vector<400x400xi32>
        %lt3A = vector.broadcast %get3A_13 : vector<400x1xi32> to vector<400x400xi32>
        %lt3A_269 = arith.cmpi slt, %add3A_267, %lt3A : vector<400x400xi32>
        %and3A_270 = arith.andi %ge3A_268, %lt3A_269 : vector<400x400xi1>
        %jit3A_271 = arith.constant -1.000000e+09 : f32
        %broadcast_in_dim3A_272 = vector.broadcast %jit3A_271 : f32 to vector<400x400xf32>
        %select_n3A_273 = arith.select %and3A_270, %dot_general3A_265, %broadcast_in_dim3A_272 : vector<400x400xi1>, vector<400x400xf32>
        %reduce_max3A = arith.constant dense<0xFF800000> : vector<400xf32>
        %reduce_max3A_274 = vector.multi_reduction <maximumf>, %select_n3A_273, %reduce_max3A [1] : vector<400x400xf32> to vector<400xf32>
        %broadcast_in_dim3A_275 = vector.shape_cast %reduce_max3A_274 : vector<400xf32> to vector<400x1xf32>
        %max3A = arith.maximumf %while3A_228, %broadcast_in_dim3A_275 : vector<400x1xf32>
        %sub3A_276 = vector.broadcast %max3A : vector<400x1xf32> to vector<400x400xf32>
        %sub3A_277 = arith.subf %select_n3A_273, %sub3A_276 : vector<400x400xf32>
        %exp3A = math.exp %sub3A_277 : vector<400x400xf32>
        %sub3A_278 = arith.subf %while3A_228, %max3A : vector<400x1xf32>
        %exp3A_279 = math.exp %sub3A_278 : vector<400x1xf32>
        %mul3A_280 = arith.mulf %while3A_229, %exp3A_279 : vector<400x1xf32>
        %reduce_sum3A = arith.constant dense<0.000000e+00> : vector<400xf32>
        %reduce_sum3A_281 = vector.multi_reduction <add>, %exp3A, %reduce_sum3A [1] : vector<400x400xf32> to vector<400xf32>
        %broadcast_in_dim3A_282 = vector.shape_cast %reduce_sum3A_281 : vector<400xf32> to vector<400x1xf32>
        %add3A_283 = arith.addf %mul3A_280, %broadcast_in_dim3A_282 : vector<400x1xf32>
        %mul3A_284 = vector.broadcast %exp3A_279 : vector<400x1xf32> to vector<400x32xf32>
        %mul3A_285 = arith.mulf %while3A_230, %mul3A_284 : vector<400x32xf32>
        %dot_general3A_286 = arith.constant dense<0.000000e+00> : vector<400x32xf32>
        %dot_general3A_287 = tpu.matmul %exp3A, %add3A_263, %dot_general3A_286 {dimension_numbers = #tpu.dot_dimension_numbers<[1], [0], [0], [1], [0, 0, 1, 1], [], []>, transpose_lhs_hint = false} : vector<400x400xf32>, vector<400x32xf32>, vector<400x32xf32> -> vector<400x32xf32>
        %add3A_288 = arith.addf %mul3A_285, %dot_general3A_287 : vector<400x32xf32>
        scf.yield %max3A, %add3A_283, %add3A_288 : vector<400x1xf32>, vector<400x1xf32>, vector<400x32xf32>
      }
      %div3A_170 = vector.broadcast %while3A_169#1 : vector<400x1xf32> to vector<400x32xf32>
      %div3A_171 = arith.divf %while3A_169#2, %div3A_170 : vector<400x32xf32>
      %get3A_172 = arith.constant 2 : index
      %get3A_173 = arith.constant 0 : index
      %get3A_174 = arith.constant 0 : index
      %get3A_175 = vector.load %arg11[%get3A_172, %get3A_173, %get3A_174] : memref<4x32x128xf32, #tpu.memory_space<vmem>>, vector<1x32x128xf32>
      %get3A_176 = vector.shape_cast %get3A_175 : vector<1x32x128xf32> to vector<32x128xf32>
      %dot_general3A_177 = arith.constant dense<0.000000e+00> : vector<400x128xf32>
      %dot_general3A_178 = tpu.matmul %div3A_171, %get3A_176, %dot_general3A_177 {dimension_numbers = #tpu.dot_dimension_numbers<[1], [0], [0], [1], [0, 0, 1, 1], [], []>, transpose_lhs_hint = false} : vector<400x32xf32>, vector<32x128xf32>, vector<400x128xf32> -> vector<400x128xf32>
      %add3A_179 = arith.addf %add3A_139, %dot_general3A_178 : vector<400x128xf32>
      %get3A_180 = arith.constant 3 : index
      %get3A_181 = arith.constant 0 : index
      %get3A_182 = arith.constant 0 : index
      %get3A_183 = vector.load %arg5[%get3A_180, %get3A_181, %get3A_182] : memref<4x128x32xf32, #tpu.memory_space<vmem>>, vector<1x128x32xf32>
      %get3A_184 = vector.shape_cast %get3A_183 : vector<1x128x32xf32> to vector<128x32xf32>
      %dot_general3A_185 = arith.constant dense<0.000000e+00> : vector<400x32xf32>
      %dot_general3A_186 = tpu.matmul %get3A_7, %get3A_184, %dot_general3A_185 {dimension_numbers = #tpu.dot_dimension_numbers<[1], [0], [0], [1], [0, 0, 1, 1], [], []>, transpose_lhs_hint = false} : vector<400x128xf32>, vector<128x32xf32>, vector<400x32xf32> -> vector<400x32xf32>
      %get3A_187 = arith.constant 3 : index
      %get3A_188 = arith.constant 0 : index
      %get3A_189 = arith.constant 0 : index
      %get3A_190 = vector.load %arg8[%get3A_187, %get3A_188, %get3A_189] : memref<4x1x32xf32, #tpu.memory_space<vmem>>, vector<1x1x32xf32>
      %get3A_191 = vector.shape_cast %get3A_190 : vector<1x1x32xf32> to vector<1x32xf32>
      %add3A_192 = vector.broadcast %get3A_191 : vector<1x32xf32> to vector<400x32xf32>
      %add3A_193 = arith.addf %dot_general3A_186, %add3A_192 : vector<400x32xf32>
      %broadcast_in_dim3A_194 = arith.constant -1.000000e+30 : f32
      %broadcast_in_dim3A_195 = vector.broadcast %broadcast_in_dim3A_194 : f32 to vector<400x1xf32>
      %broadcast_in_dim3A_196 = arith.constant 0.000000e+00 : f32
      %broadcast_in_dim3A_197 = vector.broadcast %broadcast_in_dim3A_196 : f32 to vector<400x1xf32>
      %broadcast_in_dim3A_198 = arith.constant 0.000000e+00 : f32
      %broadcast_in_dim3A_199 = vector.broadcast %broadcast_in_dim3A_198 : f32 to vector<400x32xf32>
      %while3A_200 = arith.subi %select_n3A_60, %select_n3A : i32
      %while3A_201 = arith.addi %select_n3A, %while3A_200 : i32
      %while3A_202 = arith.constant 1 : i32
      %while3A_203 = arith.divsi %while3A_200, %while3A_202 : i32
      %while3A_204 = arith.muli %while3A_203, %while3A_202 : i32
      %while3A_205 = arith.addi %select_n3A, %while3A_204 : i32
      %while3A_206 = arith.constant 1 : i32
      %while3A_207:3 = scf.for %while3A_227 = %select_n3A to %while3A_205 step %while3A_206 iter_args(%while3A_228 = %broadcast_in_dim3A_195, %while3A_229 = %broadcast_in_dim3A_197, %while3A_230 = %broadcast_in_dim3A_199) -> (vector<400x1xf32>, vector<400x1xf32>, vector<400x32xf32>)  : i32 {
        %mul3A_231 = arith.constant 400 : i32
        %mul3A_232 = arith.muli %while3A_227, %mul3A_231 : i32
        %get3A_233 = arith.index_cast %mul3A_232 : i32 to index
        %get3A_234 = arith.constant 0 : index
        %get3A_235 = vector.load %arg0[%get3A_233, %get3A_234] : memref<10000x128xf32, #tpu.memory_space<vmem>>, vector<400x128xf32>
        %get3A_236 = arith.constant 3 : index
        %get3A_237 = arith.constant 0 : index
        %get3A_238 = arith.constant 0 : index
        %get3A_239 = vector.load %arg6[%get3A_236, %get3A_237, %get3A_238] : memref<4x128x32xf32, #tpu.memory_space<vmem>>, vector<1x128x32xf32>
        %get3A_240 = vector.shape_cast %get3A_239 : vector<1x128x32xf32> to vector<128x32xf32>
        %dot_general3A_241 = arith.constant dense<0.000000e+00> : vector<400x32xf32>
        %dot_general3A_242 = tpu.matmul %get3A_235, %get3A_240, %dot_general3A_241 {dimension_numbers = #tpu.dot_dimension_numbers<[1], [0], [0], [1], [0, 0, 1, 1], [], []>, transpose_lhs_hint = false} : vector<400x128xf32>, vector<128x32xf32>, vector<400x32xf32> -> vector<400x32xf32>
        %get3A_243 = arith.constant 3 : index
        %get3A_244 = arith.constant 0 : index
        %get3A_245 = arith.constant 0 : index
        %get3A_246 = vector.load %arg9[%get3A_243, %get3A_244, %get3A_245] : memref<4x1x32xf32, #tpu.memory_space<vmem>>, vector<1x1x32xf32>
        %get3A_247 = vector.shape_cast %get3A_246 : vector<1x1x32xf32> to vector<1x32xf32>
        %add3A_248 = vector.broadcast %get3A_247 : vector<1x32xf32> to vector<400x32xf32>
        %add3A_249 = arith.addf %dot_general3A_242, %add3A_248 : vector<400x32xf32>
        %get3A_250 = arith.constant 3 : index
        %get3A_251 = arith.constant 0 : index
        %get3A_252 = arith.constant 0 : index
        %get3A_253 = vector.load %arg7[%get3A_250, %get3A_251, %get3A_252] : memref<4x128x32xf32, #tpu.memory_space<vmem>>, vector<1x128x32xf32>
        %get3A_254 = vector.shape_cast %get3A_253 : vector<1x128x32xf32> to vector<128x32xf32>
        %dot_general3A_255 = arith.constant dense<0.000000e+00> : vector<400x32xf32>
        %dot_general3A_256 = tpu.matmul %get3A_235, %get3A_254, %dot_general3A_255 {dimension_numbers = #tpu.dot_dimension_numbers<[1], [0], [0], [1], [0, 0, 1, 1], [], []>, transpose_lhs_hint = false} : vector<400x128xf32>, vector<128x32xf32>, vector<400x32xf32> -> vector<400x32xf32>
        %get3A_257 = arith.constant 3 : index
        %get3A_258 = arith.constant 0 : index
        %get3A_259 = arith.constant 0 : index
        %get3A_260 = vector.load %arg10[%get3A_257, %get3A_258, %get3A_259] : memref<4x1x32xf32, #tpu.memory_space<vmem>>, vector<1x1x32xf32>
        %get3A_261 = vector.shape_cast %get3A_260 : vector<1x1x32xf32> to vector<1x32xf32>
        %add3A_262 = vector.broadcast %get3A_261 : vector<1x32xf32> to vector<400x32xf32>
        %add3A_263 = arith.addf %dot_general3A_256, %add3A_262 : vector<400x32xf32>
        %dot_general3A_264 = arith.constant dense<0.000000e+00> : vector<400x400xf32>
        %dot_general3A_265 = tpu.matmul %add3A_193, %add3A_249, %dot_general3A_264 {dimension_numbers = #tpu.dot_dimension_numbers<[1], [1], [0], [0], [0, 0, 1, 0], [], []>, transpose_lhs_hint = false} : vector<400x32xf32>, vector<400x32xf32>, vector<400x400xf32> -> vector<400x400xf32>
        %iota3A = tpu.iota {dimensions = array<i32: 1>} : vector<400x400xi32>
        %add3A_266 = vector.broadcast %mul3A_232 : i32 to vector<400x400xi32>
        %add3A_267 = arith.addi %add3A_266, %iota3A : vector<400x400xi32>
        %ge3A = vector.broadcast %get3A_10 : vector<400x1xi32> to vector<400x400xi32>
        %ge3A_268 = arith.cmpi sge, %add3A_267, %ge3A : vector<400x400xi32>
        %lt3A = vector.broadcast %get3A_13 : vector<400x1xi32> to vector<400x400xi32>
        %lt3A_269 = arith.cmpi slt, %add3A_267, %lt3A : vector<400x400xi32>
        %and3A_270 = arith.andi %ge3A_268, %lt3A_269 : vector<400x400xi1>
        %jit3A_271 = arith.constant -1.000000e+09 : f32
        %broadcast_in_dim3A_272 = vector.broadcast %jit3A_271 : f32 to vector<400x400xf32>
        %select_n3A_273 = arith.select %and3A_270, %dot_general3A_265, %broadcast_in_dim3A_272 : vector<400x400xi1>, vector<400x400xf32>
        %reduce_max3A = arith.constant dense<0xFF800000> : vector<400xf32>
        %reduce_max3A_274 = vector.multi_reduction <maximumf>, %select_n3A_273, %reduce_max3A [1] : vector<400x400xf32> to vector<400xf32>
        %broadcast_in_dim3A_275 = vector.shape_cast %reduce_max3A_274 : vector<400xf32> to vector<400x1xf32>
        %max3A = arith.maximumf %while3A_228, %broadcast_in_dim3A_275 : vector<400x1xf32>
        %sub3A_276 = vector.broadcast %max3A : vector<400x1xf32> to vector<400x400xf32>
        %sub3A_277 = arith.subf %select_n3A_273, %sub3A_276 : vector<400x400xf32>
        %exp3A = math.exp %sub3A_277 : vector<400x400xf32>
        %sub3A_278 = arith.subf %while3A_228, %max3A : vector<400x1xf32>
        %exp3A_279 = math.exp %sub3A_278 : vector<400x1xf32>
        %mul3A_280 = arith.mulf %while3A_229, %exp3A_279 : vector<400x1xf32>
        %reduce_sum3A = arith.constant dense<0.000000e+00> : vector<400xf32>
        %reduce_sum3A_281 = vector.multi_reduction <add>, %exp3A, %reduce_sum3A [1] : vector<400x400xf32> to vector<400xf32>
        %broadcast_in_dim3A_282 = vector.shape_cast %reduce_sum3A_281 : vector<400xf32> to vector<400x1xf32>
        %add3A_283 = arith.addf %mul3A_280, %broadcast_in_dim3A_282 : vector<400x1xf32>
        %mul3A_284 = vector.broadcast %exp3A_279 : vector<400x1xf32> to vector<400x32xf32>
        %mul3A_285 = arith.mulf %while3A_230, %mul3A_284 : vector<400x32xf32>
        %dot_general3A_286 = arith.constant dense<0.000000e+00> : vector<400x32xf32>
        %dot_general3A_287 = tpu.matmul %exp3A, %add3A_263, %dot_general3A_286 {dimension_numbers = #tpu.dot_dimension_numbers<[1], [0], [0], [1], [0, 0, 1, 1], [], []>, transpose_lhs_hint = false} : vector<400x400xf32>, vector<400x32xf32>, vector<400x32xf32> -> vector<400x32xf32>
        %add3A_288 = arith.addf %mul3A_285, %dot_general3A_287 : vector<400x32xf32>
        scf.yield %max3A, %add3A_283, %add3A_288 : vector<400x1xf32>, vector<400x1xf32>, vector<400x32xf32>
      }
      %while3A_208 = arith.constant 1 : i32
      %while3A_209:3 = scf.for %while3A_227 = %while3A_205 to %while3A_201 step %while3A_208 iter_args(%while3A_228 = %while3A_207#0, %while3A_229 = %while3A_207#1, %while3A_230 = %while3A_207#2) -> (vector<400x1xf32>, vector<400x1xf32>, vector<400x32xf32>)  : i32 {
        %mul3A_231 = arith.constant 400 : i32
        %mul3A_232 = arith.muli %while3A_227, %mul3A_231 : i32
        %get3A_233 = arith.index_cast %mul3A_232 : i32 to index
        %get3A_234 = arith.constant 0 : index
        %get3A_235 = vector.load %arg0[%get3A_233, %get3A_234] : memref<10000x128xf32, #tpu.memory_space<vmem>>, vector<400x128xf32>
        %get3A_236 = arith.constant 3 : index
        %get3A_237 = arith.constant 0 : index
        %get3A_238 = arith.constant 0 : index
        %get3A_239 = vector.load %arg6[%get3A_236, %get3A_237, %get3A_238] : memref<4x128x32xf32, #tpu.memory_space<vmem>>, vector<1x128x32xf32>
        %get3A_240 = vector.shape_cast %get3A_239 : vector<1x128x32xf32> to vector<128x32xf32>
        %dot_general3A_241 = arith.constant dense<0.000000e+00> : vector<400x32xf32>
        %dot_general3A_242 = tpu.matmul %get3A_235, %get3A_240, %dot_general3A_241 {dimension_numbers = #tpu.dot_dimension_numbers<[1], [0], [0], [1], [0, 0, 1, 1], [], []>, transpose_lhs_hint = false} : vector<400x128xf32>, vector<128x32xf32>, vector<400x32xf32> -> vector<400x32xf32>
        %get3A_243 = arith.constant 3 : index
        %get3A_244 = arith.constant 0 : index
        %get3A_245 = arith.constant 0 : index
        %get3A_246 = vector.load %arg9[%get3A_243, %get3A_244, %get3A_245] : memref<4x1x32xf32, #tpu.memory_space<vmem>>, vector<1x1x32xf32>
        %get3A_247 = vector.shape_cast %get3A_246 : vector<1x1x32xf32> to vector<1x32xf32>
        %add3A_248 = vector.broadcast %get3A_247 : vector<1x32xf32> to vector<400x32xf32>
        %add3A_249 = arith.addf %dot_general3A_242, %add3A_248 : vector<400x32xf32>
        %get3A_250 = arith.constant 3 : index
        %get3A_251 = arith.constant 0 : index
        %get3A_252 = arith.constant 0 : index
        %get3A_253 = vector.load %arg7[%get3A_250, %get3A_251, %get3A_252] : memref<4x128x32xf32, #tpu.memory_space<vmem>>, vector<1x128x32xf32>
        %get3A_254 = vector.shape_cast %get3A_253 : vector<1x128x32xf32> to vector<128x32xf32>
        %dot_general3A_255 = arith.constant dense<0.000000e+00> : vector<400x32xf32>
        %dot_general3A_256 = tpu.matmul %get3A_235, %get3A_254, %dot_general3A_255 {dimension_numbers = #tpu.dot_dimension_numbers<[1], [0], [0], [1], [0, 0, 1, 1], [], []>, transpose_lhs_hint = false} : vector<400x128xf32>, vector<128x32xf32>, vector<400x32xf32> -> vector<400x32xf32>
        %get3A_257 = arith.constant 3 : index
        %get3A_258 = arith.constant 0 : index
        %get3A_259 = arith.constant 0 : index
        %get3A_260 = vector.load %arg10[%get3A_257, %get3A_258, %get3A_259] : memref<4x1x32xf32, #tpu.memory_space<vmem>>, vector<1x1x32xf32>
        %get3A_261 = vector.shape_cast %get3A_260 : vector<1x1x32xf32> to vector<1x32xf32>
        %add3A_262 = vector.broadcast %get3A_261 : vector<1x32xf32> to vector<400x32xf32>
        %add3A_263 = arith.addf %dot_general3A_256, %add3A_262 : vector<400x32xf32>
        %dot_general3A_264 = arith.constant dense<0.000000e+00> : vector<400x400xf32>
        %dot_general3A_265 = tpu.matmul %add3A_193, %add3A_249, %dot_general3A_264 {dimension_numbers = #tpu.dot_dimension_numbers<[1], [1], [0], [0], [0, 0, 1, 0], [], []>, transpose_lhs_hint = false} : vector<400x32xf32>, vector<400x32xf32>, vector<400x400xf32> -> vector<400x400xf32>
        %iota3A = tpu.iota {dimensions = array<i32: 1>} : vector<400x400xi32>
        %add3A_266 = vector.broadcast %mul3A_232 : i32 to vector<400x400xi32>
        %add3A_267 = arith.addi %add3A_266, %iota3A : vector<400x400xi32>
        %ge3A = vector.broadcast %get3A_10 : vector<400x1xi32> to vector<400x400xi32>
        %ge3A_268 = arith.cmpi sge, %add3A_267, %ge3A : vector<400x400xi32>
        %lt3A = vector.broadcast %get3A_13 : vector<400x1xi32> to vector<400x400xi32>
        %lt3A_269 = arith.cmpi slt, %add3A_267, %lt3A : vector<400x400xi32>
        %and3A_270 = arith.andi %ge3A_268, %lt3A_269 : vector<400x400xi1>
        %jit3A_271 = arith.constant -1.000000e+09 : f32
        %broadcast_in_dim3A_272 = vector.broadcast %jit3A_271 : f32 to vector<400x400xf32>
        %select_n3A_273 = arith.select %and3A_270, %dot_general3A_265, %broadcast_in_dim3A_272 : vector<400x400xi1>, vector<400x400xf32>
        %reduce_max3A = arith.constant dense<0xFF800000> : vector<400xf32>
        %reduce_max3A_274 = vector.multi_reduction <maximumf>, %select_n3A_273, %reduce_max3A [1] : vector<400x400xf32> to vector<400xf32>
        %broadcast_in_dim3A_275 = vector.shape_cast %reduce_max3A_274 : vector<400xf32> to vector<400x1xf32>
        %max3A = arith.maximumf %while3A_228, %broadcast_in_dim3A_275 : vector<400x1xf32>
        %sub3A_276 = vector.broadcast %max3A : vector<400x1xf32> to vector<400x400xf32>
        %sub3A_277 = arith.subf %select_n3A_273, %sub3A_276 : vector<400x400xf32>
        %exp3A = math.exp %sub3A_277 : vector<400x400xf32>
        %sub3A_278 = arith.subf %while3A_228, %max3A : vector<400x1xf32>
        %exp3A_279 = math.exp %sub3A_278 : vector<400x1xf32>
        %mul3A_280 = arith.mulf %while3A_229, %exp3A_279 : vector<400x1xf32>
        %reduce_sum3A = arith.constant dense<0.000000e+00> : vector<400xf32>
        %reduce_sum3A_281 = vector.multi_reduction <add>, %exp3A, %reduce_sum3A [1] : vector<400x400xf32> to vector<400xf32>
        %broadcast_in_dim3A_282 = vector.shape_cast %reduce_sum3A_281 : vector<400xf32> to vector<400x1xf32>
        %add3A_283 = arith.addf %mul3A_280, %broadcast_in_dim3A_282 : vector<400x1xf32>
        %mul3A_284 = vector.broadcast %exp3A_279 : vector<400x1xf32> to vector<400x32xf32>
        %mul3A_285 = arith.mulf %while3A_230, %mul3A_284 : vector<400x32xf32>
        %dot_general3A_286 = arith.constant dense<0.000000e+00> : vector<400x32xf32>
        %dot_general3A_287 = tpu.matmul %exp3A, %add3A_263, %dot_general3A_286 {dimension_numbers = #tpu.dot_dimension_numbers<[1], [0], [0], [1], [0, 0, 1, 1], [], []>, transpose_lhs_hint = false} : vector<400x400xf32>, vector<400x32xf32>, vector<400x32xf32> -> vector<400x32xf32>
        %add3A_288 = arith.addf %mul3A_285, %dot_general3A_287 : vector<400x32xf32>
        scf.yield %max3A, %add3A_283, %add3A_288 : vector<400x1xf32>, vector<400x1xf32>, vector<400x32xf32>
      }
      %div3A_210 = vector.broadcast %while3A_209#1 : vector<400x1xf32> to vector<400x32xf32>
      %div3A_211 = arith.divf %while3A_209#2, %div3A_210 : vector<400x32xf32>
      %get3A_212 = arith.constant 3 : index
      %get3A_213 = arith.constant 0 : index
      %get3A_214 = arith.constant 0 : index
      %get3A_215 = vector.load %arg11[%get3A_212, %get3A_213, %get3A_214] : memref<4x32x128xf32, #tpu.memory_space<vmem>>, vector<1x32x128xf32>
      %get3A_216 = vector.shape_cast %get3A_215 : vector<1x32x128xf32> to vector<32x128xf32>
      %dot_general3A_217 = arith.constant dense<0.000000e+00> : vector<400x128xf32>
      %dot_general3A_218 = tpu.matmul %div3A_211, %get3A_216, %dot_general3A_217 {dimension_numbers = #tpu.dot_dimension_numbers<[1], [0], [0], [1], [0, 0, 1, 1], [], []>, transpose_lhs_hint = false} : vector<400x32xf32>, vector<32x128xf32>, vector<400x128xf32> -> vector<400x128xf32>
      %add3A_219 = arith.addf %add3A_179, %dot_general3A_218 : vector<400x128xf32>
      %get3A_220 = arith.constant 0 : index
      %get3A_221 = arith.constant 0 : index
      %get3A_222 = vector.load %arg12[%get3A_220, %get3A_221] : memref<1x128xf32, #tpu.memory_space<vmem>>, vector<1x128xf32>
      %add3A_223 = vector.broadcast %get3A_222 : vector<1x128xf32> to vector<400x128xf32>
      %add3A_224 = arith.addf %add3A_219, %add3A_223 : vector<400x128xf32>
      %swap3A = arith.index_cast %mul3A_5 : i32 to index
      %swap3A_225 = arith.constant 0 : index
      %swap3A_226 = vector.load %arg13[%swap3A, %swap3A_225] : memref<10000x128xf32, #tpu.memory_space<vmem>>, vector<400x128xf32>
      tpu.vector_store %arg13[%swap3A, %swap3A_225], %add3A_224 {strides = array<i32>} : memref<10000x128xf32, #tpu.memory_space<vmem>>, vector<400x128xf32>,
    }
    %scan3A_3 = arith.constant 25 : i32
    return
  }
}

module attributes {stable_mosaic.version = 14 : i64} {
  func.func @_gine_body(%arg0: memref<10000x128xf32, #tpu.memory_space<vmem>>, %arg1: memref<2x10000x128xf32, #tpu.memory_space<vmem>>, %arg2: memref<128x128xf32, #tpu.memory_space<vmem>>, %arg3: memref<1x128xf32, #tpu.memory_space<vmem>>, %arg4: memref<128x128xf32, #tpu.memory_space<vmem>>, %arg5: memref<1x128xf32, #tpu.memory_space<vmem>>, %arg6: memref<1x128xf32, #tpu.memory_space<vmem>>, %arg7: memref<1x128xf32, #tpu.memory_space<vmem>>, %arg8: memref<10000x128xf32, #tpu.memory_space<vmem>>) attributes {dimension_semantics = [], scalar_prefetch = 0 : i64, scratch_operands = 0 : i64, tpu.core_type = #tpu.core_type<tc>} {
    %get3A = arith.constant 0 : index
    %get3A_0 = arith.constant 0 : index
    %get3A_1 = vector.load %arg0[%get3A, %get3A_0] : memref<10000x128xf32, #tpu.memory_space<vmem>>, vector<10000x128xf32>
    %get3A_2 = arith.constant 0 : index
    %get3A_3 = arith.constant 0 : index
    %get3A_4 = arith.constant 0 : index
    %get3A_5 = vector.load %arg1[%get3A_2, %get3A_3, %get3A_4] : memref<2x10000x128xf32, #tpu.memory_space<vmem>>, vector<1x10000x128xf32>
    %get3A_6 = vector.shape_cast %get3A_5 : vector<1x10000x128xf32> to vector<10000x128xf32>
    %add3A = arith.addf %get3A_1, %get3A_6 : vector<10000x128xf32>
    %get3A_7 = arith.constant 1 : index
    %get3A_8 = arith.constant 0 : index
    %get3A_9 = arith.constant 0 : index
    %get3A_10 = vector.load %arg1[%get3A_7, %get3A_8, %get3A_9] : memref<2x10000x128xf32, #tpu.memory_space<vmem>>, vector<1x10000x128xf32>
    %get3A_11 = vector.shape_cast %get3A_10 : vector<1x10000x128xf32> to vector<10000x128xf32>
    %add3A_12 = arith.addf %add3A, %get3A_11 : vector<10000x128xf32>
    %get3A_13 = arith.constant 0 : index
    %get3A_14 = arith.constant 0 : index
    %get3A_15 = vector.load %arg2[%get3A_13, %get3A_14] : memref<128x128xf32, #tpu.memory_space<vmem>>, vector<128x128xf32>
    %dot_general3A = arith.constant dense<0.000000e+00> : vector<10000x128xf32>
    %dot_general3A_16 = tpu.matmul %add3A_12, %get3A_15, %dot_general3A {dimension_numbers = #tpu.dot_dimension_numbers<[1], [0], [0], [1], [0, 0, 1, 1], [], []>, transpose_lhs_hint = false} : vector<10000x128xf32>, vector<128x128xf32>, vector<10000x128xf32> -> vector<10000x128xf32>
    %get3A_17 = arith.constant 0 : index
    %get3A_18 = arith.constant 0 : index
    %get3A_19 = vector.load %arg3[%get3A_17, %get3A_18] : memref<1x128xf32, #tpu.memory_space<vmem>>, vector<1x128xf32>
    %add3A_20 = vector.broadcast %get3A_19 : vector<1x128xf32> to vector<10000x128xf32>
    %add3A_21 = arith.addf %dot_general3A_16, %add3A_20 : vector<10000x128xf32>
    %max3A = arith.constant 0.000000e+00 : f32
    %max3A_22 = vector.broadcast %max3A : f32 to vector<10000x128xf32>
    %max3A_23 = arith.maximumf %add3A_21, %max3A_22 : vector<10000x128xf32>
    %get3A_24 = arith.constant 0 : index
    %get3A_25 = arith.constant 0 : index
    %get3A_26 = vector.load %arg4[%get3A_24, %get3A_25] : memref<128x128xf32, #tpu.memory_space<vmem>>, vector<128x128xf32>
    %dot_general3A_27 = arith.constant dense<0.000000e+00> : vector<10000x128xf32>
    %dot_general3A_28 = tpu.matmul %max3A_23, %get3A_26, %dot_general3A_27 {dimension_numbers = #tpu.dot_dimension_numbers<[1], [0], [0], [1], [0, 0, 1, 1], [], []>, transpose_lhs_hint = false} : vector<10000x128xf32>, vector<128x128xf32>, vector<10000x128xf32> -> vector<10000x128xf32>
    %get3A_29 = arith.constant 0 : index
    %get3A_30 = arith.constant 0 : index
    %get3A_31 = vector.load %arg5[%get3A_29, %get3A_30] : memref<1x128xf32, #tpu.memory_space<vmem>>, vector<1x128xf32>
    %add3A_32 = vector.broadcast %get3A_31 : vector<1x128xf32> to vector<10000x128xf32>
    %add3A_33 = arith.addf %dot_general3A_28, %add3A_32 : vector<10000x128xf32>
    %add3A_34 = arith.addf %add3A_33, %get3A_1 : vector<10000x128xf32>
    %get3A_35 = arith.constant 0 : index
    %get3A_36 = arith.constant 0 : index
    %get3A_37 = vector.load %arg6[%get3A_35, %get3A_36] : memref<1x128xf32, #tpu.memory_space<vmem>>, vector<1x128xf32>
    %get3A_38 = arith.constant 0 : index
    %get3A_39 = arith.constant 0 : index
    %get3A_40 = vector.load %arg7[%get3A_38, %get3A_39] : memref<1x128xf32, #tpu.memory_space<vmem>>, vector<1x128xf32>
    %reduce_sum3A = arith.constant dense<0.000000e+00> : vector<128xf32>
    %reduce_sum3A_41 = vector.multi_reduction <add>, %add3A_34, %reduce_sum3A [0] : vector<10000x128xf32> to vector<128xf32>
    %broadcast_in_dim3A = vector.shape_cast %reduce_sum3A_41 : vector<128xf32> to vector<1x128xf32>
    %mul3A = arith.constant 9.99999974E-5 : f32
    %mul3A_42 = vector.broadcast %mul3A : f32 to vector<1x128xf32>
    %mul3A_43 = arith.mulf %broadcast_in_dim3A, %mul3A_42 : vector<1x128xf32>
    %mul3A_44 = arith.mulf %add3A_34, %add3A_34 : vector<10000x128xf32>
    %reduce_sum3A_45 = arith.constant dense<0.000000e+00> : vector<128xf32>
    %reduce_sum3A_46 = vector.multi_reduction <add>, %mul3A_44, %reduce_sum3A_45 [0] : vector<10000x128xf32> to vector<128xf32>
    %broadcast_in_dim3A_47 = vector.shape_cast %reduce_sum3A_46 : vector<128xf32> to vector<1x128xf32>
    %mul3A_48 = arith.constant 9.99999974E-5 : f32
    %mul3A_49 = vector.broadcast %mul3A_48 : f32 to vector<1x128xf32>
    %mul3A_50 = arith.mulf %broadcast_in_dim3A_47, %mul3A_49 : vector<1x128xf32>
    %mul3A_51 = arith.mulf %mul3A_43, %mul3A_43 : vector<1x128xf32>
    %sub3A = arith.subf %mul3A_50, %mul3A_51 : vector<1x128xf32>
    %sub3A_52 = vector.broadcast %mul3A_43 : vector<1x128xf32> to vector<10000x128xf32>
    %sub3A_53 = arith.subf %add3A_34, %sub3A_52 : vector<10000x128xf32>
    %add3A_54 = arith.constant 9.99999974E-6 : f32
    %add3A_55 = vector.broadcast %add3A_54 : f32 to vector<1x128xf32>
    %add3A_56 = arith.addf %sub3A, %add3A_55 : vector<1x128xf32>
    %rsqrt3A = math.rsqrt %add3A_56 : vector<1x128xf32>
    %mul3A_57 = vector.broadcast %rsqrt3A : vector<1x128xf32> to vector<10000x128xf32>
    %mul3A_58 = arith.mulf %sub3A_53, %mul3A_57 : vector<10000x128xf32>
    %mul3A_59 = vector.broadcast %get3A_37 : vector<1x128xf32> to vector<10000x128xf32>
    %mul3A_60 = arith.mulf %mul3A_58, %mul3A_59 : vector<10000x128xf32>
    %add3A_61 = vector.broadcast %get3A_40 : vector<1x128xf32> to vector<10000x128xf32>
    %add3A_62 = arith.addf %mul3A_60, %add3A_61 : vector<10000x128xf32>
    %swap3A = arith.constant 0 : index
    %swap3A_63 = arith.constant 0 : index
    %swap3A_64 = vector.load %arg8[%swap3A, %swap3A_63] : memref<10000x128xf32, #tpu.memory_space<vmem>>, vector<10000x128xf32>
    tpu.vector_store %arg8[%swap3A, %swap3A_63], %add3A_62 {strides = array<i32>} : memref<10000x128xf32, #tpu.memory_space<vmem>>, vector<10000x128xf32>,
    return
  }
}

module attributes {stable_mosaic.version = 14 : i64} {
  func.func @_combine_body(%arg0: memref<10000x128xf32, #tpu.memory_space<vmem>>, %arg1: memref<10000x128xf32, #tpu.memory_space<vmem>>, %arg2: memref<10000x128xf32, #tpu.memory_space<vmem>>, %arg3: memref<1x128xf32, #tpu.memory_space<vmem>>, %arg4: memref<1x128xf32, #tpu.memory_space<vmem>>, %arg5: memref<128x256xf32, #tpu.memory_space<vmem>>, %arg6: memref<1x256xf32, #tpu.memory_space<vmem>>, %arg7: memref<256x128xf32, #tpu.memory_space<vmem>>, %arg8: memref<1x128xf32, #tpu.memory_space<vmem>>, %arg9: memref<1x128xf32, #tpu.memory_space<vmem>>, %arg10: memref<1x128xf32, #tpu.memory_space<vmem>>, %arg11: memref<10000x128xf32, #tpu.memory_space<vmem>>) attributes {dimension_semantics = [], scalar_prefetch = 0 : i64, scratch_operands = 0 : i64, tpu.core_type = #tpu.core_type<tc>} {
    %get3A = arith.constant 0 : index
    %get3A_0 = arith.constant 0 : index
    %get3A_1 = vector.load %arg2[%get3A, %get3A_0] : memref<10000x128xf32, #tpu.memory_space<vmem>>, vector<10000x128xf32>
    %get3A_2 = arith.constant 0 : index
    %get3A_3 = arith.constant 0 : index
    %get3A_4 = vector.load %arg0[%get3A_2, %get3A_3] : memref<10000x128xf32, #tpu.memory_space<vmem>>, vector<10000x128xf32>
    %add3A = arith.addf %get3A_1, %get3A_4 : vector<10000x128xf32>
    %get3A_5 = arith.constant 0 : index
    %get3A_6 = arith.constant 0 : index
    %get3A_7 = vector.load %arg3[%get3A_5, %get3A_6] : memref<1x128xf32, #tpu.memory_space<vmem>>, vector<1x128xf32>
    %get3A_8 = arith.constant 0 : index
    %get3A_9 = arith.constant 0 : index
    %get3A_10 = vector.load %arg4[%get3A_8, %get3A_9] : memref<1x128xf32, #tpu.memory_space<vmem>>, vector<1x128xf32>
    %reduce_sum3A = arith.constant dense<0.000000e+00> : vector<128xf32>
    %reduce_sum3A_11 = vector.multi_reduction <add>, %add3A, %reduce_sum3A [0] : vector<10000x128xf32> to vector<128xf32>
    %broadcast_in_dim3A = vector.shape_cast %reduce_sum3A_11 : vector<128xf32> to vector<1x128xf32>
    %mul3A = arith.constant 9.99999974E-5 : f32
    %mul3A_12 = vector.broadcast %mul3A : f32 to vector<1x128xf32>
    %mul3A_13 = arith.mulf %broadcast_in_dim3A, %mul3A_12 : vector<1x128xf32>
    %mul3A_14 = arith.mulf %add3A, %add3A : vector<10000x128xf32>
    %reduce_sum3A_15 = arith.constant dense<0.000000e+00> : vector<128xf32>
    %reduce_sum3A_16 = vector.multi_reduction <add>, %mul3A_14, %reduce_sum3A_15 [0] : vector<10000x128xf32> to vector<128xf32>
    %broadcast_in_dim3A_17 = vector.shape_cast %reduce_sum3A_16 : vector<128xf32> to vector<1x128xf32>
    %mul3A_18 = arith.constant 9.99999974E-5 : f32
    %mul3A_19 = vector.broadcast %mul3A_18 : f32 to vector<1x128xf32>
    %mul3A_20 = arith.mulf %broadcast_in_dim3A_17, %mul3A_19 : vector<1x128xf32>
    %mul3A_21 = arith.mulf %mul3A_13, %mul3A_13 : vector<1x128xf32>
    %sub3A = arith.subf %mul3A_20, %mul3A_21 : vector<1x128xf32>
    %sub3A_22 = vector.broadcast %mul3A_13 : vector<1x128xf32> to vector<10000x128xf32>
    %sub3A_23 = arith.subf %add3A, %sub3A_22 : vector<10000x128xf32>
    %add3A_24 = arith.constant 9.99999974E-6 : f32
    %add3A_25 = vector.broadcast %add3A_24 : f32 to vector<1x128xf32>
    %add3A_26 = arith.addf %sub3A, %add3A_25 : vector<1x128xf32>
    %rsqrt3A = math.rsqrt %add3A_26 : vector<1x128xf32>
    %mul3A_27 = vector.broadcast %rsqrt3A : vector<1x128xf32> to vector<10000x128xf32>
    %mul3A_28 = arith.mulf %sub3A_23, %mul3A_27 : vector<10000x128xf32>
    %mul3A_29 = vector.broadcast %get3A_7 : vector<1x128xf32> to vector<10000x128xf32>
    %mul3A_30 = arith.mulf %mul3A_28, %mul3A_29 : vector<10000x128xf32>
    %add3A_31 = vector.broadcast %get3A_10 : vector<1x128xf32> to vector<10000x128xf32>
    %add3A_32 = arith.addf %mul3A_30, %add3A_31 : vector<10000x128xf32>
    %get3A_33 = arith.constant 0 : index
    %get3A_34 = arith.constant 0 : index
    %get3A_35 = vector.load %arg1[%get3A_33, %get3A_34] : memref<10000x128xf32, #tpu.memory_space<vmem>>, vector<10000x128xf32>
    %add3A_36 = arith.addf %get3A_35, %add3A_32 : vector<10000x128xf32>
    %get3A_37 = arith.constant 0 : index
    %get3A_38 = arith.constant 0 : index
    %get3A_39 = vector.load %arg5[%get3A_37, %get3A_38] : memref<128x256xf32, #tpu.memory_space<vmem>>, vector<128x256xf32>
    %dot_general3A = arith.constant dense<0.000000e+00> : vector<10000x256xf32>
    %dot_general3A_40 = tpu.matmul %add3A_36, %get3A_39, %dot_general3A {dimension_numbers = #tpu.dot_dimension_numbers<[1], [0], [0], [1], [0, 0, 1, 1], [], []>, transpose_lhs_hint = false} : vector<10000x128xf32>, vector<128x256xf32>, vector<10000x256xf32> -> vector<10000x256xf32>
    %get3A_41 = arith.constant 0 : index
    %get3A_42 = arith.constant 0 : index
    %get3A_43 = vector.load %arg6[%get3A_41, %get3A_42] : memref<1x256xf32, #tpu.memory_space<vmem>>, vector<1x256xf32>
    %add3A_44 = vector.broadcast %get3A_43 : vector<1x256xf32> to vector<10000x256xf32>
    %add3A_45 = arith.addf %dot_general3A_40, %add3A_44 : vector<10000x256xf32>
    %max3A = arith.constant 0.000000e+00 : f32
    %max3A_46 = vector.broadcast %max3A : f32 to vector<10000x256xf32>
    %max3A_47 = arith.maximumf %add3A_45, %max3A_46 : vector<10000x256xf32>
    %get3A_48 = arith.constant 0 : index
    %get3A_49 = arith.constant 0 : index
    %get3A_50 = vector.load %arg7[%get3A_48, %get3A_49] : memref<256x128xf32, #tpu.memory_space<vmem>>, vector<256x128xf32>
    %dot_general3A_51 = arith.constant dense<0.000000e+00> : vector<10000x128xf32>
    %dot_general3A_52 = tpu.matmul %max3A_47, %get3A_50, %dot_general3A_51 {dimension_numbers = #tpu.dot_dimension_numbers<[1], [0], [0], [1], [0, 0, 1, 1], [], []>, transpose_lhs_hint = false} : vector<10000x256xf32>, vector<256x128xf32>, vector<10000x128xf32> -> vector<10000x128xf32>
    %get3A_53 = arith.constant 0 : index
    %get3A_54 = arith.constant 0 : index
    %get3A_55 = vector.load %arg8[%get3A_53, %get3A_54] : memref<1x128xf32, #tpu.memory_space<vmem>>, vector<1x128xf32>
    %add3A_56 = vector.broadcast %get3A_55 : vector<1x128xf32> to vector<10000x128xf32>
    %add3A_57 = arith.addf %dot_general3A_52, %add3A_56 : vector<10000x128xf32>
    %add3A_58 = arith.addf %add3A_36, %add3A_57 : vector<10000x128xf32>
    %get3A_59 = arith.constant 0 : index
    %get3A_60 = arith.constant 0 : index
    %get3A_61 = vector.load %arg9[%get3A_59, %get3A_60] : memref<1x128xf32, #tpu.memory_space<vmem>>, vector<1x128xf32>
    %get3A_62 = arith.constant 0 : index
    %get3A_63 = arith.constant 0 : index
    %get3A_64 = vector.load %arg10[%get3A_62, %get3A_63] : memref<1x128xf32, #tpu.memory_space<vmem>>, vector<1x128xf32>
    %reduce_sum3A_65 = arith.constant dense<0.000000e+00> : vector<128xf32>
    %reduce_sum3A_66 = vector.multi_reduction <add>, %add3A_58, %reduce_sum3A_65 [0] : vector<10000x128xf32> to vector<128xf32>
    %broadcast_in_dim3A_67 = vector.shape_cast %reduce_sum3A_66 : vector<128xf32> to vector<1x128xf32>
    %mul3A_68 = arith.constant 9.99999974E-5 : f32
    %mul3A_69 = vector.broadcast %mul3A_68 : f32 to vector<1x128xf32>
    %mul3A_70 = arith.mulf %broadcast_in_dim3A_67, %mul3A_69 : vector<1x128xf32>
    %mul3A_71 = arith.mulf %add3A_58, %add3A_58 : vector<10000x128xf32>
    %reduce_sum3A_72 = arith.constant dense<0.000000e+00> : vector<128xf32>
    %reduce_sum3A_73 = vector.multi_reduction <add>, %mul3A_71, %reduce_sum3A_72 [0] : vector<10000x128xf32> to vector<128xf32>
    %broadcast_in_dim3A_74 = vector.shape_cast %reduce_sum3A_73 : vector<128xf32> to vector<1x128xf32>
    %mul3A_75 = arith.constant 9.99999974E-5 : f32
    %mul3A_76 = vector.broadcast %mul3A_75 : f32 to vector<1x128xf32>
    %mul3A_77 = arith.mulf %broadcast_in_dim3A_74, %mul3A_76 : vector<1x128xf32>
    %mul3A_78 = arith.mulf %mul3A_70, %mul3A_70 : vector<1x128xf32>
    %sub3A_79 = arith.subf %mul3A_77, %mul3A_78 : vector<1x128xf32>
    %sub3A_80 = vector.broadcast %mul3A_70 : vector<1x128xf32> to vector<10000x128xf32>
    %sub3A_81 = arith.subf %add3A_58, %sub3A_80 : vector<10000x128xf32>
    %add3A_82 = arith.constant 9.99999974E-6 : f32
    %add3A_83 = vector.broadcast %add3A_82 : f32 to vector<1x128xf32>
    %add3A_84 = arith.addf %sub3A_79, %add3A_83 : vector<1x128xf32>
    %rsqrt3A_85 = math.rsqrt %add3A_84 : vector<1x128xf32>
    %mul3A_86 = vector.broadcast %rsqrt3A_85 : vector<1x128xf32> to vector<10000x128xf32>
    %mul3A_87 = arith.mulf %sub3A_81, %mul3A_86 : vector<10000x128xf32>
    %mul3A_88 = vector.broadcast %get3A_61 : vector<1x128xf32> to vector<10000x128xf32>
    %mul3A_89 = arith.mulf %mul3A_87, %mul3A_88 : vector<10000x128xf32>
    %add3A_90 = vector.broadcast %get3A_64 : vector<1x128xf32> to vector<10000x128xf32>
    %add3A_91 = arith.addf %mul3A_89, %add3A_90 : vector<10000x128xf32>
    %swap3A = arith.constant 0 : index
    %swap3A_92 = arith.constant 0 : index
    %swap3A_93 = vector.load %arg11[%swap3A, %swap3A_92] : memref<10000x128xf32, #tpu.memory_space<vmem>>, vector<10000x128xf32>
    tpu.vector_store %arg11[%swap3A, %swap3A_92], %add3A_91 {strides = array<i32>} : memref<10000x128xf32, #tpu.memory_space<vmem>>, vector<10000x128xf32>,
    return
  }
}

module attributes {stable_mosaic.version = 14 : i64} {
  func.func @_final_body(%arg0: memref<10000x128xf32, #tpu.memory_space<vmem>>, %arg1: memref<1x10000xi32, #tpu.memory_space<vmem>>, %arg2: memref<128x64xf32, #tpu.memory_space<vmem>>, %arg3: memref<1x64xf32, #tpu.memory_space<vmem>>, %arg4: memref<64x32xf32, #tpu.memory_space<vmem>>, %arg5: memref<1x32xf32, #tpu.memory_space<vmem>>, %arg6: memref<32x1xf32, #tpu.memory_space<vmem>>, %arg7: memref<1x1xf32, #tpu.memory_space<vmem>>, %arg8: memref<64x1xf32, #tpu.memory_space<vmem>>) attributes {dimension_semantics = [], scalar_prefetch = 0 : i64, scratch_operands = 0 : i64, tpu.core_type = #tpu.core_type<tc>} {
    %iota3A = tpu.iota {dimensions = array<i32: 0>} : vector<64x1xi32>
    %get3A = arith.constant 0 : index
    %get3A_0 = arith.constant 0 : index
    %get3A_1 = vector.load %arg1[%get3A, %get3A_0] : memref<1x10000xi32, #tpu.memory_space<vmem>>, vector<1x10000xi32>
    %eq3A = vector.broadcast %iota3A : vector<64x1xi32> to vector<64x10000xi32>
    %eq3A_2 = vector.broadcast %get3A_1 : vector<1x10000xi32> to vector<64x10000xi32>
    %eq3A_3 = arith.cmpi eq, %eq3A, %eq3A_2 : vector<64x10000xi32>
    %convert_element_type3A = arith.extui %eq3A_3 : vector<64x10000xi1> to vector<64x10000xi32>
    %convert_element_type3A_4 = arith.sitofp %convert_element_type3A : vector<64x10000xi32> to vector<64x10000xf32>
    %get3A_5 = arith.constant 0 : index
    %get3A_6 = arith.constant 0 : index
    %get3A_7 = vector.load %arg0[%get3A_5, %get3A_6] : memref<10000x128xf32, #tpu.memory_space<vmem>>, vector<10000x128xf32>
    %dot_general3A = arith.constant dense<0.000000e+00> : vector<64x128xf32>
    %dot_general3A_8 = tpu.matmul %convert_element_type3A_4, %get3A_7, %dot_general3A {dimension_numbers = #tpu.dot_dimension_numbers<[1], [0], [0], [1], [0, 0, 1, 1], [], []>, transpose_lhs_hint = false} : vector<64x10000xf32>, vector<10000x128xf32>, vector<64x128xf32> -> vector<64x128xf32>
    %get3A_9 = arith.constant 0 : index
    %get3A_10 = arith.constant 0 : index
    %get3A_11 = vector.load %arg2[%get3A_9, %get3A_10] : memref<128x64xf32, #tpu.memory_space<vmem>>, vector<128x64xf32>
    %dot_general3A_12 = arith.constant dense<0.000000e+00> : vector<64x64xf32>
    %dot_general3A_13 = tpu.matmul %dot_general3A_8, %get3A_11, %dot_general3A_12 {dimension_numbers = #tpu.dot_dimension_numbers<[1], [0], [0], [1], [0, 0, 1, 1], [], []>, transpose_lhs_hint = false} : vector<64x128xf32>, vector<128x64xf32>, vector<64x64xf32> -> vector<64x64xf32>
    %get3A_14 = arith.constant 0 : index
    %get3A_15 = arith.constant 0 : index
    %get3A_16 = vector.load %arg3[%get3A_14, %get3A_15] : memref<1x64xf32, #tpu.memory_space<vmem>>, vector<1x64xf32>
    %add3A = vector.broadcast %get3A_16 : vector<1x64xf32> to vector<64x64xf32>
    %add3A_17 = arith.addf %dot_general3A_13, %add3A : vector<64x64xf32>
    %max3A = arith.constant 0.000000e+00 : f32
    %max3A_18 = vector.broadcast %max3A : f32 to vector<64x64xf32>
    %max3A_19 = arith.maximumf %add3A_17, %max3A_18 : vector<64x64xf32>
    %get3A_20 = arith.constant 0 : index
    %get3A_21 = arith.constant 0 : index
    %get3A_22 = vector.load %arg4[%get3A_20, %get3A_21] : memref<64x32xf32, #tpu.memory_space<vmem>>, vector<64x32xf32>
    %dot_general3A_23 = arith.constant dense<0.000000e+00> : vector<64x32xf32>
    %dot_general3A_24 = tpu.matmul %max3A_19, %get3A_22, %dot_general3A_23 {dimension_numbers = #tpu.dot_dimension_numbers<[1], [0], [0], [1], [0, 0, 1, 1], [], []>, transpose_lhs_hint = false} : vector<64x64xf32>, vector<64x32xf32>, vector<64x32xf32> -> vector<64x32xf32>
    %get3A_25 = arith.constant 0 : index
    %get3A_26 = arith.constant 0 : index
    %get3A_27 = vector.load %arg5[%get3A_25, %get3A_26] : memref<1x32xf32, #tpu.memory_space<vmem>>, vector<1x32xf32>
    %add3A_28 = vector.broadcast %get3A_27 : vector<1x32xf32> to vector<64x32xf32>
    %add3A_29 = arith.addf %dot_general3A_24, %add3A_28 : vector<64x32xf32>
    %max3A_30 = arith.constant 0.000000e+00 : f32
    %max3A_31 = vector.broadcast %max3A_30 : f32 to vector<64x32xf32>
    %max3A_32 = arith.maximumf %add3A_29, %max3A_31 : vector<64x32xf32>
    %get3A_33 = arith.constant 0 : index
    %get3A_34 = arith.constant 0 : index
    %get3A_35 = vector.load %arg6[%get3A_33, %get3A_34] : memref<32x1xf32, #tpu.memory_space<vmem>>, vector<32x1xf32>
    %dot_general3A_36 = arith.constant dense<0.000000e+00> : vector<64x1xf32>
    %dot_general3A_37 = tpu.matmul %max3A_32, %get3A_35, %dot_general3A_36 {dimension_numbers = #tpu.dot_dimension_numbers<[1], [0], [0], [1], [0, 0, 1, 1], [], []>, transpose_lhs_hint = false} : vector<64x32xf32>, vector<32x1xf32>, vector<64x1xf32> -> vector<64x1xf32>
    %get3A_38 = arith.constant 0 : index
    %get3A_39 = arith.constant 0 : index
    %get3A_40 = vector.load %arg7[%get3A_38, %get3A_39] : memref<1x1xf32, #tpu.memory_space<vmem>>, vector<1x1xf32>
    %add3A_41 = vector.broadcast %get3A_40 : vector<1x1xf32> to vector<64x1xf32>
    %add3A_42 = arith.addf %dot_general3A_37, %add3A_41 : vector<64x1xf32>
    %swap3A = arith.constant 0 : index
    %swap3A_43 = arith.constant 0 : index
    %swap3A_44 = vector.load %arg8[%swap3A, %swap3A_43] : memref<64x1xf32, #tpu.memory_space<vmem>>, vector<64x1xf32>
    tpu.vector_store %arg8[%swap3A, %swap3A_43], %add3A_42 {strides = array<i32>} : memref<64x1xf32, #tpu.memory_space<vmem>>, vector<64x1xf32>,
    return
  }
}

</mosaic_0001>

<sc_bundles>
// kernel: kernel.14.cloned.1.call-start
scs
__scs_entry_jumppad:
0x0: {  	(pc) =	sbr.rel $0x88, $3  }
0x1: {  	(tag) =	ssettag $0x0;
	lr =	simm.s32 $0x1  }
0x2: {  	[smem:$0x3F6C] =	sst lr;
	_ =	strace $0xD0000000  }
0x3: {  	_ = 	snop  }
0x4: {  	_ = 	snop  }
0x5: {  	_ = 	snop  }
0x6: {  	_ = 	snop  }
0x7: {  	_ = 	snop  }
__scs_overlays_trampoline_lowered:
0x8: {  	[smem:$0x3F7B] =	sst s0  }
0x9: {  	[smem:$0x3F7C] =	sst s1  }
0xa: {  	[smem:$0x3F7D] =	sst s2  }
0xb: {  	[smem:$0x3F7E] =	sst s3  }
0xc: {  	[smem:$0x3F7F] =	sst s4  }
0xd: {  	[smem:$0x3F80] =	sst s5  }
0xe: {  	[smem:$0x3F81] =	sst s6  }
0xf: {  	[smem:$0x3F82] =	sst s7  }
0x10: {  	[smem:$0x3F83] =	sst s8  }
0x11: {  	[smem:$0x3F84] =	sst s9;
	s0 =	simm.s32 @!p0 $0x0  }
0x12: {  	s1 =	sld [smem:$0x3F6A];
	s0 =	simm.s32 @p0 $0x1  }
0x13: {  	[smem:$0x3F85] =	sst s0;
	s0 =	simm.s32 @!p1 $0x0  }
0x14: {  	s2 =	sld [smem:$0x3F69];
	s0 =	simm.s32 @p1 $0x1  }
0x15: {  	[smem:$0x3F86] =	sst s0;
	s0 =	simm.s32 @!p2 $0x0  }
0x16: {  	s3 =	sld [smem:$0x3FDB];
	s0 =	simm.s32 @p2 $0x1  }
0x17: {  	s4 =	simm.s32 $0x1BF5;
	[smem:$0x3F88] =	sst s0  }
0x18: {  	s0 =	sld [smem:$0x3F6B];
	_ =	swait.ge [sflag:s4], $0x0  }
0x19: {  	s7 =	sld [smem:$0x3F6C]  }
0x1a: {  	s8 =	sadd.s32 $0xFFFFE003, lr  }
0x1b: {  	s9 =	sadd.s32 $0xFFFFFEF7, lr;
	s5 =	simm.s32 $0xFFFFFFFF;
	p2 =	slt.u32 s8, $0xFFFFF086  }
0x1c: {  	p1 =	slt.u32 s9, $0xF7A;
	s5 =	simm.s32 @!p2 $0x0  }
0x1d: {  	s5 =	simm.s32 @p1 $0x1;
	p0 =	seq.s32 s7, s2  }
0x1e: {  	s7 =	smul.u32 @!p0 $0xF7A, s2;
	p2 =	seq.s32 @!p0 s5, $0x0  }
0x1f: {  	s9 =	smul.u32 $0xF7A, s1;
	s8 =	simm.s32 @!p0 $0x1BF5;
	p2 =	por !p2, p0  }
0x20: {  	[sflag:s8] =	ssyncset.s32 @!p0 $0xFFFFF086;
	s6 =	sadd.s32 @!p0 s3, s7;
	s7 =	simm.s32 @!p0 $0x108  }
0x21: {  	s3 =	sadd.s32 s3, s9;
	s6 =	sadd.s32 @!p0 $0x88, s6;
	s7 =	simm.s32 @p2 $0x1082  }
0x22: {  	[simem:s7], [sflag:s8] =	dma.local @!p0 [hbm:s6], $0xF7A  }
0x23: {  	s9 =	sor.u32 $0xD0000000, s2;
	s6 =	simm.s32 $0x108;
	_ =	swait.ge @!p0 [sflag:s8], $0x0  }
0x24: {  	s3 =	sadd.s32 $0x88, s3;
	s6 =	simm.s32 @!p1 $0x1082;
	[sflag:s4] =	ssyncset.s32 $0xFFFFF086  }
0x25: {  	[simem:s6], [sflag:s4] =	dma.local [hbm:s3], $0xF7A  }
0x26: {  	[smem:$0x3F6C] =	sst s1;
	(tag) =	ssettag s2;
	_ =	strace s9  }
0x27: {  	s1 =	sld [smem:$0x3F7C]  }
0x28: {  	s2 =	sld [smem:$0x3F7D]  }
0x29: {  	s4 =	sld [smem:$0x3F7F]  }
0x2a: {  	p0 =	seq.s32 s5, $0x0;
	s5 =	sld [smem:$0x3F80]  }
0x2b: {  	s6 =	sld [smem:$0x3F81]  }
0x2c: {  	s7 =	sld [smem:$0x3F82]  }
0x2d: {  	s3 =	simm.s32 $0x108;
	s8 =	sld [smem:$0x3F83]  }
0x2e: {  	s3 =	simm.s32 @!p0 $0x1082;
	s9 =	sld [smem:$0x3F84]  }
0x2f: {  	lr =	sadd.s32 s0, s3;
	s0 =	sld [smem:$0x3F7B]  }
0x30: {  	s3 =	sld [smem:$0x3F7E]  }
0x31: {  	[smem:$0x3F87] =	sst s10  }
0x32: {  	s10 =	sld [smem:$0x3F85];
	_ =	sdelay $0x3  }
0x33: {  	p0 =	seq.s32 s10, $0x1;
	s10 =	sld [smem:$0x3F87];
	_ =	sdelay $0x3  }
0x34: {  	[smem:$0x3F87] =	sst s10  }
0x35: {  	s10 =	sld [smem:$0x3F86];
	_ =	sdelay $0x3  }
0x36: {  	p1 =	seq.s32 s10, $0x1;
	s10 =	sld [smem:$0x3F87];
	_ =	sdelay $0x3  }
0x37: {  	[smem:$0x3F87] =	sst s10  }
0x38: {  	s10 =	sld [smem:$0x3F88]  }
0x39: {  	_ = 	snop;
	(pc) =	sbr.ind lr, $3  }
0x3a: {  	_ = 	snop  }
0x3b: {  	_ = 	snop  }
0x3c: {  	p2 =	seq.s32 s10, $0x1;
	s10 =	sld [smem:$0x3F87]  }
0x3d: {  	_ =	shalt  }
0x3e: {  	_ =	shalt  }
0x3f: {  	_ =	shalt  }
0x40: {  	_ =	shalt  }
0x41: {  	_ =	shalt  }
0x42: {  	_ =	shalt  }
0x43: {  	_ =	shalt  }
0x44: {  	_ =	shalt  }
0x45: {  	_ =	shalt  }
0x46: {  	_ =	shalt  }
0x47: {  	_ =	shalt  }
0x48: {  	_ =	shalt  }
0x49: {  	_ =	shalt  }
0x4a: {  	_ =	shalt  }
0x4b: {  	_ =	shalt  }
0x4c: {  	_ =	shalt  }
0x4d: {  	_ =	shalt  }
0x4e: {  	_ =	shalt  }
0x4f: {  	_ =	shalt  }
0x50: {  	_ =	shalt  }
0x51: {  	_ =	shalt  }
0x52: {  	_ =	shalt  }
0x53: {  	_ =	shalt  }
0x54: {  	_ =	shalt  }
0x55: {  	_ =	shalt  }
0x56: {  	_ =	shalt  }
0x57: {  	_ =	shalt  }
0x58: {  	_ =	shalt  }
0x59: {  	_ =	shalt  }
0x5a: {  	_ =	shalt  }
0x5b: {  	_ =	shalt  }
0x5c: {  	_ =	shalt  }
0x5d: {  	_ =	shalt  }
0x5e: {  	_ =	shalt  }
0x5f: {  	_ =	shalt  }
0x60: {  	_ =	shalt  }
0x61: {  	_ =	shalt  }
0x62: {  	_ =	shalt  }
0x63: {  	_ =	shalt  }
0x64: {  	_ =	shalt  }
0x65: {  	_ =	shalt  }
0x66: {  	_ =	shalt  }
0x67: {  	_ =	shalt  }
0x68: {  	_ =	shalt  }
0x69: {  	_ =	shalt  }
0x6a: {  	_ =	shalt  }
0x6b: {  	_ =	shalt  }
0x6c: {  	_ =	shalt  }
0x6d: {  	_ =	shalt  }
0x6e: {  	_ =	shalt  }
0x6f: {  	_ =	shalt  }
0x70: {  	_ =	shalt  }
0x71: {  	_ =	shalt  }
0x72: {  	_ =	shalt  }
0x73: {  	_ =	shalt  }
0x74: {  	_ =	shalt  }
0x75: {  	_ =	shalt  }
0x76: {  	_ =	shalt  }
0x77: {  	_ =	shalt  }
0x78: {  	_ =	shalt  }
0x79: {  	_ =	shalt  }
0x7a: {  	_ =	shalt  }
0x7b: {  	_ =	shalt  }
0x7c: {  	_ =	shalt  }
0x7d: {  	_ =	shalt  }
0x7e: {  	_ =	shalt  }
0x7f: {  	_ =	shalt  }
0x80: {  	_ =	shalt  }
0x81: {  	_ =	shalt  }
0x82: {  	_ =	shalt  }
0x83: {  	_ =	shalt  }
0x84: {  	_ =	shalt  }
0x85: {  	_ =	shalt  }
0x86: {  	_ =	shalt  }
0x87: {  	_ =	shalt  }
.Lfunc_end0:
.L_simem_size_0:
called_computation_lowered:
.L_overlay_start_0:
0x88: {  	s2 =	sld [smem:$0x3FD9]  }
0x89: {  	s3 =	sld [smem:$0x3FFE];
	_ =	sdelay $0x1  }
0x8a: {  	s1 =	srdreg.scid  }
0x8b: {  	s0 =	sand.u32 $0x1, s1  }
0x8c: {  	s16 =	sshll.u32 s0, $0xA;
	s2 =	sadd.s32 s3, s2  }
0x8d: {  	s2 =	sadd.s32 s2, s16  }
0x8e: {  	[smem:$0x3F93] =	sst s2  }
0x8f: {  	_ = 	snop  }
0x90: {  	(tm) =	ssettm $0x1  }
0x91: {  	s17 =	sld [smem:$0x3FFB];
	_ =	sdelay $0x3  }
0x92: {  	_ =	strace s17  }
0x93: {  	s2 =	sld [smem:$0x3FFC];
	_ =	sdelay $0x3  }
0x94: {  	_ =	strace s2  }
0x95: {  	s2 =	sld [smem:$0x3FFD];
	_ =	sdelay $0x3  }
0x96: {  	_ =	strace s2  }
0x97: {  	_ =	strace $0x8FFFFFFF  }
0x98: {  	s18 =	sld [smem:$0x3FDB];
	_ =	sdelay $0x1  }
0x99: {  	s19 =	simm.s32 $_scs_section_size  }
0x9a: {  	s4 =	simm.s32 $_size__tile_overlayer_lowered;
	s5 =	simm.s32 $_tile_overlayer_lowered  }
0x9b: {  	s22 =	simm.s32 $0x1BFF;
	s21 =	sshll.u32 s5, $0x1;
	s2 =	sadd.s32 s19, s18  }
0x9c: {  	s6 =	simm.s32 $0x0;
	s20 =	sshll.u32 s4, $0x1;
	s4 =	sadd.s32 s21, s2  }
0x9d: {  	[timem:s6], [sflag:s22] =	dma.local [hbm:s4], s20  }
0x9e: {  	_ =	swait.ge [sflag:s22], s20  }
0x9f: {  	s3 =	ssub.s32 $0x0, s20;
	[sflag:s22] =	ssyncset.done $0x0  }
0xa0: {  	[sflag:s22] =	ssyncadd.s32 s3;
	_ =	sdelay $0x1  }
0xa1: {  	s23 =	simm.s32 $0x1B8B  }
0xa2: {  	_ =	swait.ge [sflag:s23], $0x1  }
0xa3: {  	[sflag:s23] =	ssyncset.done $0x0  }
0xa4: {  	s25 =	simm.s32 $0x1B8E;
	s24 =	sld [smem:$0x3FFE];
	[sflag:s23] =	ssyncadd.s32 $0xFFFFFFFF  }
0xa5: {  	s26 =	simm.s32 $execute0_lowered;
	[smem:$0x3FD2] =	sst s25  }
0xa6: {  	s4 =	sshll.u32 s26, $0x1;
	_ =	strace $0x80000046;
	[dreg:$0x1] =	wrdreg $0xFFFFFFFF  }
0xa7: {  	s28 =	simm.s32 $_size_execute0_lowered;
	s2 =	sadd.s32 s2, s4;
	[dreg:$0x0] =	wrdreg $0x0  }
0xa8: {  	s4 =	sshll.u32 s28, $0x1;
	[dreg:$0x2] =	wrdreg s2  }
0xa9: {  	[dreg:$0x3] =	wrdreg s4  }
0xaa: {  	[dreg:$0x4] =	wrdreg $0xC0  }
0xab: {  	_ =	task [dreg:s6], $0x5FFFF  }
0xac: {  	[dreg:$0x1] =	wrdreg $0xFFFFFFFF  }
0xad: {  	[dreg:$0x0] =	wrdreg $0x60  }
0xae: {  	[dreg:$0x2] =	wrdreg s24  }
0xaf: {  	[dreg:$0x3] =	wrdreg $0x90000  }
0xb0: {  	[dreg:$0x4] =	wrdreg $0x9  }
0xb1: {  	_ =	task.clear_ibuf [dreg:s6], $0x5FFFF;
	_ =	strace $0x90000046  }
0xb2: {  	s29 =	simm.s32 $0x9;
	_ =	strace $0x80000048  }
0xb3: {  	_ =	swait.ge [sflag:s29], $0x1  }
0xb4: {  	[sflag:s29] =	ssyncadd.s32 $0xFFFFFFFF  }
0xb5: {  	_ =	strace $0x90000048  }
0xb6: {  	_ =	sfence  }
0xb7: {  	s30 =	sld [smem:$0x0];
	_ =	sdelay $0x2  }
0xb8: {  	s31 =	sshll.u32 s1, $0xD;
	s1 =	sshrl.u32 s1, $0x2  }
0xb9: {  	s3 =	sand.u32 $0x4000, s31;
	s1 =	sadd.s32 s1, s30  }
0xba: {  	s0 =	sor.u32 s3, s0;
	s1 =	sshll.u32 s1, $0x11  }
0xbb: {  	s0 =	sor.u32 s1, s0  }
0xbc: {  	s0 =	sadd.s32 $0x8F2B, s0  }
0xbd: {  	[sflag:s0] =	ssyncadd.remote.s32 $0x1  }
0xbe: {  	_ =	sfence.sel $0xFFFF  }
0xbf: {  	[dreg:$0x0] =	wrdreg $0xFFFFFFFF;
	(pc) =	sbr.abs _section_cstart, $3  }
0xc0: {  	[dreg:$0x1] =	wrdreg $0xFFFFFFFF  }
0xc1: {  	_ =	task.clear_ibuf [dreg:s6], $0x2FFFF;
	_ =	strace $0x9FFFFFFF  }
0xc2: {  	(tm) =	ssettm $0x7FFFFFFF  }
0xc3: {  	_ =	shalt  }
tec
execute0_lowered:
.L_overlay_start_1:
0x0: {  	(tag) =	ssettag $0x1  }
0x1: {  	s0 =	rddreg [dreg:$0x0]  }
0x2: {  	s1 =	rddreg [dreg:$0x1]  }
0x3: {  	s3 =	simm.s32 $0x0;
	s14 =	stileid.u32;
	s2 =	srdreg.scid  }
0x4: {  	s17 =	simm.s32 $0x5;
	s18 =	simm.s32 $0x800;
	s15 =	simm.s32 $0xC80  }
0x5: {  	s16 =	simm.s32 $0x980;
	s28 =	simm.s32 $0xA80;
	s29 =	simm.s32 $0xE00  }
0x6: {  	s30 =	simm.s32 $0xB00;
	s31 =	simm.s32 $0xE80;
	s6 =	smul.u32 $0x2700, s14  }
0x7: {  	[smem:$0x7FF] =	sst s3;
	s4 =	sadd.s32 $0x8A200, s0;
	s8 =	smul.u32 $0x4E000, s14  }
0x8: {  	s2 =	sand.u32 $0x1, s2;
	s5 =	sadd.s32 $0xC00, s0;
	s19 =	smul.u32 $0x13800, s14  }
0x9: {  	s10 =	sadd.s32 $0x126600, s0;
	s13 =	smul.u32 $0xA000, s14;
	p0 =	seq.s32 s14, $0xF  }
0xa: {  	s7 =	sshll.u32 s14, $0x1;
	_ =	strace $0x80000047;
	s12 =	smul.u32 $0x138800, s2  }
0xb: {  	s7 =	sor.u32 s2, s7;
	s9 =	ssub.s32 $0x2, s2;
	s2 =	smul.u32 $0x5000, s2  }
0xc: {  	s6 =	sadd.s32 s6, s0;
	s7 =	smul.u32 $0x5000, s7;
	s11 =	sshrl.u32 s9, $0x1  }
0xd: {  	s8 =	sshrl.u32 s8, $0x2;
	s0 =	sadd.s32 $0x39500, s0;
	s9 =	ssub.s32 s9, s11  }
0xe: {  	s8 =	sadd.s32 s8, s1;
	s6 =	sadd.s32 $0x14C00, s6;
	[dreg:$0x6] =	wrdreg s0  }
0xf: {  	s21 =	sadd.s32 s19, s12;
	s22 =	sshrl.u32 s12, $0x3;
	s2 =	sadd.s32 s2, s13  }
0x10: {  	s19 =	simm.s32 $0x80;
	s11 =	simm.s32 $0x2;
	s13 =	simm.s32 $0xC00  }
0x11: {  	s7 =	sshrl.u32 s7, $0x3;
	[dreg:$0x4] =	wrdreg s6;
	s6 =	sadd.s32 $0x124800, s1  }
0x12: {  	s0 =	sshrl.u32 s21, $0x3;
	s23 =	sadd.s32 $0x1800, s2;
	s26 =	smax.u32 s9, $0x1  }
0x13: {  	s21 =	simm.s32 $0x5000;
	s9 =	simm.s32 $0x0;
	s7 =	sadd.s32 s5, s7  }
0x14: {  	s0 =	sadd.s32 s10, s0;
	s25 =	sshrl.u32 s23, $0x3;
	[dreg:$0xa] =	wrdreg s26  }
0x15: {  	s23 =	simm.s32 $0xD00;
	s26 =	simm.s32 $0xD80;
	[dreg:$0xf] =	wrdreg s9  }
0x16: {  	[dreg:$0x5] =	wrdreg s7;
	s20 =	sadd.s32 $0x100, s7;
	s7 =	sadd.s32 s10, s22  }
0x17: {  	[dreg:$0x8] =	wrdreg s0;
	s0 =	sadd.s32 s25, s5;
	s10 =	sshrl.u32 @!p0 s8, $0x3  }
0x18: {  	s22 =	simm.s32 $0x3;
	s25 =	simm.s32 $0x4;
	[dreg:$0x7] =	wrdreg s20  }
0x19: {  	s8 =	simm.s32 $0xF80;
	s24 =	sadd.s32 $0x24900, s7;
	[dreg:$0x3] =	wrdreg s0  }
0x1a: {  	s7 =	sadd.s32 $0x1000, s2;
	s0 =	sshll.u32 @!p0 s14, $0x6;
	[dreg:$0xe] =	wrdreg s10  }
0x1b: {  	s2 =	sshrl.u32 @p0 s6, $0x3;
	s20 =	simm.s32 $0x1000;
	[dreg:$0x9] =	wrdreg s24  }
0x1c: {  	s14 =	simm.s32 $0x900;
	s6 =	simm.s32 $0x1;
	[dreg:$0xb] =	wrdreg s7  }
0x1d: {  	[dreg:$0xc] =	wrdreg s2;
	s12 =	sor.u32 @!p0 $0x1C05, s0;
	s24 =	simm.s32 $0xA00  }
0x1e: {  	s0 =	simm.s32 $0xB80;
	s2 =	simm.s32 $0xF00;
	[dreg:$0xd] =	wrdreg s12  }
.LBB2_1:
0x1f: {  	s7 =	rddreg [dreg:$0x6]  }
0x20: {  	s9 =	simm.s32 @p0 $0x1FC5;
	s12 =	rddreg [dreg:$0xc]  }
0x21: {  	[spmem:s12], [sflag:s9] =	dma.local @p0 [hbm:s7], $0x2800  }
0x22: {  	s9 =	simm.s32 @p0 $0x5  }
0x23: {  	_ =	swait.ge @p0 [sflag:s9], $0x2800  }
0x24: {  	[sflag:s9] =	ssyncset.done @p0 $0x0;
	s7 =	rddreg [dreg:$0x4]  }
0x25: {  	[sflag:s9] =	ssyncadd.s32 @p0 $0xFFFFD800;
	s9 =	rddreg [dreg:$0xd]  }
0x26: {  	[spmem:s10], [sflag:s9] =	dma.local @!p0 [hbm:s7], $0x2700  }
0x27: {  	s9 =	simm.s32 @!p0 $0x5  }
0x28: {  	_ =	swait.ge @!p0 [sflag:s9], $0x2700  }
0x29: {  	[sflag:s9] =	ssyncset.done @!p0 $0x0  }
0x2a: {  	s10 =	rddreg [dreg:$0x5];
	[sflag:s9] =	ssyncadd.s32 @!p0 $0xFFFFD900  }
0x2b: {  	[tilespmem:s3], [sflag:$0x5] =	stream.linear.gather [hbm4b:s10+s3], $0x800, $0x38;
	[tilespmem:$0x1C8C0] =	vst v63  }
0x2c: {  	_ =	swait.ge [sflag:s17], $0x800  }
0x2d: {  	[sflag:s17] =	ssyncset.done $0x0  }
0x2e: {  	s12 =	rddreg [dreg:$0x7];
	[sflag:s17] =	ssyncadd.s32 $0xFFFFF800  }
0x2f: {  	[tilespmem:s18], [sflag:$0x2] =	stream.linear.gather [hbm4b:s12+s3], $0x800, $0x38;
	[tilespmem:$0x1C8C0] =	vst v63  }
0x30: {  	[bflag:$0x0] =	sbarrier.arrive $0xFFFF  }
0x31: {  	[tilespmem:s20], [sflag:$0x3] =	stream.indirect.gather [hbm4b:s4+s19], $0x80, s3, s19, $0xb8;
	[tilespmem:$0x1C8C0] =	vst v63  }
0x32: {  	_ = 	snop  }
0x33: {  	[tilespmem:s21], [sflag:$0x4] =	stream.indirect.gather [hbm4b:s4+s19], $0x80, s19, s19, $0xb8;
	[tilespmem:$0x1C8C0] =	vst v63  }
0x34: {  	_ =	swait.ge [sflag:s22], $0x4000  }
0x35: {  	[sflag:s22] =	ssyncset.done $0x0  }
0x36: {  	s9 =	simm.s32 $0x400;
	[sflag:s22] =	ssyncadd.s32 $0xFFFFC000  }
0x37: {  	[spmem:s1] =	stream.indirect.scatter.add.f32 [tilespmem:s20], [sflag:$0x5], $0x80, s9, s19, $0xb8;
	[tilespmem:$0x1C8C0] =	vst v63  }
0x38: {  	_ =	swait.ge [sflag:s17], $0x4000  }
0x39: {  	[sflag:s17] =	ssyncset.done $0x0  }
0x3a: {  	s10 =	simm.s32 $0x100;
	[sflag:s17] =	ssyncadd.s32 $0xFFFFC000  }
0x3b: {  	[tilespmem:s20], [sflag:$0x3] =	stream.indirect.gather [hbm4b:s4+s19], $0x80, s10, s19, $0xb8;
	[tilespmem:$0x1C8C0] =	vst v63  }
0x3c: {  	_ =	swait.ge [sflag:s25], $0x4000  }
0x3d: {  	[sflag:s25] =	ssyncset.done $0x0  }
0x3e: {  	s12 =	simm.s32 $0x480;
	[sflag:s25] =	ssyncadd.s32 $0xFFFFC000  }
0x3f: {  	[spmem:s1] =	stream.indirect.scatter.add.f32 [tilespmem:s21], [sflag:$0x5], $0x80, s12, s19, $0xb8;
	[tilespmem:$0x1C8C0] =	vst v63  }
0x40: {  	_ =	swait.ge [sflag:s17], $0x4000  }
0x41: {  	[sflag:s17] =	ssyncset.done $0x0  }
0x42: {  	s9 =	simm.s32 $0x180;
	[sflag:s17] =	ssyncadd.s32 $0xFFFFC000  }
0x43: {  	[tilespmem:s21], [sflag:$0x4] =	stream.indirect.gather [hbm4b:s4+s19], $0x80, s9, s19, $0xb8;
	[tilespmem:$0x1C8C0] =	vst v63  }
0x44: {  	_ =	swait.ge [sflag:s22], $0x4000  }
0x45: {  	[sflag:s22] =	ssyncset.done $0x0  }
0x46: {  	s10 =	simm.s32 $0x500;
	[sflag:s22] =	ssyncadd.s32 $0xFFFFC000  }
0x47: {  	[spmem:s1] =	stream.indirect.scatter.add.f32 [tilespmem:s20], [sflag:$0x5], $0x80, s10, s19, $0xb8;
	[tilespmem:$0x1C8C0] =	vst v63  }
0x48: {  	_ =	swait.ge [sflag:s17], $0x4000  }
0x49: {  	[sflag:s17] =	ssyncset.done $0x0  }
0x4a: {  	s12 =	simm.s32 $0x200;
	[sflag:s17] =	ssyncadd.s32 $0xFFFFC000  }
0x4b: {  	[tilespmem:s20], [sflag:$0x3] =	stream.indirect.gather [hbm4b:s4+s19], $0x80, s12, s19, $0xb8;
	[tilespmem:$0x1C8C0] =	vst v63  }
0x4c: {  	_ =	swait.ge [sflag:s25], $0x4000  }
0x4d: {  	[sflag:s25] =	ssyncset.done $0x0  }
0x4e: {  	s9 =	simm.s32 $0x580;
	[sflag:s25] =	ssyncadd.s32 $0xFFFFC000  }
0x4f: {  	[spmem:s1] =	stream.indirect.scatter.add.f32 [tilespmem:s21], [sflag:$0x5], $0x80, s9, s19, $0xb8;
	[tilespmem:$0x1C8C0] =	vst v63  }
0x50: {  	_ =	swait.ge [sflag:s17], $0x4000  }
0x51: {  	[sflag:s17] =	ssyncset.done $0x0  }
0x52: {  	s10 =	simm.s32 $0x280;
	[sflag:s17] =	ssyncadd.s32 $0xFFFFC000  }
0x53: {  	[tilespmem:s21], [sflag:$0x4] =	stream.indirect.gather [hbm4b:s4+s19], $0x80, s10, s19, $0xb8;
	[tilespmem:$0x1C8C0] =	vst v63  }
0x54: {  	_ =	swait.ge [sflag:s22], $0x4000  }
0x55: {  	[sflag:s22] =	ssyncset.done $0x0  }
0x56: {  	s12 =	simm.s32 $0x600;
	[sflag:s22] =	ssyncadd.s32 $0xFFFFC000  }
0x57: {  	[spmem:s1] =	stream.indirect.scatter.add.f32 [tilespmem:s20], [sflag:$0x5], $0x80, s12, s19, $0xb8;
	[tilespmem:$0x1C8C0] =	vst v63  }
0x58: {  	_ =	swait.ge [sflag:s17], $0x4000  }
0x59: {  	[sflag:s17] =	ssyncset.done $0x0  }
0x5a: {  	s9 =	simm.s32 $0x300;
	[sflag:s17] =	ssyncadd.s32 $0xFFFFC000  }
0x5b: {  	[tilespmem:s20], [sflag:$0x3] =	stream.indirect.gather [hbm4b:s4+s19], $0x80, s9, s19, $0xb8;
	[tilespmem:$0x1C8C0] =	vst v63  }
0x5c: {  	_ =	swait.ge [sflag:s25], $0x4000  }
0x5d: {  	[sflag:s25] =	ssyncset.done $0x0  }
0x5e: {  	s10 =	simm.s32 $0x680;
	[sflag:s25] =	ssyncadd.s32 $0xFFFFC000  }
0x5f: {  	[spmem:s1] =	stream.indirect.scatter.add.f32 [tilespmem:s21], [sflag:$0x5], $0x80, s10, s19, $0xb8;
	[tilespmem:$0x1C8C0] =	vst v63  }
0x60: {  	_ =	swait.ge [sflag:s17], $0x4000  }
0x61: {  	[sflag:s17] =	ssyncset.done $0x0  }
0x62: {  	s12 =	simm.s32 $0x380;
	[sflag:s17] =	ssyncadd.s32 $0xFFFFC000  }
0x63: {  	[tilespmem:s21], [sflag:$0x4] =	stream.indirect.gather [hbm4b:s4+s19], $0x80, s12, s19, $0xb8;
	[tilespmem:$0x1C8C0] =	vst v63  }
0x64: {  	_ =	swait.ge [sflag:s22], $0x4000  }
0x65: {  	[sflag:s22] =	ssyncset.done $0x0  }
0x66: {  	s9 =	simm.s32 $0x700;
	[sflag:s22] =	ssyncadd.s32 $0xFFFFC000  }
0x67: {  	[spmem:s1] =	stream.indirect.scatter.add.f32 [tilespmem:s20], [sflag:$0x5], $0x80, s9, s19, $0xb8;
	[tilespmem:$0x1C8C0] =	vst v63  }
0x68: {  	_ =	swait.ge [sflag:s17], $0x4000  }
0x69: {  	[sflag:s17] =	ssyncset.done $0x0  }
0x6a: {  	[sflag:s17] =	ssyncadd.s32 $0xFFFFC000  }
0x6b: {  	_ =	swait.ge [sflag:s11], $0x800  }
0x6c: {  	[sflag:s11] =	ssyncset.done $0x0  }
0x6d: {  	[sflag:s11] =	ssyncadd.s32 $0xFFFFF800  }
0x6e: {  	[tilespmem:s20], [sflag:$0x3] =	stream.indirect.gather [hbm4b:s4+s19], $0x80, s18, s19, $0xb8;
	[tilespmem:$0x1C8C0] =	vst v63  }
0x6f: {  	_ =	swait.ge [sflag:s25], $0x4000  }
0x70: {  	[sflag:s25] =	ssyncset.done $0x0  }
0x71: {  	s10 =	simm.s32 $0x780;
	[sflag:s25] =	ssyncadd.s32 $0xFFFFC000  }
0x72: {  	[spmem:s1] =	stream.indirect.scatter.add.f32 [tilespmem:s21], [sflag:$0x5], $0x80, s10, s19, $0xb8;
	[tilespmem:$0x1C8C0] =	vst v63  }
0x73: {  	_ =	swait.ge [sflag:s17], $0x4000  }
0x74: {  	s7 =	rddreg [dreg:$0xb]  }
0x75: {  	[sflag:s17] =	ssyncset.done $0x0;
	s12 =	sshrl.u32 s7, $0x3  }
0x76: {  	[sflag:s17] =	ssyncadd.s32 $0xFFFFC000;
	s9 =	sadd.s32 s5, s12  }
0x77: {  	[tilespmem:s3], [sflag:$0x1] =	stream.linear.gather [hbm4b:s9+s3], $0x800, $0x38;
	[tilespmem:$0x1C8C0] =	vst v63  }
0x78: {  	s10 =	simm.s32 $0x880  }
0x79: {  	[tilespmem:s21], [sflag:$0x4] =	stream.indirect.gather [hbm4b:s4+s19], $0x80, s10, s19, $0xb8;
	[tilespmem:$0x1C8C0] =	vst v63  }
0x7a: {  	_ =	swait.ge [sflag:s22], $0x4000  }
0x7b: {  	[sflag:s22] =	ssyncset.done $0x0  }
0x7c: {  	[sflag:s22] =	ssyncadd.s32 $0xFFFFC000  }
0x7d: {  	[spmem:s1] =	stream.indirect.scatter.add.f32 [tilespmem:s20], [sflag:$0x5], $0x80, s13, s19, $0xb8;
	[tilespmem:$0x1C8C0] =	vst v63  }
0x7e: {  	_ =	swait.ge [sflag:s17], $0x4000  }
0x7f: {  	[sflag:s17] =	ssyncset.done $0x0  }
0x80: {  	[sflag:s17] =	ssyncadd.s32 $0xFFFFC000  }
0x81: {  	[tilespmem:s20], [sflag:$0x3] =	stream.indirect.gather [hbm4b:s4+s19], $0x80, s14, s19, $0xb8;
	[tilespmem:$0x1C8C0] =	vst v63  }
0x82: {  	_ =	swait.ge [sflag:s25], $0x4000  }
0x83: {  	[sflag:s25] =	ssyncset.done $0x0  }
0x84: {  	[sflag:s25] =	ssyncadd.s32 $0xFFFFC000  }
0x85: {  	[spmem:s1] =	stream.indirect.scatter.add.f32 [tilespmem:s21], [sflag:$0x5], $0x80, s15, s19, $0xb8;
	[tilespmem:$0x1C8C0] =	vst v63  }
0x86: {  	_ =	swait.ge [sflag:s17], $0x4000  }
0x87: {  	[sflag:s17] =	ssyncset.done $0x0  }
0x88: {  	[sflag:s17] =	ssyncadd.s32 $0xFFFFC000  }
0x89: {  	[tilespmem:s21], [sflag:$0x4] =	stream.indirect.gather [hbm4b:s4+s19], $0x80, s16, s19, $0xb8;
	[tilespmem:$0x1C8C0] =	vst v63  }
0x8a: {  	_ =	swait.ge [sflag:s22], $0x4000  }
0x8b: {  	[sflag:s22] =	ssyncset.done $0x0  }
0x8c: {  	[sflag:s22] =	ssyncadd.s32 $0xFFFFC000  }
0x8d: {  	[spmem:s1] =	stream.indirect.scatter.add.f32 [tilespmem:s20], [sflag:$0x5], $0x80, s23, s19, $0xb8;
	[tilespmem:$0x1C8C0] =	vst v63  }
0x8e: {  	_ =	swait.ge [sflag:s17], $0x4000  }
0x8f: {  	[sflag:s17] =	ssyncset.done $0x0  }
0x90: {  	[sflag:s17] =	ssyncadd.s32 $0xFFFFC000  }
0x91: {  	[tilespmem:s20], [sflag:$0x3] =	stream.indirect.gather [hbm4b:s4+s19], $0x80, s24, s19, $0xb8;
	[tilespmem:$0x1C8C0] =	vst v63  }
0x92: {  	_ =	swait.ge [sflag:s25], $0x4000  }
0x93: {  	[sflag:s25] =	ssyncset.done $0x0  }
0x94: {  	[sflag:s25] =	ssyncadd.s32 $0xFFFFC000  }
0x95: {  	[spmem:s1] =	stream.indirect.scatter.add.f32 [tilespmem:s21], [sflag:$0x5], $0x80, s26, s19, $0xb8;
	[tilespmem:$0x1C8C0] =	vst v63  }
0x96: {  	_ =	swait.ge [sflag:s17], $0x4000  }
0x97: {  	[sflag:s17] =	ssyncset.done $0x0  }
0x98: {  	[sflag:s17] =	ssyncadd.s32 $0xFFFFC000  }
0x99: {  	[tilespmem:s21], [sflag:$0x4] =	stream.indirect.gather [hbm4b:s4+s19], $0x80, s28, s19, $0xb8;
	[tilespmem:$0x1C8C0] =	vst v63  }
0x9a: {  	_ =	swait.ge [sflag:s22], $0x4000  }
0x9b: {  	[sflag:s22] =	ssyncset.done $0x0  }
0x9c: {  	[sflag:s22] =	ssyncadd.s32 $0xFFFFC000  }
0x9d: {  	[spmem:s1] =	stream.indirect.scatter.add.f32 [tilespmem:s20], [sflag:$0x5], $0x80, s29, s19, $0xb8;
	[tilespmem:$0x1C8C0] =	vst v63  }
0x9e: {  	_ =	swait.ge [sflag:s17], $0x4000  }
0x9f: {  	[sflag:s17] =	ssyncset.done $0x0  }
0xa0: {  	[sflag:s17] =	ssyncadd.s32 $0xFFFFC000  }
0xa1: {  	[tilespmem:s20], [sflag:$0x3] =	stream.indirect.gather [hbm4b:s4+s19], $0x80, s30, s19, $0xb8;
	[tilespmem:$0x1C8C0] =	vst v63  }
0xa2: {  	_ =	swait.ge [sflag:s25], $0x4000  }
0xa3: {  	[sflag:s25] =	ssyncset.done $0x0  }
0xa4: {  	[sflag:s25] =	ssyncadd.s32 $0xFFFFC000  }
0xa5: {  	[spmem:s1] =	stream.indirect.scatter.add.f32 [tilespmem:s21], [sflag:$0x5], $0x80, s31, s19, $0xb8;
	[tilespmem:$0x1C8C0] =	vst v63  }
0xa6: {  	_ =	swait.ge [sflag:s17], $0x4000  }
0xa7: {  	[sflag:s17] =	ssyncset.done $0x0  }
0xa8: {  	[sflag:s17] =	ssyncadd.s32 $0xFFFFC000  }
0xa9: {  	[tilespmem:s21], [sflag:$0x4] =	stream.indirect.gather [hbm4b:s4+s19], $0x80, s0, s19, $0xb8;
	[tilespmem:$0x1C8C0] =	vst v63  }
0xaa: {  	_ =	swait.ge [sflag:s22], $0x4000  }
0xab: {  	[sflag:s22] =	ssyncset.done $0x0  }
0xac: {  	[sflag:s22] =	ssyncadd.s32 $0xFFFFC000  }
0xad: {  	[spmem:s1] =	stream.indirect.scatter.add.f32 [tilespmem:s20], [sflag:$0x5], $0x80, s2, s19, $0xb8;
	[tilespmem:$0x1C8C0] =	vst v63  }
0xae: {  	_ =	swait.ge [sflag:s17], $0x4000  }
0xaf: {  	[sflag:s17] =	ssyncset.done $0x0  }
0xb0: {  	[sflag:s17] =	ssyncadd.s32 $0xFFFFC000  }
0xb1: {  	_ =	swait.ge [sflag:s6], $0x800  }
0xb2: {  	[sflag:s6] =	ssyncset.done $0x0  }
0xb3: {  	[sflag:s6] =	ssyncadd.s32 $0xFFFFF800  }
0xb4: {  	[tilespmem:s20], [sflag:$0x3] =	stream.indirect.gather [hbm4b:s4+s19], $0x80, s3, s19, $0xb8;
	[tilespmem:$0x1C8C0] =	vst v63  }
0xb5: {  	_ =	swait.ge [sflag:s25], $0x4000  }
0xb6: {  	[sflag:s25] =	ssyncset.done $0x0  }
0xb7: {  	[sflag:s25] =	ssyncadd.s32 $0xFFFFC000  }
0xb8: {  	[spmem:s1] =	stream.indirect.scatter.add.f32 [tilespmem:s21], [sflag:$0x5], $0x80, s8, s19, $0xb8;
	[tilespmem:$0x1C8C0] =	vst v63  }
0xb9: {  	_ =	swait.ge [sflag:s17], $0x4000  }
0xba: {  	s9 =	simm.s32 $0x200;
	s12 =	rddreg [dreg:$0x3];
	[sflag:s17] =	ssyncset.done $0x0  }
0xbb: {  	s10 =	sadd.s32 $0x1000, s7;
	[sflag:s17] =	ssyncadd.s32 $0xFFFFC000;
	s12 =	sadd.s32 $0x0, s12  }
.LBB2_2:
0xbc: {  	[tilespmem:s18], [sflag:$0x2] =	stream.linear.gather [hbm4b:s12+s3], $0x800, $0x38;
	[tilespmem:$0x1C8C0] =	vst v63  }
0xbd: {  	_ = 	snop  }
0xbe: {  	[tilespmem:s21], [sflag:$0x4] =	stream.indirect.gather [hbm4b:s4+s19], $0x80, s19, s19, $0xb8;
	[tilespmem:$0x1C8C0] =	vst v63  }
0xbf: {  	_ =	swait.ge [sflag:s22], $0x4000  }
0xc0: {  	[sflag:s22] =	ssyncset.done $0x0  }
0xc1: {  	s7 =	simm.s32 $0x400;
	[sflag:s22] =	ssyncadd.s32 $0xFFFFC000  }
0xc2: {  	[spmem:s1] =	stream.indirect.scatter.add.f32 [tilespmem:s20], [sflag:$0x5], $0x80, s7, s19, $0xb8;
	[tilespmem:$0x1C8C0] =	vst v63  }
0xc3: {  	_ =	swait.ge [sflag:s17], $0x4000  }
0xc4: {  	[sflag:s17] =	ssyncset.done $0x0  }
0xc5: {  	s7 =	simm.s32 $0x100;
	[sflag:s17] =	ssyncadd.s32 $0xFFFFC000  }
0xc6: {  	[tilespmem:s20], [sflag:$0x3] =	stream.indirect.gather [hbm4b:s4+s19], $0x80, s7, s19, $0xb8;
	[tilespmem:$0x1C8C0] =	vst v63  }
0xc7: {  	_ =	swait.ge [sflag:s25], $0x4000  }
0xc8: {  	[sflag:s25] =	ssyncset.done $0x0  }
0xc9: {  	s7 =	simm.s32 $0x480;
	[sflag:s25] =	ssyncadd.s32 $0xFFFFC000  }
0xca: {  	[spmem:s1] =	stream.indirect.scatter.add.f32 [tilespmem:s21], [sflag:$0x5], $0x80, s7, s19, $0xb8;
	[tilespmem:$0x1C8C0] =	vst v63  }
0xcb: {  	_ =	swait.ge [sflag:s17], $0x4000  }
0xcc: {  	[sflag:s17] =	ssyncset.done $0x0  }
0xcd: {  	s7 =	simm.s32 $0x180;
	[sflag:s17] =	ssyncadd.s32 $0xFFFFC000  }
0xce: {  	[tilespmem:s21], [sflag:$0x4] =	stream.indirect.gather [hbm4b:s4+s19], $0x80, s7, s19, $0xb8;
	[tilespmem:$0x1C8C0] =	vst v63  }
0xcf: {  	_ =	swait.ge [sflag:s22], $0x4000  }
0xd0: {  	[sflag:s22] =	ssyncset.done $0x0  }
0xd1: {  	s7 =	simm.s32 $0x500;
	[sflag:s22] =	ssyncadd.s32 $0xFFFFC000  }
0xd2: {  	[spmem:s1] =	stream.indirect.scatter.add.f32 [tilespmem:s20], [sflag:$0x5], $0x80, s7, s19, $0xb8;
	[tilespmem:$0x1C8C0] =	vst v63  }
0xd3: {  	_ =	swait.ge [sflag:s17], $0x4000  }
0xd4: {  	[sflag:s17] =	ssyncset.done $0x0  }
0xd5: {  	s7 =	simm.s32 $0x200;
	[sflag:s17] =	ssyncadd.s32 $0xFFFFC000  }
0xd6: {  	[tilespmem:s20], [sflag:$0x3] =	stream.indirect.gather [hbm4b:s4+s19], $0x80, s7, s19, $0xb8;
	[tilespmem:$0x1C8C0] =	vst v63  }
0xd7: {  	_ =	swait.ge [sflag:s25], $0x4000  }
0xd8: {  	[sflag:s25] =	ssyncset.done $0x0  }
0xd9: {  	s7 =	simm.s32 $0x580;
	[sflag:s25] =	ssyncadd.s32 $0xFFFFC000  }
0xda: {  	[spmem:s1] =	stream.indirect.scatter.add.f32 [tilespmem:s21], [sflag:$0x5], $0x80, s7, s19, $0xb8;
	[tilespmem:$0x1C8C0] =	vst v63  }
0xdb: {  	_ =	swait.ge [sflag:s17], $0x4000  }
0xdc: {  	[sflag:s17] =	ssyncset.done $0x0  }
0xdd: {  	s7 =	simm.s32 $0x280;
	[sflag:s17] =	ssyncadd.s32 $0xFFFFC000  }
0xde: {  	[tilespmem:s21], [sflag:$0x4] =	stream.indirect.gather [hbm4b:s4+s19], $0x80, s7, s19, $0xb8;
	[tilespmem:$0x1C8C0] =	vst v63  }
0xdf: {  	_ =	swait.ge [sflag:s22], $0x4000  }
0xe0: {  	[sflag:s22] =	ssyncset.done $0x0  }
0xe1: {  	s7 =	simm.s32 $0x600;
	[sflag:s22] =	ssyncadd.s32 $0xFFFFC000  }
0xe2: {  	[spmem:s1] =	stream.indirect.scatter.add.f32 [tilespmem:s20], [sflag:$0x5], $0x80, s7, s19, $0xb8;
	[tilespmem:$0x1C8C0] =	vst v63  }
0xe3: {  	_ =	swait.ge [sflag:s17], $0x4000  }
0xe4: {  	[sflag:s17] =	ssyncset.done $0x0  }
0xe5: {  	s7 =	simm.s32 $0x300;
	[sflag:s17] =	ssyncadd.s32 $0xFFFFC000  }
0xe6: {  	[tilespmem:s20], [sflag:$0x3] =	stream.indirect.gather [hbm4b:s4+s19], $0x80, s7, s19, $0xb8;
	[tilespmem:$0x1C8C0] =	vst v63  }
0xe7: {  	_ =	swait.ge [sflag:s25], $0x4000  }
0xe8: {  	[sflag:s25] =	ssyncset.done $0x0  }
0xe9: {  	s7 =	simm.s32 $0x680;
	[sflag:s25] =	ssyncadd.s32 $0xFFFFC000  }
0xea: {  	[spmem:s1] =	stream.indirect.scatter.add.f32 [tilespmem:s21], [sflag:$0x5], $0x80, s7, s19, $0xb8;
	[tilespmem:$0x1C8C0] =	vst v63  }
0xeb: {  	_ =	swait.ge [sflag:s17], $0x4000  }
0xec: {  	[sflag:s17] =	ssyncset.done $0x0  }
0xed: {  	s7 =	simm.s32 $0x380;
	[sflag:s17] =	ssyncadd.s32 $0xFFFFC000  }
0xee: {  	[tilespmem:s21], [sflag:$0x4] =	stream.indirect.gather [hbm4b:s4+s19], $0x80, s7, s19, $0xb8;
	[tilespmem:$0x1C8C0] =	vst v63  }
0xef: {  	_ =	swait.ge [sflag:s22], $0x4000  }
0xf0: {  	[sflag:s22] =	ssyncset.done $0x0  }
0xf1: {  	s7 =	simm.s32 $0x700;
	[sflag:s22] =	ssyncadd.s32 $0xFFFFC000  }
0xf2: {  	[spmem:s1] =	stream.indirect.scatter.add.f32 [tilespmem:s20], [sflag:$0x5], $0x80, s7, s19, $0xb8;
	[tilespmem:$0x1C8C0] =	vst v63  }
0xf3: {  	_ =	swait.ge [sflag:s17], $0x4000  }
0xf4: {  	[sflag:s17] =	ssyncset.done $0x0  }
0xf5: {  	[sflag:s17] =	ssyncadd.s32 $0xFFFFC000  }
0xf6: {  	_ =	swait.ge [sflag:s11], $0x800  }
0xf7: {  	[sflag:s11] =	ssyncset.done $0x0  }
0xf8: {  	[sflag:s11] =	ssyncadd.s32 $0xFFFFF800  }
0xf9: {  	[tilespmem:s20], [sflag:$0x3] =	stream.indirect.gather [hbm4b:s4+s19], $0x80, s18, s19, $0xb8;
	[tilespmem:$0x1C8C0] =	vst v63  }
0xfa: {  	_ =	swait.ge [sflag:s25], $0x4000  }
0xfb: {  	[sflag:s25] =	ssyncset.done $0x0  }
0xfc: {  	s7 =	simm.s32 $0x780;
	[sflag:s25] =	ssyncadd.s32 $0xFFFFC000  }
0xfd: {  	[spmem:s1] =	stream.indirect.scatter.add.f32 [tilespmem:s21], [sflag:$0x5], $0x80, s7, s19, $0xb8;
	[tilespmem:$0x1C8C0] =	vst v63  }
0xfe: {  	_ =	swait.ge [sflag:s17], $0x4000  }
0xff: {  	s7 =	sshrl.u32 s10, $0x3;
	[sflag:s17] =	ssyncset.done $0x0  }
0x100: {  	s7 =	sadd.s32 s5, s7;
	[sflag:s17] =	ssyncadd.s32 $0xFFFFC000  }
0x101: {  	[tilespmem:s3], [sflag:$0x1] =	stream.linear.gather [hbm4b:s7+s3], $0x800, $0x38;
	[tilespmem:$0x1C8C0] =	vst v63  }
0x102: {  	s7 =	simm.s32 $0x880  }
0x103: {  	[tilespmem:s21], [sflag:$0x4] =	stream.indirect.gather [hbm4b:s4+s19], $0x80, s7, s19, $0xb8;
	[tilespmem:$0x1C8C0] =	vst v63  }
0x104: {  	_ =	swait.ge [sflag:s22], $0x4000  }
0x105: {  	[sflag:s22] =	ssyncset.done $0x0  }
0x106: {  	[sflag:s22] =	ssyncadd.s32 $0xFFFFC000  }
0x107: {  	[spmem:s1] =	stream.indirect.scatter.add.f32 [tilespmem:s20], [sflag:$0x5], $0x80, s13, s19, $0xb8;
	[tilespmem:$0x1C8C0] =	vst v63  }
0x108: {  	_ =	swait.ge [sflag:s17], $0x4000  }
0x109: {  	[sflag:s17] =	ssyncset.done $0x0  }
0x10a: {  	[sflag:s17] =	ssyncadd.s32 $0xFFFFC000  }
0x10b: {  	[tilespmem:s20], [sflag:$0x3] =	stream.indirect.gather [hbm4b:s4+s19], $0x80, s14, s19, $0xb8;
	[tilespmem:$0x1C8C0] =	vst v63  }
0x10c: {  	_ =	swait.ge [sflag:s25], $0x4000  }
0x10d: {  	[sflag:s25] =	ssyncset.done $0x0  }
0x10e: {  	[sflag:s25] =	ssyncadd.s32 $0xFFFFC000  }
0x10f: {  	[spmem:s1] =	stream.indirect.scatter.add.f32 [tilespmem:s21], [sflag:$0x5], $0x80, s15, s19, $0xb8;
	[tilespmem:$0x1C8C0] =	vst v63  }
0x110: {  	_ =	swait.ge [sflag:s17], $0x4000  }
0x111: {  	[sflag:s17] =	ssyncset.done $0x0  }
0x112: {  	[sflag:s17] =	ssyncadd.s32 $0xFFFFC000  }
0x113: {  	[tilespmem:s21], [sflag:$0x4] =	stream.indirect.gather [hbm4b:s4+s19], $0x80, s16, s19, $0xb8;
	[tilespmem:$0x1C8C0] =	vst v63  }
0x114: {  	_ =	swait.ge [sflag:s22], $0x4000  }
0x115: {  	[sflag:s22] =	ssyncset.done $0x0  }
0x116: {  	[sflag:s22] =	ssyncadd.s32 $0xFFFFC000  }
0x117: {  	[spmem:s1] =	stream.indirect.scatter.add.f32 [tilespmem:s20], [sflag:$0x5], $0x80, s23, s19, $0xb8;
	[tilespmem:$0x1C8C0] =	vst v63  }
0x118: {  	_ =	swait.ge [sflag:s17], $0x4000  }
0x119: {  	[sflag:s17] =	ssyncset.done $0x0  }
0x11a: {  	[sflag:s17] =	ssyncadd.s32 $0xFFFFC000  }
0x11b: {  	[tilespmem:s20], [sflag:$0x3] =	stream.indirect.gather [hbm4b:s4+s19], $0x80, s24, s19, $0xb8;
	[tilespmem:$0x1C8C0] =	vst v63  }
0x11c: {  	_ =	swait.ge [sflag:s25], $0x4000  }
0x11d: {  	[sflag:s25] =	ssyncset.done $0x0  }
0x11e: {  	[sflag:s25] =	ssyncadd.s32 $0xFFFFC000  }
0x11f: {  	[spmem:s1] =	stream.indirect.scatter.add.f32 [tilespmem:s21], [sflag:$0x5], $0x80, s26, s19, $0xb8;
	[tilespmem:$0x1C8C0] =	vst v63  }
0x120: {  	_ =	swait.ge [sflag:s17], $0x4000  }
0x121: {  	[sflag:s17] =	ssyncset.done $0x0  }
0x122: {  	[sflag:s17] =	ssyncadd.s32 $0xFFFFC000  }
0x123: {  	[tilespmem:s21], [sflag:$0x4] =	stream.indirect.gather [hbm4b:s4+s19], $0x80, s28, s19, $0xb8;
	[tilespmem:$0x1C8C0] =	vst v63  }
0x124: {  	_ =	swait.ge [sflag:s22], $0x4000  }
0x125: {  	[sflag:s22] =	ssyncset.done $0x0  }
0x126: {  	[sflag:s22] =	ssyncadd.s32 $0xFFFFC000  }
0x127: {  	[spmem:s1] =	stream.indirect.scatter.add.f32 [tilespmem:s20], [sflag:$0x5], $0x80, s29, s19, $0xb8;
	[tilespmem:$0x1C8C0] =	vst v63  }
0x128: {  	_ =	swait.ge [sflag:s17], $0x4000  }
0x129: {  	[sflag:s17] =	ssyncset.done $0x0  }
0x12a: {  	[sflag:s17] =	ssyncadd.s32 $0xFFFFC000  }
0x12b: {  	[tilespmem:s20], [sflag:$0x3] =	stream.indirect.gather [hbm4b:s4+s19], $0x80, s30, s19, $0xb8;
	[tilespmem:$0x1C8C0] =	vst v63  }
0x12c: {  	_ =	swait.ge [sflag:s25], $0x4000  }
0x12d: {  	[sflag:s25] =	ssyncset.done $0x0  }
0x12e: {  	[sflag:s25] =	ssyncadd.s32 $0xFFFFC000  }
0x12f: {  	[spmem:s1] =	stream.indirect.scatter.add.f32 [tilespmem:s21], [sflag:$0x5], $0x80, s31, s19, $0xb8;
	[tilespmem:$0x1C8C0] =	vst v63  }
0x130: {  	_ =	swait.ge [sflag:s17], $0x4000  }
0x131: {  	[sflag:s17] =	ssyncset.done $0x0  }
0x132: {  	[sflag:s17] =	ssyncadd.s32 $0xFFFFC000  }
0x133: {  	[tilespmem:s21], [sflag:$0x4] =	stream.indirect.gather [hbm4b:s4+s19], $0x80, s0, s19, $0xb8;
	[tilespmem:$0x1C8C0] =	vst v63  }
0x134: {  	_ =	swait.ge [sflag:s22], $0x4000  }
0x135: {  	[sflag:s22] =	ssyncset.done $0x0  }
0x136: {  	[sflag:s22] =	ssyncadd.s32 $0xFFFFC000  }
0x137: {  	[spmem:s1] =	stream.indirect.scatter.add.f32 [tilespmem:s20], [sflag:$0x5], $0x80, s2, s19, $0xb8;
	[tilespmem:$0x1C8C0] =	vst v63  }
0x138: {  	_ =	swait.ge [sflag:s17], $0x4000  }
0x139: {  	[sflag:s17] =	ssyncset.done $0x0  }
0x13a: {  	[sflag:s17] =	ssyncadd.s32 $0xFFFFC000  }
0x13b: {  	_ =	swait.ge [sflag:s6], $0x800  }
0x13c: {  	[sflag:s6] =	ssyncset.done $0x0  }
0x13d: {  	[sflag:s6] =	ssyncadd.s32 $0xFFFFF800  }
0x13e: {  	[tilespmem:s20], [sflag:$0x3] =	stream.indirect.gather [hbm4b:s4+s19], $0x80, s3, s19, $0xb8;
	[tilespmem:$0x1C8C0] =	vst v63  }
0x13f: {  	_ =	swait.ge [sflag:s25], $0x4000  }
0x140: {  	p1 =	sne.s32 s9, $0x600;
	[sflag:s25] =	ssyncset.done $0x0  }
.Ltmp0:
0x141: {  	[sflag:s25] =	ssyncadd.s32 $0xFFFFC000;
	(pc) =	sbr.rel @p1 .LBB2_2-.Ltmp0, $4  }
0x142: {  	[spmem:s1] =	stream.indirect.scatter.add.f32 [tilespmem:s21], [sflag:$0x5], $0x80, s8, s19, $0xb8;
	[tilespmem:$0x1C8C0] =	vst v63  }
0x143: {  	s12 =	smov.u32 s9;
	_ =	swait.ge [sflag:s17], $0x4000  }
0x144: {  	s9 =	sadd.s32 $0x200, s9;
	[sflag:s17] =	ssyncset.done $0x0;
	s7 =	rddreg [dreg:$0x3]  }
0x145: {  	s10 =	sadd.s32 $0x1000, s10;
	[sflag:s17] =	ssyncadd.s32 $0xFFFFC000;
	s12 =	sadd.s32 s12, s7  }
0x146: {  	[tilespmem:s18], [sflag:$0x2] =	stream.linear.gather [hbm4b:s12+s3], $0x800, $0x38;
	[tilespmem:$0x1C8C0] =	vst v63  }
0x147: {  	_ = 	snop  }
0x148: {  	[tilespmem:s21], [sflag:$0x4] =	stream.indirect.gather [hbm4b:s4+s19], $0x80, s19, s19, $0xb8;
	[tilespmem:$0x1C8C0] =	vst v63  }
0x149: {  	_ =	swait.ge [sflag:s22], $0x4000  }
0x14a: {  	[sflag:s22] =	ssyncset.done $0x0  }
0x14b: {  	s7 =	simm.s32 $0x400;
	[sflag:s22] =	ssyncadd.s32 $0xFFFFC000  }
0x14c: {  	[spmem:s1] =	stream.indirect.scatter.add.f32 [tilespmem:s20], [sflag:$0x5], $0x80, s7, s19, $0xb8;
	[tilespmem:$0x1C8C0] =	vst v63  }
0x14d: {  	_ =	swait.ge [sflag:s17], $0x4000  }
0x14e: {  	[sflag:s17] =	ssyncset.done $0x0  }
0x14f: {  	s9 =	simm.s32 $0x100;
	[sflag:s17] =	ssyncadd.s32 $0xFFFFC000  }
0x150: {  	[tilespmem:s20], [sflag:$0x3] =	stream.indirect.gather [hbm4b:s4+s19], $0x80, s9, s19, $0xb8;
	[tilespmem:$0x1C8C0] =	vst v63  }
0x151: {  	_ =	swait.ge [sflag:s25], $0x4000  }
0x152: {  	[sflag:s25] =	ssyncset.done $0x0  }
0x153: {  	s10 =	simm.s32 $0x480;
	[sflag:s25] =	ssyncadd.s32 $0xFFFFC000  }
0x154: {  	[spmem:s1] =	stream.indirect.scatter.add.f32 [tilespmem:s21], [sflag:$0x5], $0x80, s10, s19, $0xb8;
	[tilespmem:$0x1C8C0] =	vst v63  }
0x155: {  	_ =	swait.ge [sflag:s17], $0x4000  }
0x156: {  	[sflag:s17] =	ssyncset.done $0x0  }
0x157: {  	s12 =	simm.s32 $0x180;
	[sflag:s17] =	ssyncadd.s32 $0xFFFFC000  }
0x158: {  	[tilespmem:s21], [sflag:$0x4] =	stream.indirect.gather [hbm4b:s4+s19], $0x80, s12, s19, $0xb8;
	[tilespmem:$0x1C8C0] =	vst v63  }
0x159: {  	_ =	swait.ge [sflag:s22], $0x4000  }
0x15a: {  	[sflag:s22] =	ssyncset.done $0x0  }
0x15b: {  	s9 =	simm.s32 $0x500;
	[sflag:s22] =	ssyncadd.s32 $0xFFFFC000  }
0x15c: {  	[spmem:s1] =	stream.indirect.scatter.add.f32 [tilespmem:s20], [sflag:$0x5], $0x80, s9, s19, $0xb8;
	[tilespmem:$0x1C8C0] =	vst v63  }
0x15d: {  	_ =	swait.ge [sflag:s17], $0x4000  }
0x15e: {  	[sflag:s17] =	ssyncset.done $0x0  }
0x15f: {  	s10 =	simm.s32 $0x200;
	[sflag:s17] =	ssyncadd.s32 $0xFFFFC000  }
0x160: {  	[tilespmem:s20], [sflag:$0x3] =	stream.indirect.gather [hbm4b:s4+s19], $0x80, s10, s19, $0xb8;
	[tilespmem:$0x1C8C0] =	vst v63  }
0x161: {  	_ =	swait.ge [sflag:s25], $0x4000  }
0x162: {  	[sflag:s25] =	ssyncset.done $0x0  }
0x163: {  	s12 =	simm.s32 $0x580;
	[sflag:s25] =	ssyncadd.s32 $0xFFFFC000  }
0x164: {  	[spmem:s1] =	stream.indirect.scatter.add.f32 [tilespmem:s21], [sflag:$0x5], $0x80, s12, s19, $0xb8;
	[tilespmem:$0x1C8C0] =	vst v63  }
0x165: {  	_ =	swait.ge [sflag:s17], $0x4000  }
0x166: {  	[sflag:s17] =	ssyncset.done $0x0  }
0x167: {  	s9 =	simm.s32 $0x280;
	[sflag:s17] =	ssyncadd.s32 $0xFFFFC000  }
0x168: {  	[tilespmem:s21], [sflag:$0x4] =	stream.indirect.gather [hbm4b:s4+s19], $0x80, s9, s19, $0xb8;
	[tilespmem:$0x1C8C0] =	vst v63  }
0x169: {  	_ =	swait.ge [sflag:s22], $0x4000  }
0x16a: {  	[sflag:s22] =	ssyncset.done $0x0  }
0x16b: {  	s10 =	simm.s32 $0x600;
	[sflag:s22] =	ssyncadd.s32 $0xFFFFC000  }
0x16c: {  	[spmem:s1] =	stream.indirect.scatter.add.f32 [tilespmem:s20], [sflag:$0x5], $0x80, s10, s19, $0xb8;
	[tilespmem:$0x1C8C0] =	vst v63  }
0x16d: {  	_ =	swait.ge [sflag:s17], $0x4000  }
0x16e: {  	[sflag:s17] =	ssyncset.done $0x0  }
0x16f: {  	s12 =	simm.s32 $0x300;
	[sflag:s17] =	ssyncadd.s32 $0xFFFFC000  }
0x170: {  	[tilespmem:s20], [sflag:$0x3] =	stream.indirect.gather [hbm4b:s4+s19], $0x80, s12, s19, $0xb8;
	[tilespmem:$0x1C8C0] =	vst v63  }
0x171: {  	_ =	swait.ge [sflag:s25], $0x4000  }
0x172: {  	[sflag:s25] =	ssyncset.done $0x0  }
0x173: {  	s9 =	simm.s32 $0x680;
	[sflag:s25] =	ssyncadd.s32 $0xFFFFC000  }
0x174: {  	[spmem:s1] =	stream.indirect.scatter.add.f32 [tilespmem:s21], [sflag:$0x5], $0x80, s9, s19, $0xb8;
	[tilespmem:$0x1C8C0] =	vst v63  }
0x175: {  	_ =	swait.ge [sflag:s17], $0x4000  }
0x176: {  	[sflag:s17] =	ssyncset.done $0x0  }
0x177: {  	s10 =	simm.s32 $0x380;
	[sflag:s17] =	ssyncadd.s32 $0xFFFFC000  }
0x178: {  	[tilespmem:s21], [sflag:$0x4] =	stream.indirect.gather [hbm4b:s4+s19], $0x80, s10, s19, $0xb8;
	[tilespmem:$0x1C8C0] =	vst v63  }
0x179: {  	_ =	swait.ge [sflag:s22], $0x4000  }
0x17a: {  	[sflag:s22] =	ssyncset.done $0x0  }
0x17b: {  	s12 =	simm.s32 $0x700;
	[sflag:s22] =	ssyncadd.s32 $0xFFFFC000  }
0x17c: {  	[spmem:s1] =	stream.indirect.scatter.add.f32 [tilespmem:s20], [sflag:$0x5], $0x80, s12, s19, $0xb8;
	[tilespmem:$0x1C8C0] =	vst v63  }
0x17d: {  	_ =	swait.ge [sflag:s17], $0x4000  }
0x17e: {  	[sflag:s17] =	ssyncset.done $0x0  }
0x17f: {  	[sflag:s17] =	ssyncadd.s32 $0xFFFFC000  }
0x180: {  	_ =	swait.ge [sflag:s11], $0x800  }
0x181: {  	[sflag:s11] =	ssyncset.done $0x0  }
0x182: {  	[sflag:s11] =	ssyncadd.s32 $0xFFFFF800  }
0x183: {  	[tilespmem:s20], [sflag:$0x3] =	stream.indirect.gather [hbm4b:s4+s19], $0x80, s18, s19, $0xb8;
	[tilespmem:$0x1C8C0] =	vst v63  }
0x184: {  	_ =	swait.ge [sflag:s25], $0x4000  }
0x185: {  	[sflag:s25] =	ssyncset.done $0x0  }
0x186: {  	s9 =	simm.s32 $0x780;
	[sflag:s25] =	ssyncadd.s32 $0xFFFFC000  }
0x187: {  	[spmem:s1] =	stream.indirect.scatter.add.f32 [tilespmem:s21], [sflag:$0x5], $0x80, s9, s19, $0xb8;
	[tilespmem:$0x1C8C0] =	vst v63  }
0x188: {  	_ =	swait.ge [sflag:s17], $0x4000  }
0x189: {  	[sflag:s17] =	ssyncset.done $0x0  }
0x18a: {  	s10 =	simm.s32 $0x880;
	[sflag:s17] =	ssyncadd.s32 $0xFFFFC000  }
0x18b: {  	[tilespmem:s21], [sflag:$0x4] =	stream.indirect.gather [hbm4b:s4+s19], $0x80, s10, s19, $0xb8;
	[tilespmem:$0x1C8C0] =	vst v63  }
0x18c: {  	_ =	swait.ge [sflag:s22], $0x4000  }
0x18d: {  	[sflag:s22] =	ssyncset.done $0x0  }
0x18e: {  	[sflag:s22] =	ssyncadd.s32 $0xFFFFC000  }
0x18f: {  	[spmem:s1] =	stream.indirect.scatter.add.f32 [tilespmem:s20], [sflag:$0x5], $0x80, s13, s19, $0xb8;
	[tilespmem:$0x1C8C0] =	vst v63  }
0x190: {  	_ =	swait.ge [sflag:s17], $0x4000  }
0x191: {  	[sflag:s17] =	ssyncset.done $0x0  }
0x192: {  	[sflag:s17] =	ssyncadd.s32 $0xFFFFC000  }
0x193: {  	[tilespmem:s20], [sflag:$0x3] =	stream.indirect.gather [hbm4b:s4+s19], $0x80, s14, s19, $0xb8;
	[tilespmem:$0x1C8C0] =	vst v63  }
0x194: {  	_ =	swait.ge [sflag:s25], $0x4000  }
0x195: {  	[sflag:s25] =	ssyncset.done $0x0  }
0x196: {  	[sflag:s25] =	ssyncadd.s32 $0xFFFFC000  }
0x197: {  	[spmem:s1] =	stream.indirect.scatter.add.f32 [tilespmem:s21], [sflag:$0x5], $0x80, s15, s19, $0xb8;
	[tilespmem:$0x1C8C0] =	vst v63  }
0x198: {  	_ =	swait.ge [sflag:s17], $0x4000  }
0x199: {  	[sflag:s17] =	ssyncset.done $0x0  }
0x19a: {  	[sflag:s17] =	ssyncadd.s32 $0xFFFFC000  }
0x19b: {  	[tilespmem:s21], [sflag:$0x4] =	stream.indirect.gather [hbm4b:s4+s19], $0x80, s16, s19, $0xb8;
	[tilespmem:$0x1C8C0] =	vst v63  }
0x19c: {  	_ =	swait.ge [sflag:s22], $0x4000  }
0x19d: {  	[sflag:s22] =	ssyncset.done $0x0  }
0x19e: {  	[sflag:s22] =	ssyncadd.s32 $0xFFFFC000  }
0x19f: {  	[spmem:s1] =	stream.indirect.scatter.add.f32 [tilespmem:s20], [sflag:$0x5], $0x80, s23, s19, $0xb8;
	[tilespmem:$0x1C8C0] =	vst v63  }
0x1a0: {  	_ =	swait.ge [sflag:s17], $0x4000  }
0x1a1: {  	[sflag:s17] =	ssyncset.done $0x0  }
0x1a2: {  	[sflag:s17] =	ssyncadd.s32 $0xFFFFC000  }
0x1a3: {  	[tilespmem:s20], [sflag:$0x3] =	stream.indirect.gather [hbm4b:s4+s19], $0x80, s24, s19, $0xb8;
	[tilespmem:$0x1C8C0] =	vst v63  }
0x1a4: {  	_ =	swait.ge [sflag:s25], $0x4000  }
0x1a5: {  	[sflag:s25] =	ssyncset.done $0x0  }
0x1a6: {  	[sflag:s25] =	ssyncadd.s32 $0xFFFFC000  }
0x1a7: {  	[spmem:s1] =	stream.indirect.scatter.add.f32 [tilespmem:s21], [sflag:$0x5], $0x80, s26, s19, $0xb8;
	[tilespmem:$0x1C8C0] =	vst v63  }
0x1a8: {  	_ =	swait.ge [sflag:s17], $0x4000  }
0x1a9: {  	[sflag:s17] =	ssyncset.done $0x0  }
0x1aa: {  	[sflag:s17] =	ssyncadd.s32 $0xFFFFC000  }
0x1ab: {  	[tilespmem:s21], [sflag:$0x4] =	stream.indirect.gather [hbm4b:s4+s19], $0x80, s28, s19, $0xb8;
	[tilespmem:$0x1C8C0] =	vst v63  }
0x1ac: {  	_ =	swait.ge [sflag:s22], $0x4000  }
0x1ad: {  	[sflag:s22] =	ssyncset.done $0x0  }
0x1ae: {  	[sflag:s22] =	ssyncadd.s32 $0xFFFFC000  }
0x1af: {  	[spmem:s1] =	stream.indirect.scatter.add.f32 [tilespmem:s20], [sflag:$0x5], $0x80, s29, s19, $0xb8;
	[tilespmem:$0x1C8C0] =	vst v63  }
0x1b0: {  	_ =	swait.ge [sflag:s17], $0x4000  }
0x1b1: {  	[sflag:s17] =	ssyncset.done $0x0  }
0x1b2: {  	[sflag:s17] =	ssyncadd.s32 $0xFFFFC000  }
0x1b3: {  	[tilespmem:s20], [sflag:$0x3] =	stream.indirect.gather [hbm4b:s4+s19], $0x80, s30, s19, $0xb8;
	[tilespmem:$0x1C8C0] =	vst v63  }
0x1b4: {  	_ =	swait.ge [sflag:s25], $0x4000  }
0x1b5: {  	[sflag:s25] =	ssyncset.done $0x0  }
0x1b6: {  	[sflag:s25] =	ssyncadd.s32 $0xFFFFC000  }
0x1b7: {  	[spmem:s1] =	stream.indirect.scatter.add.f32 [tilespmem:s21], [sflag:$0x5], $0x80, s31, s19, $0xb8;
	[tilespmem:$0x1C8C0] =	vst v63  }
0x1b8: {  	_ =	swait.ge [sflag:s17], $0x4000  }
0x1b9: {  	[sflag:s17] =	ssyncset.done $0x0  }
0x1ba: {  	[sflag:s17] =	ssyncadd.s32 $0xFFFFC000  }
0x1bb: {  	[tilespmem:s21], [sflag:$0x4] =	stream.indirect.gather [hbm4b:s4+s19], $0x80, s0, s19, $0xb8;
	[tilespmem:$0x1C8C0] =	vst v63  }
0x1bc: {  	_ =	swait.ge [sflag:s22], $0x4000  }
0x1bd: {  	[sflag:s22] =	ssyncset.done $0x0  }
0x1be: {  	[sflag:s22] =	ssyncadd.s32 $0xFFFFC000  }
0x1bf: {  	[spmem:s1] =	stream.indirect.scatter.add.f32 [tilespmem:s20], [sflag:$0x5], $0x80, s2, s19, $0xb8;
	[tilespmem:$0x1C8C0] =	vst v63  }
0x1c0: {  	_ =	swait.ge [sflag:s17], $0x4000  }
0x1c1: {  	[sflag:s17] =	ssyncset.done $0x0  }
0x1c2: {  	[sflag:s17] =	ssyncadd.s32 $0xFFFFC000  }
0x1c3: {  	_ =	swait.ge [sflag:s25], $0x4000  }
0x1c4: {  	[sflag:s25] =	ssyncset.done $0x0  }
0x1c5: {  	[sflag:s25] =	ssyncadd.s32 $0xFFFFC000  }
0x1c6: {  	[spmem:s1] =	stream.indirect.scatter.add.f32 [tilespmem:s21], [sflag:$0x5], $0x80, s8, s19, $0xb8;
	[tilespmem:$0x1C8C0] =	vst v63  }
0x1c7: {  	_ =	swait.ge [sflag:s17], $0x4000  }
0x1c8: {  	[sflag:s17] =	ssyncset.done $0x0  }
0x1c9: {  	[sflag:s17] =	ssyncadd.s32 $0xFFFFC000  }
0x1ca: {  	[bflag:$0x0] =	sbarrier.arrive $0xFFFF  }
0x1cb: {  	s9 =	rddreg [dreg:$0x9]  }
0x1cc: {  	s7 =	simm.s32 @p0 $0x1FC5;
	s10 =	rddreg [dreg:$0xc]  }
0x1cd: {  	[hbm:s9], [sflag:s7] =	dma.local @p0 [spmem:s10], $0x2800  }
0x1ce: {  	s7 =	simm.s32 @p0 $0x5  }
0x1cf: {  	_ =	swait.ge @p0 [sflag:s7], $0x2800  }
0x1d0: {  	s12 =	rddreg [dreg:$0xd]  }
0x1d1: {  	[sflag:s7] =	ssyncset.done @p0 $0x0;
	s10 =	rddreg [dreg:$0xe]  }
0x1d2: {  	s9 =	simm.s32 @!p0 $0x5;
	[sflag:s7] =	ssyncadd.s32 @p0 $0xFFFFD800;
	s7 =	rddreg [dreg:$0x8]  }
0x1d3: {  	[hbm:s7], [sflag:s12] =	dma.local @!p0 [spmem:s10], $0x2700  }
0x1d4: {  	_ =	swait.ge @!p0 [sflag:s9], $0x2700  }
0x1d5: {  	s12 =	rddreg [dreg:$0xf]  }
0x1d6: {  	s7 =	sadd.s32 $0x1, s12;
	s12 =	rddreg [dreg:$0xa]  }
0x1d7: {  	p1 =	sne.s32 s7, s12  }
.Ltmp1:
0x1d8: {  	_ = 	snop;
	(pc) =	sbr.rel @p1 .LBB2_1-.Ltmp1, $3  }
0x1d9: {  	_ =	sdelay $0x1  }
0x1da: {  	[sflag:s9] =	ssyncset.done @!p0 $0x0;
	[dreg:$0xf] =	wrdreg s7;
	s7 =	simm.s32 @!p0 $0x5  }
0x1db: {  	[sflag:s7] =	ssyncadd.s32 @!p0 $0xFFFFD900  }
0x1dc: {  	_ =	sfence.sel $0x180000  }
0x1dd: {  	[bflag:$0x0] =	sbarrier.arrive $0xFFFF  }
0x1de: {  	_ =	strace $0x90000047  }
0x1df: {  	s0 =	stileid.u32;
	[bflag:$0x2] =	sbarrier.arrive $0xFFFF  }
0x1e0: {  	p0 =	sne.s32 s0, $0x0;
	s0 =	rddreg [dreg:$0x2]  }
0x1e1: {  	s0 =	sadd.s32 @!p0 $0x100000, s0  }
0x1e2: {  	[sflag:s0] =	ssyncadd.tile.s32 @!p0 $0x1;
	_ =	shalt  }
.Lfunc_end2:
_tile_overlayer_lowered:
.L_overlay_start_2:
0x1e3: {  	(tag) =	ssettag $0x2  }
0x1e4: {  	s0 =	rddreg [dreg:$0x0];
	s2 =	stileid.u32  }
0x1e5: {  	s1 =	rddreg [dreg:$0x1];
	p0 =	sne.s32 s2, $0x0  }
0x1e6: {  	s3 =	rddreg [dreg:$0x2];
	[bflag:$0x3] =	sbarrier.arrive $0xFFFF;
	s2 =	simm.s32 @!p0 $0x1C05  }
0x1e7: {  	[timem:s3], [sflag:s2] =	dma.local @!p0 [hbm:s0], s1  }
0x1e8: {  	s0 =	simm.s32 @!p0 $0x5  }
0x1e9: {  	_ =	swait.ge @!p0 [sflag:s0], s1  }
0x1ea: {  	s1 =	ssub.s32 @!p0 $0x0, s1;
	[sflag:s0] =	ssyncset.done @!p0 $0x0  }
0x1eb: {  	[sflag:s0] =	ssyncadd.s32 @!p0 s1  }
0x1ec: {  	[bflag:$0x3] =	sbarrier.arrive $0xFFFF  }
0x1ed: {  	_ =	shalt  }

// kernel: kernel.17.cloned.1.call-start
scs
__scs_entry_jumppad:
0x0: {  	(pc) =	sbr.rel $0x88, $3  }
0x1: {  	(tag) =	ssettag $0x0;
	lr =	simm.s32 $0x1  }
0x2: {  	[smem:$0x3F6C] =	sst lr;
	_ =	strace $0xD0000000  }
0x3: {  	_ = 	snop  }
0x4: {  	_ = 	snop  }
0x5: {  	_ = 	snop  }
0x6: {  	_ = 	snop  }
0x7: {  	_ = 	snop  }
__scs_overlays_trampoline_lowered:
0x8: {  	[smem:$0x3F7B] =	sst s0  }
0x9: {  	[smem:$0x3F7C] =	sst s1  }
0xa: {  	[smem:$0x3F7D] =	sst s2  }
0xb: {  	[smem:$0x3F7E] =	sst s3  }
0xc: {  	[smem:$0x3F7F] =	sst s4  }
0xd: {  	[smem:$0x3F80] =	sst s5  }
0xe: {  	[smem:$0x3F81] =	sst s6  }
0xf: {  	[smem:$0x3F82] =	sst s7  }
0x10: {  	[smem:$0x3F83] =	sst s8  }
0x11: {  	[smem:$0x3F84] =	sst s9;
	s0 =	simm.s32 @!p0 $0x0  }
0x12: {  	s1 =	sld [smem:$0x3F6A];
	s0 =	simm.s32 @p0 $0x1  }
0x13: {  	[smem:$0x3F85] =	sst s0;
	s0 =	simm.s32 @!p1 $0x0  }
0x14: {  	s2 =	sld [smem:$0x3F69];
	s0 =	simm.s32 @p1 $0x1  }
0x15: {  	[smem:$0x3F86] =	sst s0;
	s0 =	simm.s32 @!p2 $0x0  }
0x16: {  	s3 =	sld [smem:$0x3FDB];
	s0 =	simm.s32 @p2 $0x1  }
0x17: {  	s4 =	simm.s32 $0x1BF5;
	[smem:$0x3F88] =	sst s0  }
0x18: {  	s0 =	sld [smem:$0x3F6B];
	_ =	swait.ge [sflag:s4], $0x0  }
0x19: {  	s7 =	sld [smem:$0x3F6C]  }
0x1a: {  	s8 =	sadd.s32 $0xFFFFE003, lr  }
0x1b: {  	s9 =	sadd.s32 $0xFFFFFEF7, lr;
	s5 =	simm.s32 $0xFFFFFFFF;
	p2 =	slt.u32 s8, $0xFFFFF086  }
0x1c: {  	p1 =	slt.u32 s9, $0xF7A;
	s5 =	simm.s32 @!p2 $0x0  }
0x1d: {  	s5 =	simm.s32 @p1 $0x1;
	p0 =	seq.s32 s7, s2  }
0x1e: {  	s7 =	smul.u32 @!p0 $0xF7A, s2;
	p2 =	seq.s32 @!p0 s5, $0x0  }
0x1f: {  	s9 =	smul.u32 $0xF7A, s1;
	s8 =	simm.s32 @!p0 $0x1BF5;
	p2 =	por !p2, p0  }
0x20: {  	[sflag:s8] =	ssyncset.s32 @!p0 $0xFFFFF086;
	s6 =	sadd.s32 @!p0 s3, s7;
	s7 =	simm.s32 @!p0 $0x108  }
0x21: {  	s3 =	sadd.s32 s3, s9;
	s6 =	sadd.s32 @!p0 $0x88, s6;
	s7 =	simm.s32 @p2 $0x1082  }
0x22: {  	[simem:s7], [sflag:s8] =	dma.local @!p0 [hbm:s6], $0xF7A  }
0x23: {  	s9 =	sor.u32 $0xD0000000, s2;
	s6 =	simm.s32 $0x108;
	_ =	swait.ge @!p0 [sflag:s8], $0x0  }
0x24: {  	s3 =	sadd.s32 $0x88, s3;
	s6 =	simm.s32 @!p1 $0x1082;
	[sflag:s4] =	ssyncset.s32 $0xFFFFF086  }
0x25: {  	[simem:s6], [sflag:s4] =	dma.local [hbm:s3], $0xF7A  }
0x26: {  	[smem:$0x3F6C] =	sst s1;
	(tag) =	ssettag s2;
	_ =	strace s9  }
0x27: {  	s1 =	sld [smem:$0x3F7C]  }
0x28: {  	s2 =	sld [smem:$0x3F7D]  }
0x29: {  	s4 =	sld [smem:$0x3F7F]  }
0x2a: {  	p0 =	seq.s32 s5, $0x0;
	s5 =	sld [smem:$0x3F80]  }
0x2b: {  	s6 =	sld [smem:$0x3F81]  }
0x2c: {  	s7 =	sld [smem:$0x3F82]  }
0x2d: {  	s3 =	simm.s32 $0x108;
	s8 =	sld [smem:$0x3F83]  }
0x2e: {  	s3 =	simm.s32 @!p0 $0x1082;
	s9 =	sld [smem:$0x3F84]  }
0x2f: {  	lr =	sadd.s32 s0, s3;
	s0 =	sld [smem:$0x3F7B]  }
0x30: {  	s3 =	sld [smem:$0x3F7E]  }
0x31: {  	[smem:$0x3F87] =	sst s10  }
0x32: {  	s10 =	sld [smem:$0x3F85];
	_ =	sdelay $0x3  }
0x33: {  	p0 =	seq.s32 s10, $0x1;
	s10 =	sld [smem:$0x3F87];
	_ =	sdelay $0x3  }
0x34: {  	[smem:$0x3F87] =	sst s10  }
0x35: {  	s10 =	sld [smem:$0x3F86];
	_ =	sdelay $0x3  }
0x36: {  	p1 =	seq.s32 s10, $0x1;
	s10 =	sld [smem:$0x3F87];
	_ =	sdelay $0x3  }
0x37: {  	[smem:$0x3F87] =	sst s10  }
0x38: {  	s10 =	sld [smem:$0x3F88]  }
0x39: {  	_ = 	snop;
	(pc) =	sbr.ind lr, $3  }
0x3a: {  	_ = 	snop  }
0x3b: {  	_ = 	snop  }
0x3c: {  	p2 =	seq.s32 s10, $0x1;
	s10 =	sld [smem:$0x3F87]  }
0x3d: {  	_ =	shalt  }
0x3e: {  	_ =	shalt  }
0x3f: {  	_ =	shalt  }
0x40: {  	_ =	shalt  }
0x41: {  	_ =	shalt  }
0x42: {  	_ =	shalt  }
0x43: {  	_ =	shalt  }
0x44: {  	_ =	shalt  }
0x45: {  	_ =	shalt  }
0x46: {  	_ =	shalt  }
0x47: {  	_ =	shalt  }
0x48: {  	_ =	shalt  }
0x49: {  	_ =	shalt  }
0x4a: {  	_ =	shalt  }
0x4b: {  	_ =	shalt  }
0x4c: {  	_ =	shalt  }
0x4d: {  	_ =	shalt  }
0x4e: {  	_ =	shalt  }
0x4f: {  	_ =	shalt  }
0x50: {  	_ =	shalt  }
0x51: {  	_ =	shalt  }
0x52: {  	_ =	shalt  }
0x53: {  	_ =	shalt  }
0x54: {  	_ =	shalt  }
0x55: {  	_ =	shalt  }
0x56: {  	_ =	shalt  }
0x57: {  	_ =	shalt  }
0x58: {  	_ =	shalt  }
0x59: {  	_ =	shalt  }
0x5a: {  	_ =	shalt  }
0x5b: {  	_ =	shalt  }
0x5c: {  	_ =	shalt  }
0x5d: {  	_ =	shalt  }
0x5e: {  	_ =	shalt  }
0x5f: {  	_ =	shalt  }
0x60: {  	_ =	shalt  }
0x61: {  	_ =	shalt  }
0x62: {  	_ =	shalt  }
0x63: {  	_ =	shalt  }
0x64: {  	_ =	shalt  }
0x65: {  	_ =	shalt  }
0x66: {  	_ =	shalt  }
0x67: {  	_ =	shalt  }
0x68: {  	_ =	shalt  }
0x69: {  	_ =	shalt  }
0x6a: {  	_ =	shalt  }
0x6b: {  	_ =	shalt  }
0x6c: {  	_ =	shalt  }
0x6d: {  	_ =	shalt  }
0x6e: {  	_ =	shalt  }
0x6f: {  	_ =	shalt  }
0x70: {  	_ =	shalt  }
0x71: {  	_ =	shalt  }
0x72: {  	_ =	shalt  }
0x73: {  	_ =	shalt  }
0x74: {  	_ =	shalt  }
0x75: {  	_ =	shalt  }
0x76: {  	_ =	shalt  }
0x77: {  	_ =	shalt  }
0x78: {  	_ =	shalt  }
0x79: {  	_ =	shalt  }
0x7a: {  	_ =	shalt  }
0x7b: {  	_ =	shalt  }
0x7c: {  	_ =	shalt  }
0x7d: {  	_ =	shalt  }
0x7e: {  	_ =	shalt  }
0x7f: {  	_ =	shalt  }
0x80: {  	_ =	shalt  }
0x81: {  	_ =	shalt  }
0x82: {  	_ =	shalt  }
0x83: {  	_ =	shalt  }
0x84: {  	_ =	shalt  }
0x85: {  	_ =	shalt  }
0x86: {  	_ =	shalt  }
0x87: {  	_ =	shalt  }
.Lfunc_end0:
.L_simem_size_0:
called_computation.1_lowered:
.L_overlay_start_0:
0x88: {  	s2 =	sld [smem:$0x3FD9]  }
0x89: {  	s3 =	sld [smem:$0x3FFE];
	_ =	sdelay $0x1  }
0x8a: {  	s1 =	srdreg.scid  }
0x8b: {  	s0 =	sand.u32 $0x1, s1  }
0x8c: {  	s16 =	sshll.u32 s0, $0xA;
	s2 =	sadd.s32 s3, s2  }
0x8d: {  	s2 =	sadd.s32 s2, s16  }
0x8e: {  	[smem:$0x3F93] =	sst s2  }
0x8f: {  	_ = 	snop  }
0x90: {  	(tm) =	ssettm $0x1  }
0x91: {  	s17 =	sld [smem:$0x3FFB];
	_ =	sdelay $0x3  }
0x92: {  	_ =	strace s17  }
0x93: {  	s2 =	sld [smem:$0x3FFC];
	_ =	sdelay $0x3  }
0x94: {  	_ =	strace s2  }
0x95: {  	s2 =	sld [smem:$0x3FFD];
	_ =	sdelay $0x3  }
0x96: {  	_ =	strace s2  }
0x97: {  	_ =	strace $0x8FFFFFFF  }
0x98: {  	s18 =	sld [smem:$0x3FDB];
	_ =	sdelay $0x1  }
0x99: {  	s19 =	simm.s32 $_scs_section_size  }
0x9a: {  	s4 =	simm.s32 $_size__tile_overlayer_lowered;
	s5 =	simm.s32 $_tile_overlayer_lowered  }
0x9b: {  	s22 =	simm.s32 $0x1BFF;
	s21 =	sshll.u32 s5, $0x1;
	s2 =	sadd.s32 s19, s18  }
0x9c: {  	s6 =	simm.s32 $0x0;
	s20 =	sshll.u32 s4, $0x1;
	s4 =	sadd.s32 s21, s2  }
0x9d: {  	[timem:s6], [sflag:s22] =	dma.local [hbm:s4], s20  }
0x9e: {  	_ =	swait.ge [sflag:s22], s20  }
0x9f: {  	s3 =	ssub.s32 $0x0, s20;
	[sflag:s22] =	ssyncset.done $0x0  }
0xa0: {  	[sflag:s22] =	ssyncadd.s32 s3;
	_ =	sdelay $0x1  }
0xa1: {  	s23 =	simm.s32 $0x1B8B  }
0xa2: {  	_ =	swait.ge [sflag:s23], $0x1  }
0xa3: {  	[sflag:s23] =	ssyncset.done $0x0  }
0xa4: {  	s25 =	simm.s32 $0x1B8E;
	s24 =	sld [smem:$0x3FFE];
	[sflag:s23] =	ssyncadd.s32 $0xFFFFFFFF  }
0xa5: {  	s26 =	simm.s32 $execute0_lowered;
	[smem:$0x3FD2] =	sst s25  }
0xa6: {  	s4 =	sshll.u32 s26, $0x1;
	_ =	strace $0x80000049;
	[dreg:$0x1] =	wrdreg $0xFFFFFFFF  }
0xa7: {  	s28 =	simm.s32 $_size_execute0_lowered;
	s2 =	sadd.s32 s2, s4;
	[dreg:$0x0] =	wrdreg $0x0  }
0xa8: {  	s4 =	sshll.u32 s28, $0x1;
	[dreg:$0x2] =	wrdreg s2  }
0xa9: {  	[dreg:$0x3] =	wrdreg s4  }
0xaa: {  	[dreg:$0x4] =	wrdreg $0xC0  }
0xab: {  	_ =	task [dreg:s6], $0x5FFFF  }
0xac: {  	[dreg:$0x1] =	wrdreg $0xFFFFFFFF  }
0xad: {  	[dreg:$0x0] =	wrdreg $0x60  }
0xae: {  	[dreg:$0x2] =	wrdreg s24  }
0xaf: {  	[dreg:$0x3] =	wrdreg $0x90000  }
0xb0: {  	[dreg:$0x4] =	wrdreg $0x9  }
0xb1: {  	_ =	task.clear_ibuf [dreg:s6], $0x5FFFF;
	_ =	strace $0x90000049  }
0xb2: {  	s29 =	simm.s32 $0x9;
	_ =	strace $0x8000004B  }
0xb3: {  	_ =	swait.ge [sflag:s29], $0x1  }
0xb4: {  	[sflag:s29] =	ssyncadd.s32 $0xFFFFFFFF  }
0xb5: {  	_ =	strace $0x9000004B  }
0xb6: {  	_ =	sfence  }
0xb7: {  	s30 =	sld [smem:$0x0];
	_ =	sdelay $0x2  }
0xb8: {  	s31 =	sshll.u32 s1, $0xD;
	s1 =	sshrl.u32 s1, $0x2  }
0xb9: {  	s3 =	sand.u32 $0x4000, s31;
	s1 =	sadd.s32 s1, s30  }
0xba: {  	s0 =	sor.u32 s3, s0;
	s1 =	sshll.u32 s1, $0x11  }
0xbb: {  	s0 =	sor.u32 s1, s0  }
0xbc: {  	s0 =	sadd.s32 $0x8F2B, s0  }
0xbd: {  	[sflag:s0] =	ssyncadd.remote.s32 $0x1  }
0xbe: {  	_ =	sfence.sel $0xFFFF  }
0xbf: {  	[dreg:$0x0] =	wrdreg $0xFFFFFFFF;
	(pc) =	sbr.abs _section_cstart, $3  }
0xc0: {  	[dreg:$0x1] =	wrdreg $0xFFFFFFFF  }
0xc1: {  	_ =	task.clear_ibuf [dreg:s6], $0x2FFFF;
	_ =	strace $0x9FFFFFFF  }
0xc2: {  	(tm) =	ssettm $0x7FFFFFFF  }
0xc3: {  	_ =	shalt  }
tec
execute0_lowered:
.L_overlay_start_1:
0x0: {  	(tag) =	ssettag $0x1  }
0x1: {  	s0 =	rddreg [dreg:$0x0]  }
0x2: {  	s1 =	rddreg [dreg:$0x1]  }
0x3: {  	s3 =	simm.s32 $0x0;
	s14 =	stileid.u32;
	s2 =	srdreg.scid  }
0x4: {  	s17 =	simm.s32 $0x5;
	s18 =	simm.s32 $0x800;
	s15 =	simm.s32 $0xC80  }
0x5: {  	s16 =	simm.s32 $0x980;
	s28 =	simm.s32 $0xA80;
	s29 =	simm.s32 $0xE00  }
0x6: {  	s30 =	simm.s32 $0xB00;
	s31 =	simm.s32 $0xE80;
	s6 =	smul.u32 $0x2700, s14  }
0x7: {  	[smem:$0x7FF] =	sst s3;
	s4 =	sadd.s32 $0x1C2C00, s0;
	s8 =	smul.u32 $0x4E000, s14  }
0x8: {  	s2 =	sand.u32 $0x1, s2;
	s5 =	sadd.s32 $0xC00, s0;
	s19 =	smul.u32 $0x13800, s14  }
0x9: {  	s10 =	sadd.s32 $0x3C000, s0;
	s13 =	smul.u32 $0xA000, s14;
	p0 =	seq.s32 s14, $0xF  }
0xa: {  	s7 =	sshll.u32 s14, $0x1;
	_ =	strace $0x8000004A;
	s12 =	smul.u32 $0x138800, s2  }
0xb: {  	s7 =	sor.u32 s2, s7;
	s9 =	ssub.s32 $0x2, s2;
	s2 =	smul.u32 $0x5000, s2  }
0xc: {  	s6 =	sadd.s32 s6, s0;
	s7 =	smul.u32 $0x5000, s7;
	s11 =	sshrl.u32 s9, $0x1  }
0xd: {  	s8 =	sshrl.u32 s8, $0x2;
	s0 =	sadd.s32 $0x39500, s0;
	s9 =	ssub.s32 s9, s11  }
0xe: {  	s8 =	sadd.s32 s8, s1;
	s6 =	sadd.s32 $0x14C00, s6;
	[dreg:$0x6] =	wrdreg s0  }
0xf: {  	s21 =	sadd.s32 s19, s12;
	s22 =	sshrl.u32 s12, $0x3;
	s2 =	sadd.s32 s2, s13  }
0x10: {  	s19 =	simm.s32 $0x80;
	s11 =	simm.s32 $0x2;
	s13 =	simm.s32 $0xC00  }
0x11: {  	s7 =	sshrl.u32 s7, $0x3;
	[dreg:$0x4] =	wrdreg s6;
	s6 =	sadd.s32 $0x124800, s1  }
0x12: {  	s0 =	sshrl.u32 s21, $0x3;
	s23 =	sadd.s32 $0x1800, s2;
	s26 =	smax.u32 s9, $0x1  }
0x13: {  	s21 =	simm.s32 $0x5000;
	s9 =	simm.s32 $0x0;
	s7 =	sadd.s32 s5, s7  }
0x14: {  	s0 =	sadd.s32 s10, s0;
	s25 =	sshrl.u32 s23, $0x3;
	[dreg:$0xa] =	wrdreg s26  }
0x15: {  	s23 =	simm.s32 $0xD00;
	s26 =	simm.s32 $0xD80;
	[dreg:$0xf] =	wrdreg s9  }
0x16: {  	[dreg:$0x5] =	wrdreg s7;
	s20 =	sadd.s32 $0x100, s7;
	s7 =	sadd.s32 s10, s22  }
0x17: {  	[dreg:$0x8] =	wrdreg s0;
	s0 =	sadd.s32 s25, s5;
	s10 =	sshrl.u32 @!p0 s8, $0x3  }
0x18: {  	s22 =	simm.s32 $0x3;
	s25 =	simm.s32 $0x4;
	[dreg:$0x7] =	wrdreg s20  }
0x19: {  	s8 =	simm.s32 $0xF80;
	s24 =	sadd.s32 $0x24900, s7;
	[dreg:$0x3] =	wrdreg s0  }
0x1a: {  	s7 =	sadd.s32 $0x1000, s2;
	s0 =	sshll.u32 @!p0 s14, $0x6;
	[dreg:$0xe] =	wrdreg s10  }
0x1b: {  	s2 =	sshrl.u32 @p0 s6, $0x3;
	s20 =	simm.s32 $0x1000;
	[dreg:$0x9] =	wrdreg s24  }
0x1c: {  	s14 =	simm.s32 $0x900;
	s6 =	simm.s32 $0x1;
	[dreg:$0xb] =	wrdreg s7  }
0x1d: {  	[dreg:$0xc] =	wrdreg s2;
	s12 =	sor.u32 @!p0 $0x1C05, s0;
	s24 =	simm.s32 $0xA00  }
0x1e: {  	s0 =	simm.s32 $0xB80;
	s2 =	simm.s32 $0xF00;
	[dreg:$0xd] =	wrdreg s12  }
.LBB2_1:
0x1f: {  	s7 =	rddreg [dreg:$0x6]  }
0x20: {  	s9 =	simm.s32 @p0 $0x1FC5;
	s12 =	rddreg [dreg:$0xc]  }
0x21: {  	[spmem:s12], [sflag:s9] =	dma.local @p0 [hbm:s7], $0x2800  }
0x22: {  	s9 =	simm.s32 @p0 $0x5  }
0x23: {  	_ =	swait.ge @p0 [sflag:s9], $0x2800  }
0x24: {  	[sflag:s9] =	ssyncset.done @p0 $0x0;
	s7 =	rddreg [dreg:$0x4]  }
0x25: {  	[sflag:s9] =	ssyncadd.s32 @p0 $0xFFFFD800;
	s9 =	rddreg [dreg:$0xd]  }
0x26: {  	[spmem:s10], [sflag:s9] =	dma.local @!p0 [hbm:s7], $0x2700  }
0x27: {  	s9 =	simm.s32 @!p0 $0x5  }
0x28: {  	_ =	swait.ge @!p0 [sflag:s9], $0x2700  }
0x29: {  	[sflag:s9] =	ssyncset.done @!p0 $0x0  }
0x2a: {  	s10 =	rddreg [dreg:$0x5];
	[sflag:s9] =	ssyncadd.s32 @!p0 $0xFFFFD900  }
0x2b: {  	[tilespmem:s3], [sflag:$0x5] =	stream.linear.gather [hbm4b:s10+s3], $0x800, $0x38;
	[tilespmem:$0x1C8C0] =	vst v63  }
0x2c: {  	_ =	swait.ge [sflag:s17], $0x800  }
0x2d: {  	[sflag:s17] =	ssyncset.done $0x0  }
0x2e: {  	s12 =	rddreg [dreg:$0x7];
	[sflag:s17] =	ssyncadd.s32 $0xFFFFF800  }
0x2f: {  	[tilespmem:s18], [sflag:$0x2] =	stream.linear.gather [hbm4b:s12+s3], $0x800, $0x38;
	[tilespmem:$0x1C8C0] =	vst v63  }
0x30: {  	[bflag:$0x0] =	sbarrier.arrive $0xFFFF  }
0x31: {  	[tilespmem:s20], [sflag:$0x3] =	stream.indirect.gather [hbm4b:s4+s19], $0x80, s3, s19, $0xb8;
	[tilespmem:$0x1C8C0] =	vst v63  }
0x32: {  	_ = 	snop  }
0x33: {  	[tilespmem:s21], [sflag:$0x4] =	stream.indirect.gather [hbm4b:s4+s19], $0x80, s19, s19, $0xb8;
	[tilespmem:$0x1C8C0] =	vst v63  }
0x34: {  	_ =	swait.ge [sflag:s22], $0x4000  }
0x35: {  	[sflag:s22] =	ssyncset.done $0x0  }
0x36: {  	s9 =	simm.s32 $0x400;
	[sflag:s22] =	ssyncadd.s32 $0xFFFFC000  }
0x37: {  	[spmem:s1] =	stream.indirect.scatter.add.f32 [tilespmem:s20], [sflag:$0x5], $0x80, s9, s19, $0xb8;
	[tilespmem:$0x1C8C0] =	vst v63  }
0x38: {  	_ =	swait.ge [sflag:s17], $0x4000  }
0x39: {  	[sflag:s17] =	ssyncset.done $0x0  }
0x3a: {  	s10 =	simm.s32 $0x100;
	[sflag:s17] =	ssyncadd.s32 $0xFFFFC000  }
0x3b: {  	[tilespmem:s20], [sflag:$0x3] =	stream.indirect.gather [hbm4b:s4+s19], $0x80, s10, s19, $0xb8;
	[tilespmem:$0x1C8C0] =	vst v63  }
0x3c: {  	_ =	swait.ge [sflag:s25], $0x4000  }
0x3d: {  	[sflag:s25] =	ssyncset.done $0x0  }
0x3e: {  	s12 =	simm.s32 $0x480;
	[sflag:s25] =	ssyncadd.s32 $0xFFFFC000  }
0x3f: {  	[spmem:s1] =	stream.indirect.scatter.add.f32 [tilespmem:s21], [sflag:$0x5], $0x80, s12, s19, $0xb8;
	[tilespmem:$0x1C8C0] =	vst v63  }
0x40: {  	_ =	swait.ge [sflag:s17], $0x4000  }
0x41: {  	[sflag:s17] =	ssyncset.done $0x0  }
0x42: {  	s9 =	simm.s32 $0x180;
	[sflag:s17] =	ssyncadd.s32 $0xFFFFC000  }
0x43: {  	[tilespmem:s21], [sflag:$0x4] =	stream.indirect.gather [hbm4b:s4+s19], $0x80, s9, s19, $0xb8;
	[tilespmem:$0x1C8C0] =	vst v63  }
0x44: {  	_ =	swait.ge [sflag:s22], $0x4000  }
0x45: {  	[sflag:s22] =	ssyncset.done $0x0  }
0x46: {  	s10 =	simm.s32 $0x500;
	[sflag:s22] =	ssyncadd.s32 $0xFFFFC000  }
0x47: {  	[spmem:s1] =	stream.indirect.scatter.add.f32 [tilespmem:s20], [sflag:$0x5], $0x80, s10, s19, $0xb8;
	[tilespmem:$0x1C8C0] =	vst v63  }
0x48: {  	_ =	swait.ge [sflag:s17], $0x4000  }
0x49: {  	[sflag:s17] =	ssyncset.done $0x0  }
0x4a: {  	s12 =	simm.s32 $0x200;
	[sflag:s17] =	ssyncadd.s32 $0xFFFFC000  }
0x4b: {  	[tilespmem:s20], [sflag:$0x3] =	stream.indirect.gather [hbm4b:s4+s19], $0x80, s12, s19, $0xb8;
	[tilespmem:$0x1C8C0] =	vst v63  }
0x4c: {  	_ =	swait.ge [sflag:s25], $0x4000  }
0x4d: {  	[sflag:s25] =	ssyncset.done $0x0  }
0x4e: {  	s9 =	simm.s32 $0x580;
	[sflag:s25] =	ssyncadd.s32 $0xFFFFC000  }
0x4f: {  	[spmem:s1] =	stream.indirect.scatter.add.f32 [tilespmem:s21], [sflag:$0x5], $0x80, s9, s19, $0xb8;
	[tilespmem:$0x1C8C0] =	vst v63  }
0x50: {  	_ =	swait.ge [sflag:s17], $0x4000  }
0x51: {  	[sflag:s17] =	ssyncset.done $0x0  }
0x52: {  	s10 =	simm.s32 $0x280;
	[sflag:s17] =	ssyncadd.s32 $0xFFFFC000  }
0x53: {  	[tilespmem:s21], [sflag:$0x4] =	stream.indirect.gather [hbm4b:s4+s19], $0x80, s10, s19, $0xb8;
	[tilespmem:$0x1C8C0] =	vst v63  }
0x54: {  	_ =	swait.ge [sflag:s22], $0x4000  }
0x55: {  	[sflag:s22] =	ssyncset.done $0x0  }
0x56: {  	s12 =	simm.s32 $0x600;
	[sflag:s22] =	ssyncadd.s32 $0xFFFFC000  }
0x57: {  	[spmem:s1] =	stream.indirect.scatter.add.f32 [tilespmem:s20], [sflag:$0x5], $0x80, s12, s19, $0xb8;
	[tilespmem:$0x1C8C0] =	vst v63  }
0x58: {  	_ =	swait.ge [sflag:s17], $0x4000  }
0x59: {  	[sflag:s17] =	ssyncset.done $0x0  }
0x5a: {  	s9 =	simm.s32 $0x300;
	[sflag:s17] =	ssyncadd.s32 $0xFFFFC000  }
0x5b: {  	[tilespmem:s20], [sflag:$0x3] =	stream.indirect.gather [hbm4b:s4+s19], $0x80, s9, s19, $0xb8;
	[tilespmem:$0x1C8C0] =	vst v63  }
0x5c: {  	_ =	swait.ge [sflag:s25], $0x4000  }
0x5d: {  	[sflag:s25] =	ssyncset.done $0x0  }
0x5e: {  	s10 =	simm.s32 $0x680;
	[sflag:s25] =	ssyncadd.s32 $0xFFFFC000  }
0x5f: {  	[spmem:s1] =	stream.indirect.scatter.add.f32 [tilespmem:s21], [sflag:$0x5], $0x80, s10, s19, $0xb8;
	[tilespmem:$0x1C8C0] =	vst v63  }
0x60: {  	_ =	swait.ge [sflag:s17], $0x4000  }
0x61: {  	[sflag:s17] =	ssyncset.done $0x0  }
0x62: {  	s12 =	simm.s32 $0x380;
	[sflag:s17] =	ssyncadd.s32 $0xFFFFC000  }
0x63: {  	[tilespmem:s21], [sflag:$0x4] =	stream.indirect.gather [hbm4b:s4+s19], $0x80, s12, s19, $0xb8;
	[tilespmem:$0x1C8C0] =	vst v63  }
0x64: {  	_ =	swait.ge [sflag:s22], $0x4000  }
0x65: {  	[sflag:s22] =	ssyncset.done $0x0  }
0x66: {  	s9 =	simm.s32 $0x700;
	[sflag:s22] =	ssyncadd.s32 $0xFFFFC000  }
0x67: {  	[spmem:s1] =	stream.indirect.scatter.add.f32 [tilespmem:s20], [sflag:$0x5], $0x80, s9, s19, $0xb8;
	[tilespmem:$0x1C8C0] =	vst v63  }
0x68: {  	_ =	swait.ge [sflag:s17], $0x4000  }
0x69: {  	[sflag:s17] =	ssyncset.done $0x0  }
0x6a: {  	[sflag:s17] =	ssyncadd.s32 $0xFFFFC000  }
0x6b: {  	_ =	swait.ge [sflag:s11], $0x800  }
0x6c: {  	[sflag:s11] =	ssyncset.done $0x0  }
0x6d: {  	[sflag:s11] =	ssyncadd.s32 $0xFFFFF800  }
0x6e: {  	[tilespmem:s20], [sflag:$0x3] =	stream.indirect.gather [hbm4b:s4+s19], $0x80, s18, s19, $0xb8;
	[tilespmem:$0x1C8C0] =	vst v63  }
0x6f: {  	_ =	swait.ge [sflag:s25], $0x4000  }
0x70: {  	[sflag:s25] =	ssyncset.done $0x0  }
0x71: {  	s10 =	simm.s32 $0x780;
	[sflag:s25] =	ssyncadd.s32 $0xFFFFC000  }
0x72: {  	[spmem:s1] =	stream.indirect.scatter.add.f32 [tilespmem:s21], [sflag:$0x5], $0x80, s10, s19, $0xb8;
	[tilespmem:$0x1C8C0] =	vst v63  }
0x73: {  	_ =	swait.ge [sflag:s17], $0x4000  }
0x74: {  	s7 =	rddreg [dreg:$0xb]  }
0x75: {  	[sflag:s17] =	ssyncset.done $0x0;
	s12 =	sshrl.u32 s7, $0x3  }
0x76: {  	[sflag:s17] =	ssyncadd.s32 $0xFFFFC000;
	s9 =	sadd.s32 s5, s12  }
0x77: {  	[tilespmem:s3], [sflag:$0x1] =	stream.linear.gather [hbm4b:s9+s3], $0x800, $0x38;
	[tilespmem:$0x1C8C0] =	vst v63  }
0x78: {  	s10 =	simm.s32 $0x880  }
0x79: {  	[tilespmem:s21], [sflag:$0x4] =	stream.indirect.gather [hbm4b:s4+s19], $0x80, s10, s19, $0xb8;
	[tilespmem:$0x1C8C0] =	vst v63  }
0x7a: {  	_ =	swait.ge [sflag:s22], $0x4000  }
0x7b: {  	[sflag:s22] =	ssyncset.done $0x0  }
0x7c: {  	[sflag:s22] =	ssyncadd.s32 $0xFFFFC000  }
0x7d: {  	[spmem:s1] =	stream.indirect.scatter.add.f32 [tilespmem:s20], [sflag:$0x5], $0x80, s13, s19, $0xb8;
	[tilespmem:$0x1C8C0] =	vst v63  }
0x7e: {  	_ =	swait.ge [sflag:s17], $0x4000  }
0x7f: {  	[sflag:s17] =	ssyncset.done $0x0  }
0x80: {  	[sflag:s17] =	ssyncadd.s32 $0xFFFFC000  }
0x81: {  	[tilespmem:s20], [sflag:$0x3] =	stream.indirect.gather [hbm4b:s4+s19], $0x80, s14, s19, $0xb8;
	[tilespmem:$0x1C8C0] =	vst v63  }
0x82: {  	_ =	swait.ge [sflag:s25], $0x4000  }
0x83: {  	[sflag:s25] =	ssyncset.done $0x0  }
0x84: {  	[sflag:s25] =	ssyncadd.s32 $0xFFFFC000  }
0x85: {  	[spmem:s1] =	stream.indirect.scatter.add.f32 [tilespmem:s21], [sflag:$0x5], $0x80, s15, s19, $0xb8;
	[tilespmem:$0x1C8C0] =	vst v63  }
0x86: {  	_ =	swait.ge [sflag:s17], $0x4000  }
0x87: {  	[sflag:s17] =	ssyncset.done $0x0  }
0x88: {  	[sflag:s17] =	ssyncadd.s32 $0xFFFFC000  }
0x89: {  	[tilespmem:s21], [sflag:$0x4] =	stream.indirect.gather [hbm4b:s4+s19], $0x80, s16, s19, $0xb8;
	[tilespmem:$0x1C8C0] =	vst v63  }
0x8a: {  	_ =	swait.ge [sflag:s22], $0x4000  }
0x8b: {  	[sflag:s22] =	ssyncset.done $0x0  }
0x8c: {  	[sflag:s22] =	ssyncadd.s32 $0xFFFFC000  }
0x8d: {  	[spmem:s1] =	stream.indirect.scatter.add.f32 [tilespmem:s20], [sflag:$0x5], $0x80, s23, s19, $0xb8;
	[tilespmem:$0x1C8C0] =	vst v63  }
0x8e: {  	_ =	swait.ge [sflag:s17], $0x4000  }
0x8f: {  	[sflag:s17] =	ssyncset.done $0x0  }
0x90: {  	[sflag:s17] =	ssyncadd.s32 $0xFFFFC000  }
0x91: {  	[tilespmem:s20], [sflag:$0x3] =	stream.indirect.gather [hbm4b:s4+s19], $0x80, s24, s19, $0xb8;
	[tilespmem:$0x1C8C0] =	vst v63  }
0x92: {  	_ =	swait.ge [sflag:s25], $0x4000  }
0x93: {  	[sflag:s25] =	ssyncset.done $0x0  }
0x94: {  	[sflag:s25] =	ssyncadd.s32 $0xFFFFC000  }
0x95: {  	[spmem:s1] =	stream.indirect.scatter.add.f32 [tilespmem:s21], [sflag:$0x5], $0x80, s26, s19, $0xb8;
	[tilespmem:$0x1C8C0] =	vst v63  }
0x96: {  	_ =	swait.ge [sflag:s17], $0x4000  }
0x97: {  	[sflag:s17] =	ssyncset.done $0x0  }
0x98: {  	[sflag:s17] =	ssyncadd.s32 $0xFFFFC000  }
0x99: {  	[tilespmem:s21], [sflag:$0x4] =	stream.indirect.gather [hbm4b:s4+s19], $0x80, s28, s19, $0xb8;
	[tilespmem:$0x1C8C0] =	vst v63  }
0x9a: {  	_ =	swait.ge [sflag:s22], $0x4000  }
0x9b: {  	[sflag:s22] =	ssyncset.done $0x0  }
0x9c: {  	[sflag:s22] =	ssyncadd.s32 $0xFFFFC000  }
0x9d: {  	[spmem:s1] =	stream.indirect.scatter.add.f32 [tilespmem:s20], [sflag:$0x5], $0x80, s29, s19, $0xb8;
	[tilespmem:$0x1C8C0] =	vst v63  }
0x9e: {  	_ =	swait.ge [sflag:s17], $0x4000  }
0x9f: {  	[sflag:s17] =	ssyncset.done $0x0  }
0xa0: {  	[sflag:s17] =	ssyncadd.s32 $0xFFFFC000  }
0xa1: {  	[tilespmem:s20], [sflag:$0x3] =	stream.indirect.gather [hbm4b:s4+s19], $0x80, s30, s19, $0xb8;
	[tilespmem:$0x1C8C0] =	vst v63  }
0xa2: {  	_ =	swait.ge [sflag:s25], $0x4000  }
0xa3: {  	[sflag:s25] =	ssyncset.done $0x0  }
0xa4: {  	[sflag:s25] =	ssyncadd.s32 $0xFFFFC000  }
0xa5: {  	[spmem:s1] =	stream.indirect.scatter.add.f32 [tilespmem:s21], [sflag:$0x5], $0x80, s31, s19, $0xb8;
	[tilespmem:$0x1C8C0] =	vst v63  }
0xa6: {  	_ =	swait.ge [sflag:s17], $0x4000  }
0xa7: {  	[sflag:s17] =	ssyncset.done $0x0  }
0xa8: {  	[sflag:s17] =	ssyncadd.s32 $0xFFFFC000  }
0xa9: {  	[tilespmem:s21], [sflag:$0x4] =	stream.indirect.gather [hbm4b:s4+s19], $0x80, s0, s19, $0xb8;
	[tilespmem:$0x1C8C0] =	vst v63  }
0xaa: {  	_ =	swait.ge [sflag:s22], $0x4000  }
0xab: {  	[sflag:s22] =	ssyncset.done $0x0  }
0xac: {  	[sflag:s22] =	ssyncadd.s32 $0xFFFFC000  }
0xad: {  	[spmem:s1] =	stream.indirect.scatter.add.f32 [tilespmem:s20], [sflag:$0x5], $0x80, s2, s19, $0xb8;
	[tilespmem:$0x1C8C0] =	vst v63  }
0xae: {  	_ =	swait.ge [sflag:s17], $0x4000  }
0xaf: {  	[sflag:s17] =	ssyncset.done $0x0  }
0xb0: {  	[sflag:s17] =	ssyncadd.s32 $0xFFFFC000  }
0xb1: {  	_ =	swait.ge [sflag:s6], $0x800  }
0xb2: {  	[sflag:s6] =	ssyncset.done $0x0  }
0xb3: {  	[sflag:s6] =	ssyncadd.s32 $0xFFFFF800  }
0xb4: {  	[tilespmem:s20], [sflag:$0x3] =	stream.indirect.gather [hbm4b:s4+s19], $0x80, s3, s19, $0xb8;
	[tilespmem:$0x1C8C0] =	vst v63  }
0xb5: {  	_ =	swait.ge [sflag:s25], $0x4000  }
0xb6: {  	[sflag:s25] =	ssyncset.done $0x0  }
0xb7: {  	[sflag:s25] =	ssyncadd.s32 $0xFFFFC000  }
0xb8: {  	[spmem:s1] =	stream.indirect.scatter.add.f32 [tilespmem:s21], [sflag:$0x5], $0x80, s8, s19, $0xb8;
	[tilespmem:$0x1C8C0] =	vst v63  }
0xb9: {  	_ =	swait.ge [sflag:s17], $0x4000  }
0xba: {  	s9 =	simm.s32 $0x200;
	s12 =	rddreg [dreg:$0x3];
	[sflag:s17] =	ssyncset.done $0x0  }
0xbb: {  	s10 =	sadd.s32 $0x1000, s7;
	[sflag:s17] =	ssyncadd.s32 $0xFFFFC000;
	s12 =	sadd.s32 $0x0, s12  }
.LBB2_2:
0xbc: {  	[tilespmem:s18], [sflag:$0x2] =	stream.linear.gather [hbm4b:s12+s3], $0x800, $0x38;
	[tilespmem:$0x1C8C0] =	vst v63  }
0xbd: {  	_ = 	snop  }
0xbe: {  	[tilespmem:s21], [sflag:$0x4] =	stream.indirect.gather [hbm4b:s4+s19], $0x80, s19, s19, $0xb8;
	[tilespmem:$0x1C8C0] =	vst v63  }
0xbf: {  	_ =	swait.ge [sflag:s22], $0x4000  }
0xc0: {  	[sflag:s22] =	ssyncset.done $0x0  }
0xc1: {  	s7 =	simm.s32 $0x400;
	[sflag:s22] =	ssyncadd.s32 $0xFFFFC000  }
0xc2: {  	[spmem:s1] =	stream.indirect.scatter.add.f32 [tilespmem:s20], [sflag:$0x5], $0x80, s7, s19, $0xb8;
	[tilespmem:$0x1C8C0] =	vst v63  }
0xc3: {  	_ =	swait.ge [sflag:s17], $0x4000  }
0xc4: {  	[sflag:s17] =	ssyncset.done $0x0  }
0xc5: {  	s7 =	simm.s32 $0x100;
	[sflag:s17] =	ssyncadd.s32 $0xFFFFC000  }
0xc6: {  	[tilespmem:s20], [sflag:$0x3] =	stream.indirect.gather [hbm4b:s4+s19], $0x80, s7, s19, $0xb8;
	[tilespmem:$0x1C8C0] =	vst v63  }
0xc7: {  	_ =	swait.ge [sflag:s25], $0x4000  }
0xc8: {  	[sflag:s25] =	ssyncset.done $0x0  }
0xc9: {  	s7 =	simm.s32 $0x480;
	[sflag:s25] =	ssyncadd.s32 $0xFFFFC000  }
0xca: {  	[spmem:s1] =	stream.indirect.scatter.add.f32 [tilespmem:s21], [sflag:$0x5], $0x80, s7, s19, $0xb8;
	[tilespmem:$0x1C8C0] =	vst v63  }
0xcb: {  	_ =	swait.ge [sflag:s17], $0x4000  }
0xcc: {  	[sflag:s17] =	ssyncset.done $0x0  }
0xcd: {  	s7 =	simm.s32 $0x180;
	[sflag:s17] =	ssyncadd.s32 $0xFFFFC000  }
0xce: {  	[tilespmem:s21], [sflag:$0x4] =	stream.indirect.gather [hbm4b:s4+s19], $0x80, s7, s19, $0xb8;
	[tilespmem:$0x1C8C0] =	vst v63  }
0xcf: {  	_ =	swait.ge [sflag:s22], $0x4000  }
0xd0: {  	[sflag:s22] =	ssyncset.done $0x0  }
0xd1: {  	s7 =	simm.s32 $0x500;
	[sflag:s22] =	ssyncadd.s32 $0xFFFFC000  }
0xd2: {  	[spmem:s1] =	stream.indirect.scatter.add.f32 [tilespmem:s20], [sflag:$0x5], $0x80, s7, s19, $0xb8;
	[tilespmem:$0x1C8C0] =	vst v63  }
0xd3: {  	_ =	swait.ge [sflag:s17], $0x4000  }
0xd4: {  	[sflag:s17] =	ssyncset.done $0x0  }
0xd5: {  	s7 =	simm.s32 $0x200;
	[sflag:s17] =	ssyncadd.s32 $0xFFFFC000  }
0xd6: {  	[tilespmem:s20], [sflag:$0x3] =	stream.indirect.gather [hbm4b:s4+s19], $0x80, s7, s19, $0xb8;
	[tilespmem:$0x1C8C0] =	vst v63  }
0xd7: {  	_ =	swait.ge [sflag:s25], $0x4000  }
0xd8: {  	[sflag:s25] =	ssyncset.done $0x0  }
0xd9: {  	s7 =	simm.s32 $0x580;
	[sflag:s25] =	ssyncadd.s32 $0xFFFFC000  }
0xda: {  	[spmem:s1] =	stream.indirect.scatter.add.f32 [tilespmem:s21], [sflag:$0x5], $0x80, s7, s19, $0xb8;
	[tilespmem:$0x1C8C0] =	vst v63  }
0xdb: {  	_ =	swait.ge [sflag:s17], $0x4000  }
0xdc: {  	[sflag:s17] =	ssyncset.done $0x0  }
0xdd: {  	s7 =	simm.s32 $0x280;
	[sflag:s17] =	ssyncadd.s32 $0xFFFFC000  }
0xde: {  	[tilespmem:s21], [sflag:$0x4] =	stream.indirect.gather [hbm4b:s4+s19], $0x80, s7, s19, $0xb8;
	[tilespmem:$0x1C8C0] =	vst v63  }
0xdf: {  	_ =	swait.ge [sflag:s22], $0x4000  }
0xe0: {  	[sflag:s22] =	ssyncset.done $0x0  }
0xe1: {  	s7 =	simm.s32 $0x600;
	[sflag:s22] =	ssyncadd.s32 $0xFFFFC000  }
0xe2: {  	[spmem:s1] =	stream.indirect.scatter.add.f32 [tilespmem:s20], [sflag:$0x5], $0x80, s7, s19, $0xb8;
	[tilespmem:$0x1C8C0] =	vst v63  }
0xe3: {  	_ =	swait.ge [sflag:s17], $0x4000  }
0xe4: {  	[sflag:s17] =	ssyncset.done $0x0  }
0xe5: {  	s7 =	simm.s32 $0x300;
	[sflag:s17] =	ssyncadd.s32 $0xFFFFC000  }
0xe6: {  	[tilespmem:s20], [sflag:$0x3] =	stream.indirect.gather [hbm4b:s4+s19], $0x80, s7, s19, $0xb8;
	[tilespmem:$0x1C8C0] =	vst v63  }
0xe7: {  	_ =	swait.ge [sflag:s25], $0x4000  }
0xe8: {  	[sflag:s25] =	ssyncset.done $0x0  }
0xe9: {  	s7 =	simm.s32 $0x680;
	[sflag:s25] =	ssyncadd.s32 $0xFFFFC000  }
0xea: {  	[spmem:s1] =	stream.indirect.scatter.add.f32 [tilespmem:s21], [sflag:$0x5], $0x80, s7, s19, $0xb8;
	[tilespmem:$0x1C8C0] =	vst v63  }
0xeb: {  	_ =	swait.ge [sflag:s17], $0x4000  }
0xec: {  	[sflag:s17] =	ssyncset.done $0x0  }
0xed: {  	s7 =	simm.s32 $0x380;
	[sflag:s17] =	ssyncadd.s32 $0xFFFFC000  }
0xee: {  	[tilespmem:s21], [sflag:$0x4] =	stream.indirect.gather [hbm4b:s4+s19], $0x80, s7, s19, $0xb8;
	[tilespmem:$0x1C8C0] =	vst v63  }
0xef: {  	_ =	swait.ge [sflag:s22], $0x4000  }
0xf0: {  	[sflag:s22] =	ssyncset.done $0x0  }
0xf1: {  	s7 =	simm.s32 $0x700;
	[sflag:s22] =	ssyncadd.s32 $0xFFFFC000  }
0xf2: {  	[spmem:s1] =	stream.indirect.scatter.add.f32 [tilespmem:s20], [sflag:$0x5], $0x80, s7, s19, $0xb8;
	[tilespmem:$0x1C8C0] =	vst v63  }
0xf3: {  	_ =	swait.ge [sflag:s17], $0x4000  }
0xf4: {  	[sflag:s17] =	ssyncset.done $0x0  }
0xf5: {  	[sflag:s17] =	ssyncadd.s32 $0xFFFFC000  }
0xf6: {  	_ =	swait.ge [sflag:s11], $0x800  }
0xf7: {  	[sflag:s11] =	ssyncset.done $0x0  }
0xf8: {  	[sflag:s11] =	ssyncadd.s32 $0xFFFFF800  }
0xf9: {  	[tilespmem:s20], [sflag:$0x3] =	stream.indirect.gather [hbm4b:s4+s19], $0x80, s18, s19, $0xb8;
	[tilespmem:$0x1C8C0] =	vst v63  }
0xfa: {  	_ =	swait.ge [sflag:s25], $0x4000  }
0xfb: {  	[sflag:s25] =	ssyncset.done $0x0  }
0xfc: {  	s7 =	simm.s32 $0x780;
	[sflag:s25] =	ssyncadd.s32 $0xFFFFC000  }
0xfd: {  	[spmem:s1] =	stream.indirect.scatter.add.f32 [tilespmem:s21], [sflag:$0x5], $0x80, s7, s19, $0xb8;
	[tilespmem:$0x1C8C0] =	vst v63  }
0xfe: {  	_ =	swait.ge [sflag:s17], $0x4000  }
0xff: {  	s7 =	sshrl.u32 s10, $0x3;
	[sflag:s17] =	ssyncset.done $0x0  }
0x100: {  	s7 =	sadd.s32 s5, s7;
	[sflag:s17] =	ssyncadd.s32 $0xFFFFC000  }
0x101: {  	[tilespmem:s3], [sflag:$0x1] =	stream.linear.gather [hbm4b:s7+s3], $0x800, $0x38;
	[tilespmem:$0x1C8C0] =	vst v63  }
0x102: {  	s7 =	simm.s32 $0x880  }
0x103: {  	[tilespmem:s21], [sflag:$0x4] =	stream.indirect.gather [hbm4b:s4+s19], $0x80, s7, s19, $0xb8;
	[tilespmem:$0x1C8C0] =	vst v63  }
0x104: {  	_ =	swait.ge [sflag:s22], $0x4000  }
0x105: {  	[sflag:s22] =	ssyncset.done $0x0  }
0x106: {  	[sflag:s22] =	ssyncadd.s32 $0xFFFFC000  }
0x107: {  	[spmem:s1] =	stream.indirect.scatter.add.f32 [tilespmem:s20], [sflag:$0x5], $0x80, s13, s19, $0xb8;
	[tilespmem:$0x1C8C0] =	vst v63  }
0x108: {  	_ =	swait.ge [sflag:s17], $0x4000  }
0x109: {  	[sflag:s17] =	ssyncset.done $0x0  }
0x10a: {  	[sflag:s17] =	ssyncadd.s32 $0xFFFFC000  }
0x10b: {  	[tilespmem:s20], [sflag:$0x3] =	stream.indirect.gather [hbm4b:s4+s19], $0x80, s14, s19, $0xb8;
	[tilespmem:$0x1C8C0] =	vst v63  }
0x10c: {  	_ =	swait.ge [sflag:s25], $0x4000  }
0x10d: {  	[sflag:s25] =	ssyncset.done $0x0  }
0x10e: {  	[sflag:s25] =	ssyncadd.s32 $0xFFFFC000  }
0x10f: {  	[spmem:s1] =	stream.indirect.scatter.add.f32 [tilespmem:s21], [sflag:$0x5], $0x80, s15, s19, $0xb8;
	[tilespmem:$0x1C8C0] =	vst v63  }
0x110: {  	_ =	swait.ge [sflag:s17], $0x4000  }
0x111: {  	[sflag:s17] =	ssyncset.done $0x0  }
0x112: {  	[sflag:s17] =	ssyncadd.s32 $0xFFFFC000  }
0x113: {  	[tilespmem:s21], [sflag:$0x4] =	stream.indirect.gather [hbm4b:s4+s19], $0x80, s16, s19, $0xb8;
	[tilespmem:$0x1C8C0] =	vst v63  }
0x114: {  	_ =	swait.ge [sflag:s22], $0x4000  }
0x115: {  	[sflag:s22] =	ssyncset.done $0x0  }
0x116: {  	[sflag:s22] =	ssyncadd.s32 $0xFFFFC000  }
0x117: {  	[spmem:s1] =	stream.indirect.scatter.add.f32 [tilespmem:s20], [sflag:$0x5], $0x80, s23, s19, $0xb8;
	[tilespmem:$0x1C8C0] =	vst v63  }
0x118: {  	_ =	swait.ge [sflag:s17], $0x4000  }
0x119: {  	[sflag:s17] =	ssyncset.done $0x0  }
0x11a: {  	[sflag:s17] =	ssyncadd.s32 $0xFFFFC000  }
0x11b: {  	[tilespmem:s20], [sflag:$0x3] =	stream.indirect.gather [hbm4b:s4+s19], $0x80, s24, s19, $0xb8;
	[tilespmem:$0x1C8C0] =	vst v63  }
0x11c: {  	_ =	swait.ge [sflag:s25], $0x4000  }
0x11d: {  	[sflag:s25] =	ssyncset.done $0x0  }
0x11e: {  	[sflag:s25] =	ssyncadd.s32 $0xFFFFC000  }
0x11f: {  	[spmem:s1] =	stream.indirect.scatter.add.f32 [tilespmem:s21], [sflag:$0x5], $0x80, s26, s19, $0xb8;
	[tilespmem:$0x1C8C0] =	vst v63  }
0x120: {  	_ =	swait.ge [sflag:s17], $0x4000  }
0x121: {  	[sflag:s17] =	ssyncset.done $0x0  }
0x122: {  	[sflag:s17] =	ssyncadd.s32 $0xFFFFC000  }
0x123: {  	[tilespmem:s21], [sflag:$0x4] =	stream.indirect.gather [hbm4b:s4+s19], $0x80, s28, s19, $0xb8;
	[tilespmem:$0x1C8C0] =	vst v63  }
0x124: {  	_ =	swait.ge [sflag:s22], $0x4000  }
0x125: {  	[sflag:s22] =	ssyncset.done $0x0  }
0x126: {  	[sflag:s22] =	ssyncadd.s32 $0xFFFFC000  }
0x127: {  	[spmem:s1] =	stream.indirect.scatter.add.f32 [tilespmem:s20], [sflag:$0x5], $0x80, s29, s19, $0xb8;
	[tilespmem:$0x1C8C0] =	vst v63  }
0x128: {  	_ =	swait.ge [sflag:s17], $0x4000  }
0x129: {  	[sflag:s17] =	ssyncset.done $0x0  }
0x12a: {  	[sflag:s17] =	ssyncadd.s32 $0xFFFFC000  }
0x12b: {  	[tilespmem:s20], [sflag:$0x3] =	stream.indirect.gather [hbm4b:s4+s19], $0x80, s30, s19, $0xb8;
	[tilespmem:$0x1C8C0] =	vst v63  }
0x12c: {  	_ =	swait.ge [sflag:s25], $0x4000  }
0x12d: {  	[sflag:s25] =	ssyncset.done $0x0  }
0x12e: {  	[sflag:s25] =	ssyncadd.s32 $0xFFFFC000  }
0x12f: {  	[spmem:s1] =	stream.indirect.scatter.add.f32 [tilespmem:s21], [sflag:$0x5], $0x80, s31, s19, $0xb8;
	[tilespmem:$0x1C8C0] =	vst v63  }
0x130: {  	_ =	swait.ge [sflag:s17], $0x4000  }
0x131: {  	[sflag:s17] =	ssyncset.done $0x0  }
0x132: {  	[sflag:s17] =	ssyncadd.s32 $0xFFFFC000  }
0x133: {  	[tilespmem:s21], [sflag:$0x4] =	stream.indirect.gather [hbm4b:s4+s19], $0x80, s0, s19, $0xb8;
	[tilespmem:$0x1C8C0] =	vst v63  }
0x134: {  	_ =	swait.ge [sflag:s22], $0x4000  }
0x135: {  	[sflag:s22] =	ssyncset.done $0x0  }
0x136: {  	[sflag:s22] =	ssyncadd.s32 $0xFFFFC000  }
0x137: {  	[spmem:s1] =	stream.indirect.scatter.add.f32 [tilespmem:s20], [sflag:$0x5], $0x80, s2, s19, $0xb8;
	[tilespmem:$0x1C8C0] =	vst v63  }
0x138: {  	_ =	swait.ge [sflag:s17], $0x4000  }
0x139: {  	[sflag:s17] =	ssyncset.done $0x0  }
0x13a: {  	[sflag:s17] =	ssyncadd.s32 $0xFFFFC000  }
0x13b: {  	_ =	swait.ge [sflag:s6], $0x800  }
0x13c: {  	[sflag:s6] =	ssyncset.done $0x0  }
0x13d: {  	[sflag:s6] =	ssyncadd.s32 $0xFFFFF800  }
0x13e: {  	[tilespmem:s20], [sflag:$0x3] =	stream.indirect.gather [hbm4b:s4+s19], $0x80, s3, s19, $0xb8;
	[tilespmem:$0x1C8C0] =	vst v63  }
0x13f: {  	_ =	swait.ge [sflag:s25], $0x4000  }
0x140: {  	p1 =	sne.s32 s9, $0x600;
	[sflag:s25] =	ssyncset.done $0x0  }
.Ltmp0:
0x141: {  	[sflag:s25] =	ssyncadd.s32 $0xFFFFC000;
	(pc) =	sbr.rel @p1 .LBB2_2-.Ltmp0, $4  }
0x142: {  	[spmem:s1] =	stream.indirect.scatter.add.f32 [tilespmem:s21], [sflag:$0x5], $0x80, s8, s19, $0xb8;
	[tilespmem:$0x1C8C0] =	vst v63  }
0x143: {  	s12 =	smov.u32 s9;
	_ =	swait.ge [sflag:s17], $0x4000  }
0x144: {  	s9 =	sadd.s32 $0x200, s9;
	[sflag:s17] =	ssyncset.done $0x0;
	s7 =	rddreg [dreg:$0x3]  }
0x145: {  	s10 =	sadd.s32 $0x1000, s10;
	[sflag:s17] =	ssyncadd.s32 $0xFFFFC000;
	s12 =	sadd.s32 s12, s7  }
0x146: {  	[tilespmem:s18], [sflag:$0x2] =	stream.linear.gather [hbm4b:s12+s3], $0x800, $0x38;
	[tilespmem:$0x1C8C0] =	vst v63  }
0x147: {  	_ = 	snop  }
0x148: {  	[tilespmem:s21], [sflag:$0x4] =	stream.indirect.gather [hbm4b:s4+s19], $0x80, s19, s19, $0xb8;
	[tilespmem:$0x1C8C0] =	vst v63  }
0x149: {  	_ =	swait.ge [sflag:s22], $0x4000  }
0x14a: {  	[sflag:s22] =	ssyncset.done $0x0  }
0x14b: {  	s7 =	simm.s32 $0x400;
	[sflag:s22] =	ssyncadd.s32 $0xFFFFC000  }
0x14c: {  	[spmem:s1] =	stream.indirect.scatter.add.f32 [tilespmem:s20], [sflag:$0x5], $0x80, s7, s19, $0xb8;
	[tilespmem:$0x1C8C0] =	vst v63  }
0x14d: {  	_ =	swait.ge [sflag:s17], $0x4000  }
0x14e: {  	[sflag:s17] =	ssyncset.done $0x0  }
0x14f: {  	s9 =	simm.s32 $0x100;
	[sflag:s17] =	ssyncadd.s32 $0xFFFFC000  }
0x150: {  	[tilespmem:s20], [sflag:$0x3] =	stream.indirect.gather [hbm4b:s4+s19], $0x80, s9, s19, $0xb8;
	[tilespmem:$0x1C8C0] =	vst v63  }
0x151: {  	_ =	swait.ge [sflag:s25], $0x4000  }
0x152: {  	[sflag:s25] =	ssyncset.done $0x0  }
0x153: {  	s10 =	simm.s32 $0x480;
	[sflag:s25] =	ssyncadd.s32 $0xFFFFC000  }
0x154: {  	[spmem:s1] =	stream.indirect.scatter.add.f32 [tilespmem:s21], [sflag:$0x5], $0x80, s10, s19, $0xb8;
	[tilespmem:$0x1C8C0] =	vst v63  }
0x155: {  	_ =	swait.ge [sflag:s17], $0x4000  }
0x156: {  	[sflag:s17] =	ssyncset.done $0x0  }
0x157: {  	s12 =	simm.s32 $0x180;
	[sflag:s17] =	ssyncadd.s32 $0xFFFFC000  }
0x158: {  	[tilespmem:s21], [sflag:$0x4] =	stream.indirect.gather [hbm4b:s4+s19], $0x80, s12, s19, $0xb8;
	[tilespmem:$0x1C8C0] =	vst v63  }
0x159: {  	_ =	swait.ge [sflag:s22], $0x4000  }
0x15a: {  	[sflag:s22] =	ssyncset.done $0x0  }
0x15b: {  	s9 =	simm.s32 $0x500;
	[sflag:s22] =	ssyncadd.s32 $0xFFFFC000  }
0x15c: {  	[spmem:s1] =	stream.indirect.scatter.add.f32 [tilespmem:s20], [sflag:$0x5], $0x80, s9, s19, $0xb8;
	[tilespmem:$0x1C8C0] =	vst v63  }
0x15d: {  	_ =	swait.ge [sflag:s17], $0x4000  }
0x15e: {  	[sflag:s17] =	ssyncset.done $0x0  }
0x15f: {  	s10 =	simm.s32 $0x200;
	[sflag:s17] =	ssyncadd.s32 $0xFFFFC000  }
0x160: {  	[tilespmem:s20], [sflag:$0x3] =	stream.indirect.gather [hbm4b:s4+s19], $0x80, s10, s19, $0xb8;
	[tilespmem:$0x1C8C0] =	vst v63  }
0x161: {  	_ =	swait.ge [sflag:s25], $0x4000  }
0x162: {  	[sflag:s25] =	ssyncset.done $0x0  }
0x163: {  	s12 =	simm.s32 $0x580;
	[sflag:s25] =	ssyncadd.s32 $0xFFFFC000  }
0x164: {  	[spmem:s1] =	stream.indirect.scatter.add.f32 [tilespmem:s21], [sflag:$0x5], $0x80, s12, s19, $0xb8;
	[tilespmem:$0x1C8C0] =	vst v63  }
0x165: {  	_ =	swait.ge [sflag:s17], $0x4000  }
0x166: {  	[sflag:s17] =	ssyncset.done $0x0  }
0x167: {  	s9 =	simm.s32 $0x280;
	[sflag:s17] =	ssyncadd.s32 $0xFFFFC000  }
0x168: {  	[tilespmem:s21], [sflag:$0x4] =	stream.indirect.gather [hbm4b:s4+s19], $0x80, s9, s19, $0xb8;
	[tilespmem:$0x1C8C0] =	vst v63  }
0x169: {  	_ =	swait.ge [sflag:s22], $0x4000  }
0x16a: {  	[sflag:s22] =	ssyncset.done $0x0  }
0x16b: {  	s10 =	simm.s32 $0x600;
	[sflag:s22] =	ssyncadd.s32 $0xFFFFC000  }
0x16c: {  	[spmem:s1] =	stream.indirect.scatter.add.f32 [tilespmem:s20], [sflag:$0x5], $0x80, s10, s19, $0xb8;
	[tilespmem:$0x1C8C0] =	vst v63  }
0x16d: {  	_ =	swait.ge [sflag:s17], $0x4000  }
0x16e: {  	[sflag:s17] =	ssyncset.done $0x0  }
0x16f: {  	s12 =	simm.s32 $0x300;
	[sflag:s17] =	ssyncadd.s32 $0xFFFFC000  }
0x170: {  	[tilespmem:s20], [sflag:$0x3] =	stream.indirect.gather [hbm4b:s4+s19], $0x80, s12, s19, $0xb8;
	[tilespmem:$0x1C8C0] =	vst v63  }
0x171: {  	_ =	swait.ge [sflag:s25], $0x4000  }
0x172: {  	[sflag:s25] =	ssyncset.done $0x0  }
0x173: {  	s9 =	simm.s32 $0x680;
	[sflag:s25] =	ssyncadd.s32 $0xFFFFC000  }
0x174: {  	[spmem:s1] =	stream.indirect.scatter.add.f32 [tilespmem:s21], [sflag:$0x5], $0x80, s9, s19, $0xb8;
	[tilespmem:$0x1C8C0] =	vst v63  }
0x175: {  	_ =	swait.ge [sflag:s17], $0x4000  }
0x176: {  	[sflag:s17] =	ssyncset.done $0x0  }
0x177: {  	s10 =	simm.s32 $0x380;
	[sflag:s17] =	ssyncadd.s32 $0xFFFFC000  }
0x178: {  	[tilespmem:s21], [sflag:$0x4] =	stream.indirect.gather [hbm4b:s4+s19], $0x80, s10, s19, $0xb8;
	[tilespmem:$0x1C8C0] =	vst v63  }
0x179: {  	_ =	swait.ge [sflag:s22], $0x4000  }
0x17a: {  	[sflag:s22] =	ssyncset.done $0x0  }
0x17b: {  	s12 =	simm.s32 $0x700;
	[sflag:s22] =	ssyncadd.s32 $0xFFFFC000  }
0x17c: {  	[spmem:s1] =	stream.indirect.scatter.add.f32 [tilespmem:s20], [sflag:$0x5], $0x80, s12, s19, $0xb8;
	[tilespmem:$0x1C8C0] =	vst v63  }
0x17d: {  	_ =	swait.ge [sflag:s17], $0x4000  }
0x17e: {  	[sflag:s17] =	ssyncset.done $0x0  }
0x17f: {  	[sflag:s17] =	ssyncadd.s32 $0xFFFFC000  }
0x180: {  	_ =	swait.ge [sflag:s11], $0x800  }
0x181: {  	[sflag:s11] =	ssyncset.done $0x0  }
0x182: {  	[sflag:s11] =	ssyncadd.s32 $0xFFFFF800  }
0x183: {  	[tilespmem:s20], [sflag:$0x3] =	stream.indirect.gather [hbm4b:s4+s19], $0x80, s18, s19, $0xb8;
	[tilespmem:$0x1C8C0] =	vst v63  }
0x184: {  	_ =	swait.ge [sflag:s25], $0x4000  }
0x185: {  	[sflag:s25] =	ssyncset.done $0x0  }
0x186: {  	s9 =	simm.s32 $0x780;
	[sflag:s25] =	ssyncadd.s32 $0xFFFFC000  }
0x187: {  	[spmem:s1] =	stream.indirect.scatter.add.f32 [tilespmem:s21], [sflag:$0x5], $0x80, s9, s19, $0xb8;
	[tilespmem:$0x1C8C0] =	vst v63  }
0x188: {  	_ =	swait.ge [sflag:s17], $0x4000  }
0x189: {  	[sflag:s17] =	ssyncset.done $0x0  }
0x18a: {  	s10 =	simm.s32 $0x880;
	[sflag:s17] =	ssyncadd.s32 $0xFFFFC000  }
0x18b: {  	[tilespmem:s21], [sflag:$0x4] =	stream.indirect.gather [hbm4b:s4+s19], $0x80, s10, s19, $0xb8;
	[tilespmem:$0x1C8C0] =	vst v63  }
0x18c: {  	_ =	swait.ge [sflag:s22], $0x4000  }
0x18d: {  	[sflag:s22] =	ssyncset.done $0x0  }
0x18e: {  	[sflag:s22] =	ssyncadd.s32 $0xFFFFC000  }
0x18f: {  	[spmem:s1] =	stream.indirect.scatter.add.f32 [tilespmem:s20], [sflag:$0x5], $0x80, s13, s19, $0xb8;
	[tilespmem:$0x1C8C0] =	vst v63  }
0x190: {  	_ =	swait.ge [sflag:s17], $0x4000  }
0x191: {  	[sflag:s17] =	ssyncset.done $0x0  }
0x192: {  	[sflag:s17] =	ssyncadd.s32 $0xFFFFC000  }
0x193: {  	[tilespmem:s20], [sflag:$0x3] =	stream.indirect.gather [hbm4b:s4+s19], $0x80, s14, s19, $0xb8;
	[tilespmem:$0x1C8C0] =	vst v63  }
0x194: {  	_ =	swait.ge [sflag:s25], $0x4000  }
0x195: {  	[sflag:s25] =	ssyncset.done $0x0  }
0x196: {  	[sflag:s25] =	ssyncadd.s32 $0xFFFFC000  }
0x197: {  	[spmem:s1] =	stream.indirect.scatter.add.f32 [tilespmem:s21], [sflag:$0x5], $0x80, s15, s19, $0xb8;
	[tilespmem:$0x1C8C0] =	vst v63  }
0x198: {  	_ =	swait.ge [sflag:s17], $0x4000  }
0x199: {  	[sflag:s17] =	ssyncset.done $0x0  }
0x19a: {  	[sflag:s17] =	ssyncadd.s32 $0xFFFFC000  }
0x19b: {  	[tilespmem:s21], [sflag:$0x4] =	stream.indirect.gather [hbm4b:s4+s19], $0x80, s16, s19, $0xb8;
	[tilespmem:$0x1C8C0] =	vst v63  }
0x19c: {  	_ =	swait.ge [sflag:s22], $0x4000  }
0x19d: {  	[sflag:s22] =	ssyncset.done $0x0  }
0x19e: {  	[sflag:s22] =	ssyncadd.s32 $0xFFFFC000  }
0x19f: {  	[spmem:s1] =	stream.indirect.scatter.add.f32 [tilespmem:s20], [sflag:$0x5], $0x80, s23, s19, $0xb8;
	[tilespmem:$0x1C8C0] =	vst v63  }
0x1a0: {  	_ =	swait.ge [sflag:s17], $0x4000  }
0x1a1: {  	[sflag:s17] =	ssyncset.done $0x0  }
0x1a2: {  	[sflag:s17] =	ssyncadd.s32 $0xFFFFC000  }
0x1a3: {  	[tilespmem:s20], [sflag:$0x3] =	stream.indirect.gather [hbm4b:s4+s19], $0x80, s24, s19, $0xb8;
	[tilespmem:$0x1C8C0] =	vst v63  }
0x1a4: {  	_ =	swait.ge [sflag:s25], $0x4000  }
0x1a5: {  	[sflag:s25] =	ssyncset.done $0x0  }
0x1a6: {  	[sflag:s25] =	ssyncadd.s32 $0xFFFFC000  }
0x1a7: {  	[spmem:s1] =	stream.indirect.scatter.add.f32 [tilespmem:s21], [sflag:$0x5], $0x80, s26, s19, $0xb8;
	[tilespmem:$0x1C8C0] =	vst v63  }
0x1a8: {  	_ =	swait.ge [sflag:s17], $0x4000  }
0x1a9: {  	[sflag:s17] =	ssyncset.done $0x0  }
0x1aa: {  	[sflag:s17] =	ssyncadd.s32 $0xFFFFC000  }
0x1ab: {  	[tilespmem:s21], [sflag:$0x4] =	stream.indirect.gather [hbm4b:s4+s19], $0x80, s28, s19, $0xb8;
	[tilespmem:$0x1C8C0] =	vst v63  }
0x1ac: {  	_ =	swait.ge [sflag:s22], $0x4000  }
0x1ad: {  	[sflag:s22] =	ssyncset.done $0x0  }
0x1ae: {  	[sflag:s22] =	ssyncadd.s32 $0xFFFFC000  }
0x1af: {  	[spmem:s1] =	stream.indirect.scatter.add.f32 [tilespmem:s20], [sflag:$0x5], $0x80, s29, s19, $0xb8;
	[tilespmem:$0x1C8C0] =	vst v63  }
0x1b0: {  	_ =	swait.ge [sflag:s17], $0x4000  }
0x1b1: {  	[sflag:s17] =	ssyncset.done $0x0  }
0x1b2: {  	[sflag:s17] =	ssyncadd.s32 $0xFFFFC000  }
0x1b3: {  	[tilespmem:s20], [sflag:$0x3] =	stream.indirect.gather [hbm4b:s4+s19], $0x80, s30, s19, $0xb8;
	[tilespmem:$0x1C8C0] =	vst v63  }
0x1b4: {  	_ =	swait.ge [sflag:s25], $0x4000  }
0x1b5: {  	[sflag:s25] =	ssyncset.done $0x0  }
0x1b6: {  	[sflag:s25] =	ssyncadd.s32 $0xFFFFC000  }
0x1b7: {  	[spmem:s1] =	stream.indirect.scatter.add.f32 [tilespmem:s21], [sflag:$0x5], $0x80, s31, s19, $0xb8;
	[tilespmem:$0x1C8C0] =	vst v63  }
0x1b8: {  	_ =	swait.ge [sflag:s17], $0x4000  }
0x1b9: {  	[sflag:s17] =	ssyncset.done $0x0  }
0x1ba: {  	[sflag:s17] =	ssyncadd.s32 $0xFFFFC000  }
0x1bb: {  	[tilespmem:s21], [sflag:$0x4] =	stream.indirect.gather [hbm4b:s4+s19], $0x80, s0, s19, $0xb8;
	[tilespmem:$0x1C8C0] =	vst v63  }
0x1bc: {  	_ =	swait.ge [sflag:s22], $0x4000  }
0x1bd: {  	[sflag:s22] =	ssyncset.done $0x0  }
0x1be: {  	[sflag:s22] =	ssyncadd.s32 $0xFFFFC000  }
0x1bf: {  	[spmem:s1] =	stream.indirect.scatter.add.f32 [tilespmem:s20], [sflag:$0x5], $0x80, s2, s19, $0xb8;
	[tilespmem:$0x1C8C0] =	vst v63  }
0x1c0: {  	_ =	swait.ge [sflag:s17], $0x4000  }
0x1c1: {  	[sflag:s17] =	ssyncset.done $0x0  }
0x1c2: {  	[sflag:s17] =	ssyncadd.s32 $0xFFFFC000  }
0x1c3: {  	_ =	swait.ge [sflag:s25], $0x4000  }
0x1c4: {  	[sflag:s25] =	ssyncset.done $0x0  }
0x1c5: {  	[sflag:s25] =	ssyncadd.s32 $0xFFFFC000  }
0x1c6: {  	[spmem:s1] =	stream.indirect.scatter.add.f32 [tilespmem:s21], [sflag:$0x5], $0x80, s8, s19, $0xb8;
	[tilespmem:$0x1C8C0] =	vst v63  }
0x1c7: {  	_ =	swait.ge [sflag:s17], $0x4000  }
0x1c8: {  	[sflag:s17] =	ssyncset.done $0x0  }
0x1c9: {  	[sflag:s17] =	ssyncadd.s32 $0xFFFFC000  }
0x1ca: {  	[bflag:$0x0] =	sbarrier.arrive $0xFFFF  }
0x1cb: {  	s9 =	rddreg [dreg:$0x9]  }
0x1cc: {  	s7 =	simm.s32 @p0 $0x1FC5;
	s10 =	rddreg [dreg:$0xc]  }
0x1cd: {  	[hbm:s9], [sflag:s7] =	dma.local @p0 [spmem:s10], $0x2800  }
0x1ce: {  	s7 =	simm.s32 @p0 $0x5  }
0x1cf: {  	_ =	swait.ge @p0 [sflag:s7], $0x2800  }
0x1d0: {  	s12 =	rddreg [dreg:$0xd]  }
0x1d1: {  	[sflag:s7] =	ssyncset.done @p0 $0x0;
	s10 =	rddreg [dreg:$0xe]  }
0x1d2: {  	s9 =	simm.s32 @!p0 $0x5;
	[sflag:s7] =	ssyncadd.s32 @p0 $0xFFFFD800;
	s7 =	rddreg [dreg:$0x8]  }
0x1d3: {  	[hbm:s7], [sflag:s12] =	dma.local @!p0 [spmem:s10], $0x2700  }
0x1d4: {  	_ =	swait.ge @!p0 [sflag:s9], $0x2700  }
0x1d5: {  	s12 =	rddreg [dreg:$0xf]  }
0x1d6: {  	s7 =	sadd.s32 $0x1, s12;
	s12 =	rddreg [dreg:$0xa]  }
0x1d7: {  	p1 =	sne.s32 s7, s12  }
.Ltmp1:
0x1d8: {  	_ = 	snop;
	(pc) =	sbr.rel @p1 .LBB2_1-.Ltmp1, $3  }
0x1d9: {  	_ =	sdelay $0x1  }
0x1da: {  	[sflag:s9] =	ssyncset.done @!p0 $0x0;
	[dreg:$0xf] =	wrdreg s7;
	s7 =	simm.s32 @!p0 $0x5  }
0x1db: {  	[sflag:s7] =	ssyncadd.s32 @!p0 $0xFFFFD900  }
0x1dc: {  	_ =	sfence.sel $0x180000  }
0x1dd: {  	[bflag:$0x0] =	sbarrier.arrive $0xFFFF  }
0x1de: {  	_ =	strace $0x9000004A  }
0x1df: {  	s0 =	stileid.u32;
	[bflag:$0x2] =	sbarrier.arrive $0xFFFF  }
0x1e0: {  	p0 =	sne.s32 s0, $0x0;
	s0 =	rddreg [dreg:$0x2]  }
0x1e1: {  	s0 =	sadd.s32 @!p0 $0x100000, s0  }
0x1e2: {  	[sflag:s0] =	ssyncadd.tile.s32 @!p0 $0x1;
	_ =	shalt  }
.Lfunc_end2:
_tile_overlayer_lowered:
.L_overlay_start_2:
0x1e3: {  	(tag) =	ssettag $0x2  }
0x1e4: {  	s0 =	rddreg [dreg:$0x0];
	s2 =	stileid.u32  }
0x1e5: {  	s1 =	rddreg [dreg:$0x1];
	p0 =	sne.s32 s2, $0x0  }
0x1e6: {  	s3 =	rddreg [dreg:$0x2];
	[bflag:$0x3] =	sbarrier.arrive $0xFFFF;
	s2 =	simm.s32 @!p0 $0x1C05  }
0x1e7: {  	[timem:s3], [sflag:s2] =	dma.local @!p0 [hbm:s0], s1  }
0x1e8: {  	s0 =	simm.s32 @!p0 $0x5  }
0x1e9: {  	_ =	swait.ge @!p0 [sflag:s0], s1  }
0x1ea: {  	s1 =	ssub.s32 @!p0 $0x0, s1;
	[sflag:s0] =	ssyncset.done @!p0 $0x0  }
0x1eb: {  	[sflag:s0] =	ssyncadd.s32 @!p0 s1  }
0x1ec: {  	[bflag:$0x3] =	sbarrier.arrive $0xFFFF  }
0x1ed: {  	_ =	shalt  }

</sc_bundles>
